<compile_context>
chip_gen: v7x
topology: tpu7x:2x2x1
jax: 0.10.2.dev20260603
libtpu: 0.0.44.dev20260713+nightly
codegen_flags: <defaults>
</compile_context>

<pallas_src>
import functools
import math

import jax
import jax.numpy as jnp
from jax import lax
from jax.experimental import pallas as pl
from jax.experimental.pallas import tpu as pltpu
from jax.experimental.pallas import tpu_sc as plsc

B = 8
N = 2048
KNB = 20
R = 512
TN = 512
TOT = B * N * KNB
NW = 32
CHUNK = TOT // NW
NTAB = B * N
NEG = -3.0e38


def _q(v):
    b = jax.lax.bitcast_convert_type(v, jnp.uint32)
    lsb = (b >> jnp.uint32(16)) & jnp.uint32(1)
    r = (b + jnp.uint32(0x7FFF) + lsb) & jnp.uint32(0xFFFF0000)
    return jax.lax.bitcast_convert_type(r, jnp.float32)


def _sc_gather6(tx, ty, tz, idx_flat):
    mesh = plsc.VectorSubcoreMesh(core_axis_name="c", subcore_axis_name="s")

    @functools.partial(
        pl.kernel,
        mesh=mesh,
        compiler_params=pltpu.CompilerParams(needs_layout_passes=False),
        out_type=[jax.ShapeDtypeStruct((TOT,), jnp.float32)] * 6,
        scratch_types=[
            pltpu.VMEM((NTAB,), jnp.float32),
            pltpu.VMEM((NTAB,), jnp.float32),
            pltpu.VMEM((NTAB,), jnp.float32),
            pltpu.VMEM((CHUNK,), jnp.int32),
            pltpu.VMEM((CHUNK,), jnp.float32),
            pltpu.VMEM((CHUNK,), jnp.float32),
            pltpu.VMEM((CHUNK,), jnp.float32),
            pltpu.VMEM((CHUNK,), jnp.float32),
            pltpu.VMEM((CHUNK,), jnp.float32),
            pltpu.VMEM((CHUNK,), jnp.float32),
        ],
    )
    def gk(tx_h, ty_h, tz_h, idx_h, ox_h, oy_h, oz_h, dx_h, dy_h, dz_h,
           tx_v, ty_v, tz_v, idx_v, ox_v, oy_v, oz_v, dx_v, dy_v, dz_v):
        wid = lax.axis_index("s") * 2 + lax.axis_index("c")
        base = wid * CHUNK
        pltpu.sync_copy(tx_h, tx_v)
        pltpu.sync_copy(ty_h, ty_v)
        pltpu.sync_copy(tz_h, tz_v)
        pltpu.sync_copy(idx_h.at[pl.ds(base, CHUNK)], idx_v)

        def body(i, _):
            sl = pl.ds(i * 16, 16)
            iv = idx_v[sl]
            pos = base + i * 16 + lax.iota(jnp.int32, 16)
            sv = pos % N + (pos // (N * KNB)) * N
            gx = plsc.load_gather(tx_v, [iv])
            gy = plsc.load_gather(ty_v, [iv])
            gz = plsc.load_gather(tz_v, [iv])
            ox_v[sl] = gx
            oy_v[sl] = gy
            oz_v[sl] = gz
            dx_v[sl] = gx - plsc.load_gather(tx_v, [sv])
            dy_v[sl] = gy - plsc.load_gather(ty_v, [sv])
            dz_v[sl] = gz - plsc.load_gather(tz_v, [sv])
            return 0

        lax.fori_loop(0, CHUNK // 16, body, 0)
        pltpu.sync_copy(ox_v, ox_h.at[pl.ds(base, CHUNK)])
        pltpu.sync_copy(oy_v, oy_h.at[pl.ds(base, CHUNK)])
        pltpu.sync_copy(oz_v, oz_h.at[pl.ds(base, CHUNK)])
        pltpu.sync_copy(dx_v, dx_h.at[pl.ds(base, CHUNK)])
        pltpu.sync_copy(dy_v, dy_h.at[pl.ds(base, CHUNK)])
        pltpu.sync_copy(dz_v, dz_h.at[pl.ds(base, CHUNK)])

    outs = gk(tx, ty, tz, idx_flat)
    return [o.reshape(B, KNB, N) for o in outs]


def _knn_body(cols_ref, rows_ref, out_ref):
    b = pl.program_id(0)
    rows = rows_ref[0]
    x0 = cols_ref[0, 0:1, :]
    x1 = cols_ref[0, 1:2, :]
    x2 = cols_ref[0, 2:3, :]
    r0 = rows[:, 0:1]
    r1 = rows[:, 1:2]
    r2 = rows[:, 2:3]
    rr = r0 * r0 + r1 * r1 + r2 * r2
    cc = x0 * x0 + x1 * x1 + x2 * x2
    dot = (_q(r0) * _q(x0) + _q(r1) * _q(x1) + _q(r2) * _q(x2))
    inner = -2.0 * dot
    s = (-rr - inner) - cc
    iota = lax.broadcasted_iota(jnp.int32, (R, N), 1)
    for j in range(KNB):
        idx = jnp.argmax(s, axis=1).reshape(R, 1)
        out_ref[0, :, j:j + 1] = idx + b * N
        if j < KNB - 1:
            s = jnp.where(iota == idx, NEG, s)


def _knn(xp, xt):
    return pl.pallas_call(
        _knn_body,
        grid=(B, N // R),
        in_specs=[
            pl.BlockSpec((1, 3, N), lambda b, i: (b, 0, 0)),
            pl.BlockSpec((1, R, 3), lambda b, i: (b, i, 0)),
        ],
        out_specs=pl.BlockSpec((1, R, KNB), lambda b, i: (b, i, 0)),
        out_shape=jax.ShapeDtypeStruct((B, N, KNB), jnp.int32),
        interpret=False,
    )(xp, xt)


def _acos(x):
    ax = jnp.abs(x)
    t = jnp.sqrt(jnp.maximum(1.0 - ax, 0.0))
    p = t * (1.5707288 + ax * (-0.2121144 + ax * (0.0742610 + ax * (-0.0187293))))
    return jnp.where(x >= 0.0, p, math.pi - p)


def _cov_eig_body(dx_ref, dy_ref, dz_ref, out_ref):
    dx = _q(dx_ref[0])
    dy = _q(dy_ref[0])
    dz = _q(dz_ref[0])
    a00 = jnp.sum(dx * dx, axis=0, keepdims=True)
    a11 = jnp.sum(dy * dy, axis=0, keepdims=True)
    a22 = jnp.sum(dz * dz, axis=0, keepdims=True)
    a01 = jnp.sum(dx * dy, axis=0, keepdims=True)
    a02 = jnp.sum(dx * dz, axis=0, keepdims=True)
    a12 = jnp.sum(dy * dz, axis=0, keepdims=True)

    q = (a00 + a11 + a22) / 3.0
    p1 = a01 * a01 + a02 * a02 + a12 * a12
    b00 = a00 - q
    b11 = a11 - q
    b22 = a22 - q
    p2 = b00 * b00 + b11 * b11 + b22 * b22 + 2.0 * p1
    p = jnp.sqrt(jnp.maximum(p2 / 6.0, 0.0))
    pinv = jnp.where(p > 1e-20, 1.0 / jnp.maximum(p, 1e-30), 0.0)
    c00 = b00 * pinv
    c11 = b11 * pinv
    c22 = b22 * pinv
    c01 = a01 * pinv
    c02 = a02 * pinv
    c12 = a12 * pinv
    det = (c00 * (c11 * c22 - c12 * c12)
           - c01 * (c01 * c22 - c12 * c02)
           + c02 * (c01 * c12 - c11 * c02))
    r = jnp.clip(det * 0.5, -1.0, 1.0)
    phi = _acos(r) / 3.0
    c1 = jnp.cos(phi)
    c3 = jnp.cos(phi + 2.0 * math.pi / 3.0)
    for _ in range(2):
        d1 = 12.0 * c1 * c1 - 3.0
        ok1 = jnp.abs(d1) > 1e-3
        c1 = c1 - jnp.where(
            ok1, (4.0 * c1 * c1 * c1 - 3.0 * c1 - r)
            / jnp.where(ok1, d1, 1.0), 0.0)
        d3 = 12.0 * c3 * c3 - 3.0
        ok3 = jnp.abs(d3) > 1e-3
        c3 = c3 - jnp.where(
            ok3, (4.0 * c3 * c3 * c3 - 3.0 * c3 - r)
            / jnp.where(ok3, d3, 1.0), 0.0)
    e1 = q + 2.0 * p * c1
    e3 = q + 2.0 * p * c3
    e2 = 3.0 * q - e1 - e3
    out_ref[0, 0:1, :] = e3
    out_ref[0, 1:2, :] = e2
    out_ref[0, 2:3, :] = e1


def _cov_eig(dx, dy, dz):
    plane = pl.BlockSpec((1, KNB, TN), lambda b, i: (b, 0, i))
    return pl.pallas_call(
        _cov_eig_body,
        grid=(B, N // TN),
        in_specs=[plane, plane, plane],
        out_specs=pl.BlockSpec((1, 3, TN), lambda b, i: (b, 0, i)),
        out_shape=jax.ShapeDtypeStruct((B, 3, N), jnp.float32),
        interpret=False,
    )(dx, dy, dz)


def _feat(j, dx, dy, dz, nx, ny, nz, gx, gy, gz, fx, fy, fz, dist):
    return jnp.concatenate(
        [dx[j:j + 1], dy[j:j + 1], dz[j:j + 1],
         nx[j:j + 1], ny[j:j + 1], nz[j:j + 1],
         gx[j:j + 1], gy[j:j + 1], gz[j:j + 1],
         fx[j:j + 1], fy[j:j + 1], fz[j:j + 1],
         dist[j:j + 1]], axis=0)


def _load_planes(refs):
    return [r[0] for r in refs]


def _mom_body(dx_ref, dy_ref, dz_ref, nx_ref, ny_ref, nz_ref,
              gx_ref, gy_ref, gz_ref, fx_ref, fy_ref, fz_ref, g_ref):
    b = pl.program_id(0)
    i = pl.program_id(1)

    @pl.when(jnp.logical_and(b == 0, i == 0))
    def _():
        g_ref[...] = jnp.zeros((16, 16), jnp.float32)

    dx, dy, dz, nx, ny, nz, gx, gy, gz, fx, fy, fz = _load_planes(
        [dx_ref, dy_ref, dz_ref, nx_ref, ny_ref, nz_ref,
         gx_ref, gy_ref, gz_ref, fx_ref, fy_ref, fz_ref])
    dist = jnp.sqrt(dx * dx + dy * dy + dz * dz + 1e-12)
    ones = jnp.ones((1, TN), jnp.float32)
    zeros = jnp.zeros((2, TN), jnp.float32)
    acc = jnp.zeros((16, 16), jnp.float32)
    for j in range(KNB):
        f = _q(_feat(j, dx, dy, dz, nx, ny, nz, gx, gy, gz, fx, fy, fz,
                     dist))
        f16 = jnp.concatenate([f, ones, zeros], axis=0)
        acc = acc + lax.dot_general(
            f16, f16, (((1,), (1,)), ((), ())),
            preferred_element_type=jnp.float32)
    g_ref[...] += acc


def _moments(planes):
    plane = pl.BlockSpec((1, KNB, TN), lambda b, i: (b, 0, i))
    return pl.pallas_call(
        _mom_body,
        grid=(B, N // TN),
        in_specs=[plane] * 12,
        out_specs=pl.BlockSpec((16, 16), lambda b, i: (0, 0)),
        out_shape=jax.ShapeDtypeStruct((16, 16), jnp.float32),
        interpret=False,
    )(*planes)


def _final_body(dx_ref, dy_ref, dz_ref, nx_ref, ny_ref, nz_ref,
                gx_ref, gy_ref, gz_ref, fx_ref, fy_ref, fz_ref,
                g_ref, w_ref, gm_ref, bt_ref, out_ref):
    g = g_ref[...]
    cnt = g[13:14, 13:14]
    wq = _q(w_ref[...])
    gm = gm_ref[...]
    bt = bt_ref[...]
    inv_cnt = 1.0 / cnt[0, 0]
    m1 = g[0:13, 13:14] * inv_cnt
    m2 = g[0:13, 0:13] * inv_cnt
    mean_y = lax.dot_general(wq, m1, (((1,), (0,)), ((), ())),
                             preferred_element_type=jnp.float32)
    b1 = lax.dot_general(wq, m2, (((1,), (0,)), ((), ())),
                         preferred_element_type=jnp.float32)
    e2 = jnp.sum(wq * b1, axis=1, keepdims=True)
    var = jnp.maximum(e2 - mean_y * mean_y, 0.0)
    scale = gm / jnp.sqrt(var + 1e-5)
    shift = bt - mean_y * scale

    dx, dy, dz, nx, ny, nz, gx, gy, gz, fx, fy, fz = _load_planes(
        [dx_ref, dy_ref, dz_ref, nx_ref, ny_ref, nz_ref,
         gx_ref, gy_ref, gz_ref, fx_ref, fy_ref, fz_ref])
    dist = jnp.sqrt(dx * dx + dy * dy + dz * dz + 1e-12)
    acc = jnp.full((64, TN), NEG, jnp.float32)
    for j in range(KNB):
        f = _q(_feat(j, dx, dy, dz, nx, ny, nz, gx, gy, gz, fx, fy, fz,
                     dist))
        y = lax.dot_general(wq, f, (((1,), (0,)), ((), ())),
                            preferred_element_type=jnp.float32)
        y = y * scale + shift
        y = jnp.where(y >= 0.0, y, 0.2 * y)
        acc = jnp.maximum(acc, y)
    out_ref[0] = acc


def _final(planes, g, w, gm, bt):
    plane = pl.BlockSpec((1, KNB, TN), lambda b, i: (b, 0, i))
    const = lambda shape: pl.BlockSpec(shape, lambda b, i: (0, 0))
    return pl.pallas_call(
        _final_body,
        grid=(B, N // TN),
        in_specs=[plane] * 12 + [const((16, 16)), const((64, 13)),
                                 const((64, 1)), const((64, 1))],
        out_specs=pl.BlockSpec((1, 64, TN), lambda b, i: (b, 0, i)),
        out_shape=jax.ShapeDtypeStruct((B, 64, N), jnp.float32),
        interpret=False,
    )(*planes, g, w, gm, bt)


def kernel(x, W, gamma, beta):
    xt = jnp.transpose(x, (0, 2, 1))

    idx_eu = _knn(x, xt)
    idx_eu_t = jnp.transpose(idx_eu, (0, 2, 1)).reshape(-1)
    nx, ny, nz, dx, dy, dz = _sc_gather6(
        x[:, 0, :].reshape(-1), x[:, 1, :].reshape(-1),
        x[:, 2, :].reshape(-1), idx_eu_t)

    ev = _cov_eig(dx, dy, dz)
    evt = jnp.transpose(ev, (0, 2, 1))
    idx_ei = _knn(ev, evt)
    idx_ei_t = jnp.transpose(idx_ei, (0, 2, 1)).reshape(-1)
    fx, fy, fz, gx, gy, gz = _sc_gather6(
        ev[:, 0, :].reshape(-1), ev[:, 1, :].reshape(-1),
        ev[:, 2, :].reshape(-1), idx_ei_t)

    planes = [dx, dy, dz, nx, ny, nz, gx, gy, gz, fx, fy, fz]
    g = _moments(planes)
    return _final(planes, g, W, gamma.reshape(64, 1), beta.reshape(64, 1))

# --- scband reference (transcript-rebuilt; emitter-appended) ---
"""Pipeline reference for scband-gsnet-81535659147320 (READ-ONLY COPY).

The authoritative reference and input builder live on the scoring server;
editing this copy changes nothing except your own understanding.
"""

import jax, jax.numpy as jnp
import numpy as np

K = 20
EPS_BN = 1e-5

def knn(x, k):
    # x: [B, F, N] -> neighbor indices [B, N, k] (largest negative sq-distance)
    inner = -2.0 * jnp.einsum('bfn,bfm->bnm', x, x)
    xx = jnp.sum(x * x, axis=1)
    pd = -xx[:, :, None] - inner - xx[:, None, :]
    return jax.lax.top_k(pd, k)[1]

def gather_nbrs(feat, idx):
    # feat: [B, N, F], idx: [B, N, k] -> [B, N, k, F]
    B, N, F = feat.shape
    k = idx.shape[-1]
    flat = feat.reshape(B * N, F)
    offs = jnp.arange(B)[:, None, None] * N
    return flat[(idx + offs).reshape(-1)].reshape(B, N, k, F)

def setup_inputs(seed: int = 0):
    key = jax.random.key(seed)
    k1, k2 = jax.random.split(key)
    x = jax.random.normal(k1, (8, 3, 2048), dtype=jnp.float32)
    W = jax.random.normal(k2, (64, 13), dtype=jnp.float32) * (1.0 / np.sqrt(13.0))
    gamma = jnp.ones((64,), jnp.float32)
    beta = jnp.zeros((64,), jnp.float32)
    return {"x": x, "W": W, "gamma": gamma, "beta": beta}

def reference(x, W, gamma, beta):
    # Faithful port of GSNET's first GSCM layer (eigen_Graph + first_GroupLayer +
    # get_graph_distance + conv1/bn1/LeakyReLU + max over neighbors).
    B, _, N = x.shape
    k = K
    pts = jnp.transpose(x, (0, 2, 1))  # [B, N, 3]
    idx_EU = knn(x, k)                 # [B, N, k] Euclidean-space KNN
    nbr = gather_nbrs(pts, idx_EU)     # [B, N, k, 3]
    diff = nbr - pts[:, :, None, :]
    cov = jnp.einsum('bnkf,bnkg->bnfg', diff, diff)  # X^T X, [B, N, 3, 3]
    eigval, eigvec = jnp.linalg.eigh(cov)
    # torch code detaches eigen-decomposition (numpy round trip)
    eigval = jax.lax.stop_gradient(eigval)   # [B, N, 3]
    idx_EI = knn(jnp.transpose(eigval, (0, 2, 1)), k)  # eigenvalue-space KNN
    grouped_xyz = jnp.concatenate([nbr - pts[:, :, None, :], nbr], axis=3)  # [B,N,k,6]
    nbr_f = gather_nbrs(eigval, idx_EI)
    grouped_feats = jnp.concatenate([nbr_f - eigval[:, :, None, :], nbr_f], axis=3)
    feat = jnp.concatenate([grouped_xyz, grouped_feats], axis=3)  # [B, N, k, 12]
    feat = jnp.transpose(feat, (0, 3, 1, 2))                      # [B, 12, N, k]
    dist = jnp.sqrt(jnp.sum(diff * diff, axis=-1) + 1e-12)        # [B, N, k]
    feat = jnp.concatenate([feat, dist[:, None, :, :]], axis=1)   # [B, 13, N, k]
    y = jnp.einsum('oc,bcnk->bonk', W, feat)  # 1x1 conv2d, no bias
    mean = jnp.mean(y, axis=(0, 2, 3), keepdims=True)
    var = jnp.mean((y - mean) ** 2, axis=(0, 2, 3), keepdims=True)
    yn = (y - mean) / jnp.sqrt(var + EPS_BN)
    y = gamma[None, :, None, None] * yn + beta[None, :, None, None]
    y = jnp.where(y >= 0, y, 0.2 * y)  # LeakyReLU(0.2)
    return jnp.max(y, axis=-1)         # [B, 64, N]

if __name__ == "__main__":
    import jax
    _d = setup_inputs()
    print(jax.jit(kernel)(*tuple(_d.values())))

</pallas_src>

<mosaic_0001>
#map = affine_map<(d0, d1) -> (0)>
module attributes {stable_mosaic.version = 14 : i64} {
  func.func @gk(%arg0: i32, %arg1: i32, %arg2: memref<16384xf32, #tpu.memory_space<hbm>>, %arg3: memref<16384xf32, #tpu.memory_space<hbm>>, %arg4: memref<16384xf32, #tpu.memory_space<hbm>>, %arg5: memref<327680xi32, #tpu.memory_space<hbm>>, %arg6: memref<327680xf32, #tpu.memory_space<hbm>>, %arg7: memref<327680xf32, #tpu.memory_space<hbm>>, %arg8: memref<327680xf32, #tpu.memory_space<hbm>>, %arg9: memref<327680xf32, #tpu.memory_space<hbm>>, %arg10: memref<327680xf32, #tpu.memory_space<hbm>>, %arg11: memref<327680xf32, #tpu.memory_space<hbm>>, %arg12: memref<16384xf32, #tpu.memory_space<vmem>>, %arg13: memref<16384xf32, #tpu.memory_space<vmem>>, %arg14: memref<16384xf32, #tpu.memory_space<vmem>>, %arg15: memref<10240xi32, #tpu.memory_space<vmem>>, %arg16: memref<10240xf32, #tpu.memory_space<vmem>>, %arg17: memref<10240xf32, #tpu.memory_space<vmem>>, %arg18: memref<10240xf32, #tpu.memory_space<vmem>>, %arg19: memref<10240xf32, #tpu.memory_space<vmem>>, %arg20: memref<10240xf32, #tpu.memory_space<vmem>>, %arg21: memref<10240xf32, #tpu.memory_space<vmem>>) attributes {dimension_semantics = [#tpu.dimension_semantics<core_parallel>, #tpu.dimension_semantics<subcore_parallel>], iteration_bounds = array<i64: 2, 16>, scalar_prefetch = 0 : i64, scratch_operands = 10 : i64, tpu.core_type = #tpu.core_type<sc_vector_subcore>, window_params = [{transform_indices = #map}, {transform_indices = #map}, {transform_indices = #map}, {transform_indices = #map}, {transform_indices = #map}, {transform_indices = #map}, {transform_indices = #map}, {transform_indices = #map}, {transform_indices = #map}, {transform_indices = #map}]} {
    %mul3A = arith.constant 2 : i32
    %mul3A_0 = arith.muli %arg1, %mul3A : i32
    %add3A = arith.addi %mul3A_0, %arg0 : i32
    %mul3A_1 = arith.constant 10240 : i32
    %mul3A_2 = arith.muli %add3A, %mul3A_1 : i32
    "tpu.region"() ({
      %run_scoped3A = tpu.sem_alloc : memref<!tpu.dma_semaphore, #tpu.memory_space<semaphore_mem>>
      tpu.enqueue_dma source(%arg2 : memref<16384xf32, #tpu.memory_space<hbm>>) target(%arg12 : memref<16384xf32, #tpu.memory_space<vmem>>) target_semaphore(%run_scoped3A : memref<!tpu.dma_semaphore, #tpu.memory_space<semaphore_mem>>)
      tpu.wait_dma2 semaphore(%run_scoped3A : memref<!tpu.dma_semaphore, #tpu.memory_space<semaphore_mem>>) src(%arg2 : memref<16384xf32, #tpu.memory_space<hbm>>) dst(%arg12 : memref<16384xf32, #tpu.memory_space<vmem>>)
      tpu.yield
    }) : () -> ()
    "tpu.region"() ({
      %run_scoped3A = tpu.sem_alloc : memref<!tpu.dma_semaphore, #tpu.memory_space<semaphore_mem>>
      tpu.enqueue_dma source(%arg3 : memref<16384xf32, #tpu.memory_space<hbm>>) target(%arg13 : memref<16384xf32, #tpu.memory_space<vmem>>) target_semaphore(%run_scoped3A : memref<!tpu.dma_semaphore, #tpu.memory_space<semaphore_mem>>)
      tpu.wait_dma2 semaphore(%run_scoped3A : memref<!tpu.dma_semaphore, #tpu.memory_space<semaphore_mem>>) src(%arg3 : memref<16384xf32, #tpu.memory_space<hbm>>) dst(%arg13 : memref<16384xf32, #tpu.memory_space<vmem>>)
      tpu.yield
    }) : () -> ()
    "tpu.region"() ({
      %run_scoped3A = tpu.sem_alloc : memref<!tpu.dma_semaphore, #tpu.memory_space<semaphore_mem>>
      tpu.enqueue_dma source(%arg4 : memref<16384xf32, #tpu.memory_space<hbm>>) target(%arg14 : memref<16384xf32, #tpu.memory_space<vmem>>) target_semaphore(%run_scoped3A : memref<!tpu.dma_semaphore, #tpu.memory_space<semaphore_mem>>)
      tpu.wait_dma2 semaphore(%run_scoped3A : memref<!tpu.dma_semaphore, #tpu.memory_space<semaphore_mem>>) src(%arg4 : memref<16384xf32, #tpu.memory_space<hbm>>) dst(%arg14 : memref<16384xf32, #tpu.memory_space<vmem>>)
      tpu.yield
    }) : () -> ()
    "tpu.region"() ({
      %run_scoped3A = tpu.sem_alloc : memref<!tpu.dma_semaphore, #tpu.memory_space<semaphore_mem>>
      %dma_start3A = tpu.memref_slice %arg5[%mul3A_2] : memref<327680xi32, #tpu.memory_space<hbm>> -> memref<10240xi32, #tpu.memory_space<hbm>>
      %dma_start3A_9 = tpu.memref_slice %arg5[%mul3A_2] : memref<327680xi32, #tpu.memory_space<hbm>> -> memref<10240xi32, #tpu.memory_space<hbm>>
      tpu.enqueue_dma source(%dma_start3A_9 : memref<10240xi32, #tpu.memory_space<hbm>>) target(%arg15 : memref<10240xi32, #tpu.memory_space<vmem>>) target_semaphore(%run_scoped3A : memref<!tpu.dma_semaphore, #tpu.memory_space<semaphore_mem>>)
      %dma_wait3A = tpu.memref_slice %arg5[%mul3A_2] : memref<327680xi32, #tpu.memory_space<hbm>> -> memref<10240xi32, #tpu.memory_space<hbm>>
      %dma_wait3A_10 = tpu.memref_slice %arg5[%mul3A_2] : memref<327680xi32, #tpu.memory_space<hbm>> -> memref<10240xi32, #tpu.memory_space<hbm>>
      tpu.wait_dma2 semaphore(%run_scoped3A : memref<!tpu.dma_semaphore, #tpu.memory_space<semaphore_mem>>) src(%dma_wait3A_10 : memref<10240xi32, #tpu.memory_space<hbm>>) dst(%arg15 : memref<10240xi32, #tpu.memory_space<vmem>>)
      tpu.yield
    }) : () -> ()
    %scan3A = arith.constant 0 : i32
    %scan3A_3 = arith.constant 0 : i32
    %scan3A_4 = arith.constant 640 : i32
    %scan3A_5 = arith.addi %scan3A_3, %scan3A_4 : i32
    %scan3A_6 = arith.constant 1 : i32
    %scan3A_7 = scf.for %scan3A_9 = %scan3A_3 to %scan3A_5 step %scan3A_6 iter_args(%scan3A_10 = %scan3A) -> (i32)  : i32 {
      %mul3A_11 = arith.constant 16 : i32
      %mul3A_12 = arith.muli %scan3A_9, %mul3A_11 : i32
      %get3A = arith.index_cast %mul3A_12 : i32 to index
      %get3A_13 = tpu.vector_load %arg15[%get3A] {strides = array<i32>} : memref<10240xi32, #tpu.memory_space<vmem>>, vector<16xi32>,
      %mul3A_14 = arith.constant 16 : i32
      %mul3A_15 = arith.muli %scan3A_9, %mul3A_14 : i32
      %add3A_16 = arith.addi %mul3A_2, %mul3A_15 : i32
      %iota3A = tpu.iota {dimensions = array<i32: 0>} : vector<16xi32>
      %add3A_17 = vector.broadcast %add3A_16 : i32 to vector<16xi32>
      %add3A_18 = arith.addi %add3A_17, %iota3A : vector<16xi32>
      %jit3A = arith.constant 2048 : i32
      %eq3A = arith.constant 0 : i32
      %eq3A_19 = arith.cmpi eq, %jit3A, %eq3A : i32
      %jit3A_20 = arith.constant 1 : i32
      %select_n3A = arith.select %eq3A_19, %jit3A_20, %jit3A : i32
      %rem3A = vector.broadcast %select_n3A : i32 to vector<16xi32>
      %rem3A_21 = arith.remsi %add3A_18, %rem3A : vector<16xi32>
      %ne3A = arith.constant 0 : i32
      %ne3A_22 = vector.broadcast %ne3A : i32 to vector<16xi32>
      %ne3A_23 = arith.cmpi ne, %rem3A_21, %ne3A_22 : vector<16xi32>
      %lt3A = arith.constant 0 : i32
      %lt3A_24 = vector.broadcast %lt3A : i32 to vector<16xi32>
      %lt3A_25 = arith.cmpi slt, %rem3A_21, %lt3A_24 : vector<16xi32>
      %lt3A_26 = arith.constant 0 : i32
      %lt3A_27 = arith.cmpi slt, %select_n3A, %lt3A_26 : i32
      %ne3A_28 = vector.broadcast %lt3A_27 : i1 to vector<16xi1>
      %ne3A_29 = vector.broadcast %ne3A_28 : vector<16xi1> to vector<16xi1>
      %ne3A_30 = arith.xori %lt3A_25, %ne3A_29 : vector<16xi1>
      %and3A = arith.andi %ne3A_30, %ne3A_23 : vector<16xi1>
      %add3A_31 = vector.broadcast %select_n3A : i32 to vector<16xi32>
      %add3A_32 = arith.addi %rem3A_21, %add3A_31 : vector<16xi32>
      %select_n3A_33 = arith.select %and3A, %add3A_32, %rem3A_21 : vector<16xi1>, vector<16xi32>
      %jit3A_34 = arith.constant 40960 : i32
      %div3A = vector.broadcast %jit3A_34 : i32 to vector<16xi32>
      %div3A_35 = arith.divsi %add3A_18, %div3A : vector<16xi32>
      %sign3A = arith.constant 0 : i32
      %sign3A_36 = vector.broadcast %sign3A : i32 to vector<16xi32>
      %sign3A_37 = arith.cmpi sgt, %add3A_18, %sign3A_36 : vector<16xi32>
      %sign3A_38 = arith.extui %sign3A_37 : vector<16xi1> to vector<16xi32>
      %sign3A_39 = arith.constant 0 : i32
      %sign3A_40 = vector.broadcast %sign3A_39 : i32 to vector<16xi32>
      %sign3A_41 = arith.cmpi slt, %add3A_18, %sign3A_40 : vector<16xi32>
      %sign3A_42 = arith.extui %sign3A_41 : vector<16xi1> to vector<16xi32>
      %sign3A_43 = arith.subi %sign3A_38, %sign3A_42 : vector<16xi32>
      %sign3A_44 = arith.constant 0 : i32
      %sign3A_45 = arith.cmpi sgt, %jit3A_34, %sign3A_44 : i32
      %sign3A_46 = arith.extui %sign3A_45 : i1 to i32
      %sign3A_47 = arith.constant 0 : i32
      %sign3A_48 = arith.cmpi slt, %jit3A_34, %sign3A_47 : i32
      %sign3A_49 = arith.extui %sign3A_48 : i1 to i32
      %sign3A_50 = arith.subi %sign3A_46, %sign3A_49 : i32
      %ne3A_51 = vector.broadcast %sign3A_50 : i32 to vector<16xi32>
      %ne3A_52 = arith.cmpi ne, %sign3A_43, %ne3A_51 : vector<16xi32>
      %rem3A_53 = vector.broadcast %jit3A_34 : i32 to vector<16xi32>
      %rem3A_54 = arith.remsi %add3A_18, %rem3A_53 : vector<16xi32>
      %ne3A_55 = arith.constant 0 : i32
      %ne3A_56 = vector.broadcast %ne3A_55 : i32 to vector<16xi32>
      %ne3A_57 = arith.cmpi ne, %rem3A_54, %ne3A_56 : vector<16xi32>
      %and3A_58 = arith.andi %ne3A_52, %ne3A_57 : vector<16xi1>
      %sub3A = arith.constant 1 : i32
      %sub3A_59 = vector.broadcast %sub3A : i32 to vector<16xi32>
      %sub3A_60 = arith.subi %div3A_35, %sub3A_59 : vector<16xi32>
      %select_n3A_61 = arith.select %and3A_58, %sub3A_60, %div3A_35 : vector<16xi1>, vector<16xi32>
      %mul3A_62 = arith.constant 2048 : i32
      %mul3A_63 = vector.broadcast %mul3A_62 : i32 to vector<16xi32>
      %mul3A_64 = arith.muli %select_n3A_61, %mul3A_63 : vector<16xi32>
      %add3A_65 = arith.addi %select_n3A_33, %mul3A_64 : vector<16xi32>
      %gather3A = tpu.vector_load_idx %arg12[%get3A_13] : memref<16384xf32, #tpu.memory_space<vmem>>[vector<16xi32>], vector<16xf32>,
      %gather3A_66 = tpu.vector_load_idx %arg13[%get3A_13] : memref<16384xf32, #tpu.memory_space<vmem>>[vector<16xi32>], vector<16xf32>,
      %gather3A_67 = tpu.vector_load_idx %arg14[%get3A_13] : memref<16384xf32, #tpu.memory_space<vmem>>[vector<16xi32>], vector<16xf32>,
      %swap3A = arith.index_cast %mul3A_12 : i32 to index
      %swap3A_68 = tpu.vector_load %arg16[%swap3A] {strides = array<i32>} : memref<10240xf32, #tpu.memory_space<vmem>>, vector<16xf32>,
      tpu.vector_store %arg16[%swap3A], %gather3A {strides = array<i32>} : memref<10240xf32, #tpu.memory_space<vmem>>, vector<16xf32>,
      %swap3A_69 = arith.index_cast %mul3A_12 : i32 to index
      %swap3A_70 = tpu.vector_load %arg17[%swap3A_69] {strides = array<i32>} : memref<10240xf32, #tpu.memory_space<vmem>>, vector<16xf32>,
      tpu.vector_store %arg17[%swap3A_69], %gather3A_66 {strides = array<i32>} : memref<10240xf32, #tpu.memory_space<vmem>>, vector<16xf32>,
      %swap3A_71 = arith.index_cast %mul3A_12 : i32 to index
      %swap3A_72 = tpu.vector_load %arg18[%swap3A_71] {strides = array<i32>} : memref<10240xf32, #tpu.memory_space<vmem>>, vector<16xf32>,
      tpu.vector_store %arg18[%swap3A_71], %gather3A_67 {strides = array<i32>} : memref<10240xf32, #tpu.memory_space<vmem>>, vector<16xf32>,
      %gather3A_73 = tpu.vector_load_idx %arg12[%add3A_65] : memref<16384xf32, #tpu.memory_space<vmem>>[vector<16xi32>], vector<16xf32>,
      %sub3A_74 = arith.subf %gather3A, %gather3A_73 : vector<16xf32>
      %swap3A_75 = arith.index_cast %mul3A_12 : i32 to index
      %swap3A_76 = tpu.vector_load %arg19[%swap3A_75] {strides = array<i32>} : memref<10240xf32, #tpu.memory_space<vmem>>, vector<16xf32>,
      tpu.vector_store %arg19[%swap3A_75], %sub3A_74 {strides = array<i32>} : memref<10240xf32, #tpu.memory_space<vmem>>, vector<16xf32>,
      %gather3A_77 = tpu.vector_load_idx %arg13[%add3A_65] : memref<16384xf32, #tpu.memory_space<vmem>>[vector<16xi32>], vector<16xf32>,
      %sub3A_78 = arith.subf %gather3A_66, %gather3A_77 : vector<16xf32>
      %swap3A_79 = arith.index_cast %mul3A_12 : i32 to index
      %swap3A_80 = tpu.vector_load %arg20[%swap3A_79] {strides = array<i32>} : memref<10240xf32, #tpu.memory_space<vmem>>, vector<16xf32>,
      tpu.vector_store %arg20[%swap3A_79], %sub3A_78 {strides = array<i32>} : memref<10240xf32, #tpu.memory_space<vmem>>, vector<16xf32>,
      %gather3A_81 = tpu.vector_load_idx %arg14[%add3A_65] : memref<16384xf32, #tpu.memory_space<vmem>>[vector<16xi32>], vector<16xf32>,
      %sub3A_82 = arith.subf %gather3A_67, %gather3A_81 : vector<16xf32>
      %swap3A_83 = arith.index_cast %mul3A_12 : i32 to index
      %swap3A_84 = tpu.vector_load %arg21[%swap3A_83] {strides = array<i32>} : memref<10240xf32, #tpu.memory_space<vmem>>, vector<16xf32>,
      tpu.vector_store %arg21[%swap3A_83], %sub3A_82 {strides = array<i32>} : memref<10240xf32, #tpu.memory_space<vmem>>, vector<16xf32>,
      %scan3A_85 = arith.constant 0 : i32
      scf.yield %scan3A_85 : i32
    }
    %scan3A_8 = arith.constant 640 : i32
    "tpu.region"() ({
      %run_scoped3A = tpu.sem_alloc : memref<!tpu.dma_semaphore, #tpu.memory_space<semaphore_mem>>
      %dma_start3A = tpu.memref_slice %arg6[%mul3A_2] : memref<327680xf32, #tpu.memory_space<hbm>> -> memref<10240xf32, #tpu.memory_space<hbm>>
      %dma_start3A_9 = tpu.memref_slice %arg6[%mul3A_2] : memref<327680xf32, #tpu.memory_space<hbm>> -> memref<10240xf32, #tpu.memory_space<hbm>>
      tpu.enqueue_dma source(%arg16 : memref<10240xf32, #tpu.memory_space<vmem>>) target(%dma_start3A_9 : memref<10240xf32, #tpu.memory_space<hbm>>) target_semaphore(%run_scoped3A : memref<!tpu.dma_semaphore, #tpu.memory_space<semaphore_mem>>)
      %dma_wait3A = tpu.memref_slice %arg6[%mul3A_2] : memref<327680xf32, #tpu.memory_space<hbm>> -> memref<10240xf32, #tpu.memory_space<hbm>>
      %dma_wait3A_10 = tpu.memref_slice %arg6[%mul3A_2] : memref<327680xf32, #tpu.memory_space<hbm>> -> memref<10240xf32, #tpu.memory_space<hbm>>
      tpu.wait_dma2 semaphore(%run_scoped3A : memref<!tpu.dma_semaphore, #tpu.memory_space<semaphore_mem>>) src(%arg16 : memref<10240xf32, #tpu.memory_space<vmem>>) dst(%dma_wait3A_10 : memref<10240xf32, #tpu.memory_space<hbm>>)
      tpu.yield
    }) : () -> ()
    "tpu.region"() ({
      %run_scoped3A = tpu.sem_alloc : memref<!tpu.dma_semaphore, #tpu.memory_space<semaphore_mem>>
      %dma_start3A = tpu.memref_slice %arg7[%mul3A_2] : memref<327680xf32, #tpu.memory_space<hbm>> -> memref<10240xf32, #tpu.memory_space<hbm>>
      %dma_start3A_9 = tpu.memref_slice %arg7[%mul3A_2] : memref<327680xf32, #tpu.memory_space<hbm>> -> memref<10240xf32, #tpu.memory_space<hbm>>
      tpu.enqueue_dma source(%arg17 : memref<10240xf32, #tpu.memory_space<vmem>>) target(%dma_start3A_9 : memref<10240xf32, #tpu.memory_space<hbm>>) target_semaphore(%run_scoped3A : memref<!tpu.dma_semaphore, #tpu.memory_space<semaphore_mem>>)
      %dma_wait3A = tpu.memref_slice %arg7[%mul3A_2] : memref<327680xf32, #tpu.memory_space<hbm>> -> memref<10240xf32, #tpu.memory_space<hbm>>
      %dma_wait3A_10 = tpu.memref_slice %arg7[%mul3A_2] : memref<327680xf32, #tpu.memory_space<hbm>> -> memref<10240xf32, #tpu.memory_space<hbm>>
      tpu.wait_dma2 semaphore(%run_scoped3A : memref<!tpu.dma_semaphore, #tpu.memory_space<semaphore_mem>>) src(%arg17 : memref<10240xf32, #tpu.memory_space<vmem>>) dst(%dma_wait3A_10 : memref<10240xf32, #tpu.memory_space<hbm>>)
      tpu.yield
    }) : () -> ()
    "tpu.region"() ({
      %run_scoped3A = tpu.sem_alloc : memref<!tpu.dma_semaphore, #tpu.memory_space<semaphore_mem>>
      %dma_start3A = tpu.memref_slice %arg8[%mul3A_2] : memref<327680xf32, #tpu.memory_space<hbm>> -> memref<10240xf32, #tpu.memory_space<hbm>>
      %dma_start3A_9 = tpu.memref_slice %arg8[%mul3A_2] : memref<327680xf32, #tpu.memory_space<hbm>> -> memref<10240xf32, #tpu.memory_space<hbm>>
      tpu.enqueue_dma source(%arg18 : memref<10240xf32, #tpu.memory_space<vmem>>) target(%dma_start3A_9 : memref<10240xf32, #tpu.memory_space<hbm>>) target_semaphore(%run_scoped3A : memref<!tpu.dma_semaphore, #tpu.memory_space<semaphore_mem>>)
      %dma_wait3A = tpu.memref_slice %arg8[%mul3A_2] : memref<327680xf32, #tpu.memory_space<hbm>> -> memref<10240xf32, #tpu.memory_space<hbm>>
      %dma_wait3A_10 = tpu.memref_slice %arg8[%mul3A_2] : memref<327680xf32, #tpu.memory_space<hbm>> -> memref<10240xf32, #tpu.memory_space<hbm>>
      tpu.wait_dma2 semaphore(%run_scoped3A : memref<!tpu.dma_semaphore, #tpu.memory_space<semaphore_mem>>) src(%arg18 : memref<10240xf32, #tpu.memory_space<vmem>>) dst(%dma_wait3A_10 : memref<10240xf32, #tpu.memory_space<hbm>>)
      tpu.yield
    }) : () -> ()
    "tpu.region"() ({
      %run_scoped3A = tpu.sem_alloc : memref<!tpu.dma_semaphore, #tpu.memory_space<semaphore_mem>>
      %dma_start3A = tpu.memref_slice %arg9[%mul3A_2] : memref<327680xf32, #tpu.memory_space<hbm>> -> memref<10240xf32, #tpu.memory_space<hbm>>
      %dma_start3A_9 = tpu.memref_slice %arg9[%mul3A_2] : memref<327680xf32, #tpu.memory_space<hbm>> -> memref<10240xf32, #tpu.memory_space<hbm>>
      tpu.enqueue_dma source(%arg19 : memref<10240xf32, #tpu.memory_space<vmem>>) target(%dma_start3A_9 : memref<10240xf32, #tpu.memory_space<hbm>>) target_semaphore(%run_scoped3A : memref<!tpu.dma_semaphore, #tpu.memory_space<semaphore_mem>>)
      %dma_wait3A = tpu.memref_slice %arg9[%mul3A_2] : memref<327680xf32, #tpu.memory_space<hbm>> -> memref<10240xf32, #tpu.memory_space<hbm>>
      %dma_wait3A_10 = tpu.memref_slice %arg9[%mul3A_2] : memref<327680xf32, #tpu.memory_space<hbm>> -> memref<10240xf32, #tpu.memory_space<hbm>>
      tpu.wait_dma2 semaphore(%run_scoped3A : memref<!tpu.dma_semaphore, #tpu.memory_space<semaphore_mem>>) src(%arg19 : memref<10240xf32, #tpu.memory_space<vmem>>) dst(%dma_wait3A_10 : memref<10240xf32, #tpu.memory_space<hbm>>)
      tpu.yield
    }) : () -> ()
    "tpu.region"() ({
      %run_scoped3A = tpu.sem_alloc : memref<!tpu.dma_semaphore, #tpu.memory_space<semaphore_mem>>
      %dma_start3A = tpu.memref_slice %arg10[%mul3A_2] : memref<327680xf32, #tpu.memory_space<hbm>> -> memref<10240xf32, #tpu.memory_space<hbm>>
      %dma_start3A_9 = tpu.memref_slice %arg10[%mul3A_2] : memref<327680xf32, #tpu.memory_space<hbm>> -> memref<10240xf32, #tpu.memory_space<hbm>>
      tpu.enqueue_dma source(%arg20 : memref<10240xf32, #tpu.memory_space<vmem>>) target(%dma_start3A_9 : memref<10240xf32, #tpu.memory_space<hbm>>) target_semaphore(%run_scoped3A : memref<!tpu.dma_semaphore, #tpu.memory_space<semaphore_mem>>)
      %dma_wait3A = tpu.memref_slice %arg10[%mul3A_2] : memref<327680xf32, #tpu.memory_space<hbm>> -> memref<10240xf32, #tpu.memory_space<hbm>>
      %dma_wait3A_10 = tpu.memref_slice %arg10[%mul3A_2] : memref<327680xf32, #tpu.memory_space<hbm>> -> memref<10240xf32, #tpu.memory_space<hbm>>
      tpu.wait_dma2 semaphore(%run_scoped3A : memref<!tpu.dma_semaphore, #tpu.memory_space<semaphore_mem>>) src(%arg20 : memref<10240xf32, #tpu.memory_space<vmem>>) dst(%dma_wait3A_10 : memref<10240xf32, #tpu.memory_space<hbm>>)
      tpu.yield
    }) : () -> ()
    "tpu.region"() ({
      %run_scoped3A = tpu.sem_alloc : memref<!tpu.dma_semaphore, #tpu.memory_space<semaphore_mem>>
      %dma_start3A = tpu.memref_slice %arg11[%mul3A_2] : memref<327680xf32, #tpu.memory_space<hbm>> -> memref<10240xf32, #tpu.memory_space<hbm>>
      %dma_start3A_9 = tpu.memref_slice %arg11[%mul3A_2] : memref<327680xf32, #tpu.memory_space<hbm>> -> memref<10240xf32, #tpu.memory_space<hbm>>
      tpu.enqueue_dma source(%arg21 : memref<10240xf32, #tpu.memory_space<vmem>>) target(%dma_start3A_9 : memref<10240xf32, #tpu.memory_space<hbm>>) target_semaphore(%run_scoped3A : memref<!tpu.dma_semaphore, #tpu.memory_space<semaphore_mem>>)
      %dma_wait3A = tpu.memref_slice %arg11[%mul3A_2] : memref<327680xf32, #tpu.memory_space<hbm>> -> memref<10240xf32, #tpu.memory_space<hbm>>
      %dma_wait3A_10 = tpu.memref_slice %arg11[%mul3A_2] : memref<327680xf32, #tpu.memory_space<hbm>> -> memref<10240xf32, #tpu.memory_space<hbm>>
      tpu.wait_dma2 semaphore(%run_scoped3A : memref<!tpu.dma_semaphore, #tpu.memory_space<semaphore_mem>>) src(%arg21 : memref<10240xf32, #tpu.memory_space<vmem>>) dst(%dma_wait3A_10 : memref<10240xf32, #tpu.memory_space<hbm>>)
      tpu.yield
    }) : () -> ()
    return
  }
}

#map = affine_map<(d0, d1) -> (0)>
module attributes {stable_mosaic.version = 14 : i64} {
  func.func @gk(%arg0: i32, %arg1: i32, %arg2: memref<16384xf32, #tpu.memory_space<hbm>>, %arg3: memref<16384xf32, #tpu.memory_space<hbm>>, %arg4: memref<16384xf32, #tpu.memory_space<hbm>>, %arg5: memref<327680xi32, #tpu.memory_space<hbm>>, %arg6: memref<327680xf32, #tpu.memory_space<hbm>>, %arg7: memref<327680xf32, #tpu.memory_space<hbm>>, %arg8: memref<327680xf32, #tpu.memory_space<hbm>>, %arg9: memref<327680xf32, #tpu.memory_space<hbm>>, %arg10: memref<327680xf32, #tpu.memory_space<hbm>>, %arg11: memref<327680xf32, #tpu.memory_space<hbm>>, %arg12: memref<16384xf32, #tpu.memory_space<vmem>>, %arg13: memref<16384xf32, #tpu.memory_space<vmem>>, %arg14: memref<16384xf32, #tpu.memory_space<vmem>>, %arg15: memref<10240xi32, #tpu.memory_space<vmem>>, %arg16: memref<10240xf32, #tpu.memory_space<vmem>>, %arg17: memref<10240xf32, #tpu.memory_space<vmem>>, %arg18: memref<10240xf32, #tpu.memory_space<vmem>>, %arg19: memref<10240xf32, #tpu.memory_space<vmem>>, %arg20: memref<10240xf32, #tpu.memory_space<vmem>>, %arg21: memref<10240xf32, #tpu.memory_space<vmem>>) attributes {dimension_semantics = [#tpu.dimension_semantics<core_parallel>, #tpu.dimension_semantics<subcore_parallel>], iteration_bounds = array<i64: 2, 16>, scalar_prefetch = 0 : i64, scratch_operands = 10 : i64, tpu.core_type = #tpu.core_type<sc_vector_subcore>, window_params = [{transform_indices = #map}, {transform_indices = #map}, {transform_indices = #map}, {transform_indices = #map}, {transform_indices = #map}, {transform_indices = #map}, {transform_indices = #map}, {transform_indices = #map}, {transform_indices = #map}, {transform_indices = #map}]} {
    %mul3A = arith.constant 2 : i32
    %mul3A_0 = arith.muli %arg1, %mul3A : i32
    %add3A = arith.addi %mul3A_0, %arg0 : i32
    %mul3A_1 = arith.constant 10240 : i32
    %mul3A_2 = arith.muli %add3A, %mul3A_1 : i32
    "tpu.region"() ({
      %run_scoped3A = tpu.sem_alloc : memref<!tpu.dma_semaphore, #tpu.memory_space<semaphore_mem>>
      tpu.enqueue_dma source(%arg2 : memref<16384xf32, #tpu.memory_space<hbm>>) target(%arg12 : memref<16384xf32, #tpu.memory_space<vmem>>) target_semaphore(%run_scoped3A : memref<!tpu.dma_semaphore, #tpu.memory_space<semaphore_mem>>)
      tpu.wait_dma2 semaphore(%run_scoped3A : memref<!tpu.dma_semaphore, #tpu.memory_space<semaphore_mem>>) src(%arg2 : memref<16384xf32, #tpu.memory_space<hbm>>) dst(%arg12 : memref<16384xf32, #tpu.memory_space<vmem>>)
      tpu.yield
    }) : () -> ()
    "tpu.region"() ({
      %run_scoped3A = tpu.sem_alloc : memref<!tpu.dma_semaphore, #tpu.memory_space<semaphore_mem>>
      tpu.enqueue_dma source(%arg3 : memref<16384xf32, #tpu.memory_space<hbm>>) target(%arg13 : memref<16384xf32, #tpu.memory_space<vmem>>) target_semaphore(%run_scoped3A : memref<!tpu.dma_semaphore, #tpu.memory_space<semaphore_mem>>)
      tpu.wait_dma2 semaphore(%run_scoped3A : memref<!tpu.dma_semaphore, #tpu.memory_space<semaphore_mem>>) src(%arg3 : memref<16384xf32, #tpu.memory_space<hbm>>) dst(%arg13 : memref<16384xf32, #tpu.memory_space<vmem>>)
      tpu.yield
    }) : () -> ()
    "tpu.region"() ({
      %run_scoped3A = tpu.sem_alloc : memref<!tpu.dma_semaphore, #tpu.memory_space<semaphore_mem>>
      tpu.enqueue_dma source(%arg4 : memref<16384xf32, #tpu.memory_space<hbm>>) target(%arg14 : memref<16384xf32, #tpu.memory_space<vmem>>) target_semaphore(%run_scoped3A : memref<!tpu.dma_semaphore, #tpu.memory_space<semaphore_mem>>)
      tpu.wait_dma2 semaphore(%run_scoped3A : memref<!tpu.dma_semaphore, #tpu.memory_space<semaphore_mem>>) src(%arg4 : memref<16384xf32, #tpu.memory_space<hbm>>) dst(%arg14 : memref<16384xf32, #tpu.memory_space<vmem>>)
      tpu.yield
    }) : () -> ()
    "tpu.region"() ({
      %run_scoped3A = tpu.sem_alloc : memref<!tpu.dma_semaphore, #tpu.memory_space<semaphore_mem>>
      %dma_start3A = tpu.memref_slice %arg5[%mul3A_2] : memref<327680xi32, #tpu.memory_space<hbm>> -> memref<10240xi32, #tpu.memory_space<hbm>>
      %dma_start3A_9 = tpu.memref_slice %arg5[%mul3A_2] : memref<327680xi32, #tpu.memory_space<hbm>> -> memref<10240xi32, #tpu.memory_space<hbm>>
      tpu.enqueue_dma source(%dma_start3A_9 : memref<10240xi32, #tpu.memory_space<hbm>>) target(%arg15 : memref<10240xi32, #tpu.memory_space<vmem>>) target_semaphore(%run_scoped3A : memref<!tpu.dma_semaphore, #tpu.memory_space<semaphore_mem>>)
      %dma_wait3A = tpu.memref_slice %arg5[%mul3A_2] : memref<327680xi32, #tpu.memory_space<hbm>> -> memref<10240xi32, #tpu.memory_space<hbm>>
      %dma_wait3A_10 = tpu.memref_slice %arg5[%mul3A_2] : memref<327680xi32, #tpu.memory_space<hbm>> -> memref<10240xi32, #tpu.memory_space<hbm>>
      tpu.wait_dma2 semaphore(%run_scoped3A : memref<!tpu.dma_semaphore, #tpu.memory_space<semaphore_mem>>) src(%dma_wait3A_10 : memref<10240xi32, #tpu.memory_space<hbm>>) dst(%arg15 : memref<10240xi32, #tpu.memory_space<vmem>>)
      tpu.yield
    }) : () -> ()
    %scan3A = arith.constant 0 : i32
    %scan3A_3 = arith.constant 0 : i32
    %scan3A_4 = arith.constant 640 : i32
    %scan3A_5 = arith.addi %scan3A_3, %scan3A_4 : i32
    %scan3A_6 = arith.constant 1 : i32
    %scan3A_7 = scf.for %scan3A_9 = %scan3A_3 to %scan3A_5 step %scan3A_6 iter_args(%scan3A_10 = %scan3A) -> (i32)  : i32 {
      %mul3A_11 = arith.constant 16 : i32
      %mul3A_12 = arith.muli %scan3A_9, %mul3A_11 : i32
      %get3A = arith.index_cast %mul3A_12 : i32 to index
      %get3A_13 = tpu.vector_load %arg15[%get3A] {strides = array<i32>} : memref<10240xi32, #tpu.memory_space<vmem>>, vector<16xi32>,
      %mul3A_14 = arith.constant 16 : i32
      %mul3A_15 = arith.muli %scan3A_9, %mul3A_14 : i32
      %add3A_16 = arith.addi %mul3A_2, %mul3A_15 : i32
      %iota3A = tpu.iota {dimensions = array<i32: 0>} : vector<16xi32>
      %add3A_17 = vector.broadcast %add3A_16 : i32 to vector<16xi32>
      %add3A_18 = arith.addi %add3A_17, %iota3A : vector<16xi32>
      %jit3A = arith.constant 2048 : i32
      %eq3A = arith.constant 0 : i32
      %eq3A_19 = arith.cmpi eq, %jit3A, %eq3A : i32
      %jit3A_20 = arith.constant 1 : i32
      %select_n3A = arith.select %eq3A_19, %jit3A_20, %jit3A : i32
      %rem3A = vector.broadcast %select_n3A : i32 to vector<16xi32>
      %rem3A_21 = arith.remsi %add3A_18, %rem3A : vector<16xi32>
      %ne3A = arith.constant 0 : i32
      %ne3A_22 = vector.broadcast %ne3A : i32 to vector<16xi32>
      %ne3A_23 = arith.cmpi ne, %rem3A_21, %ne3A_22 : vector<16xi32>
      %lt3A = arith.constant 0 : i32
      %lt3A_24 = vector.broadcast %lt3A : i32 to vector<16xi32>
      %lt3A_25 = arith.cmpi slt, %rem3A_21, %lt3A_24 : vector<16xi32>
      %lt3A_26 = arith.constant 0 : i32
      %lt3A_27 = arith.cmpi slt, %select_n3A, %lt3A_26 : i32
      %ne3A_28 = vector.broadcast %lt3A_27 : i1 to vector<16xi1>
      %ne3A_29 = vector.broadcast %ne3A_28 : vector<16xi1> to vector<16xi1>
      %ne3A_30 = arith.xori %lt3A_25, %ne3A_29 : vector<16xi1>
      %and3A = arith.andi %ne3A_30, %ne3A_23 : vector<16xi1>
      %add3A_31 = vector.broadcast %select_n3A : i32 to vector<16xi32>
      %add3A_32 = arith.addi %rem3A_21, %add3A_31 : vector<16xi32>
      %select_n3A_33 = arith.select %and3A, %add3A_32, %rem3A_21 : vector<16xi1>, vector<16xi32>
      %jit3A_34 = arith.constant 40960 : i32
      %div3A = vector.broadcast %jit3A_34 : i32 to vector<16xi32>
      %div3A_35 = arith.divsi %add3A_18, %div3A : vector<16xi32>
      %sign3A = arith.constant 0 : i32
      %sign3A_36 = vector.broadcast %sign3A : i32 to vector<16xi32>
      %sign3A_37 = arith.cmpi sgt, %add3A_18, %sign3A_36 : vector<16xi32>
      %sign3A_38 = arith.extui %sign3A_37 : vector<16xi1> to vector<16xi32>
      %sign3A_39 = arith.constant 0 : i32
      %sign3A_40 = vector.broadcast %sign3A_39 : i32 to vector<16xi32>
      %sign3A_41 = arith.cmpi slt, %add3A_18, %sign3A_40 : vector<16xi32>
      %sign3A_42 = arith.extui %sign3A_41 : vector<16xi1> to vector<16xi32>
      %sign3A_43 = arith.subi %sign3A_38, %sign3A_42 : vector<16xi32>
      %sign3A_44 = arith.constant 0 : i32
      %sign3A_45 = arith.cmpi sgt, %jit3A_34, %sign3A_44 : i32
      %sign3A_46 = arith.extui %sign3A_45 : i1 to i32
      %sign3A_47 = arith.constant 0 : i32
      %sign3A_48 = arith.cmpi slt, %jit3A_34, %sign3A_47 : i32
      %sign3A_49 = arith.extui %sign3A_48 : i1 to i32
      %sign3A_50 = arith.subi %sign3A_46, %sign3A_49 : i32
      %ne3A_51 = vector.broadcast %sign3A_50 : i32 to vector<16xi32>
      %ne3A_52 = arith.cmpi ne, %sign3A_43, %ne3A_51 : vector<16xi32>
      %rem3A_53 = vector.broadcast %jit3A_34 : i32 to vector<16xi32>
      %rem3A_54 = arith.remsi %add3A_18, %rem3A_53 : vector<16xi32>
      %ne3A_55 = arith.constant 0 : i32
      %ne3A_56 = vector.broadcast %ne3A_55 : i32 to vector<16xi32>
      %ne3A_57 = arith.cmpi ne, %rem3A_54, %ne3A_56 : vector<16xi32>
      %and3A_58 = arith.andi %ne3A_52, %ne3A_57 : vector<16xi1>
      %sub3A = arith.constant 1 : i32
      %sub3A_59 = vector.broadcast %sub3A : i32 to vector<16xi32>
      %sub3A_60 = arith.subi %div3A_35, %sub3A_59 : vector<16xi32>
      %select_n3A_61 = arith.select %and3A_58, %sub3A_60, %div3A_35 : vector<16xi1>, vector<16xi32>
      %mul3A_62 = arith.constant 2048 : i32
      %mul3A_63 = vector.broadcast %mul3A_62 : i32 to vector<16xi32>
      %mul3A_64 = arith.muli %select_n3A_61, %mul3A_63 : vector<16xi32>
      %add3A_65 = arith.addi %select_n3A_33, %mul3A_64 : vector<16xi32>
      %gather3A = tpu.vector_load_idx %arg12[%get3A_13] : memref<16384xf32, #tpu.memory_space<vmem>>[vector<16xi32>], vector<16xf32>,
      %gather3A_66 = tpu.vector_load_idx %arg13[%get3A_13] : memref<16384xf32, #tpu.memory_space<vmem>>[vector<16xi32>], vector<16xf32>,
      %gather3A_67 = tpu.vector_load_idx %arg14[%get3A_13] : memref<16384xf32, #tpu.memory_space<vmem>>[vector<16xi32>], vector<16xf32>,
      %swap3A = arith.index_cast %mul3A_12 : i32 to index
      %swap3A_68 = tpu.vector_load %arg16[%swap3A] {strides = array<i32>} : memref<10240xf32, #tpu.memory_space<vmem>>, vector<16xf32>,
      tpu.vector_store %arg16[%swap3A], %gather3A {strides = array<i32>} : memref<10240xf32, #tpu.memory_space<vmem>>, vector<16xf32>,
      %swap3A_69 = arith.index_cast %mul3A_12 : i32 to index
      %swap3A_70 = tpu.vector_load %arg17[%swap3A_69] {strides = array<i32>} : memref<10240xf32, #tpu.memory_space<vmem>>, vector<16xf32>,
      tpu.vector_store %arg17[%swap3A_69], %gather3A_66 {strides = array<i32>} : memref<10240xf32, #tpu.memory_space<vmem>>, vector<16xf32>,
      %swap3A_71 = arith.index_cast %mul3A_12 : i32 to index
      %swap3A_72 = tpu.vector_load %arg18[%swap3A_71] {strides = array<i32>} : memref<10240xf32, #tpu.memory_space<vmem>>, vector<16xf32>,
      tpu.vector_store %arg18[%swap3A_71], %gather3A_67 {strides = array<i32>} : memref<10240xf32, #tpu.memory_space<vmem>>, vector<16xf32>,
      %gather3A_73 = tpu.vector_load_idx %arg12[%add3A_65] : memref<16384xf32, #tpu.memory_space<vmem>>[vector<16xi32>], vector<16xf32>,
      %sub3A_74 = arith.subf %gather3A, %gather3A_73 : vector<16xf32>
      %swap3A_75 = arith.index_cast %mul3A_12 : i32 to index
      %swap3A_76 = tpu.vector_load %arg19[%swap3A_75] {strides = array<i32>} : memref<10240xf32, #tpu.memory_space<vmem>>, vector<16xf32>,
      tpu.vector_store %arg19[%swap3A_75], %sub3A_74 {strides = array<i32>} : memref<10240xf32, #tpu.memory_space<vmem>>, vector<16xf32>,
      %gather3A_77 = tpu.vector_load_idx %arg13[%add3A_65] : memref<16384xf32, #tpu.memory_space<vmem>>[vector<16xi32>], vector<16xf32>,
      %sub3A_78 = arith.subf %gather3A_66, %gather3A_77 : vector<16xf32>
      %swap3A_79 = arith.index_cast %mul3A_12 : i32 to index
      %swap3A_80 = tpu.vector_load %arg20[%swap3A_79] {strides = array<i32>} : memref<10240xf32, #tpu.memory_space<vmem>>, vector<16xf32>,
      tpu.vector_store %arg20[%swap3A_79], %sub3A_78 {strides = array<i32>} : memref<10240xf32, #tpu.memory_space<vmem>>, vector<16xf32>,
      %gather3A_81 = tpu.vector_load_idx %arg14[%add3A_65] : memref<16384xf32, #tpu.memory_space<vmem>>[vector<16xi32>], vector<16xf32>,
      %sub3A_82 = arith.subf %gather3A_67, %gather3A_81 : vector<16xf32>
      %swap3A_83 = arith.index_cast %mul3A_12 : i32 to index
      %swap3A_84 = tpu.vector_load %arg21[%swap3A_83] {strides = array<i32>} : memref<10240xf32, #tpu.memory_space<vmem>>, vector<16xf32>,
      tpu.vector_store %arg21[%swap3A_83], %sub3A_82 {strides = array<i32>} : memref<10240xf32, #tpu.memory_space<vmem>>, vector<16xf32>,
      %scan3A_85 = arith.constant 0 : i32
      scf.yield %scan3A_85 : i32
    }
    %scan3A_8 = arith.constant 640 : i32
    "tpu.region"() ({
      %run_scoped3A = tpu.sem_alloc : memref<!tpu.dma_semaphore, #tpu.memory_space<semaphore_mem>>
      %dma_start3A = tpu.memref_slice %arg6[%mul3A_2] : memref<327680xf32, #tpu.memory_space<hbm>> -> memref<10240xf32, #tpu.memory_space<hbm>>
      %dma_start3A_9 = tpu.memref_slice %arg6[%mul3A_2] : memref<327680xf32, #tpu.memory_space<hbm>> -> memref<10240xf32, #tpu.memory_space<hbm>>
      tpu.enqueue_dma source(%arg16 : memref<10240xf32, #tpu.memory_space<vmem>>) target(%dma_start3A_9 : memref<10240xf32, #tpu.memory_space<hbm>>) target_semaphore(%run_scoped3A : memref<!tpu.dma_semaphore, #tpu.memory_space<semaphore_mem>>)
      %dma_wait3A = tpu.memref_slice %arg6[%mul3A_2] : memref<327680xf32, #tpu.memory_space<hbm>> -> memref<10240xf32, #tpu.memory_space<hbm>>
      %dma_wait3A_10 = tpu.memref_slice %arg6[%mul3A_2] : memref<327680xf32, #tpu.memory_space<hbm>> -> memref<10240xf32, #tpu.memory_space<hbm>>
      tpu.wait_dma2 semaphore(%run_scoped3A : memref<!tpu.dma_semaphore, #tpu.memory_space<semaphore_mem>>) src(%arg16 : memref<10240xf32, #tpu.memory_space<vmem>>) dst(%dma_wait3A_10 : memref<10240xf32, #tpu.memory_space<hbm>>)
      tpu.yield
    }) : () -> ()
    "tpu.region"() ({
      %run_scoped3A = tpu.sem_alloc : memref<!tpu.dma_semaphore, #tpu.memory_space<semaphore_mem>>
      %dma_start3A = tpu.memref_slice %arg7[%mul3A_2] : memref<327680xf32, #tpu.memory_space<hbm>> -> memref<10240xf32, #tpu.memory_space<hbm>>
      %dma_start3A_9 = tpu.memref_slice %arg7[%mul3A_2] : memref<327680xf32, #tpu.memory_space<hbm>> -> memref<10240xf32, #tpu.memory_space<hbm>>
      tpu.enqueue_dma source(%arg17 : memref<10240xf32, #tpu.memory_space<vmem>>) target(%dma_start3A_9 : memref<10240xf32, #tpu.memory_space<hbm>>) target_semaphore(%run_scoped3A : memref<!tpu.dma_semaphore, #tpu.memory_space<semaphore_mem>>)
      %dma_wait3A = tpu.memref_slice %arg7[%mul3A_2] : memref<327680xf32, #tpu.memory_space<hbm>> -> memref<10240xf32, #tpu.memory_space<hbm>>
      %dma_wait3A_10 = tpu.memref_slice %arg7[%mul3A_2] : memref<327680xf32, #tpu.memory_space<hbm>> -> memref<10240xf32, #tpu.memory_space<hbm>>
      tpu.wait_dma2 semaphore(%run_scoped3A : memref<!tpu.dma_semaphore, #tpu.memory_space<semaphore_mem>>) src(%arg17 : memref<10240xf32, #tpu.memory_space<vmem>>) dst(%dma_wait3A_10 : memref<10240xf32, #tpu.memory_space<hbm>>)
      tpu.yield
    }) : () -> ()
    "tpu.region"() ({
      %run_scoped3A = tpu.sem_alloc : memref<!tpu.dma_semaphore, #tpu.memory_space<semaphore_mem>>
      %dma_start3A = tpu.memref_slice %arg8[%mul3A_2] : memref<327680xf32, #tpu.memory_space<hbm>> -> memref<10240xf32, #tpu.memory_space<hbm>>
      %dma_start3A_9 = tpu.memref_slice %arg8[%mul3A_2] : memref<327680xf32, #tpu.memory_space<hbm>> -> memref<10240xf32, #tpu.memory_space<hbm>>
      tpu.enqueue_dma source(%arg18 : memref<10240xf32, #tpu.memory_space<vmem>>) target(%dma_start3A_9 : memref<10240xf32, #tpu.memory_space<hbm>>) target_semaphore(%run_scoped3A : memref<!tpu.dma_semaphore, #tpu.memory_space<semaphore_mem>>)
      %dma_wait3A = tpu.memref_slice %arg8[%mul3A_2] : memref<327680xf32, #tpu.memory_space<hbm>> -> memref<10240xf32, #tpu.memory_space<hbm>>
      %dma_wait3A_10 = tpu.memref_slice %arg8[%mul3A_2] : memref<327680xf32, #tpu.memory_space<hbm>> -> memref<10240xf32, #tpu.memory_space<hbm>>
      tpu.wait_dma2 semaphore(%run_scoped3A : memref<!tpu.dma_semaphore, #tpu.memory_space<semaphore_mem>>) src(%arg18 : memref<10240xf32, #tpu.memory_space<vmem>>) dst(%dma_wait3A_10 : memref<10240xf32, #tpu.memory_space<hbm>>)
      tpu.yield
    }) : () -> ()
    "tpu.region"() ({
      %run_scoped3A = tpu.sem_alloc : memref<!tpu.dma_semaphore, #tpu.memory_space<semaphore_mem>>
      %dma_start3A = tpu.memref_slice %arg9[%mul3A_2] : memref<327680xf32, #tpu.memory_space<hbm>> -> memref<10240xf32, #tpu.memory_space<hbm>>
      %dma_start3A_9 = tpu.memref_slice %arg9[%mul3A_2] : memref<327680xf32, #tpu.memory_space<hbm>> -> memref<10240xf32, #tpu.memory_space<hbm>>
      tpu.enqueue_dma source(%arg19 : memref<10240xf32, #tpu.memory_space<vmem>>) target(%dma_start3A_9 : memref<10240xf32, #tpu.memory_space<hbm>>) target_semaphore(%run_scoped3A : memref<!tpu.dma_semaphore, #tpu.memory_space<semaphore_mem>>)
      %dma_wait3A = tpu.memref_slice %arg9[%mul3A_2] : memref<327680xf32, #tpu.memory_space<hbm>> -> memref<10240xf32, #tpu.memory_space<hbm>>
      %dma_wait3A_10 = tpu.memref_slice %arg9[%mul3A_2] : memref<327680xf32, #tpu.memory_space<hbm>> -> memref<10240xf32, #tpu.memory_space<hbm>>
      tpu.wait_dma2 semaphore(%run_scoped3A : memref<!tpu.dma_semaphore, #tpu.memory_space<semaphore_mem>>) src(%arg19 : memref<10240xf32, #tpu.memory_space<vmem>>) dst(%dma_wait3A_10 : memref<10240xf32, #tpu.memory_space<hbm>>)
      tpu.yield
    }) : () -> ()
    "tpu.region"() ({
      %run_scoped3A = tpu.sem_alloc : memref<!tpu.dma_semaphore, #tpu.memory_space<semaphore_mem>>
      %dma_start3A = tpu.memref_slice %arg10[%mul3A_2] : memref<327680xf32, #tpu.memory_space<hbm>> -> memref<10240xf32, #tpu.memory_space<hbm>>
      %dma_start3A_9 = tpu.memref_slice %arg10[%mul3A_2] : memref<327680xf32, #tpu.memory_space<hbm>> -> memref<10240xf32, #tpu.memory_space<hbm>>
      tpu.enqueue_dma source(%arg20 : memref<10240xf32, #tpu.memory_space<vmem>>) target(%dma_start3A_9 : memref<10240xf32, #tpu.memory_space<hbm>>) target_semaphore(%run_scoped3A : memref<!tpu.dma_semaphore, #tpu.memory_space<semaphore_mem>>)
      %dma_wait3A = tpu.memref_slice %arg10[%mul3A_2] : memref<327680xf32, #tpu.memory_space<hbm>> -> memref<10240xf32, #tpu.memory_space<hbm>>
      %dma_wait3A_10 = tpu.memref_slice %arg10[%mul3A_2] : memref<327680xf32, #tpu.memory_space<hbm>> -> memref<10240xf32, #tpu.memory_space<hbm>>
      tpu.wait_dma2 semaphore(%run_scoped3A : memref<!tpu.dma_semaphore, #tpu.memory_space<semaphore_mem>>) src(%arg20 : memref<10240xf32, #tpu.memory_space<vmem>>) dst(%dma_wait3A_10 : memref<10240xf32, #tpu.memory_space<hbm>>)
      tpu.yield
    }) : () -> ()
    "tpu.region"() ({
      %run_scoped3A = tpu.sem_alloc : memref<!tpu.dma_semaphore, #tpu.memory_space<semaphore_mem>>
      %dma_start3A = tpu.memref_slice %arg11[%mul3A_2] : memref<327680xf32, #tpu.memory_space<hbm>> -> memref<10240xf32, #tpu.memory_space<hbm>>
      %dma_start3A_9 = tpu.memref_slice %arg11[%mul3A_2] : memref<327680xf32, #tpu.memory_space<hbm>> -> memref<10240xf32, #tpu.memory_space<hbm>>
      tpu.enqueue_dma source(%arg21 : memref<10240xf32, #tpu.memory_space<vmem>>) target(%dma_start3A_9 : memref<10240xf32, #tpu.memory_space<hbm>>) target_semaphore(%run_scoped3A : memref<!tpu.dma_semaphore, #tpu.memory_space<semaphore_mem>>)
      %dma_wait3A = tpu.memref_slice %arg11[%mul3A_2] : memref<327680xf32, #tpu.memory_space<hbm>> -> memref<10240xf32, #tpu.memory_space<hbm>>
      %dma_wait3A_10 = tpu.memref_slice %arg11[%mul3A_2] : memref<327680xf32, #tpu.memory_space<hbm>> -> memref<10240xf32, #tpu.memory_space<hbm>>
      tpu.wait_dma2 semaphore(%run_scoped3A : memref<!tpu.dma_semaphore, #tpu.memory_space<semaphore_mem>>) src(%arg21 : memref<10240xf32, #tpu.memory_space<vmem>>) dst(%dma_wait3A_10 : memref<10240xf32, #tpu.memory_space<hbm>>)
      tpu.yield
    }) : () -> ()
    return
  }
}

module attributes {stable_mosaic.version = 14 : i64} {
  func.func @_knn_body(%arg0: i32, %arg1: i32, %arg2: memref<1x3x2048xf32, #tpu.memory_space<vmem>>, %arg3: memref<1x512x3xf32, #tpu.memory_space<vmem>>, %arg4: memref<1x512x20xi32, #tpu.memory_space<vmem>>) attributes {dimension_semantics = [#tpu.dimension_semantics<arbitrary>, #tpu.dimension_semantics<arbitrary>], iteration_bounds = array<i64: 8, 4>, scalar_prefetch = 0 : i64, scratch_operands = 0 : i64, tpu.core_type = #tpu.core_type<tc>, window_params = [{transform_indices = @transform_0, window_bounds = array<i64: 1, 3, 2048>}, {transform_indices = @transform_1, window_bounds = array<i64: 1, 512, 3>}, {transform_indices = @transform_2, window_bounds = array<i64: 1, 512, 20>}]} {
    %get3A = arith.constant 0 : index
    %get3A_0 = arith.constant 0 : index
    %get3A_1 = arith.constant 0 : index
    %get3A_2 = vector.load %arg3[%get3A, %get3A_0, %get3A_1] : memref<1x512x3xf32, #tpu.memory_space<vmem>>, vector<1x512x3xf32>
    %get3A_3 = vector.shape_cast %get3A_2 : vector<1x512x3xf32> to vector<512x3xf32>
    %get3A_4 = arith.constant 0 : index
    %get3A_5 = arith.constant 0 : index
    %get3A_6 = arith.constant 0 : index
    %get3A_7 = vector.load %arg2[%get3A_4, %get3A_5, %get3A_6] : memref<1x3x2048xf32, #tpu.memory_space<vmem>>, vector<1x1x2048xf32>
    %get3A_8 = vector.shape_cast %get3A_7 : vector<1x1x2048xf32> to vector<1x2048xf32>
    %get3A_9 = arith.constant 0 : index
    %get3A_10 = arith.constant 1 : index
    %get3A_11 = arith.constant 0 : index
    %get3A_12 = vector.load %arg2[%get3A_9, %get3A_10, %get3A_11] : memref<1x3x2048xf32, #tpu.memory_space<vmem>>, vector<1x1x2048xf32>
    %get3A_13 = vector.shape_cast %get3A_12 : vector<1x1x2048xf32> to vector<1x2048xf32>
    %get3A_14 = arith.constant 0 : index
    %get3A_15 = arith.constant 2 : index
    %get3A_16 = arith.constant 0 : index
    %get3A_17 = vector.load %arg2[%get3A_14, %get3A_15, %get3A_16] : memref<1x3x2048xf32, #tpu.memory_space<vmem>>, vector<1x1x2048xf32>
    %get3A_18 = vector.shape_cast %get3A_17 : vector<1x1x2048xf32> to vector<1x2048xf32>
    %slice3A = vector.extract_strided_slice %get3A_3 {offsets = [0, 0], sizes = [512, 1], strides = [1, 1]} : vector<512x3xf32> to vector<512x1xf32>
    %slice3A_19 = vector.extract_strided_slice %get3A_3 {offsets = [0, 1], sizes = [512, 1], strides = [1, 1]} : vector<512x3xf32> to vector<512x1xf32>
    %slice3A_20 = vector.extract_strided_slice %get3A_3 {offsets = [0, 2], sizes = [512, 1], strides = [1, 1]} : vector<512x3xf32> to vector<512x1xf32>
    %mul3A = arith.mulf %slice3A, %slice3A : vector<512x1xf32>
    %mul3A_21 = arith.mulf %slice3A_19, %slice3A_19 : vector<512x1xf32>
    %add3A = arith.addf %mul3A, %mul3A_21 : vector<512x1xf32>
    %mul3A_22 = arith.mulf %slice3A_20, %slice3A_20 : vector<512x1xf32>
    %add3A_23 = arith.addf %add3A, %mul3A_22 : vector<512x1xf32>
    %mul3A_24 = arith.mulf %get3A_8, %get3A_8 : vector<1x2048xf32>
    %mul3A_25 = arith.mulf %get3A_13, %get3A_13 : vector<1x2048xf32>
    %add3A_26 = arith.addf %mul3A_24, %mul3A_25 : vector<1x2048xf32>
    %mul3A_27 = arith.mulf %get3A_18, %get3A_18 : vector<1x2048xf32>
    %add3A_28 = arith.addf %add3A_26, %mul3A_27 : vector<1x2048xf32>
    %bitcast_convert_type3A = tpu.bitcast %slice3A : vector<512x1xf32> -> vector<512x1xi32>
    %shift_right_logical3A = arith.constant 16 : i32
    %shift_right_logical3A_29 = vector.broadcast %shift_right_logical3A : i32 to vector<512x1xi32>
    %shift_right_logical3A_30 = arith.shrui %bitcast_convert_type3A, %shift_right_logical3A_29 : vector<512x1xi32>
    %and3A = arith.constant 1 : i32
    %and3A_31 = vector.broadcast %and3A : i32 to vector<512x1xi32>
    %and3A_32 = arith.andi %shift_right_logical3A_30, %and3A_31 : vector<512x1xi32>
    %add3A_33 = arith.constant 32767 : i32
    %add3A_34 = vector.broadcast %add3A_33 : i32 to vector<512x1xi32>
    %add3A_35 = arith.addi %bitcast_convert_type3A, %add3A_34 : vector<512x1xi32>
    %add3A_36 = arith.addi %add3A_35, %and3A_32 : vector<512x1xi32>
    %and3A_37 = arith.constant -65536 : i32
    %and3A_38 = vector.broadcast %and3A_37 : i32 to vector<512x1xi32>
    %and3A_39 = arith.andi %add3A_36, %and3A_38 : vector<512x1xi32>
    %bitcast_convert_type3A_40 = tpu.bitcast %and3A_39 : vector<512x1xi32> -> vector<512x1xf32>
    %bitcast_convert_type3A_41 = tpu.bitcast %get3A_8 : vector<1x2048xf32> -> vector<1x2048xi32>
    %shift_right_logical3A_42 = arith.constant 16 : i32
    %shift_right_logical3A_43 = vector.broadcast %shift_right_logical3A_42 : i32 to vector<1x2048xi32>
    %shift_right_logical3A_44 = arith.shrui %bitcast_convert_type3A_41, %shift_right_logical3A_43 : vector<1x2048xi32>
    %and3A_45 = arith.constant 1 : i32
    %and3A_46 = vector.broadcast %and3A_45 : i32 to vector<1x2048xi32>
    %and3A_47 = arith.andi %shift_right_logical3A_44, %and3A_46 : vector<1x2048xi32>
    %add3A_48 = arith.constant 32767 : i32
    %add3A_49 = vector.broadcast %add3A_48 : i32 to vector<1x2048xi32>
    %add3A_50 = arith.addi %bitcast_convert_type3A_41, %add3A_49 : vector<1x2048xi32>
    %add3A_51 = arith.addi %add3A_50, %and3A_47 : vector<1x2048xi32>
    %and3A_52 = arith.constant -65536 : i32
    %and3A_53 = vector.broadcast %and3A_52 : i32 to vector<1x2048xi32>
    %and3A_54 = arith.andi %add3A_51, %and3A_53 : vector<1x2048xi32>
    %bitcast_convert_type3A_55 = tpu.bitcast %and3A_54 : vector<1x2048xi32> -> vector<1x2048xf32>
    %mul3A_56 = vector.broadcast %bitcast_convert_type3A_40 : vector<512x1xf32> to vector<512x2048xf32>
    %mul3A_57 = vector.broadcast %bitcast_convert_type3A_55 : vector<1x2048xf32> to vector<512x2048xf32>
    %mul3A_58 = arith.mulf %mul3A_56, %mul3A_57 : vector<512x2048xf32>
    %bitcast_convert_type3A_59 = tpu.bitcast %slice3A_19 : vector<512x1xf32> -> vector<512x1xi32>
    %shift_right_logical3A_60 = arith.constant 16 : i32
    %shift_right_logical3A_61 = vector.broadcast %shift_right_logical3A_60 : i32 to vector<512x1xi32>
    %shift_right_logical3A_62 = arith.shrui %bitcast_convert_type3A_59, %shift_right_logical3A_61 : vector<512x1xi32>
    %and3A_63 = arith.constant 1 : i32
    %and3A_64 = vector.broadcast %and3A_63 : i32 to vector<512x1xi32>
    %and3A_65 = arith.andi %shift_right_logical3A_62, %and3A_64 : vector<512x1xi32>
    %add3A_66 = arith.constant 32767 : i32
    %add3A_67 = vector.broadcast %add3A_66 : i32 to vector<512x1xi32>
    %add3A_68 = arith.addi %bitcast_convert_type3A_59, %add3A_67 : vector<512x1xi32>
    %add3A_69 = arith.addi %add3A_68, %and3A_65 : vector<512x1xi32>
    %and3A_70 = arith.constant -65536 : i32
    %and3A_71 = vector.broadcast %and3A_70 : i32 to vector<512x1xi32>
    %and3A_72 = arith.andi %add3A_69, %and3A_71 : vector<512x1xi32>
    %bitcast_convert_type3A_73 = tpu.bitcast %and3A_72 : vector<512x1xi32> -> vector<512x1xf32>
    %bitcast_convert_type3A_74 = tpu.bitcast %get3A_13 : vector<1x2048xf32> -> vector<1x2048xi32>
    %shift_right_logical3A_75 = arith.constant 16 : i32
    %shift_right_logical3A_76 = vector.broadcast %shift_right_logical3A_75 : i32 to vector<1x2048xi32>
    %shift_right_logical3A_77 = arith.shrui %bitcast_convert_type3A_74, %shift_right_logical3A_76 : vector<1x2048xi32>
    %and3A_78 = arith.constant 1 : i32
    %and3A_79 = vector.broadcast %and3A_78 : i32 to vector<1x2048xi32>
    %and3A_80 = arith.andi %shift_right_logical3A_77, %and3A_79 : vector<1x2048xi32>
    %add3A_81 = arith.constant 32767 : i32
    %add3A_82 = vector.broadcast %add3A_81 : i32 to vector<1x2048xi32>
    %add3A_83 = arith.addi %bitcast_convert_type3A_74, %add3A_82 : vector<1x2048xi32>
    %add3A_84 = arith.addi %add3A_83, %and3A_80 : vector<1x2048xi32>
    %and3A_85 = arith.constant -65536 : i32
    %and3A_86 = vector.broadcast %and3A_85 : i32 to vector<1x2048xi32>
    %and3A_87 = arith.andi %add3A_84, %and3A_86 : vector<1x2048xi32>
    %bitcast_convert_type3A_88 = tpu.bitcast %and3A_87 : vector<1x2048xi32> -> vector<1x2048xf32>
    %mul3A_89 = vector.broadcast %bitcast_convert_type3A_73 : vector<512x1xf32> to vector<512x2048xf32>
    %mul3A_90 = vector.broadcast %bitcast_convert_type3A_88 : vector<1x2048xf32> to vector<512x2048xf32>
    %mul3A_91 = arith.mulf %mul3A_89, %mul3A_90 : vector<512x2048xf32>
    %add3A_92 = arith.addf %mul3A_58, %mul3A_91 : vector<512x2048xf32>
    %bitcast_convert_type3A_93 = tpu.bitcast %slice3A_20 : vector<512x1xf32> -> vector<512x1xi32>
    %shift_right_logical3A_94 = arith.constant 16 : i32
    %shift_right_logical3A_95 = vector.broadcast %shift_right_logical3A_94 : i32 to vector<512x1xi32>
    %shift_right_logical3A_96 = arith.shrui %bitcast_convert_type3A_93, %shift_right_logical3A_95 : vector<512x1xi32>
    %and3A_97 = arith.constant 1 : i32
    %and3A_98 = vector.broadcast %and3A_97 : i32 to vector<512x1xi32>
    %and3A_99 = arith.andi %shift_right_logical3A_96, %and3A_98 : vector<512x1xi32>
    %add3A_100 = arith.constant 32767 : i32
    %add3A_101 = vector.broadcast %add3A_100 : i32 to vector<512x1xi32>
    %add3A_102 = arith.addi %bitcast_convert_type3A_93, %add3A_101 : vector<512x1xi32>
    %add3A_103 = arith.addi %add3A_102, %and3A_99 : vector<512x1xi32>
    %and3A_104 = arith.constant -65536 : i32
    %and3A_105 = vector.broadcast %and3A_104 : i32 to vector<512x1xi32>
    %and3A_106 = arith.andi %add3A_103, %and3A_105 : vector<512x1xi32>
    %bitcast_convert_type3A_107 = tpu.bitcast %and3A_106 : vector<512x1xi32> -> vector<512x1xf32>
    %bitcast_convert_type3A_108 = tpu.bitcast %get3A_18 : vector<1x2048xf32> -> vector<1x2048xi32>
    %shift_right_logical3A_109 = arith.constant 16 : i32
    %shift_right_logical3A_110 = vector.broadcast %shift_right_logical3A_109 : i32 to vector<1x2048xi32>
    %shift_right_logical3A_111 = arith.shrui %bitcast_convert_type3A_108, %shift_right_logical3A_110 : vector<1x2048xi32>
    %and3A_112 = arith.constant 1 : i32
    %and3A_113 = vector.broadcast %and3A_112 : i32 to vector<1x2048xi32>
    %and3A_114 = arith.andi %shift_right_logical3A_111, %and3A_113 : vector<1x2048xi32>
    %add3A_115 = arith.constant 32767 : i32
    %add3A_116 = vector.broadcast %add3A_115 : i32 to vector<1x2048xi32>
    %add3A_117 = arith.addi %bitcast_convert_type3A_108, %add3A_116 : vector<1x2048xi32>
    %add3A_118 = arith.addi %add3A_117, %and3A_114 : vector<1x2048xi32>
    %and3A_119 = arith.constant -65536 : i32
    %and3A_120 = vector.broadcast %and3A_119 : i32 to vector<1x2048xi32>
    %and3A_121 = arith.andi %add3A_118, %and3A_120 : vector<1x2048xi32>
    %bitcast_convert_type3A_122 = tpu.bitcast %and3A_121 : vector<1x2048xi32> -> vector<1x2048xf32>
    %mul3A_123 = vector.broadcast %bitcast_convert_type3A_107 : vector<512x1xf32> to vector<512x2048xf32>
    %mul3A_124 = vector.broadcast %bitcast_convert_type3A_122 : vector<1x2048xf32> to vector<512x2048xf32>
    %mul3A_125 = arith.mulf %mul3A_123, %mul3A_124 : vector<512x2048xf32>
    %add3A_126 = arith.addf %add3A_92, %mul3A_125 : vector<512x2048xf32>
    %mul3A_127 = arith.constant -2.000000e+00 : f32
    %mul3A_128 = vector.broadcast %mul3A_127 : f32 to vector<512x2048xf32>
    %mul3A_129 = arith.mulf %mul3A_128, %add3A_126 : vector<512x2048xf32>
    %neg3A = arith.constant 0.000000e+00 : f32
    %neg3A_130 = vector.broadcast %neg3A : f32 to vector<512x1xf32>
    %neg3A_131 = arith.subf %neg3A_130, %add3A_23 : vector<512x1xf32>
    %sub3A = vector.broadcast %neg3A_131 : vector<512x1xf32> to vector<512x2048xf32>
    %sub3A_132 = arith.subf %sub3A, %mul3A_129 : vector<512x2048xf32>
    %sub3A_133 = vector.broadcast %add3A_28 : vector<1x2048xf32> to vector<512x2048xf32>
    %sub3A_134 = arith.subf %sub3A_132, %sub3A_133 : vector<512x2048xf32>
    %iota3A = tpu.iota {dimensions = array<i32: 1>} : vector<512x2048xi32>
    %argmax3A = tpu.reduce_index %sub3A_134 {axis = 1 : i32, kind = #tpu.reduction_kind<arg_max>} : vector<512x2048xf32> -> vector<512xi32>
    %reshape3A = vector.shape_cast %argmax3A : vector<512xi32> to vector<512x1xi32>
    %mul3A_135 = arith.constant 2048 : i32
    %mul3A_136 = arith.muli %arg0, %mul3A_135 : i32
    %add3A_137 = vector.broadcast %mul3A_136 : i32 to vector<512x1xi32>
    %add3A_138 = arith.addi %reshape3A, %add3A_137 : vector<512x1xi32>
    %swap3A = arith.constant 0 : index
    %swap3A_139 = arith.constant 0 : index
    %swap3A_140 = arith.constant 0 : index
    %swap3A_141 = vector.load %arg4[%swap3A, %swap3A_139, %swap3A_140] : memref<1x512x20xi32, #tpu.memory_space<vmem>>, vector<1x512x1xi32>
    %swap3A_142 = vector.shape_cast %swap3A_141 : vector<1x512x1xi32> to vector<512x1xi32>
    %swap3A_143 = vector.shape_cast %add3A_138 : vector<512x1xi32> to vector<1x512x1xi32>
    tpu.vector_store %arg4[%swap3A, %swap3A_139, %swap3A_140], %swap3A_143 {strides = array<i32>} : memref<1x512x20xi32, #tpu.memory_space<vmem>>, vector<1x512x1xi32>,
    %eq3A = vector.broadcast %reshape3A : vector<512x1xi32> to vector<512x2048xi32>
    %eq3A_144 = arith.cmpi eq, %iota3A, %eq3A : vector<512x2048xi32>
    %jit3A = arith.constant -3.000000e+38 : f32
    %broadcast_in_dim3A = vector.broadcast %jit3A : f32 to vector<512x2048xf32>
    %select_n3A = arith.select %eq3A_144, %broadcast_in_dim3A, %sub3A_134 : vector<512x2048xi1>, vector<512x2048xf32>
    %argmax3A_145 = tpu.reduce_index %select_n3A {axis = 1 : i32, kind = #tpu.reduction_kind<arg_max>} : vector<512x2048xf32> -> vector<512xi32>
    %reshape3A_146 = vector.shape_cast %argmax3A_145 : vector<512xi32> to vector<512x1xi32>
    %mul3A_147 = arith.constant 2048 : i32
    %mul3A_148 = arith.muli %arg0, %mul3A_147 : i32
    %add3A_149 = vector.broadcast %mul3A_148 : i32 to vector<512x1xi32>
    %add3A_150 = arith.addi %reshape3A_146, %add3A_149 : vector<512x1xi32>
    %swap3A_151 = arith.constant 0 : index
    %swap3A_152 = arith.constant 0 : index
    %swap3A_153 = arith.constant 1 : index
    %swap3A_154 = vector.load %arg4[%swap3A_151, %swap3A_152, %swap3A_153] : memref<1x512x20xi32, #tpu.memory_space<vmem>>, vector<1x512x1xi32>
    %swap3A_155 = vector.shape_cast %swap3A_154 : vector<1x512x1xi32> to vector<512x1xi32>
    %swap3A_156 = vector.shape_cast %add3A_150 : vector<512x1xi32> to vector<1x512x1xi32>
    tpu.vector_store %arg4[%swap3A_151, %swap3A_152, %swap3A_153], %swap3A_156 {strides = array<i32>} : memref<1x512x20xi32, #tpu.memory_space<vmem>>, vector<1x512x1xi32>,
    %eq3A_157 = vector.broadcast %reshape3A_146 : vector<512x1xi32> to vector<512x2048xi32>
    %eq3A_158 = arith.cmpi eq, %iota3A, %eq3A_157 : vector<512x2048xi32>
    %jit3A_159 = arith.constant -3.000000e+38 : f32
    %broadcast_in_dim3A_160 = vector.broadcast %jit3A_159 : f32 to vector<512x2048xf32>
    %select_n3A_161 = arith.select %eq3A_158, %broadcast_in_dim3A_160, %select_n3A : vector<512x2048xi1>, vector<512x2048xf32>
    %argmax3A_162 = tpu.reduce_index %select_n3A_161 {axis = 1 : i32, kind = #tpu.reduction_kind<arg_max>} : vector<512x2048xf32> -> vector<512xi32>
    %reshape3A_163 = vector.shape_cast %argmax3A_162 : vector<512xi32> to vector<512x1xi32>
    %mul3A_164 = arith.constant 2048 : i32
    %mul3A_165 = arith.muli %arg0, %mul3A_164 : i32
    %add3A_166 = vector.broadcast %mul3A_165 : i32 to vector<512x1xi32>
    %add3A_167 = arith.addi %reshape3A_163, %add3A_166 : vector<512x1xi32>
    %swap3A_168 = arith.constant 0 : index
    %swap3A_169 = arith.constant 0 : index
    %swap3A_170 = arith.constant 2 : index
    %swap3A_171 = vector.load %arg4[%swap3A_168, %swap3A_169, %swap3A_170] : memref<1x512x20xi32, #tpu.memory_space<vmem>>, vector<1x512x1xi32>
    %swap3A_172 = vector.shape_cast %swap3A_171 : vector<1x512x1xi32> to vector<512x1xi32>
    %swap3A_173 = vector.shape_cast %add3A_167 : vector<512x1xi32> to vector<1x512x1xi32>
    tpu.vector_store %arg4[%swap3A_168, %swap3A_169, %swap3A_170], %swap3A_173 {strides = array<i32>} : memref<1x512x20xi32, #tpu.memory_space<vmem>>, vector<1x512x1xi32>,
    %eq3A_174 = vector.broadcast %reshape3A_163 : vector<512x1xi32> to vector<512x2048xi32>
    %eq3A_175 = arith.cmpi eq, %iota3A, %eq3A_174 : vector<512x2048xi32>
    %jit3A_176 = arith.constant -3.000000e+38 : f32
    %broadcast_in_dim3A_177 = vector.broadcast %jit3A_176 : f32 to vector<512x2048xf32>
    %select_n3A_178 = arith.select %eq3A_175, %broadcast_in_dim3A_177, %select_n3A_161 : vector<512x2048xi1>, vector<512x2048xf32>
    %argmax3A_179 = tpu.reduce_index %select_n3A_178 {axis = 1 : i32, kind = #tpu.reduction_kind<arg_max>} : vector<512x2048xf32> -> vector<512xi32>
    %reshape3A_180 = vector.shape_cast %argmax3A_179 : vector<512xi32> to vector<512x1xi32>
    %mul3A_181 = arith.constant 2048 : i32
    %mul3A_182 = arith.muli %arg0, %mul3A_181 : i32
    %add3A_183 = vector.broadcast %mul3A_182 : i32 to vector<512x1xi32>
    %add3A_184 = arith.addi %reshape3A_180, %add3A_183 : vector<512x1xi32>
    %swap3A_185 = arith.constant 0 : index
    %swap3A_186 = arith.constant 0 : index
    %swap3A_187 = arith.constant 3 : index
    %swap3A_188 = vector.load %arg4[%swap3A_185, %swap3A_186, %swap3A_187] : memref<1x512x20xi32, #tpu.memory_space<vmem>>, vector<1x512x1xi32>
    %swap3A_189 = vector.shape_cast %swap3A_188 : vector<1x512x1xi32> to vector<512x1xi32>
    %swap3A_190 = vector.shape_cast %add3A_184 : vector<512x1xi32> to vector<1x512x1xi32>
    tpu.vector_store %arg4[%swap3A_185, %swap3A_186, %swap3A_187], %swap3A_190 {strides = array<i32>} : memref<1x512x20xi32, #tpu.memory_space<vmem>>, vector<1x512x1xi32>,
    %eq3A_191 = vector.broadcast %reshape3A_180 : vector<512x1xi32> to vector<512x2048xi32>
    %eq3A_192 = arith.cmpi eq, %iota3A, %eq3A_191 : vector<512x2048xi32>
    %jit3A_193 = arith.constant -3.000000e+38 : f32
    %broadcast_in_dim3A_194 = vector.broadcast %jit3A_193 : f32 to vector<512x2048xf32>
    %select_n3A_195 = arith.select %eq3A_192, %broadcast_in_dim3A_194, %select_n3A_178 : vector<512x2048xi1>, vector<512x2048xf32>
    %argmax3A_196 = tpu.reduce_index %select_n3A_195 {axis = 1 : i32, kind = #tpu.reduction_kind<arg_max>} : vector<512x2048xf32> -> vector<512xi32>
    %reshape3A_197 = vector.shape_cast %argmax3A_196 : vector<512xi32> to vector<512x1xi32>
    %mul3A_198 = arith.constant 2048 : i32
    %mul3A_199 = arith.muli %arg0, %mul3A_198 : i32
    %add3A_200 = vector.broadcast %mul3A_199 : i32 to vector<512x1xi32>
    %add3A_201 = arith.addi %reshape3A_197, %add3A_200 : vector<512x1xi32>
    %swap3A_202 = arith.constant 0 : index
    %swap3A_203 = arith.constant 0 : index
    %swap3A_204 = arith.constant 4 : index
    %swap3A_205 = vector.load %arg4[%swap3A_202, %swap3A_203, %swap3A_204] : memref<1x512x20xi32, #tpu.memory_space<vmem>>, vector<1x512x1xi32>
    %swap3A_206 = vector.shape_cast %swap3A_205 : vector<1x512x1xi32> to vector<512x1xi32>
    %swap3A_207 = vector.shape_cast %add3A_201 : vector<512x1xi32> to vector<1x512x1xi32>
    tpu.vector_store %arg4[%swap3A_202, %swap3A_203, %swap3A_204], %swap3A_207 {strides = array<i32>} : memref<1x512x20xi32, #tpu.memory_space<vmem>>, vector<1x512x1xi32>,
    %eq3A_208 = vector.broadcast %reshape3A_197 : vector<512x1xi32> to vector<512x2048xi32>
    %eq3A_209 = arith.cmpi eq, %iota3A, %eq3A_208 : vector<512x2048xi32>
    %jit3A_210 = arith.constant -3.000000e+38 : f32
    %broadcast_in_dim3A_211 = vector.broadcast %jit3A_210 : f32 to vector<512x2048xf32>
    %select_n3A_212 = arith.select %eq3A_209, %broadcast_in_dim3A_211, %select_n3A_195 : vector<512x2048xi1>, vector<512x2048xf32>
    %argmax3A_213 = tpu.reduce_index %select_n3A_212 {axis = 1 : i32, kind = #tpu.reduction_kind<arg_max>} : vector<512x2048xf32> -> vector<512xi32>
    %reshape3A_214 = vector.shape_cast %argmax3A_213 : vector<512xi32> to vector<512x1xi32>
    %mul3A_215 = arith.constant 2048 : i32
    %mul3A_216 = arith.muli %arg0, %mul3A_215 : i32
    %add3A_217 = vector.broadcast %mul3A_216 : i32 to vector<512x1xi32>
    %add3A_218 = arith.addi %reshape3A_214, %add3A_217 : vector<512x1xi32>
    %swap3A_219 = arith.constant 0 : index
    %swap3A_220 = arith.constant 0 : index
    %swap3A_221 = arith.constant 5 : index
    %swap3A_222 = vector.load %arg4[%swap3A_219, %swap3A_220, %swap3A_221] : memref<1x512x20xi32, #tpu.memory_space<vmem>>, vector<1x512x1xi32>
    %swap3A_223 = vector.shape_cast %swap3A_222 : vector<1x512x1xi32> to vector<512x1xi32>
    %swap3A_224 = vector.shape_cast %add3A_218 : vector<512x1xi32> to vector<1x512x1xi32>
    tpu.vector_store %arg4[%swap3A_219, %swap3A_220, %swap3A_221], %swap3A_224 {strides = array<i32>} : memref<1x512x20xi32, #tpu.memory_space<vmem>>, vector<1x512x1xi32>,
    %eq3A_225 = vector.broadcast %reshape3A_214 : vector<512x1xi32> to vector<512x2048xi32>
    %eq3A_226 = arith.cmpi eq, %iota3A, %eq3A_225 : vector<512x2048xi32>
    %jit3A_227 = arith.constant -3.000000e+38 : f32
    %broadcast_in_dim3A_228 = vector.broadcast %jit3A_227 : f32 to vector<512x2048xf32>
    %select_n3A_229 = arith.select %eq3A_226, %broadcast_in_dim3A_228, %select_n3A_212 : vector<512x2048xi1>, vector<512x2048xf32>
    %argmax3A_230 = tpu.reduce_index %select_n3A_229 {axis = 1 : i32, kind = #tpu.reduction_kind<arg_max>} : vector<512x2048xf32> -> vector<512xi32>
    %reshape3A_231 = vector.shape_cast %argmax3A_230 : vector<512xi32> to vector<512x1xi32>
    %mul3A_232 = arith.constant 2048 : i32
    %mul3A_233 = arith.muli %arg0, %mul3A_232 : i32
    %add3A_234 = vector.broadcast %mul3A_233 : i32 to vector<512x1xi32>
    %add3A_235 = arith.addi %reshape3A_231, %add3A_234 : vector<512x1xi32>
    %swap3A_236 = arith.constant 0 : index
    %swap3A_237 = arith.constant 0 : index
    %swap3A_238 = arith.constant 6 : index
    %swap3A_239 = vector.load %arg4[%swap3A_236, %swap3A_237, %swap3A_238] : memref<1x512x20xi32, #tpu.memory_space<vmem>>, vector<1x512x1xi32>
    %swap3A_240 = vector.shape_cast %swap3A_239 : vector<1x512x1xi32> to vector<512x1xi32>
    %swap3A_241 = vector.shape_cast %add3A_235 : vector<512x1xi32> to vector<1x512x1xi32>
    tpu.vector_store %arg4[%swap3A_236, %swap3A_237, %swap3A_238], %swap3A_241 {strides = array<i32>} : memref<1x512x20xi32, #tpu.memory_space<vmem>>, vector<1x512x1xi32>,
    %eq3A_242 = vector.broadcast %reshape3A_231 : vector<512x1xi32> to vector<512x2048xi32>
    %eq3A_243 = arith.cmpi eq, %iota3A, %eq3A_242 : vector<512x2048xi32>
    %jit3A_244 = arith.constant -3.000000e+38 : f32
    %broadcast_in_dim3A_245 = vector.broadcast %jit3A_244 : f32 to vector<512x2048xf32>
    %select_n3A_246 = arith.select %eq3A_243, %broadcast_in_dim3A_245, %select_n3A_229 : vector<512x2048xi1>, vector<512x2048xf32>
    %argmax3A_247 = tpu.reduce_index %select_n3A_246 {axis = 1 : i32, kind = #tpu.reduction_kind<arg_max>} : vector<512x2048xf32> -> vector<512xi32>
    %reshape3A_248 = vector.shape_cast %argmax3A_247 : vector<512xi32> to vector<512x1xi32>
    %mul3A_249 = arith.constant 2048 : i32
    %mul3A_250 = arith.muli %arg0, %mul3A_249 : i32
    %add3A_251 = vector.broadcast %mul3A_250 : i32 to vector<512x1xi32>
    %add3A_252 = arith.addi %reshape3A_248, %add3A_251 : vector<512x1xi32>
    %swap3A_253 = arith.constant 0 : index
    %swap3A_254 = arith.constant 0 : index
    %swap3A_255 = arith.constant 7 : index
    %swap3A_256 = vector.load %arg4[%swap3A_253, %swap3A_254, %swap3A_255] : memref<1x512x20xi32, #tpu.memory_space<vmem>>, vector<1x512x1xi32>
    %swap3A_257 = vector.shape_cast %swap3A_256 : vector<1x512x1xi32> to vector<512x1xi32>
    %swap3A_258 = vector.shape_cast %add3A_252 : vector<512x1xi32> to vector<1x512x1xi32>
    tpu.vector_store %arg4[%swap3A_253, %swap3A_254, %swap3A_255], %swap3A_258 {strides = array<i32>} : memref<1x512x20xi32, #tpu.memory_space<vmem>>, vector<1x512x1xi32>,
    %eq3A_259 = vector.broadcast %reshape3A_248 : vector<512x1xi32> to vector<512x2048xi32>
    %eq3A_260 = arith.cmpi eq, %iota3A, %eq3A_259 : vector<512x2048xi32>
    %jit3A_261 = arith.constant -3.000000e+38 : f32
    %broadcast_in_dim3A_262 = vector.broadcast %jit3A_261 : f32 to vector<512x2048xf32>
    %select_n3A_263 = arith.select %eq3A_260, %broadcast_in_dim3A_262, %select_n3A_246 : vector<512x2048xi1>, vector<512x2048xf32>
    %argmax3A_264 = tpu.reduce_index %select_n3A_263 {axis = 1 : i32, kind = #tpu.reduction_kind<arg_max>} : vector<512x2048xf32> -> vector<512xi32>
    %reshape3A_265 = vector.shape_cast %argmax3A_264 : vector<512xi32> to vector<512x1xi32>
    %mul3A_266 = arith.constant 2048 : i32
    %mul3A_267 = arith.muli %arg0, %mul3A_266 : i32
    %add3A_268 = vector.broadcast %mul3A_267 : i32 to vector<512x1xi32>
    %add3A_269 = arith.addi %reshape3A_265, %add3A_268 : vector<512x1xi32>
    %swap3A_270 = arith.constant 0 : index
    %swap3A_271 = arith.constant 0 : index
    %swap3A_272 = arith.constant 8 : index
    %swap3A_273 = vector.load %arg4[%swap3A_270, %swap3A_271, %swap3A_272] : memref<1x512x20xi32, #tpu.memory_space<vmem>>, vector<1x512x1xi32>
    %swap3A_274 = vector.shape_cast %swap3A_273 : vector<1x512x1xi32> to vector<512x1xi32>
    %swap3A_275 = vector.shape_cast %add3A_269 : vector<512x1xi32> to vector<1x512x1xi32>
    tpu.vector_store %arg4[%swap3A_270, %swap3A_271, %swap3A_272], %swap3A_275 {strides = array<i32>} : memref<1x512x20xi32, #tpu.memory_space<vmem>>, vector<1x512x1xi32>,
    %eq3A_276 = vector.broadcast %reshape3A_265 : vector<512x1xi32> to vector<512x2048xi32>
    %eq3A_277 = arith.cmpi eq, %iota3A, %eq3A_276 : vector<512x2048xi32>
    %jit3A_278 = arith.constant -3.000000e+38 : f32
    %broadcast_in_dim3A_279 = vector.broadcast %jit3A_278 : f32 to vector<512x2048xf32>
    %select_n3A_280 = arith.select %eq3A_277, %broadcast_in_dim3A_279, %select_n3A_263 : vector<512x2048xi1>, vector<512x2048xf32>
    %argmax3A_281 = tpu.reduce_index %select_n3A_280 {axis = 1 : i32, kind = #tpu.reduction_kind<arg_max>} : vector<512x2048xf32> -> vector<512xi32>
    %reshape3A_282 = vector.shape_cast %argmax3A_281 : vector<512xi32> to vector<512x1xi32>
    %mul3A_283 = arith.constant 2048 : i32
    %mul3A_284 = arith.muli %arg0, %mul3A_283 : i32
    %add3A_285 = vector.broadcast %mul3A_284 : i32 to vector<512x1xi32>
    %add3A_286 = arith.addi %reshape3A_282, %add3A_285 : vector<512x1xi32>
    %swap3A_287 = arith.constant 0 : index
    %swap3A_288 = arith.constant 0 : index
    %swap3A_289 = arith.constant 9 : index
    %swap3A_290 = vector.load %arg4[%swap3A_287, %swap3A_288, %swap3A_289] : memref<1x512x20xi32, #tpu.memory_space<vmem>>, vector<1x512x1xi32>
    %swap3A_291 = vector.shape_cast %swap3A_290 : vector<1x512x1xi32> to vector<512x1xi32>
    %swap3A_292 = vector.shape_cast %add3A_286 : vector<512x1xi32> to vector<1x512x1xi32>
    tpu.vector_store %arg4[%swap3A_287, %swap3A_288, %swap3A_289], %swap3A_292 {strides = array<i32>} : memref<1x512x20xi32, #tpu.memory_space<vmem>>, vector<1x512x1xi32>,
    %eq3A_293 = vector.broadcast %reshape3A_282 : vector<512x1xi32> to vector<512x2048xi32>
    %eq3A_294 = arith.cmpi eq, %iota3A, %eq3A_293 : vector<512x2048xi32>
    %jit3A_295 = arith.constant -3.000000e+38 : f32
    %broadcast_in_dim3A_296 = vector.broadcast %jit3A_295 : f32 to vector<512x2048xf32>
    %select_n3A_297 = arith.select %eq3A_294, %broadcast_in_dim3A_296, %select_n3A_280 : vector<512x2048xi1>, vector<512x2048xf32>
    %argmax3A_298 = tpu.reduce_index %select_n3A_297 {axis = 1 : i32, kind = #tpu.reduction_kind<arg_max>} : vector<512x2048xf32> -> vector<512xi32>
    %reshape3A_299 = vector.shape_cast %argmax3A_298 : vector<512xi32> to vector<512x1xi32>
    %mul3A_300 = arith.constant 2048 : i32
    %mul3A_301 = arith.muli %arg0, %mul3A_300 : i32
    %add3A_302 = vector.broadcast %mul3A_301 : i32 to vector<512x1xi32>
    %add3A_303 = arith.addi %reshape3A_299, %add3A_302 : vector<512x1xi32>
    %swap3A_304 = arith.constant 0 : index
    %swap3A_305 = arith.constant 0 : index
    %swap3A_306 = arith.constant 10 : index
    %swap3A_307 = vector.load %arg4[%swap3A_304, %swap3A_305, %swap3A_306] : memref<1x512x20xi32, #tpu.memory_space<vmem>>, vector<1x512x1xi32>
    %swap3A_308 = vector.shape_cast %swap3A_307 : vector<1x512x1xi32> to vector<512x1xi32>
    %swap3A_309 = vector.shape_cast %add3A_303 : vector<512x1xi32> to vector<1x512x1xi32>
    tpu.vector_store %arg4[%swap3A_304, %swap3A_305, %swap3A_306], %swap3A_309 {strides = array<i32>} : memref<1x512x20xi32, #tpu.memory_space<vmem>>, vector<1x512x1xi32>,
    %eq3A_310 = vector.broadcast %reshape3A_299 : vector<512x1xi32> to vector<512x2048xi32>
    %eq3A_311 = arith.cmpi eq, %iota3A, %eq3A_310 : vector<512x2048xi32>
    %jit3A_312 = arith.constant -3.000000e+38 : f32
    %broadcast_in_dim3A_313 = vector.broadcast %jit3A_312 : f32 to vector<512x2048xf32>
    %select_n3A_314 = arith.select %eq3A_311, %broadcast_in_dim3A_313, %select_n3A_297 : vector<512x2048xi1>, vector<512x2048xf32>
    %argmax3A_315 = tpu.reduce_index %select_n3A_314 {axis = 1 : i32, kind = #tpu.reduction_kind<arg_max>} : vector<512x2048xf32> -> vector<512xi32>
    %reshape3A_316 = vector.shape_cast %argmax3A_315 : vector<512xi32> to vector<512x1xi32>
    %mul3A_317 = arith.constant 2048 : i32
    %mul3A_318 = arith.muli %arg0, %mul3A_317 : i32
    %add3A_319 = vector.broadcast %mul3A_318 : i32 to vector<512x1xi32>
    %add3A_320 = arith.addi %reshape3A_316, %add3A_319 : vector<512x1xi32>
    %swap3A_321 = arith.constant 0 : index
    %swap3A_322 = arith.constant 0 : index
    %swap3A_323 = arith.constant 11 : index
    %swap3A_324 = vector.load %arg4[%swap3A_321, %swap3A_322, %swap3A_323] : memref<1x512x20xi32, #tpu.memory_space<vmem>>, vector<1x512x1xi32>
    %swap3A_325 = vector.shape_cast %swap3A_324 : vector<1x512x1xi32> to vector<512x1xi32>
    %swap3A_326 = vector.shape_cast %add3A_320 : vector<512x1xi32> to vector<1x512x1xi32>
    tpu.vector_store %arg4[%swap3A_321, %swap3A_322, %swap3A_323], %swap3A_326 {strides = array<i32>} : memref<1x512x20xi32, #tpu.memory_space<vmem>>, vector<1x512x1xi32>,
    %eq3A_327 = vector.broadcast %reshape3A_316 : vector<512x1xi32> to vector<512x2048xi32>
    %eq3A_328 = arith.cmpi eq, %iota3A, %eq3A_327 : vector<512x2048xi32>
    %jit3A_329 = arith.constant -3.000000e+38 : f32
    %broadcast_in_dim3A_330 = vector.broadcast %jit3A_329 : f32 to vector<512x2048xf32>
    %select_n3A_331 = arith.select %eq3A_328, %broadcast_in_dim3A_330, %select_n3A_314 : vector<512x2048xi1>, vector<512x2048xf32>
    %argmax3A_332 = tpu.reduce_index %select_n3A_331 {axis = 1 : i32, kind = #tpu.reduction_kind<arg_max>} : vector<512x2048xf32> -> vector<512xi32>
    %reshape3A_333 = vector.shape_cast %argmax3A_332 : vector<512xi32> to vector<512x1xi32>
    %mul3A_334 = arith.constant 2048 : i32
    %mul3A_335 = arith.muli %arg0, %mul3A_334 : i32
    %add3A_336 = vector.broadcast %mul3A_335 : i32 to vector<512x1xi32>
    %add3A_337 = arith.addi %reshape3A_333, %add3A_336 : vector<512x1xi32>
    %swap3A_338 = arith.constant 0 : index
    %swap3A_339 = arith.constant 0 : index
    %swap3A_340 = arith.constant 12 : index
    %swap3A_341 = vector.load %arg4[%swap3A_338, %swap3A_339, %swap3A_340] : memref<1x512x20xi32, #tpu.memory_space<vmem>>, vector<1x512x1xi32>
    %swap3A_342 = vector.shape_cast %swap3A_341 : vector<1x512x1xi32> to vector<512x1xi32>
    %swap3A_343 = vector.shape_cast %add3A_337 : vector<512x1xi32> to vector<1x512x1xi32>
    tpu.vector_store %arg4[%swap3A_338, %swap3A_339, %swap3A_340], %swap3A_343 {strides = array<i32>} : memref<1x512x20xi32, #tpu.memory_space<vmem>>, vector<1x512x1xi32>,
    %eq3A_344 = vector.broadcast %reshape3A_333 : vector<512x1xi32> to vector<512x2048xi32>
    %eq3A_345 = arith.cmpi eq, %iota3A, %eq3A_344 : vector<512x2048xi32>
    %jit3A_346 = arith.constant -3.000000e+38 : f32
    %broadcast_in_dim3A_347 = vector.broadcast %jit3A_346 : f32 to vector<512x2048xf32>
    %select_n3A_348 = arith.select %eq3A_345, %broadcast_in_dim3A_347, %select_n3A_331 : vector<512x2048xi1>, vector<512x2048xf32>
    %argmax3A_349 = tpu.reduce_index %select_n3A_348 {axis = 1 : i32, kind = #tpu.reduction_kind<arg_max>} : vector<512x2048xf32> -> vector<512xi32>
    %reshape3A_350 = vector.shape_cast %argmax3A_349 : vector<512xi32> to vector<512x1xi32>
    %mul3A_351 = arith.constant 2048 : i32
    %mul3A_352 = arith.muli %arg0, %mul3A_351 : i32
    %add3A_353 = vector.broadcast %mul3A_352 : i32 to vector<512x1xi32>
    %add3A_354 = arith.addi %reshape3A_350, %add3A_353 : vector<512x1xi32>
    %swap3A_355 = arith.constant 0 : index
    %swap3A_356 = arith.constant 0 : index
    %swap3A_357 = arith.constant 13 : index
    %swap3A_358 = vector.load %arg4[%swap3A_355, %swap3A_356, %swap3A_357] : memref<1x512x20xi32, #tpu.memory_space<vmem>>, vector<1x512x1xi32>
    %swap3A_359 = vector.shape_cast %swap3A_358 : vector<1x512x1xi32> to vector<512x1xi32>
    %swap3A_360 = vector.shape_cast %add3A_354 : vector<512x1xi32> to vector<1x512x1xi32>
    tpu.vector_store %arg4[%swap3A_355, %swap3A_356, %swap3A_357], %swap3A_360 {strides = array<i32>} : memref<1x512x20xi32, #tpu.memory_space<vmem>>, vector<1x512x1xi32>,
    %eq3A_361 = vector.broadcast %reshape3A_350 : vector<512x1xi32> to vector<512x2048xi32>
    %eq3A_362 = arith.cmpi eq, %iota3A, %eq3A_361 : vector<512x2048xi32>
    %jit3A_363 = arith.constant -3.000000e+38 : f32
    %broadcast_in_dim3A_364 = vector.broadcast %jit3A_363 : f32 to vector<512x2048xf32>
    %select_n3A_365 = arith.select %eq3A_362, %broadcast_in_dim3A_364, %select_n3A_348 : vector<512x2048xi1>, vector<512x2048xf32>
    %argmax3A_366 = tpu.reduce_index %select_n3A_365 {axis = 1 : i32, kind = #tpu.reduction_kind<arg_max>} : vector<512x2048xf32> -> vector<512xi32>
    %reshape3A_367 = vector.shape_cast %argmax3A_366 : vector<512xi32> to vector<512x1xi32>
    %mul3A_368 = arith.constant 2048 : i32
    %mul3A_369 = arith.muli %arg0, %mul3A_368 : i32
    %add3A_370 = vector.broadcast %mul3A_369 : i32 to vector<512x1xi32>
    %add3A_371 = arith.addi %reshape3A_367, %add3A_370 : vector<512x1xi32>
    %swap3A_372 = arith.constant 0 : index
    %swap3A_373 = arith.constant 0 : index
    %swap3A_374 = arith.constant 14 : index
    %swap3A_375 = vector.load %arg4[%swap3A_372, %swap3A_373, %swap3A_374] : memref<1x512x20xi32, #tpu.memory_space<vmem>>, vector<1x512x1xi32>
    %swap3A_376 = vector.shape_cast %swap3A_375 : vector<1x512x1xi32> to vector<512x1xi32>
    %swap3A_377 = vector.shape_cast %add3A_371 : vector<512x1xi32> to vector<1x512x1xi32>
    tpu.vector_store %arg4[%swap3A_372, %swap3A_373, %swap3A_374], %swap3A_377 {strides = array<i32>} : memref<1x512x20xi32, #tpu.memory_space<vmem>>, vector<1x512x1xi32>,
    %eq3A_378 = vector.broadcast %reshape3A_367 : vector<512x1xi32> to vector<512x2048xi32>
    %eq3A_379 = arith.cmpi eq, %iota3A, %eq3A_378 : vector<512x2048xi32>
    %jit3A_380 = arith.constant -3.000000e+38 : f32
    %broadcast_in_dim3A_381 = vector.broadcast %jit3A_380 : f32 to vector<512x2048xf32>
    %select_n3A_382 = arith.select %eq3A_379, %broadcast_in_dim3A_381, %select_n3A_365 : vector<512x2048xi1>, vector<512x2048xf32>
    %argmax3A_383 = tpu.reduce_index %select_n3A_382 {axis = 1 : i32, kind = #tpu.reduction_kind<arg_max>} : vector<512x2048xf32> -> vector<512xi32>
    %reshape3A_384 = vector.shape_cast %argmax3A_383 : vector<512xi32> to vector<512x1xi32>
    %mul3A_385 = arith.constant 2048 : i32
    %mul3A_386 = arith.muli %arg0, %mul3A_385 : i32
    %add3A_387 = vector.broadcast %mul3A_386 : i32 to vector<512x1xi32>
    %add3A_388 = arith.addi %reshape3A_384, %add3A_387 : vector<512x1xi32>
    %swap3A_389 = arith.constant 0 : index
    %swap3A_390 = arith.constant 0 : index
    %swap3A_391 = arith.constant 15 : index
    %swap3A_392 = vector.load %arg4[%swap3A_389, %swap3A_390, %swap3A_391] : memref<1x512x20xi32, #tpu.memory_space<vmem>>, vector<1x512x1xi32>
    %swap3A_393 = vector.shape_cast %swap3A_392 : vector<1x512x1xi32> to vector<512x1xi32>
    %swap3A_394 = vector.shape_cast %add3A_388 : vector<512x1xi32> to vector<1x512x1xi32>
    tpu.vector_store %arg4[%swap3A_389, %swap3A_390, %swap3A_391], %swap3A_394 {strides = array<i32>} : memref<1x512x20xi32, #tpu.memory_space<vmem>>, vector<1x512x1xi32>,
    %eq3A_395 = vector.broadcast %reshape3A_384 : vector<512x1xi32> to vector<512x2048xi32>
    %eq3A_396 = arith.cmpi eq, %iota3A, %eq3A_395 : vector<512x2048xi32>
    %jit3A_397 = arith.constant -3.000000e+38 : f32
    %broadcast_in_dim3A_398 = vector.broadcast %jit3A_397 : f32 to vector<512x2048xf32>
    %select_n3A_399 = arith.select %eq3A_396, %broadcast_in_dim3A_398, %select_n3A_382 : vector<512x2048xi1>, vector<512x2048xf32>
    %argmax3A_400 = tpu.reduce_index %select_n3A_399 {axis = 1 : i32, kind = #tpu.reduction_kind<arg_max>} : vector<512x2048xf32> -> vector<512xi32>
    %reshape3A_401 = vector.shape_cast %argmax3A_400 : vector<512xi32> to vector<512x1xi32>
    %mul3A_402 = arith.constant 2048 : i32
    %mul3A_403 = arith.muli %arg0, %mul3A_402 : i32
    %add3A_404 = vector.broadcast %mul3A_403 : i32 to vector<512x1xi32>
    %add3A_405 = arith.addi %reshape3A_401, %add3A_404 : vector<512x1xi32>
    %swap3A_406 = arith.constant 0 : index
    %swap3A_407 = arith.constant 0 : index
    %swap3A_408 = arith.constant 16 : index
    %swap3A_409 = vector.load %arg4[%swap3A_406, %swap3A_407, %swap3A_408] : memref<1x512x20xi32, #tpu.memory_space<vmem>>, vector<1x512x1xi32>
    %swap3A_410 = vector.shape_cast %swap3A_409 : vector<1x512x1xi32> to vector<512x1xi32>
    %swap3A_411 = vector.shape_cast %add3A_405 : vector<512x1xi32> to vector<1x512x1xi32>
    tpu.vector_store %arg4[%swap3A_406, %swap3A_407, %swap3A_408], %swap3A_411 {strides = array<i32>} : memref<1x512x20xi32, #tpu.memory_space<vmem>>, vector<1x512x1xi32>,
    %eq3A_412 = vector.broadcast %reshape3A_401 : vector<512x1xi32> to vector<512x2048xi32>
    %eq3A_413 = arith.cmpi eq, %iota3A, %eq3A_412 : vector<512x2048xi32>
    %jit3A_414 = arith.constant -3.000000e+38 : f32
    %broadcast_in_dim3A_415 = vector.broadcast %jit3A_414 : f32 to vector<512x2048xf32>
    %select_n3A_416 = arith.select %eq3A_413, %broadcast_in_dim3A_415, %select_n3A_399 : vector<512x2048xi1>, vector<512x2048xf32>
    %argmax3A_417 = tpu.reduce_index %select_n3A_416 {axis = 1 : i32, kind = #tpu.reduction_kind<arg_max>} : vector<512x2048xf32> -> vector<512xi32>
    %reshape3A_418 = vector.shape_cast %argmax3A_417 : vector<512xi32> to vector<512x1xi32>
    %mul3A_419 = arith.constant 2048 : i32
    %mul3A_420 = arith.muli %arg0, %mul3A_419 : i32
    %add3A_421 = vector.broadcast %mul3A_420 : i32 to vector<512x1xi32>
    %add3A_422 = arith.addi %reshape3A_418, %add3A_421 : vector<512x1xi32>
    %swap3A_423 = arith.constant 0 : index
    %swap3A_424 = arith.constant 0 : index
    %swap3A_425 = arith.constant 17 : index
    %swap3A_426 = vector.load %arg4[%swap3A_423, %swap3A_424, %swap3A_425] : memref<1x512x20xi32, #tpu.memory_space<vmem>>, vector<1x512x1xi32>
    %swap3A_427 = vector.shape_cast %swap3A_426 : vector<1x512x1xi32> to vector<512x1xi32>
    %swap3A_428 = vector.shape_cast %add3A_422 : vector<512x1xi32> to vector<1x512x1xi32>
    tpu.vector_store %arg4[%swap3A_423, %swap3A_424, %swap3A_425], %swap3A_428 {strides = array<i32>} : memref<1x512x20xi32, #tpu.memory_space<vmem>>, vector<1x512x1xi32>,
    %eq3A_429 = vector.broadcast %reshape3A_418 : vector<512x1xi32> to vector<512x2048xi32>
    %eq3A_430 = arith.cmpi eq, %iota3A, %eq3A_429 : vector<512x2048xi32>
    %jit3A_431 = arith.constant -3.000000e+38 : f32
    %broadcast_in_dim3A_432 = vector.broadcast %jit3A_431 : f32 to vector<512x2048xf32>
    %select_n3A_433 = arith.select %eq3A_430, %broadcast_in_dim3A_432, %select_n3A_416 : vector<512x2048xi1>, vector<512x2048xf32>
    %argmax3A_434 = tpu.reduce_index %select_n3A_433 {axis = 1 : i32, kind = #tpu.reduction_kind<arg_max>} : vector<512x2048xf32> -> vector<512xi32>
    %reshape3A_435 = vector.shape_cast %argmax3A_434 : vector<512xi32> to vector<512x1xi32>
    %mul3A_436 = arith.constant 2048 : i32
    %mul3A_437 = arith.muli %arg0, %mul3A_436 : i32
    %add3A_438 = vector.broadcast %mul3A_437 : i32 to vector<512x1xi32>
    %add3A_439 = arith.addi %reshape3A_435, %add3A_438 : vector<512x1xi32>
    %swap3A_440 = arith.constant 0 : index
    %swap3A_441 = arith.constant 0 : index
    %swap3A_442 = arith.constant 18 : index
    %swap3A_443 = vector.load %arg4[%swap3A_440, %swap3A_441, %swap3A_442] : memref<1x512x20xi32, #tpu.memory_space<vmem>>, vector<1x512x1xi32>
    %swap3A_444 = vector.shape_cast %swap3A_443 : vector<1x512x1xi32> to vector<512x1xi32>
    %swap3A_445 = vector.shape_cast %add3A_439 : vector<512x1xi32> to vector<1x512x1xi32>
    tpu.vector_store %arg4[%swap3A_440, %swap3A_441, %swap3A_442], %swap3A_445 {strides = array<i32>} : memref<1x512x20xi32, #tpu.memory_space<vmem>>, vector<1x512x1xi32>,
    %eq3A_446 = vector.broadcast %reshape3A_435 : vector<512x1xi32> to vector<512x2048xi32>
    %eq3A_447 = arith.cmpi eq, %iota3A, %eq3A_446 : vector<512x2048xi32>
    %jit3A_448 = arith.constant -3.000000e+38 : f32
    %broadcast_in_dim3A_449 = vector.broadcast %jit3A_448 : f32 to vector<512x2048xf32>
    %select_n3A_450 = arith.select %eq3A_447, %broadcast_in_dim3A_449, %select_n3A_433 : vector<512x2048xi1>, vector<512x2048xf32>
    %argmax3A_451 = tpu.reduce_index %select_n3A_450 {axis = 1 : i32, kind = #tpu.reduction_kind<arg_max>} : vector<512x2048xf32> -> vector<512xi32>
    %reshape3A_452 = vector.shape_cast %argmax3A_451 : vector<512xi32> to vector<512x1xi32>
    %mul3A_453 = arith.constant 2048 : i32
    %mul3A_454 = arith.muli %arg0, %mul3A_453 : i32
    %add3A_455 = vector.broadcast %mul3A_454 : i32 to vector<512x1xi32>
    %add3A_456 = arith.addi %reshape3A_452, %add3A_455 : vector<512x1xi32>
    %swap3A_457 = arith.constant 0 : index
    %swap3A_458 = arith.constant 0 : index
    %swap3A_459 = arith.constant 19 : index
    %swap3A_460 = vector.load %arg4[%swap3A_457, %swap3A_458, %swap3A_459] : memref<1x512x20xi32, #tpu.memory_space<vmem>>, vector<1x512x1xi32>
    %swap3A_461 = vector.shape_cast %swap3A_460 : vector<1x512x1xi32> to vector<512x1xi32>
    %swap3A_462 = vector.shape_cast %add3A_456 : vector<512x1xi32> to vector<1x512x1xi32>
    tpu.vector_store %arg4[%swap3A_457, %swap3A_458, %swap3A_459], %swap3A_462 {strides = array<i32>} : memref<1x512x20xi32, #tpu.memory_space<vmem>>, vector<1x512x1xi32>,
    return
  }
  func.func @transform_0(%arg0: i32, %arg1: i32) -> (i32, i32, i32) {
    %c0_i32 = arith.constant 0 : i32
    %c0_i32_0 = arith.constant 0 : i32
    %c0_i32_1 = arith.constant 0 : i32
    return %arg0, %c0_i32, %c0_i32_0 : i32, i32, i32
  }
  func.func @transform_1(%arg0: i32, %arg1: i32) -> (i32, i32, i32) {
    %c0_i32 = arith.constant 0 : i32
    %c0_i32_0 = arith.constant 0 : i32
    return %arg0, %arg1, %c0_i32 : i32, i32, i32
  }
  func.func @transform_2(%arg0: i32, %arg1: i32) -> (i32, i32, i32) {
    %c0_i32 = arith.constant 0 : i32
    %c0_i32_0 = arith.constant 0 : i32
    return %arg0, %arg1, %c0_i32 : i32, i32, i32
  }
}

module attributes {stable_mosaic.version = 14 : i64} {
  func.func @_cov_eig_body(%arg0: i32, %arg1: i32, %arg2: memref<1x20x512xf32, #tpu.memory_space<vmem>>, %arg3: memref<1x20x512xf32, #tpu.memory_space<vmem>>, %arg4: memref<1x20x512xf32, #tpu.memory_space<vmem>>, %arg5: memref<1x3x512xf32, #tpu.memory_space<vmem>>) attributes {dimension_semantics = [#tpu.dimension_semantics<arbitrary>, #tpu.dimension_semantics<arbitrary>], iteration_bounds = array<i64: 8, 4>, scalar_prefetch = 0 : i64, scratch_operands = 0 : i64, tpu.core_type = #tpu.core_type<tc>, window_params = [{transform_indices = @transform_0, window_bounds = array<i64: 1, 20, 512>}, {transform_indices = @transform_1, window_bounds = array<i64: 1, 20, 512>}, {transform_indices = @transform_2, window_bounds = array<i64: 1, 20, 512>}, {transform_indices = @transform_3, window_bounds = array<i64: 1, 3, 512>}]} {
    %get3A = arith.constant 0 : index
    %get3A_0 = arith.constant 0 : index
    %get3A_1 = arith.constant 0 : index
    %get3A_2 = vector.load %arg2[%get3A, %get3A_0, %get3A_1] : memref<1x20x512xf32, #tpu.memory_space<vmem>>, vector<1x20x512xf32>
    %get3A_3 = vector.shape_cast %get3A_2 : vector<1x20x512xf32> to vector<20x512xf32>
    %bitcast_convert_type3A = tpu.bitcast %get3A_3 : vector<20x512xf32> -> vector<20x512xi32>
    %shift_right_logical3A = arith.constant 16 : i32
    %shift_right_logical3A_4 = vector.broadcast %shift_right_logical3A : i32 to vector<20x512xi32>
    %shift_right_logical3A_5 = arith.shrui %bitcast_convert_type3A, %shift_right_logical3A_4 : vector<20x512xi32>
    %and3A = arith.constant 1 : i32
    %and3A_6 = vector.broadcast %and3A : i32 to vector<20x512xi32>
    %and3A_7 = arith.andi %shift_right_logical3A_5, %and3A_6 : vector<20x512xi32>
    %add3A = arith.constant 32767 : i32
    %add3A_8 = vector.broadcast %add3A : i32 to vector<20x512xi32>
    %add3A_9 = arith.addi %bitcast_convert_type3A, %add3A_8 : vector<20x512xi32>
    %add3A_10 = arith.addi %add3A_9, %and3A_7 : vector<20x512xi32>
    %and3A_11 = arith.constant -65536 : i32
    %and3A_12 = vector.broadcast %and3A_11 : i32 to vector<20x512xi32>
    %and3A_13 = arith.andi %add3A_10, %and3A_12 : vector<20x512xi32>
    %bitcast_convert_type3A_14 = tpu.bitcast %and3A_13 : vector<20x512xi32> -> vector<20x512xf32>
    %get3A_15 = arith.constant 0 : index
    %get3A_16 = arith.constant 0 : index
    %get3A_17 = arith.constant 0 : index
    %get3A_18 = vector.load %arg3[%get3A_15, %get3A_16, %get3A_17] : memref<1x20x512xf32, #tpu.memory_space<vmem>>, vector<1x20x512xf32>
    %get3A_19 = vector.shape_cast %get3A_18 : vector<1x20x512xf32> to vector<20x512xf32>
    %bitcast_convert_type3A_20 = tpu.bitcast %get3A_19 : vector<20x512xf32> -> vector<20x512xi32>
    %shift_right_logical3A_21 = arith.constant 16 : i32
    %shift_right_logical3A_22 = vector.broadcast %shift_right_logical3A_21 : i32 to vector<20x512xi32>
    %shift_right_logical3A_23 = arith.shrui %bitcast_convert_type3A_20, %shift_right_logical3A_22 : vector<20x512xi32>
    %and3A_24 = arith.constant 1 : i32
    %and3A_25 = vector.broadcast %and3A_24 : i32 to vector<20x512xi32>
    %and3A_26 = arith.andi %shift_right_logical3A_23, %and3A_25 : vector<20x512xi32>
    %add3A_27 = arith.constant 32767 : i32
    %add3A_28 = vector.broadcast %add3A_27 : i32 to vector<20x512xi32>
    %add3A_29 = arith.addi %bitcast_convert_type3A_20, %add3A_28 : vector<20x512xi32>
    %add3A_30 = arith.addi %add3A_29, %and3A_26 : vector<20x512xi32>
    %and3A_31 = arith.constant -65536 : i32
    %and3A_32 = vector.broadcast %and3A_31 : i32 to vector<20x512xi32>
    %and3A_33 = arith.andi %add3A_30, %and3A_32 : vector<20x512xi32>
    %bitcast_convert_type3A_34 = tpu.bitcast %and3A_33 : vector<20x512xi32> -> vector<20x512xf32>
    %get3A_35 = arith.constant 0 : index
    %get3A_36 = arith.constant 0 : index
    %get3A_37 = arith.constant 0 : index
    %get3A_38 = vector.load %arg4[%get3A_35, %get3A_36, %get3A_37] : memref<1x20x512xf32, #tpu.memory_space<vmem>>, vector<1x20x512xf32>
    %get3A_39 = vector.shape_cast %get3A_38 : vector<1x20x512xf32> to vector<20x512xf32>
    %bitcast_convert_type3A_40 = tpu.bitcast %get3A_39 : vector<20x512xf32> -> vector<20x512xi32>
    %shift_right_logical3A_41 = arith.constant 16 : i32
    %shift_right_logical3A_42 = vector.broadcast %shift_right_logical3A_41 : i32 to vector<20x512xi32>
    %shift_right_logical3A_43 = arith.shrui %bitcast_convert_type3A_40, %shift_right_logical3A_42 : vector<20x512xi32>
    %and3A_44 = arith.constant 1 : i32
    %and3A_45 = vector.broadcast %and3A_44 : i32 to vector<20x512xi32>
    %and3A_46 = arith.andi %shift_right_logical3A_43, %and3A_45 : vector<20x512xi32>
    %add3A_47 = arith.constant 32767 : i32
    %add3A_48 = vector.broadcast %add3A_47 : i32 to vector<20x512xi32>
    %add3A_49 = arith.addi %bitcast_convert_type3A_40, %add3A_48 : vector<20x512xi32>
    %add3A_50 = arith.addi %add3A_49, %and3A_46 : vector<20x512xi32>
    %and3A_51 = arith.constant -65536 : i32
    %and3A_52 = vector.broadcast %and3A_51 : i32 to vector<20x512xi32>
    %and3A_53 = arith.andi %add3A_50, %and3A_52 : vector<20x512xi32>
    %bitcast_convert_type3A_54 = tpu.bitcast %and3A_53 : vector<20x512xi32> -> vector<20x512xf32>
    %mul3A = arith.mulf %bitcast_convert_type3A_14, %bitcast_convert_type3A_14 : vector<20x512xf32>
    %reduce_sum3A = arith.constant dense<0.000000e+00> : vector<512xf32>
    %reduce_sum3A_55 = vector.multi_reduction <add>, %mul3A, %reduce_sum3A [0] : vector<20x512xf32> to vector<512xf32>
    %broadcast_in_dim3A = vector.shape_cast %reduce_sum3A_55 : vector<512xf32> to vector<1x512xf32>
    %mul3A_56 = arith.mulf %bitcast_convert_type3A_34, %bitcast_convert_type3A_34 : vector<20x512xf32>
    %reduce_sum3A_57 = arith.constant dense<0.000000e+00> : vector<512xf32>
    %reduce_sum3A_58 = vector.multi_reduction <add>, %mul3A_56, %reduce_sum3A_57 [0] : vector<20x512xf32> to vector<512xf32>
    %broadcast_in_dim3A_59 = vector.shape_cast %reduce_sum3A_58 : vector<512xf32> to vector<1x512xf32>
    %mul3A_60 = arith.mulf %bitcast_convert_type3A_54, %bitcast_convert_type3A_54 : vector<20x512xf32>
    %reduce_sum3A_61 = arith.constant dense<0.000000e+00> : vector<512xf32>
    %reduce_sum3A_62 = vector.multi_reduction <add>, %mul3A_60, %reduce_sum3A_61 [0] : vector<20x512xf32> to vector<512xf32>
    %broadcast_in_dim3A_63 = vector.shape_cast %reduce_sum3A_62 : vector<512xf32> to vector<1x512xf32>
    %mul3A_64 = arith.mulf %bitcast_convert_type3A_14, %bitcast_convert_type3A_34 : vector<20x512xf32>
    %reduce_sum3A_65 = arith.constant dense<0.000000e+00> : vector<512xf32>
    %reduce_sum3A_66 = vector.multi_reduction <add>, %mul3A_64, %reduce_sum3A_65 [0] : vector<20x512xf32> to vector<512xf32>
    %broadcast_in_dim3A_67 = vector.shape_cast %reduce_sum3A_66 : vector<512xf32> to vector<1x512xf32>
    %mul3A_68 = arith.mulf %bitcast_convert_type3A_14, %bitcast_convert_type3A_54 : vector<20x512xf32>
    %reduce_sum3A_69 = arith.constant dense<0.000000e+00> : vector<512xf32>
    %reduce_sum3A_70 = vector.multi_reduction <add>, %mul3A_68, %reduce_sum3A_69 [0] : vector<20x512xf32> to vector<512xf32>
    %broadcast_in_dim3A_71 = vector.shape_cast %reduce_sum3A_70 : vector<512xf32> to vector<1x512xf32>
    %mul3A_72 = arith.mulf %bitcast_convert_type3A_34, %bitcast_convert_type3A_54 : vector<20x512xf32>
    %reduce_sum3A_73 = arith.constant dense<0.000000e+00> : vector<512xf32>
    %reduce_sum3A_74 = vector.multi_reduction <add>, %mul3A_72, %reduce_sum3A_73 [0] : vector<20x512xf32> to vector<512xf32>
    %broadcast_in_dim3A_75 = vector.shape_cast %reduce_sum3A_74 : vector<512xf32> to vector<1x512xf32>
    %add3A_76 = arith.addf %broadcast_in_dim3A, %broadcast_in_dim3A_59 : vector<1x512xf32>
    %add3A_77 = arith.addf %add3A_76, %broadcast_in_dim3A_63 : vector<1x512xf32>
    %div3A = arith.constant 3.000000e+00 : f32
    %div3A_78 = vector.broadcast %div3A : f32 to vector<1x512xf32>
    %div3A_79 = arith.divf %add3A_77, %div3A_78 : vector<1x512xf32>
    %mul3A_80 = arith.mulf %broadcast_in_dim3A_67, %broadcast_in_dim3A_67 : vector<1x512xf32>
    %mul3A_81 = arith.mulf %broadcast_in_dim3A_71, %broadcast_in_dim3A_71 : vector<1x512xf32>
    %add3A_82 = arith.addf %mul3A_80, %mul3A_81 : vector<1x512xf32>
    %mul3A_83 = arith.mulf %broadcast_in_dim3A_75, %broadcast_in_dim3A_75 : vector<1x512xf32>
    %add3A_84 = arith.addf %add3A_82, %mul3A_83 : vector<1x512xf32>
    %sub3A = arith.subf %broadcast_in_dim3A, %div3A_79 : vector<1x512xf32>
    %sub3A_85 = arith.subf %broadcast_in_dim3A_59, %div3A_79 : vector<1x512xf32>
    %sub3A_86 = arith.subf %broadcast_in_dim3A_63, %div3A_79 : vector<1x512xf32>
    %mul3A_87 = arith.mulf %sub3A, %sub3A : vector<1x512xf32>
    %mul3A_88 = arith.mulf %sub3A_85, %sub3A_85 : vector<1x512xf32>
    %add3A_89 = arith.addf %mul3A_87, %mul3A_88 : vector<1x512xf32>
    %mul3A_90 = arith.mulf %sub3A_86, %sub3A_86 : vector<1x512xf32>
    %add3A_91 = arith.addf %add3A_89, %mul3A_90 : vector<1x512xf32>
    %mul3A_92 = arith.constant 2.000000e+00 : f32
    %mul3A_93 = vector.broadcast %mul3A_92 : f32 to vector<1x512xf32>
    %mul3A_94 = arith.mulf %mul3A_93, %add3A_84 : vector<1x512xf32>
    %add3A_95 = arith.addf %add3A_91, %mul3A_94 : vector<1x512xf32>
    %div3A_96 = arith.constant 6.000000e+00 : f32
    %div3A_97 = vector.broadcast %div3A_96 : f32 to vector<1x512xf32>
    %div3A_98 = arith.divf %add3A_95, %div3A_97 : vector<1x512xf32>
    %max3A = arith.constant 0.000000e+00 : f32
    %max3A_99 = vector.broadcast %max3A : f32 to vector<1x512xf32>
    %max3A_100 = arith.maximumf %div3A_98, %max3A_99 : vector<1x512xf32>
    %sqrt3A = math.sqrt %max3A_100 : vector<1x512xf32>
    %gt3A = arith.constant 9.99999968E-21 : f32
    %gt3A_101 = vector.broadcast %gt3A : f32 to vector<1x512xf32>
    %gt3A_102 = arith.cmpf ogt, %sqrt3A, %gt3A_101 : vector<1x512xf32>
    %max3A_103 = arith.constant 1.000000e-30 : f32
    %max3A_104 = vector.broadcast %max3A_103 : f32 to vector<1x512xf32>
    %max3A_105 = arith.maximumf %sqrt3A, %max3A_104 : vector<1x512xf32>
    %div3A_106 = arith.constant 1.000000e+00 : f32
    %div3A_107 = vector.broadcast %div3A_106 : f32 to vector<1x512xf32>
    %div3A_108 = arith.divf %div3A_107, %max3A_105 : vector<1x512xf32>
    %jit3A = arith.constant 0.000000e+00 : f32
    %broadcast_in_dim3A_109 = vector.broadcast %jit3A : f32 to vector<1x512xf32>
    %select_n3A = arith.select %gt3A_102, %div3A_108, %broadcast_in_dim3A_109 : vector<1x512xi1>, vector<1x512xf32>
    %mul3A_110 = arith.mulf %sub3A, %select_n3A : vector<1x512xf32>
    %mul3A_111 = arith.mulf %sub3A_85, %select_n3A : vector<1x512xf32>
    %mul3A_112 = arith.mulf %sub3A_86, %select_n3A : vector<1x512xf32>
    %mul3A_113 = arith.mulf %broadcast_in_dim3A_67, %select_n3A : vector<1x512xf32>
    %mul3A_114 = arith.mulf %broadcast_in_dim3A_71, %select_n3A : vector<1x512xf32>
    %mul3A_115 = arith.mulf %broadcast_in_dim3A_75, %select_n3A : vector<1x512xf32>
    %mul3A_116 = arith.mulf %mul3A_111, %mul3A_112 : vector<1x512xf32>
    %mul3A_117 = arith.mulf %mul3A_115, %mul3A_115 : vector<1x512xf32>
    %sub3A_118 = arith.subf %mul3A_116, %mul3A_117 : vector<1x512xf32>
    %mul3A_119 = arith.mulf %mul3A_110, %sub3A_118 : vector<1x512xf32>
    %mul3A_120 = arith.mulf %mul3A_113, %mul3A_112 : vector<1x512xf32>
    %mul3A_121 = arith.mulf %mul3A_115, %mul3A_114 : vector<1x512xf32>
    %sub3A_122 = arith.subf %mul3A_120, %mul3A_121 : vector<1x512xf32>
    %mul3A_123 = arith.mulf %mul3A_113, %sub3A_122 : vector<1x512xf32>
    %sub3A_124 = arith.subf %mul3A_119, %mul3A_123 : vector<1x512xf32>
    %mul3A_125 = arith.mulf %mul3A_113, %mul3A_115 : vector<1x512xf32>
    %mul3A_126 = arith.mulf %mul3A_111, %mul3A_114 : vector<1x512xf32>
    %sub3A_127 = arith.subf %mul3A_125, %mul3A_126 : vector<1x512xf32>
    %mul3A_128 = arith.mulf %mul3A_114, %sub3A_127 : vector<1x512xf32>
    %add3A_129 = arith.addf %sub3A_124, %mul3A_128 : vector<1x512xf32>
    %mul3A_130 = arith.constant 5.000000e-01 : f32
    %mul3A_131 = vector.broadcast %mul3A_130 : f32 to vector<1x512xf32>
    %mul3A_132 = arith.mulf %add3A_129, %mul3A_131 : vector<1x512xf32>
    %jit3A_133 = arith.constant -1.000000e+00 : f32
    %jit3A_134 = arith.constant 1.000000e+00 : f32
    %max3A_135 = vector.broadcast %jit3A_133 : f32 to vector<1x512xf32>
    %max3A_136 = arith.maximumf %max3A_135, %mul3A_132 : vector<1x512xf32>
    %min3A = vector.broadcast %jit3A_134 : f32 to vector<1x512xf32>
    %min3A_137 = arith.minimumf %min3A, %max3A_136 : vector<1x512xf32>
    %abs3A = math.absf %min3A_137 : vector<1x512xf32>
    %sub3A_138 = arith.constant 1.000000e+00 : f32
    %sub3A_139 = vector.broadcast %sub3A_138 : f32 to vector<1x512xf32>
    %sub3A_140 = arith.subf %sub3A_139, %abs3A : vector<1x512xf32>
    %max3A_141 = arith.constant 0.000000e+00 : f32
    %max3A_142 = vector.broadcast %max3A_141 : f32 to vector<1x512xf32>
    %max3A_143 = arith.maximumf %sub3A_140, %max3A_142 : vector<1x512xf32>
    %sqrt3A_144 = math.sqrt %max3A_143 : vector<1x512xf32>
    %mul3A_145 = arith.constant -1.872930e-02 : f32
    %mul3A_146 = vector.broadcast %mul3A_145 : f32 to vector<1x512xf32>
    %mul3A_147 = arith.mulf %abs3A, %mul3A_146 : vector<1x512xf32>
    %add3A_148 = arith.constant 7.426100e-02 : f32
    %add3A_149 = vector.broadcast %add3A_148 : f32 to vector<1x512xf32>
    %add3A_150 = arith.addf %add3A_149, %mul3A_147 : vector<1x512xf32>
    %mul3A_151 = arith.mulf %abs3A, %add3A_150 : vector<1x512xf32>
    %add3A_152 = arith.constant -0.212114394 : f32
    %add3A_153 = vector.broadcast %add3A_152 : f32 to vector<1x512xf32>
    %add3A_154 = arith.addf %add3A_153, %mul3A_151 : vector<1x512xf32>
    %mul3A_155 = arith.mulf %abs3A, %add3A_154 : vector<1x512xf32>
    %add3A_156 = arith.constant 1.57072878 : f32
    %add3A_157 = vector.broadcast %add3A_156 : f32 to vector<1x512xf32>
    %add3A_158 = arith.addf %add3A_157, %mul3A_155 : vector<1x512xf32>
    %mul3A_159 = arith.mulf %sqrt3A_144, %add3A_158 : vector<1x512xf32>
    %ge3A = arith.constant 0.000000e+00 : f32
    %ge3A_160 = vector.broadcast %ge3A : f32 to vector<1x512xf32>
    %ge3A_161 = arith.cmpf oge, %min3A_137, %ge3A_160 : vector<1x512xf32>
    %sub3A_162 = arith.constant 3.14159274 : f32
    %sub3A_163 = vector.broadcast %sub3A_162 : f32 to vector<1x512xf32>
    %sub3A_164 = arith.subf %sub3A_163, %mul3A_159 : vector<1x512xf32>
    %select_n3A_165 = arith.select %ge3A_161, %mul3A_159, %sub3A_164 : vector<1x512xi1>, vector<1x512xf32>
    %div3A_166 = arith.constant 3.000000e+00 : f32
    %div3A_167 = vector.broadcast %div3A_166 : f32 to vector<1x512xf32>
    %div3A_168 = arith.divf %select_n3A_165, %div3A_167 : vector<1x512xf32>
    %cos3A = math.cos %div3A_168 : vector<1x512xf32>
    %add3A_169 = arith.constant 2.09439516 : f32
    %add3A_170 = vector.broadcast %add3A_169 : f32 to vector<1x512xf32>
    %add3A_171 = arith.addf %div3A_168, %add3A_170 : vector<1x512xf32>
    %cos3A_172 = math.cos %add3A_171 : vector<1x512xf32>
    %mul3A_173 = arith.constant 1.200000e+01 : f32
    %mul3A_174 = vector.broadcast %mul3A_173 : f32 to vector<1x512xf32>
    %mul3A_175 = arith.mulf %mul3A_174, %cos3A : vector<1x512xf32>
    %mul3A_176 = arith.mulf %mul3A_175, %cos3A : vector<1x512xf32>
    %sub3A_177 = arith.constant 3.000000e+00 : f32
    %sub3A_178 = vector.broadcast %sub3A_177 : f32 to vector<1x512xf32>
    %sub3A_179 = arith.subf %mul3A_176, %sub3A_178 : vector<1x512xf32>
    %abs3A_180 = math.absf %sub3A_179 : vector<1x512xf32>
    %gt3A_181 = arith.constant 1.000000e-03 : f32
    %gt3A_182 = vector.broadcast %gt3A_181 : f32 to vector<1x512xf32>
    %gt3A_183 = arith.cmpf ogt, %abs3A_180, %gt3A_182 : vector<1x512xf32>
    %mul3A_184 = arith.constant 4.000000e+00 : f32
    %mul3A_185 = vector.broadcast %mul3A_184 : f32 to vector<1x512xf32>
    %mul3A_186 = arith.mulf %mul3A_185, %cos3A : vector<1x512xf32>
    %mul3A_187 = arith.mulf %mul3A_186, %cos3A : vector<1x512xf32>
    %mul3A_188 = arith.mulf %mul3A_187, %cos3A : vector<1x512xf32>
    %mul3A_189 = arith.constant 3.000000e+00 : f32
    %mul3A_190 = vector.broadcast %mul3A_189 : f32 to vector<1x512xf32>
    %mul3A_191 = arith.mulf %mul3A_190, %cos3A : vector<1x512xf32>
    %sub3A_192 = arith.subf %mul3A_188, %mul3A_191 : vector<1x512xf32>
    %sub3A_193 = arith.subf %sub3A_192, %min3A_137 : vector<1x512xf32>
    %jit3A_194 = arith.constant 1.000000e+00 : f32
    %broadcast_in_dim3A_195 = vector.broadcast %jit3A_194 : f32 to vector<1x512xf32>
    %select_n3A_196 = arith.select %gt3A_183, %sub3A_179, %broadcast_in_dim3A_195 : vector<1x512xi1>, vector<1x512xf32>
    %div3A_197 = arith.divf %sub3A_193, %select_n3A_196 : vector<1x512xf32>
    %jit3A_198 = arith.constant 0.000000e+00 : f32
    %broadcast_in_dim3A_199 = vector.broadcast %jit3A_198 : f32 to vector<1x512xf32>
    %select_n3A_200 = arith.select %gt3A_183, %div3A_197, %broadcast_in_dim3A_199 : vector<1x512xi1>, vector<1x512xf32>
    %sub3A_201 = arith.subf %cos3A, %select_n3A_200 : vector<1x512xf32>
    %mul3A_202 = arith.constant 1.200000e+01 : f32
    %mul3A_203 = vector.broadcast %mul3A_202 : f32 to vector<1x512xf32>
    %mul3A_204 = arith.mulf %mul3A_203, %cos3A_172 : vector<1x512xf32>
    %mul3A_205 = arith.mulf %mul3A_204, %cos3A_172 : vector<1x512xf32>
    %sub3A_206 = arith.constant 3.000000e+00 : f32
    %sub3A_207 = vector.broadcast %sub3A_206 : f32 to vector<1x512xf32>
    %sub3A_208 = arith.subf %mul3A_205, %sub3A_207 : vector<1x512xf32>
    %abs3A_209 = math.absf %sub3A_208 : vector<1x512xf32>
    %gt3A_210 = arith.constant 1.000000e-03 : f32
    %gt3A_211 = vector.broadcast %gt3A_210 : f32 to vector<1x512xf32>
    %gt3A_212 = arith.cmpf ogt, %abs3A_209, %gt3A_211 : vector<1x512xf32>
    %mul3A_213 = arith.constant 4.000000e+00 : f32
    %mul3A_214 = vector.broadcast %mul3A_213 : f32 to vector<1x512xf32>
    %mul3A_215 = arith.mulf %mul3A_214, %cos3A_172 : vector<1x512xf32>
    %mul3A_216 = arith.mulf %mul3A_215, %cos3A_172 : vector<1x512xf32>
    %mul3A_217 = arith.mulf %mul3A_216, %cos3A_172 : vector<1x512xf32>
    %mul3A_218 = arith.constant 3.000000e+00 : f32
    %mul3A_219 = vector.broadcast %mul3A_218 : f32 to vector<1x512xf32>
    %mul3A_220 = arith.mulf %mul3A_219, %cos3A_172 : vector<1x512xf32>
    %sub3A_221 = arith.subf %mul3A_217, %mul3A_220 : vector<1x512xf32>
    %sub3A_222 = arith.subf %sub3A_221, %min3A_137 : vector<1x512xf32>
    %jit3A_223 = arith.constant 1.000000e+00 : f32
    %broadcast_in_dim3A_224 = vector.broadcast %jit3A_223 : f32 to vector<1x512xf32>
    %select_n3A_225 = arith.select %gt3A_212, %sub3A_208, %broadcast_in_dim3A_224 : vector<1x512xi1>, vector<1x512xf32>
    %div3A_226 = arith.divf %sub3A_222, %select_n3A_225 : vector<1x512xf32>
    %jit3A_227 = arith.constant 0.000000e+00 : f32
    %broadcast_in_dim3A_228 = vector.broadcast %jit3A_227 : f32 to vector<1x512xf32>
    %select_n3A_229 = arith.select %gt3A_212, %div3A_226, %broadcast_in_dim3A_228 : vector<1x512xi1>, vector<1x512xf32>
    %sub3A_230 = arith.subf %cos3A_172, %select_n3A_229 : vector<1x512xf32>
    %mul3A_231 = arith.constant 1.200000e+01 : f32
    %mul3A_232 = vector.broadcast %mul3A_231 : f32 to vector<1x512xf32>
    %mul3A_233 = arith.mulf %mul3A_232, %sub3A_201 : vector<1x512xf32>
    %mul3A_234 = arith.mulf %mul3A_233, %sub3A_201 : vector<1x512xf32>
    %sub3A_235 = arith.constant 3.000000e+00 : f32
    %sub3A_236 = vector.broadcast %sub3A_235 : f32 to vector<1x512xf32>
    %sub3A_237 = arith.subf %mul3A_234, %sub3A_236 : vector<1x512xf32>
    %abs3A_238 = math.absf %sub3A_237 : vector<1x512xf32>
    %gt3A_239 = arith.constant 1.000000e-03 : f32
    %gt3A_240 = vector.broadcast %gt3A_239 : f32 to vector<1x512xf32>
    %gt3A_241 = arith.cmpf ogt, %abs3A_238, %gt3A_240 : vector<1x512xf32>
    %mul3A_242 = arith.constant 4.000000e+00 : f32
    %mul3A_243 = vector.broadcast %mul3A_242 : f32 to vector<1x512xf32>
    %mul3A_244 = arith.mulf %mul3A_243, %sub3A_201 : vector<1x512xf32>
    %mul3A_245 = arith.mulf %mul3A_244, %sub3A_201 : vector<1x512xf32>
    %mul3A_246 = arith.mulf %mul3A_245, %sub3A_201 : vector<1x512xf32>
    %mul3A_247 = arith.constant 3.000000e+00 : f32
    %mul3A_248 = vector.broadcast %mul3A_247 : f32 to vector<1x512xf32>
    %mul3A_249 = arith.mulf %mul3A_248, %sub3A_201 : vector<1x512xf32>
    %sub3A_250 = arith.subf %mul3A_246, %mul3A_249 : vector<1x512xf32>
    %sub3A_251 = arith.subf %sub3A_250, %min3A_137 : vector<1x512xf32>
    %jit3A_252 = arith.constant 1.000000e+00 : f32
    %broadcast_in_dim3A_253 = vector.broadcast %jit3A_252 : f32 to vector<1x512xf32>
    %select_n3A_254 = arith.select %gt3A_241, %sub3A_237, %broadcast_in_dim3A_253 : vector<1x512xi1>, vector<1x512xf32>
    %div3A_255 = arith.divf %sub3A_251, %select_n3A_254 : vector<1x512xf32>
    %jit3A_256 = arith.constant 0.000000e+00 : f32
    %broadcast_in_dim3A_257 = vector.broadcast %jit3A_256 : f32 to vector<1x512xf32>
    %select_n3A_258 = arith.select %gt3A_241, %div3A_255, %broadcast_in_dim3A_257 : vector<1x512xi1>, vector<1x512xf32>
    %sub3A_259 = arith.subf %sub3A_201, %select_n3A_258 : vector<1x512xf32>
    %mul3A_260 = arith.constant 1.200000e+01 : f32
    %mul3A_261 = vector.broadcast %mul3A_260 : f32 to vector<1x512xf32>
    %mul3A_262 = arith.mulf %mul3A_261, %sub3A_230 : vector<1x512xf32>
    %mul3A_263 = arith.mulf %mul3A_262, %sub3A_230 : vector<1x512xf32>
    %sub3A_264 = arith.constant 3.000000e+00 : f32
    %sub3A_265 = vector.broadcast %sub3A_264 : f32 to vector<1x512xf32>
    %sub3A_266 = arith.subf %mul3A_263, %sub3A_265 : vector<1x512xf32>
    %abs3A_267 = math.absf %sub3A_266 : vector<1x512xf32>
    %gt3A_268 = arith.constant 1.000000e-03 : f32
    %gt3A_269 = vector.broadcast %gt3A_268 : f32 to vector<1x512xf32>
    %gt3A_270 = arith.cmpf ogt, %abs3A_267, %gt3A_269 : vector<1x512xf32>
    %mul3A_271 = arith.constant 4.000000e+00 : f32
    %mul3A_272 = vector.broadcast %mul3A_271 : f32 to vector<1x512xf32>
    %mul3A_273 = arith.mulf %mul3A_272, %sub3A_230 : vector<1x512xf32>
    %mul3A_274 = arith.mulf %mul3A_273, %sub3A_230 : vector<1x512xf32>
    %mul3A_275 = arith.mulf %mul3A_274, %sub3A_230 : vector<1x512xf32>
    %mul3A_276 = arith.constant 3.000000e+00 : f32
    %mul3A_277 = vector.broadcast %mul3A_276 : f32 to vector<1x512xf32>
    %mul3A_278 = arith.mulf %mul3A_277, %sub3A_230 : vector<1x512xf32>
    %sub3A_279 = arith.subf %mul3A_275, %mul3A_278 : vector<1x512xf32>
    %sub3A_280 = arith.subf %sub3A_279, %min3A_137 : vector<1x512xf32>
    %jit3A_281 = arith.constant 1.000000e+00 : f32
    %broadcast_in_dim3A_282 = vector.broadcast %jit3A_281 : f32 to vector<1x512xf32>
    %select_n3A_283 = arith.select %gt3A_270, %sub3A_266, %broadcast_in_dim3A_282 : vector<1x512xi1>, vector<1x512xf32>
    %div3A_284 = arith.divf %sub3A_280, %select_n3A_283 : vector<1x512xf32>
    %jit3A_285 = arith.constant 0.000000e+00 : f32
    %broadcast_in_dim3A_286 = vector.broadcast %jit3A_285 : f32 to vector<1x512xf32>
    %select_n3A_287 = arith.select %gt3A_270, %div3A_284, %broadcast_in_dim3A_286 : vector<1x512xi1>, vector<1x512xf32>
    %sub3A_288 = arith.subf %sub3A_230, %select_n3A_287 : vector<1x512xf32>
    %mul3A_289 = arith.constant 2.000000e+00 : f32
    %mul3A_290 = vector.broadcast %mul3A_289 : f32 to vector<1x512xf32>
    %mul3A_291 = arith.mulf %mul3A_290, %sqrt3A : vector<1x512xf32>
    %mul3A_292 = arith.mulf %mul3A_291, %sub3A_259 : vector<1x512xf32>
    %add3A_293 = arith.addf %div3A_79, %mul3A_292 : vector<1x512xf32>
    %mul3A_294 = arith.constant 2.000000e+00 : f32
    %mul3A_295 = vector.broadcast %mul3A_294 : f32 to vector<1x512xf32>
    %mul3A_296 = arith.mulf %mul3A_295, %sqrt3A : vector<1x512xf32>
    %mul3A_297 = arith.mulf %mul3A_296, %sub3A_288 : vector<1x512xf32>
    %add3A_298 = arith.addf %div3A_79, %mul3A_297 : vector<1x512xf32>
    %mul3A_299 = arith.constant 3.000000e+00 : f32
    %mul3A_300 = vector.broadcast %mul3A_299 : f32 to vector<1x512xf32>
    %mul3A_301 = arith.mulf %mul3A_300, %div3A_79 : vector<1x512xf32>
    %sub3A_302 = arith.subf %mul3A_301, %add3A_293 : vector<1x512xf32>
    %sub3A_303 = arith.subf %sub3A_302, %add3A_298 : vector<1x512xf32>
    %swap3A = arith.constant 0 : index
    %swap3A_304 = arith.constant 0 : index
    %swap3A_305 = arith.constant 0 : index
    %swap3A_306 = vector.load %arg5[%swap3A, %swap3A_304, %swap3A_305] : memref<1x3x512xf32, #tpu.memory_space<vmem>>, vector<1x1x512xf32>
    %swap3A_307 = vector.shape_cast %swap3A_306 : vector<1x1x512xf32> to vector<1x512xf32>
    %swap3A_308 = vector.shape_cast %add3A_298 : vector<1x512xf32> to vector<1x1x512xf32>
    tpu.vector_store %arg5[%swap3A, %swap3A_304, %swap3A_305], %swap3A_308 {strides = array<i32>} : memref<1x3x512xf32, #tpu.memory_space<vmem>>, vector<1x1x512xf32>,
    %swap3A_309 = arith.constant 0 : index
    %swap3A_310 = arith.constant 1 : index
    %swap3A_311 = arith.constant 0 : index
    %swap3A_312 = vector.load %arg5[%swap3A_309, %swap3A_310, %swap3A_311] : memref<1x3x512xf32, #tpu.memory_space<vmem>>, vector<1x1x512xf32>
    %swap3A_313 = vector.shape_cast %swap3A_312 : vector<1x1x512xf32> to vector<1x512xf32>
    %swap3A_314 = vector.shape_cast %sub3A_303 : vector<1x512xf32> to vector<1x1x512xf32>
    tpu.vector_store %arg5[%swap3A_309, %swap3A_310, %swap3A_311], %swap3A_314 {strides = array<i32>} : memref<1x3x512xf32, #tpu.memory_space<vmem>>, vector<1x1x512xf32>,
    %swap3A_315 = arith.constant 0 : index
    %swap3A_316 = arith.constant 2 : index
    %swap3A_317 = arith.constant 0 : index
    %swap3A_318 = vector.load %arg5[%swap3A_315, %swap3A_316, %swap3A_317] : memref<1x3x512xf32, #tpu.memory_space<vmem>>, vector<1x1x512xf32>
    %swap3A_319 = vector.shape_cast %swap3A_318 : vector<1x1x512xf32> to vector<1x512xf32>
    %swap3A_320 = vector.shape_cast %add3A_293 : vector<1x512xf32> to vector<1x1x512xf32>
    tpu.vector_store %arg5[%swap3A_315, %swap3A_316, %swap3A_317], %swap3A_320 {strides = array<i32>} : memref<1x3x512xf32, #tpu.memory_space<vmem>>, vector<1x1x512xf32>,
    return
  }
  func.func @transform_0(%arg0: i32, %arg1: i32) -> (i32, i32, i32) {
    %c0_i32 = arith.constant 0 : i32
    %c0_i32_0 = arith.constant 0 : i32
    return %arg0, %c0_i32, %arg1 : i32, i32, i32
  }
  func.func @transform_1(%arg0: i32, %arg1: i32) -> (i32, i32, i32) {
    %c0_i32 = arith.constant 0 : i32
    %c0_i32_0 = arith.constant 0 : i32
    return %arg0, %c0_i32, %arg1 : i32, i32, i32
  }
  func.func @transform_2(%arg0: i32, %arg1: i32) -> (i32, i32, i32) {
    %c0_i32 = arith.constant 0 : i32
    %c0_i32_0 = arith.constant 0 : i32
    return %arg0, %c0_i32, %arg1 : i32, i32, i32
  }
  func.func @transform_3(%arg0: i32, %arg1: i32) -> (i32, i32, i32) {
    %c0_i32 = arith.constant 0 : i32
    %c0_i32_0 = arith.constant 0 : i32
    return %arg0, %c0_i32, %arg1 : i32, i32, i32
  }
}

module attributes {stable_mosaic.version = 14 : i64} {
  func.func @_final_body(%arg0: i32, %arg1: i32, %arg2: memref<1x20x512xf32, #tpu.memory_space<vmem>>, %arg3: memref<1x20x512xf32, #tpu.memory_space<vmem>>, %arg4: memref<1x20x512xf32, #tpu.memory_space<vmem>>, %arg5: memref<1x20x512xf32, #tpu.memory_space<vmem>>, %arg6: memref<1x20x512xf32, #tpu.memory_space<vmem>>, %arg7: memref<1x20x512xf32, #tpu.memory_space<vmem>>, %arg8: memref<1x20x512xf32, #tpu.memory_space<vmem>>, %arg9: memref<1x20x512xf32, #tpu.memory_space<vmem>>, %arg10: memref<1x20x512xf32, #tpu.memory_space<vmem>>, %arg11: memref<1x20x512xf32, #tpu.memory_space<vmem>>, %arg12: memref<1x20x512xf32, #tpu.memory_space<vmem>>, %arg13: memref<1x20x512xf32, #tpu.memory_space<vmem>>, %arg14: memref<16x16xf32, #tpu.memory_space<vmem>>, %arg15: memref<64x13xf32, #tpu.memory_space<vmem>>, %arg16: memref<64x1xf32, #tpu.memory_space<vmem>>, %arg17: memref<64x1xf32, #tpu.memory_space<vmem>>, %arg18: memref<1x64x512xf32, #tpu.memory_space<vmem>>) attributes {dimension_semantics = [#tpu.dimension_semantics<arbitrary>, #tpu.dimension_semantics<arbitrary>], iteration_bounds = array<i64: 8, 4>, scalar_prefetch = 0 : i64, scratch_operands = 0 : i64, tpu.core_type = #tpu.core_type<tc>, window_params = [{transform_indices = @transform_0, window_bounds = array<i64: 1, 20, 512>}, {transform_indices = @transform_1, window_bounds = array<i64: 1, 20, 512>}, {transform_indices = @transform_2, window_bounds = array<i64: 1, 20, 512>}, {transform_indices = @transform_3, window_bounds = array<i64: 1, 20, 512>}, {transform_indices = @transform_4, window_bounds = array<i64: 1, 20, 512>}, {transform_indices = @transform_5, window_bounds = array<i64: 1, 20, 512>}, {transform_indices = @transform_6, window_bounds = array<i64: 1, 20, 512>}, {transform_indices = @transform_7, window_bounds = array<i64: 1, 20, 512>}, {transform_indices = @transform_8, window_bounds = array<i64: 1, 20, 512>}, {transform_indices = @transform_9, window_bounds = array<i64: 1, 20, 512>}, {transform_indices = @transform_10, window_bounds = array<i64: 1, 20, 512>}, {transform_indices = @transform_11, window_bounds = array<i64: 1, 20, 512>}, {pipeline_mode = #tpu.pipeline_mode<synchronous>, transform_indices = @transform_12, window_bounds = array<i64: 16, 16>}, {pipeline_mode = #tpu.pipeline_mode<synchronous>, transform_indices = @transform_13, window_bounds = array<i64: 64, 13>}, {pipeline_mode = #tpu.pipeline_mode<synchronous>, transform_indices = @transform_14, window_bounds = array<i64: 64, 1>}, {pipeline_mode = #tpu.pipeline_mode<synchronous>, transform_indices = @transform_15, window_bounds = array<i64: 64, 1>}, {transform_indices = @transform_16, window_bounds = array<i64: 1, 64, 512>}]} {
    %get3A = arith.constant 0 : index
    %get3A_0 = arith.constant 0 : index
    %get3A_1 = vector.load %arg14[%get3A, %get3A_0] : memref<16x16xf32, #tpu.memory_space<vmem>>, vector<16x16xf32>
    %slice3A = vector.extract_strided_slice %get3A_1 {offsets = [13, 13], sizes = [1, 1], strides = [1, 1]} : vector<16x16xf32> to vector<1x1xf32>
    %get3A_2 = arith.constant 0 : index
    %get3A_3 = arith.constant 0 : index
    %get3A_4 = vector.load %arg15[%get3A_2, %get3A_3] : memref<64x13xf32, #tpu.memory_space<vmem>>, vector<64x13xf32>
    %bitcast_convert_type3A = tpu.bitcast %get3A_4 : vector<64x13xf32> -> vector<64x13xi32>
    %shift_right_logical3A = arith.constant 16 : i32
    %shift_right_logical3A_5 = vector.broadcast %shift_right_logical3A : i32 to vector<64x13xi32>
    %shift_right_logical3A_6 = arith.shrui %bitcast_convert_type3A, %shift_right_logical3A_5 : vector<64x13xi32>
    %and3A = arith.constant 1 : i32
    %and3A_7 = vector.broadcast %and3A : i32 to vector<64x13xi32>
    %and3A_8 = arith.andi %shift_right_logical3A_6, %and3A_7 : vector<64x13xi32>
    %add3A = arith.constant 32767 : i32
    %add3A_9 = vector.broadcast %add3A : i32 to vector<64x13xi32>
    %add3A_10 = arith.addi %bitcast_convert_type3A, %add3A_9 : vector<64x13xi32>
    %add3A_11 = arith.addi %add3A_10, %and3A_8 : vector<64x13xi32>
    %and3A_12 = arith.constant -65536 : i32
    %and3A_13 = vector.broadcast %and3A_12 : i32 to vector<64x13xi32>
    %and3A_14 = arith.andi %add3A_11, %and3A_13 : vector<64x13xi32>
    %bitcast_convert_type3A_15 = tpu.bitcast %and3A_14 : vector<64x13xi32> -> vector<64x13xf32>
    %get3A_16 = arith.constant 0 : index
    %get3A_17 = arith.constant 0 : index
    %get3A_18 = vector.load %arg16[%get3A_16, %get3A_17] : memref<64x1xf32, #tpu.memory_space<vmem>>, vector<64x1xf32>
    %get3A_19 = arith.constant 0 : index
    %get3A_20 = arith.constant 0 : index
    %get3A_21 = vector.load %arg17[%get3A_19, %get3A_20] : memref<64x1xf32, #tpu.memory_space<vmem>>, vector<64x1xf32>
    %squeeze3A = vector.extract %slice3A[0, 0] : f32 from vector<1x1xf32>
    %div3A = arith.constant 1.000000e+00 : f32
    %div3A_22 = arith.divf %div3A, %squeeze3A : f32
    %slice3A_23 = vector.extract_strided_slice %get3A_1 {offsets = [0, 13], sizes = [13, 1], strides = [1, 1]} : vector<16x16xf32> to vector<13x1xf32>
    %mul3A = vector.broadcast %div3A_22 : f32 to vector<13x1xf32>
    %mul3A_24 = arith.mulf %slice3A_23, %mul3A : vector<13x1xf32>
    %slice3A_25 = vector.extract_strided_slice %get3A_1 {offsets = [0, 0], sizes = [13, 13], strides = [1, 1]} : vector<16x16xf32> to vector<13x13xf32>
    %mul3A_26 = vector.broadcast %div3A_22 : f32 to vector<13x13xf32>
    %mul3A_27 = arith.mulf %slice3A_25, %mul3A_26 : vector<13x13xf32>
    %dot_general3A = arith.constant dense<0.000000e+00> : vector<64x1xf32>
    %dot_general3A_28 = tpu.matmul %bitcast_convert_type3A_15, %mul3A_24, %dot_general3A {dimension_numbers = #tpu.dot_dimension_numbers<[1], [0], [0], [1], [0, 0, 1, 1], [], []>, transpose_lhs_hint = false} : vector<64x13xf32>, vector<13x1xf32>, vector<64x1xf32> -> vector<64x1xf32>
    %dot_general3A_29 = arith.constant dense<0.000000e+00> : vector<64x13xf32>
    %dot_general3A_30 = tpu.matmul %bitcast_convert_type3A_15, %mul3A_27, %dot_general3A_29 {dimension_numbers = #tpu.dot_dimension_numbers<[1], [0], [0], [1], [0, 0, 1, 1], [], []>, transpose_lhs_hint = false} : vector<64x13xf32>, vector<13x13xf32>, vector<64x13xf32> -> vector<64x13xf32>
    %mul3A_31 = arith.mulf %bitcast_convert_type3A_15, %dot_general3A_30 : vector<64x13xf32>
    %reduce_sum3A = arith.constant dense<0.000000e+00> : vector<64xf32>
    %reduce_sum3A_32 = vector.multi_reduction <add>, %mul3A_31, %reduce_sum3A [1] : vector<64x13xf32> to vector<64xf32>
    %broadcast_in_dim3A = vector.shape_cast %reduce_sum3A_32 : vector<64xf32> to vector<64x1xf32>
    %mul3A_33 = arith.mulf %dot_general3A_28, %dot_general3A_28 : vector<64x1xf32>
    %sub3A = arith.subf %broadcast_in_dim3A, %mul3A_33 : vector<64x1xf32>
    %max3A = arith.constant 0.000000e+00 : f32
    %max3A_34 = vector.broadcast %max3A : f32 to vector<64x1xf32>
    %max3A_35 = arith.maximumf %sub3A, %max3A_34 : vector<64x1xf32>
    %add3A_36 = arith.constant 9.99999974E-6 : f32
    %add3A_37 = vector.broadcast %add3A_36 : f32 to vector<64x1xf32>
    %add3A_38 = arith.addf %max3A_35, %add3A_37 : vector<64x1xf32>
    %sqrt3A = math.sqrt %add3A_38 : vector<64x1xf32>
    %div3A_39 = arith.divf %get3A_18, %sqrt3A : vector<64x1xf32>
    %mul3A_40 = arith.mulf %dot_general3A_28, %div3A_39 : vector<64x1xf32>
    %sub3A_41 = arith.subf %get3A_21, %mul3A_40 : vector<64x1xf32>
    %get3A_42 = arith.constant 0 : index
    %get3A_43 = arith.constant 0 : index
    %get3A_44 = arith.constant 0 : index
    %get3A_45 = vector.load %arg2[%get3A_42, %get3A_43, %get3A_44] : memref<1x20x512xf32, #tpu.memory_space<vmem>>, vector<1x20x512xf32>
    %get3A_46 = vector.shape_cast %get3A_45 : vector<1x20x512xf32> to vector<20x512xf32>
    %get3A_47 = arith.constant 0 : index
    %get3A_48 = arith.constant 0 : index
    %get3A_49 = arith.constant 0 : index
    %get3A_50 = vector.load %arg3[%get3A_47, %get3A_48, %get3A_49] : memref<1x20x512xf32, #tpu.memory_space<vmem>>, vector<1x20x512xf32>
    %get3A_51 = vector.shape_cast %get3A_50 : vector<1x20x512xf32> to vector<20x512xf32>
    %get3A_52 = arith.constant 0 : index
    %get3A_53 = arith.constant 0 : index
    %get3A_54 = arith.constant 0 : index
    %get3A_55 = vector.load %arg4[%get3A_52, %get3A_53, %get3A_54] : memref<1x20x512xf32, #tpu.memory_space<vmem>>, vector<1x20x512xf32>
    %get3A_56 = vector.shape_cast %get3A_55 : vector<1x20x512xf32> to vector<20x512xf32>
    %get3A_57 = arith.constant 0 : index
    %get3A_58 = arith.constant 0 : index
    %get3A_59 = arith.constant 0 : index
    %get3A_60 = vector.load %arg5[%get3A_57, %get3A_58, %get3A_59] : memref<1x20x512xf32, #tpu.memory_space<vmem>>, vector<1x20x512xf32>
    %get3A_61 = vector.shape_cast %get3A_60 : vector<1x20x512xf32> to vector<20x512xf32>
    %get3A_62 = arith.constant 0 : index
    %get3A_63 = arith.constant 0 : index
    %get3A_64 = arith.constant 0 : index
    %get3A_65 = vector.load %arg6[%get3A_62, %get3A_63, %get3A_64] : memref<1x20x512xf32, #tpu.memory_space<vmem>>, vector<1x20x512xf32>
    %get3A_66 = vector.shape_cast %get3A_65 : vector<1x20x512xf32> to vector<20x512xf32>
    %get3A_67 = arith.constant 0 : index
    %get3A_68 = arith.constant 0 : index
    %get3A_69 = arith.constant 0 : index
    %get3A_70 = vector.load %arg7[%get3A_67, %get3A_68, %get3A_69] : memref<1x20x512xf32, #tpu.memory_space<vmem>>, vector<1x20x512xf32>
    %get3A_71 = vector.shape_cast %get3A_70 : vector<1x20x512xf32> to vector<20x512xf32>
    %get3A_72 = arith.constant 0 : index
    %get3A_73 = arith.constant 0 : index
    %get3A_74 = arith.constant 0 : index
    %get3A_75 = vector.load %arg8[%get3A_72, %get3A_73, %get3A_74] : memref<1x20x512xf32, #tpu.memory_space<vmem>>, vector<1x20x512xf32>
    %get3A_76 = vector.shape_cast %get3A_75 : vector<1x20x512xf32> to vector<20x512xf32>
    %get3A_77 = arith.constant 0 : index
    %get3A_78 = arith.constant 0 : index
    %get3A_79 = arith.constant 0 : index
    %get3A_80 = vector.load %arg9[%get3A_77, %get3A_78, %get3A_79] : memref<1x20x512xf32, #tpu.memory_space<vmem>>, vector<1x20x512xf32>
    %get3A_81 = vector.shape_cast %get3A_80 : vector<1x20x512xf32> to vector<20x512xf32>
    %get3A_82 = arith.constant 0 : index
    %get3A_83 = arith.constant 0 : index
    %get3A_84 = arith.constant 0 : index
    %get3A_85 = vector.load %arg10[%get3A_82, %get3A_83, %get3A_84] : memref<1x20x512xf32, #tpu.memory_space<vmem>>, vector<1x20x512xf32>
    %get3A_86 = vector.shape_cast %get3A_85 : vector<1x20x512xf32> to vector<20x512xf32>
    %get3A_87 = arith.constant 0 : index
    %get3A_88 = arith.constant 0 : index
    %get3A_89 = arith.constant 0 : index
    %get3A_90 = vector.load %arg11[%get3A_87, %get3A_88, %get3A_89] : memref<1x20x512xf32, #tpu.memory_space<vmem>>, vector<1x20x512xf32>
    %get3A_91 = vector.shape_cast %get3A_90 : vector<1x20x512xf32> to vector<20x512xf32>
    %get3A_92 = arith.constant 0 : index
    %get3A_93 = arith.constant 0 : index
    %get3A_94 = arith.constant 0 : index
    %get3A_95 = vector.load %arg12[%get3A_92, %get3A_93, %get3A_94] : memref<1x20x512xf32, #tpu.memory_space<vmem>>, vector<1x20x512xf32>
    %get3A_96 = vector.shape_cast %get3A_95 : vector<1x20x512xf32> to vector<20x512xf32>
    %get3A_97 = arith.constant 0 : index
    %get3A_98 = arith.constant 0 : index
    %get3A_99 = arith.constant 0 : index
    %get3A_100 = vector.load %arg13[%get3A_97, %get3A_98, %get3A_99] : memref<1x20x512xf32, #tpu.memory_space<vmem>>, vector<1x20x512xf32>
    %get3A_101 = vector.shape_cast %get3A_100 : vector<1x20x512xf32> to vector<20x512xf32>
    %mul3A_102 = arith.mulf %get3A_46, %get3A_46 : vector<20x512xf32>
    %mul3A_103 = arith.mulf %get3A_51, %get3A_51 : vector<20x512xf32>
    %add3A_104 = arith.addf %mul3A_102, %mul3A_103 : vector<20x512xf32>
    %mul3A_105 = arith.mulf %get3A_56, %get3A_56 : vector<20x512xf32>
    %add3A_106 = arith.addf %add3A_104, %mul3A_105 : vector<20x512xf32>
    %add3A_107 = arith.constant 9.99999996E-13 : f32
    %add3A_108 = vector.broadcast %add3A_107 : f32 to vector<20x512xf32>
    %add3A_109 = arith.addf %add3A_106, %add3A_108 : vector<20x512xf32>
    %sqrt3A_110 = math.sqrt %add3A_109 : vector<20x512xf32>
    %broadcast_in_dim3A_111 = arith.constant -3.000000e+38 : f32
    %broadcast_in_dim3A_112 = vector.broadcast %broadcast_in_dim3A_111 : f32 to vector<64x512xf32>
    %slice3A_113 = vector.extract_strided_slice %get3A_46 {offsets = [0, 0], sizes = [1, 512], strides = [1, 1]} : vector<20x512xf32> to vector<1x512xf32>
    %slice3A_114 = vector.extract_strided_slice %get3A_51 {offsets = [0, 0], sizes = [1, 512], strides = [1, 1]} : vector<20x512xf32> to vector<1x512xf32>
    %slice3A_115 = vector.extract_strided_slice %get3A_56 {offsets = [0, 0], sizes = [1, 512], strides = [1, 1]} : vector<20x512xf32> to vector<1x512xf32>
    %slice3A_116 = vector.extract_strided_slice %get3A_61 {offsets = [0, 0], sizes = [1, 512], strides = [1, 1]} : vector<20x512xf32> to vector<1x512xf32>
    %slice3A_117 = vector.extract_strided_slice %get3A_66 {offsets = [0, 0], sizes = [1, 512], strides = [1, 1]} : vector<20x512xf32> to vector<1x512xf32>
    %slice3A_118 = vector.extract_strided_slice %get3A_71 {offsets = [0, 0], sizes = [1, 512], strides = [1, 1]} : vector<20x512xf32> to vector<1x512xf32>
    %slice3A_119 = vector.extract_strided_slice %get3A_76 {offsets = [0, 0], sizes = [1, 512], strides = [1, 1]} : vector<20x512xf32> to vector<1x512xf32>
    %slice3A_120 = vector.extract_strided_slice %get3A_81 {offsets = [0, 0], sizes = [1, 512], strides = [1, 1]} : vector<20x512xf32> to vector<1x512xf32>
    %slice3A_121 = vector.extract_strided_slice %get3A_86 {offsets = [0, 0], sizes = [1, 512], strides = [1, 1]} : vector<20x512xf32> to vector<1x512xf32>
    %slice3A_122 = vector.extract_strided_slice %get3A_91 {offsets = [0, 0], sizes = [1, 512], strides = [1, 1]} : vector<20x512xf32> to vector<1x512xf32>
    %slice3A_123 = vector.extract_strided_slice %get3A_96 {offsets = [0, 0], sizes = [1, 512], strides = [1, 1]} : vector<20x512xf32> to vector<1x512xf32>
    %slice3A_124 = vector.extract_strided_slice %get3A_101 {offsets = [0, 0], sizes = [1, 512], strides = [1, 1]} : vector<20x512xf32> to vector<1x512xf32>
    %slice3A_125 = vector.extract_strided_slice %sqrt3A_110 {offsets = [0, 0], sizes = [1, 512], strides = [1, 1]} : vector<20x512xf32> to vector<1x512xf32>
    %concatenate3A = tpu.concatenate %slice3A_113, %slice3A_114, %slice3A_115, %slice3A_116, %slice3A_117, %slice3A_118, %slice3A_119, %slice3A_120, %slice3A_121, %slice3A_122, %slice3A_123, %slice3A_124, %slice3A_125 in 0 : vector<1x512xf32>, vector<1x512xf32>, vector<1x512xf32>, vector<1x512xf32>, vector<1x512xf32>, vector<1x512xf32>, vector<1x512xf32>, vector<1x512xf32>, vector<1x512xf32>, vector<1x512xf32>, vector<1x512xf32>, vector<1x512xf32>, vector<1x512xf32> -> vector<13x512xf32>
    %bitcast_convert_type3A_126 = tpu.bitcast %concatenate3A : vector<13x512xf32> -> vector<13x512xi32>
    %shift_right_logical3A_127 = arith.constant 16 : i32
    %shift_right_logical3A_128 = vector.broadcast %shift_right_logical3A_127 : i32 to vector<13x512xi32>
    %shift_right_logical3A_129 = arith.shrui %bitcast_convert_type3A_126, %shift_right_logical3A_128 : vector<13x512xi32>
    %and3A_130 = arith.constant 1 : i32
    %and3A_131 = vector.broadcast %and3A_130 : i32 to vector<13x512xi32>
    %and3A_132 = arith.andi %shift_right_logical3A_129, %and3A_131 : vector<13x512xi32>
    %add3A_133 = arith.constant 32767 : i32
    %add3A_134 = vector.broadcast %add3A_133 : i32 to vector<13x512xi32>
    %add3A_135 = arith.addi %bitcast_convert_type3A_126, %add3A_134 : vector<13x512xi32>
    %add3A_136 = arith.addi %add3A_135, %and3A_132 : vector<13x512xi32>
    %and3A_137 = arith.constant -65536 : i32
    %and3A_138 = vector.broadcast %and3A_137 : i32 to vector<13x512xi32>
    %and3A_139 = arith.andi %add3A_136, %and3A_138 : vector<13x512xi32>
    %bitcast_convert_type3A_140 = tpu.bitcast %and3A_139 : vector<13x512xi32> -> vector<13x512xf32>
    %dot_general3A_141 = arith.constant dense<0.000000e+00> : vector<64x512xf32>
    %dot_general3A_142 = tpu.matmul %bitcast_convert_type3A_15, %bitcast_convert_type3A_140, %dot_general3A_141 {dimension_numbers = #tpu.dot_dimension_numbers<[1], [0], [0], [1], [0, 0, 1, 1], [], []>, transpose_lhs_hint = false} : vector<64x13xf32>, vector<13x512xf32>, vector<64x512xf32> -> vector<64x512xf32>
    %mul3A_143 = vector.broadcast %div3A_39 : vector<64x1xf32> to vector<64x512xf32>
    %mul3A_144 = arith.mulf %dot_general3A_142, %mul3A_143 : vector<64x512xf32>
    %add3A_145 = vector.broadcast %sub3A_41 : vector<64x1xf32> to vector<64x512xf32>
    %add3A_146 = arith.addf %mul3A_144, %add3A_145 : vector<64x512xf32>
    %ge3A = arith.constant 0.000000e+00 : f32
    %ge3A_147 = vector.broadcast %ge3A : f32 to vector<64x512xf32>
    %ge3A_148 = arith.cmpf oge, %add3A_146, %ge3A_147 : vector<64x512xf32>
    %mul3A_149 = arith.constant 2.000000e-01 : f32
    %mul3A_150 = vector.broadcast %mul3A_149 : f32 to vector<64x512xf32>
    %mul3A_151 = arith.mulf %mul3A_150, %add3A_146 : vector<64x512xf32>
    %select_n3A = arith.select %ge3A_148, %add3A_146, %mul3A_151 : vector<64x512xi1>, vector<64x512xf32>
    %max3A_152 = arith.maximumf %broadcast_in_dim3A_112, %select_n3A : vector<64x512xf32>
    %slice3A_153 = vector.extract_strided_slice %get3A_46 {offsets = [1, 0], sizes = [1, 512], strides = [1, 1]} : vector<20x512xf32> to vector<1x512xf32>
    %slice3A_154 = vector.extract_strided_slice %get3A_51 {offsets = [1, 0], sizes = [1, 512], strides = [1, 1]} : vector<20x512xf32> to vector<1x512xf32>
    %slice3A_155 = vector.extract_strided_slice %get3A_56 {offsets = [1, 0], sizes = [1, 512], strides = [1, 1]} : vector<20x512xf32> to vector<1x512xf32>
    %slice3A_156 = vector.extract_strided_slice %get3A_61 {offsets = [1, 0], sizes = [1, 512], strides = [1, 1]} : vector<20x512xf32> to vector<1x512xf32>
    %slice3A_157 = vector.extract_strided_slice %get3A_66 {offsets = [1, 0], sizes = [1, 512], strides = [1, 1]} : vector<20x512xf32> to vector<1x512xf32>
    %slice3A_158 = vector.extract_strided_slice %get3A_71 {offsets = [1, 0], sizes = [1, 512], strides = [1, 1]} : vector<20x512xf32> to vector<1x512xf32>
    %slice3A_159 = vector.extract_strided_slice %get3A_76 {offsets = [1, 0], sizes = [1, 512], strides = [1, 1]} : vector<20x512xf32> to vector<1x512xf32>
    %slice3A_160 = vector.extract_strided_slice %get3A_81 {offsets = [1, 0], sizes = [1, 512], strides = [1, 1]} : vector<20x512xf32> to vector<1x512xf32>
    %slice3A_161 = vector.extract_strided_slice %get3A_86 {offsets = [1, 0], sizes = [1, 512], strides = [1, 1]} : vector<20x512xf32> to vector<1x512xf32>
    %slice3A_162 = vector.extract_strided_slice %get3A_91 {offsets = [1, 0], sizes = [1, 512], strides = [1, 1]} : vector<20x512xf32> to vector<1x512xf32>
    %slice3A_163 = vector.extract_strided_slice %get3A_96 {offsets = [1, 0], sizes = [1, 512], strides = [1, 1]} : vector<20x512xf32> to vector<1x512xf32>
    %slice3A_164 = vector.extract_strided_slice %get3A_101 {offsets = [1, 0], sizes = [1, 512], strides = [1, 1]} : vector<20x512xf32> to vector<1x512xf32>
    %slice3A_165 = vector.extract_strided_slice %sqrt3A_110 {offsets = [1, 0], sizes = [1, 512], strides = [1, 1]} : vector<20x512xf32> to vector<1x512xf32>
    %concatenate3A_166 = tpu.concatenate %slice3A_153, %slice3A_154, %slice3A_155, %slice3A_156, %slice3A_157, %slice3A_158, %slice3A_159, %slice3A_160, %slice3A_161, %slice3A_162, %slice3A_163, %slice3A_164, %slice3A_165 in 0 : vector<1x512xf32>, vector<1x512xf32>, vector<1x512xf32>, vector<1x512xf32>, vector<1x512xf32>, vector<1x512xf32>, vector<1x512xf32>, vector<1x512xf32>, vector<1x512xf32>, vector<1x512xf32>, vector<1x512xf32>, vector<1x512xf32>, vector<1x512xf32> -> vector<13x512xf32>
    %bitcast_convert_type3A_167 = tpu.bitcast %concatenate3A_166 : vector<13x512xf32> -> vector<13x512xi32>
    %shift_right_logical3A_168 = arith.constant 16 : i32
    %shift_right_logical3A_169 = vector.broadcast %shift_right_logical3A_168 : i32 to vector<13x512xi32>
    %shift_right_logical3A_170 = arith.shrui %bitcast_convert_type3A_167, %shift_right_logical3A_169 : vector<13x512xi32>
    %and3A_171 = arith.constant 1 : i32
    %and3A_172 = vector.broadcast %and3A_171 : i32 to vector<13x512xi32>
    %and3A_173 = arith.andi %shift_right_logical3A_170, %and3A_172 : vector<13x512xi32>
    %add3A_174 = arith.constant 32767 : i32
    %add3A_175 = vector.broadcast %add3A_174 : i32 to vector<13x512xi32>
    %add3A_176 = arith.addi %bitcast_convert_type3A_167, %add3A_175 : vector<13x512xi32>
    %add3A_177 = arith.addi %add3A_176, %and3A_173 : vector<13x512xi32>
    %and3A_178 = arith.constant -65536 : i32
    %and3A_179 = vector.broadcast %and3A_178 : i32 to vector<13x512xi32>
    %and3A_180 = arith.andi %add3A_177, %and3A_179 : vector<13x512xi32>
    %bitcast_convert_type3A_181 = tpu.bitcast %and3A_180 : vector<13x512xi32> -> vector<13x512xf32>
    %dot_general3A_182 = arith.constant dense<0.000000e+00> : vector<64x512xf32>
    %dot_general3A_183 = tpu.matmul %bitcast_convert_type3A_15, %bitcast_convert_type3A_181, %dot_general3A_182 {dimension_numbers = #tpu.dot_dimension_numbers<[1], [0], [0], [1], [0, 0, 1, 1], [], []>, transpose_lhs_hint = false} : vector<64x13xf32>, vector<13x512xf32>, vector<64x512xf32> -> vector<64x512xf32>
    %mul3A_184 = vector.broadcast %div3A_39 : vector<64x1xf32> to vector<64x512xf32>
    %mul3A_185 = arith.mulf %dot_general3A_183, %mul3A_184 : vector<64x512xf32>
    %add3A_186 = vector.broadcast %sub3A_41 : vector<64x1xf32> to vector<64x512xf32>
    %add3A_187 = arith.addf %mul3A_185, %add3A_186 : vector<64x512xf32>
    %ge3A_188 = arith.constant 0.000000e+00 : f32
    %ge3A_189 = vector.broadcast %ge3A_188 : f32 to vector<64x512xf32>
    %ge3A_190 = arith.cmpf oge, %add3A_187, %ge3A_189 : vector<64x512xf32>
    %mul3A_191 = arith.constant 2.000000e-01 : f32
    %mul3A_192 = vector.broadcast %mul3A_191 : f32 to vector<64x512xf32>
    %mul3A_193 = arith.mulf %mul3A_192, %add3A_187 : vector<64x512xf32>
    %select_n3A_194 = arith.select %ge3A_190, %add3A_187, %mul3A_193 : vector<64x512xi1>, vector<64x512xf32>
    %max3A_195 = arith.maximumf %max3A_152, %select_n3A_194 : vector<64x512xf32>
    %slice3A_196 = vector.extract_strided_slice %get3A_46 {offsets = [2, 0], sizes = [1, 512], strides = [1, 1]} : vector<20x512xf32> to vector<1x512xf32>
    %slice3A_197 = vector.extract_strided_slice %get3A_51 {offsets = [2, 0], sizes = [1, 512], strides = [1, 1]} : vector<20x512xf32> to vector<1x512xf32>
    %slice3A_198 = vector.extract_strided_slice %get3A_56 {offsets = [2, 0], sizes = [1, 512], strides = [1, 1]} : vector<20x512xf32> to vector<1x512xf32>
    %slice3A_199 = vector.extract_strided_slice %get3A_61 {offsets = [2, 0], sizes = [1, 512], strides = [1, 1]} : vector<20x512xf32> to vector<1x512xf32>
    %slice3A_200 = vector.extract_strided_slice %get3A_66 {offsets = [2, 0], sizes = [1, 512], strides = [1, 1]} : vector<20x512xf32> to vector<1x512xf32>
    %slice3A_201 = vector.extract_strided_slice %get3A_71 {offsets = [2, 0], sizes = [1, 512], strides = [1, 1]} : vector<20x512xf32> to vector<1x512xf32>
    %slice3A_202 = vector.extract_strided_slice %get3A_76 {offsets = [2, 0], sizes = [1, 512], strides = [1, 1]} : vector<20x512xf32> to vector<1x512xf32>
    %slice3A_203 = vector.extract_strided_slice %get3A_81 {offsets = [2, 0], sizes = [1, 512], strides = [1, 1]} : vector<20x512xf32> to vector<1x512xf32>
    %slice3A_204 = vector.extract_strided_slice %get3A_86 {offsets = [2, 0], sizes = [1, 512], strides = [1, 1]} : vector<20x512xf32> to vector<1x512xf32>
    %slice3A_205 = vector.extract_strided_slice %get3A_91 {offsets = [2, 0], sizes = [1, 512], strides = [1, 1]} : vector<20x512xf32> to vector<1x512xf32>
    %slice3A_206 = vector.extract_strided_slice %get3A_96 {offsets = [2, 0], sizes = [1, 512], strides = [1, 1]} : vector<20x512xf32> to vector<1x512xf32>
    %slice3A_207 = vector.extract_strided_slice %get3A_101 {offsets = [2, 0], sizes = [1, 512], strides = [1, 1]} : vector<20x512xf32> to vector<1x512xf32>
    %slice3A_208 = vector.extract_strided_slice %sqrt3A_110 {offsets = [2, 0], sizes = [1, 512], strides = [1, 1]} : vector<20x512xf32> to vector<1x512xf32>
    %concatenate3A_209 = tpu.concatenate %slice3A_196, %slice3A_197, %slice3A_198, %slice3A_199, %slice3A_200, %slice3A_201, %slice3A_202, %slice3A_203, %slice3A_204, %slice3A_205, %slice3A_206, %slice3A_207, %slice3A_208 in 0 : vector<1x512xf32>, vector<1x512xf32>, vector<1x512xf32>, vector<1x512xf32>, vector<1x512xf32>, vector<1x512xf32>, vector<1x512xf32>, vector<1x512xf32>, vector<1x512xf32>, vector<1x512xf32>, vector<1x512xf32>, vector<1x512xf32>, vector<1x512xf32> -> vector<13x512xf32>
    %bitcast_convert_type3A_210 = tpu.bitcast %concatenate3A_209 : vector<13x512xf32> -> vector<13x512xi32>
    %shift_right_logical3A_211 = arith.constant 16 : i32
    %shift_right_logical3A_212 = vector.broadcast %shift_right_logical3A_211 : i32 to vector<13x512xi32>
    %shift_right_logical3A_213 = arith.shrui %bitcast_convert_type3A_210, %shift_right_logical3A_212 : vector<13x512xi32>
    %and3A_214 = arith.constant 1 : i32
    %and3A_215 = vector.broadcast %and3A_214 : i32 to vector<13x512xi32>
    %and3A_216 = arith.andi %shift_right_logical3A_213, %and3A_215 : vector<13x512xi32>
    %add3A_217 = arith.constant 32767 : i32
    %add3A_218 = vector.broadcast %add3A_217 : i32 to vector<13x512xi32>
    %add3A_219 = arith.addi %bitcast_convert_type3A_210, %add3A_218 : vector<13x512xi32>
    %add3A_220 = arith.addi %add3A_219, %and3A_216 : vector<13x512xi32>
    %and3A_221 = arith.constant -65536 : i32
    %and3A_222 = vector.broadcast %and3A_221 : i32 to vector<13x512xi32>
    %and3A_223 = arith.andi %add3A_220, %and3A_222 : vector<13x512xi32>
    %bitcast_convert_type3A_224 = tpu.bitcast %and3A_223 : vector<13x512xi32> -> vector<13x512xf32>
    %dot_general3A_225 = arith.constant dense<0.000000e+00> : vector<64x512xf32>
    %dot_general3A_226 = tpu.matmul %bitcast_convert_type3A_15, %bitcast_convert_type3A_224, %dot_general3A_225 {dimension_numbers = #tpu.dot_dimension_numbers<[1], [0], [0], [1], [0, 0, 1, 1], [], []>, transpose_lhs_hint = false} : vector<64x13xf32>, vector<13x512xf32>, vector<64x512xf32> -> vector<64x512xf32>
    %mul3A_227 = vector.broadcast %div3A_39 : vector<64x1xf32> to vector<64x512xf32>
    %mul3A_228 = arith.mulf %dot_general3A_226, %mul3A_227 : vector<64x512xf32>
    %add3A_229 = vector.broadcast %sub3A_41 : vector<64x1xf32> to vector<64x512xf32>
    %add3A_230 = arith.addf %mul3A_228, %add3A_229 : vector<64x512xf32>
    %ge3A_231 = arith.constant 0.000000e+00 : f32
    %ge3A_232 = vector.broadcast %ge3A_231 : f32 to vector<64x512xf32>
    %ge3A_233 = arith.cmpf oge, %add3A_230, %ge3A_232 : vector<64x512xf32>
    %mul3A_234 = arith.constant 2.000000e-01 : f32
    %mul3A_235 = vector.broadcast %mul3A_234 : f32 to vector<64x512xf32>
    %mul3A_236 = arith.mulf %mul3A_235, %add3A_230 : vector<64x512xf32>
    %select_n3A_237 = arith.select %ge3A_233, %add3A_230, %mul3A_236 : vector<64x512xi1>, vector<64x512xf32>
    %max3A_238 = arith.maximumf %max3A_195, %select_n3A_237 : vector<64x512xf32>
    %slice3A_239 = vector.extract_strided_slice %get3A_46 {offsets = [3, 0], sizes = [1, 512], strides = [1, 1]} : vector<20x512xf32> to vector<1x512xf32>
    %slice3A_240 = vector.extract_strided_slice %get3A_51 {offsets = [3, 0], sizes = [1, 512], strides = [1, 1]} : vector<20x512xf32> to vector<1x512xf32>
    %slice3A_241 = vector.extract_strided_slice %get3A_56 {offsets = [3, 0], sizes = [1, 512], strides = [1, 1]} : vector<20x512xf32> to vector<1x512xf32>
    %slice3A_242 = vector.extract_strided_slice %get3A_61 {offsets = [3, 0], sizes = [1, 512], strides = [1, 1]} : vector<20x512xf32> to vector<1x512xf32>
    %slice3A_243 = vector.extract_strided_slice %get3A_66 {offsets = [3, 0], sizes = [1, 512], strides = [1, 1]} : vector<20x512xf32> to vector<1x512xf32>
    %slice3A_244 = vector.extract_strided_slice %get3A_71 {offsets = [3, 0], sizes = [1, 512], strides = [1, 1]} : vector<20x512xf32> to vector<1x512xf32>
    %slice3A_245 = vector.extract_strided_slice %get3A_76 {offsets = [3, 0], sizes = [1, 512], strides = [1, 1]} : vector<20x512xf32> to vector<1x512xf32>
    %slice3A_246 = vector.extract_strided_slice %get3A_81 {offsets = [3, 0], sizes = [1, 512], strides = [1, 1]} : vector<20x512xf32> to vector<1x512xf32>
    %slice3A_247 = vector.extract_strided_slice %get3A_86 {offsets = [3, 0], sizes = [1, 512], strides = [1, 1]} : vector<20x512xf32> to vector<1x512xf32>
    %slice3A_248 = vector.extract_strided_slice %get3A_91 {offsets = [3, 0], sizes = [1, 512], strides = [1, 1]} : vector<20x512xf32> to vector<1x512xf32>
    %slice3A_249 = vector.extract_strided_slice %get3A_96 {offsets = [3, 0], sizes = [1, 512], strides = [1, 1]} : vector<20x512xf32> to vector<1x512xf32>
    %slice3A_250 = vector.extract_strided_slice %get3A_101 {offsets = [3, 0], sizes = [1, 512], strides = [1, 1]} : vector<20x512xf32> to vector<1x512xf32>
    %slice3A_251 = vector.extract_strided_slice %sqrt3A_110 {offsets = [3, 0], sizes = [1, 512], strides = [1, 1]} : vector<20x512xf32> to vector<1x512xf32>
    %concatenate3A_252 = tpu.concatenate %slice3A_239, %slice3A_240, %slice3A_241, %slice3A_242, %slice3A_243, %slice3A_244, %slice3A_245, %slice3A_246, %slice3A_247, %slice3A_248, %slice3A_249, %slice3A_250, %slice3A_251 in 0 : vector<1x512xf32>, vector<1x512xf32>, vector<1x512xf32>, vector<1x512xf32>, vector<1x512xf32>, vector<1x512xf32>, vector<1x512xf32>, vector<1x512xf32>, vector<1x512xf32>, vector<1x512xf32>, vector<1x512xf32>, vector<1x512xf32>, vector<1x512xf32> -> vector<13x512xf32>
    %bitcast_convert_type3A_253 = tpu.bitcast %concatenate3A_252 : vector<13x512xf32> -> vector<13x512xi32>
    %shift_right_logical3A_254 = arith.constant 16 : i32
    %shift_right_logical3A_255 = vector.broadcast %shift_right_logical3A_254 : i32 to vector<13x512xi32>
    %shift_right_logical3A_256 = arith.shrui %bitcast_convert_type3A_253, %shift_right_logical3A_255 : vector<13x512xi32>
    %and3A_257 = arith.constant 1 : i32
    %and3A_258 = vector.broadcast %and3A_257 : i32 to vector<13x512xi32>
    %and3A_259 = arith.andi %shift_right_logical3A_256, %and3A_258 : vector<13x512xi32>
    %add3A_260 = arith.constant 32767 : i32
    %add3A_261 = vector.broadcast %add3A_260 : i32 to vector<13x512xi32>
    %add3A_262 = arith.addi %bitcast_convert_type3A_253, %add3A_261 : vector<13x512xi32>
    %add3A_263 = arith.addi %add3A_262, %and3A_259 : vector<13x512xi32>
    %and3A_264 = arith.constant -65536 : i32
    %and3A_265 = vector.broadcast %and3A_264 : i32 to vector<13x512xi32>
    %and3A_266 = arith.andi %add3A_263, %and3A_265 : vector<13x512xi32>
    %bitcast_convert_type3A_267 = tpu.bitcast %and3A_266 : vector<13x512xi32> -> vector<13x512xf32>
    %dot_general3A_268 = arith.constant dense<0.000000e+00> : vector<64x512xf32>
    %dot_general3A_269 = tpu.matmul %bitcast_convert_type3A_15, %bitcast_convert_type3A_267, %dot_general3A_268 {dimension_numbers = #tpu.dot_dimension_numbers<[1], [0], [0], [1], [0, 0, 1, 1], [], []>, transpose_lhs_hint = false} : vector<64x13xf32>, vector<13x512xf32>, vector<64x512xf32> -> vector<64x512xf32>
    %mul3A_270 = vector.broadcast %div3A_39 : vector<64x1xf32> to vector<64x512xf32>
    %mul3A_271 = arith.mulf %dot_general3A_269, %mul3A_270 : vector<64x512xf32>
    %add3A_272 = vector.broadcast %sub3A_41 : vector<64x1xf32> to vector<64x512xf32>
    %add3A_273 = arith.addf %mul3A_271, %add3A_272 : vector<64x512xf32>
    %ge3A_274 = arith.constant 0.000000e+00 : f32
    %ge3A_275 = vector.broadcast %ge3A_274 : f32 to vector<64x512xf32>
    %ge3A_276 = arith.cmpf oge, %add3A_273, %ge3A_275 : vector<64x512xf32>
    %mul3A_277 = arith.constant 2.000000e-01 : f32
    %mul3A_278 = vector.broadcast %mul3A_277 : f32 to vector<64x512xf32>
    %mul3A_279 = arith.mulf %mul3A_278, %add3A_273 : vector<64x512xf32>
    %select_n3A_280 = arith.select %ge3A_276, %add3A_273, %mul3A_279 : vector<64x512xi1>, vector<64x512xf32>
    %max3A_281 = arith.maximumf %max3A_238, %select_n3A_280 : vector<64x512xf32>
    %slice3A_282 = vector.extract_strided_slice %get3A_46 {offsets = [4, 0], sizes = [1, 512], strides = [1, 1]} : vector<20x512xf32> to vector<1x512xf32>
    %slice3A_283 = vector.extract_strided_slice %get3A_51 {offsets = [4, 0], sizes = [1, 512], strides = [1, 1]} : vector<20x512xf32> to vector<1x512xf32>
    %slice3A_284 = vector.extract_strided_slice %get3A_56 {offsets = [4, 0], sizes = [1, 512], strides = [1, 1]} : vector<20x512xf32> to vector<1x512xf32>
    %slice3A_285 = vector.extract_strided_slice %get3A_61 {offsets = [4, 0], sizes = [1, 512], strides = [1, 1]} : vector<20x512xf32> to vector<1x512xf32>
    %slice3A_286 = vector.extract_strided_slice %get3A_66 {offsets = [4, 0], sizes = [1, 512], strides = [1, 1]} : vector<20x512xf32> to vector<1x512xf32>
    %slice3A_287 = vector.extract_strided_slice %get3A_71 {offsets = [4, 0], sizes = [1, 512], strides = [1, 1]} : vector<20x512xf32> to vector<1x512xf32>
    %slice3A_288 = vector.extract_strided_slice %get3A_76 {offsets = [4, 0], sizes = [1, 512], strides = [1, 1]} : vector<20x512xf32> to vector<1x512xf32>
    %slice3A_289 = vector.extract_strided_slice %get3A_81 {offsets = [4, 0], sizes = [1, 512], strides = [1, 1]} : vector<20x512xf32> to vector<1x512xf32>
    %slice3A_290 = vector.extract_strided_slice %get3A_86 {offsets = [4, 0], sizes = [1, 512], strides = [1, 1]} : vector<20x512xf32> to vector<1x512xf32>
    %slice3A_291 = vector.extract_strided_slice %get3A_91 {offsets = [4, 0], sizes = [1, 512], strides = [1, 1]} : vector<20x512xf32> to vector<1x512xf32>
    %slice3A_292 = vector.extract_strided_slice %get3A_96 {offsets = [4, 0], sizes = [1, 512], strides = [1, 1]} : vector<20x512xf32> to vector<1x512xf32>
    %slice3A_293 = vector.extract_strided_slice %get3A_101 {offsets = [4, 0], sizes = [1, 512], strides = [1, 1]} : vector<20x512xf32> to vector<1x512xf32>
    %slice3A_294 = vector.extract_strided_slice %sqrt3A_110 {offsets = [4, 0], sizes = [1, 512], strides = [1, 1]} : vector<20x512xf32> to vector<1x512xf32>
    %concatenate3A_295 = tpu.concatenate %slice3A_282, %slice3A_283, %slice3A_284, %slice3A_285, %slice3A_286, %slice3A_287, %slice3A_288, %slice3A_289, %slice3A_290, %slice3A_291, %slice3A_292, %slice3A_293, %slice3A_294 in 0 : vector<1x512xf32>, vector<1x512xf32>, vector<1x512xf32>, vector<1x512xf32>, vector<1x512xf32>, vector<1x512xf32>, vector<1x512xf32>, vector<1x512xf32>, vector<1x512xf32>, vector<1x512xf32>, vector<1x512xf32>, vector<1x512xf32>, vector<1x512xf32> -> vector<13x512xf32>
    %bitcast_convert_type3A_296 = tpu.bitcast %concatenate3A_295 : vector<13x512xf32> -> vector<13x512xi32>
    %shift_right_logical3A_297 = arith.constant 16 : i32
    %shift_right_logical3A_298 = vector.broadcast %shift_right_logical3A_297 : i32 to vector<13x512xi32>
    %shift_right_logical3A_299 = arith.shrui %bitcast_convert_type3A_296, %shift_right_logical3A_298 : vector<13x512xi32>
    %and3A_300 = arith.constant 1 : i32
    %and3A_301 = vector.broadcast %and3A_300 : i32 to vector<13x512xi32>
    %and3A_302 = arith.andi %shift_right_logical3A_299, %and3A_301 : vector<13x512xi32>
    %add3A_303 = arith.constant 32767 : i32
    %add3A_304 = vector.broadcast %add3A_303 : i32 to vector<13x512xi32>
    %add3A_305 = arith.addi %bitcast_convert_type3A_296, %add3A_304 : vector<13x512xi32>
    %add3A_306 = arith.addi %add3A_305, %and3A_302 : vector<13x512xi32>
    %and3A_307 = arith.constant -65536 : i32
    %and3A_308 = vector.broadcast %and3A_307 : i32 to vector<13x512xi32>
    %and3A_309 = arith.andi %add3A_306, %and3A_308 : vector<13x512xi32>
    %bitcast_convert_type3A_310 = tpu.bitcast %and3A_309 : vector<13x512xi32> -> vector<13x512xf32>
    %dot_general3A_311 = arith.constant dense<0.000000e+00> : vector<64x512xf32>
    %dot_general3A_312 = tpu.matmul %bitcast_convert_type3A_15, %bitcast_convert_type3A_310, %dot_general3A_311 {dimension_numbers = #tpu.dot_dimension_numbers<[1], [0], [0], [1], [0, 0, 1, 1], [], []>, transpose_lhs_hint = false} : vector<64x13xf32>, vector<13x512xf32>, vector<64x512xf32> -> vector<64x512xf32>
    %mul3A_313 = vector.broadcast %div3A_39 : vector<64x1xf32> to vector<64x512xf32>
    %mul3A_314 = arith.mulf %dot_general3A_312, %mul3A_313 : vector<64x512xf32>
    %add3A_315 = vector.broadcast %sub3A_41 : vector<64x1xf32> to vector<64x512xf32>
    %add3A_316 = arith.addf %mul3A_314, %add3A_315 : vector<64x512xf32>
    %ge3A_317 = arith.constant 0.000000e+00 : f32
    %ge3A_318 = vector.broadcast %ge3A_317 : f32 to vector<64x512xf32>
    %ge3A_319 = arith.cmpf oge, %add3A_316, %ge3A_318 : vector<64x512xf32>
    %mul3A_320 = arith.constant 2.000000e-01 : f32
    %mul3A_321 = vector.broadcast %mul3A_320 : f32 to vector<64x512xf32>
    %mul3A_322 = arith.mulf %mul3A_321, %add3A_316 : vector<64x512xf32>
    %select_n3A_323 = arith.select %ge3A_319, %add3A_316, %mul3A_322 : vector<64x512xi1>, vector<64x512xf32>
    %max3A_324 = arith.maximumf %max3A_281, %select_n3A_323 : vector<64x512xf32>
    %slice3A_325 = vector.extract_strided_slice %get3A_46 {offsets = [5, 0], sizes = [1, 512], strides = [1, 1]} : vector<20x512xf32> to vector<1x512xf32>
    %slice3A_326 = vector.extract_strided_slice %get3A_51 {offsets = [5, 0], sizes = [1, 512], strides = [1, 1]} : vector<20x512xf32> to vector<1x512xf32>
    %slice3A_327 = vector.extract_strided_slice %get3A_56 {offsets = [5, 0], sizes = [1, 512], strides = [1, 1]} : vector<20x512xf32> to vector<1x512xf32>
    %slice3A_328 = vector.extract_strided_slice %get3A_61 {offsets = [5, 0], sizes = [1, 512], strides = [1, 1]} : vector<20x512xf32> to vector<1x512xf32>
    %slice3A_329 = vector.extract_strided_slice %get3A_66 {offsets = [5, 0], sizes = [1, 512], strides = [1, 1]} : vector<20x512xf32> to vector<1x512xf32>
    %slice3A_330 = vector.extract_strided_slice %get3A_71 {offsets = [5, 0], sizes = [1, 512], strides = [1, 1]} : vector<20x512xf32> to vector<1x512xf32>
    %slice3A_331 = vector.extract_strided_slice %get3A_76 {offsets = [5, 0], sizes = [1, 512], strides = [1, 1]} : vector<20x512xf32> to vector<1x512xf32>
    %slice3A_332 = vector.extract_strided_slice %get3A_81 {offsets = [5, 0], sizes = [1, 512], strides = [1, 1]} : vector<20x512xf32> to vector<1x512xf32>
    %slice3A_333 = vector.extract_strided_slice %get3A_86 {offsets = [5, 0], sizes = [1, 512], strides = [1, 1]} : vector<20x512xf32> to vector<1x512xf32>
    %slice3A_334 = vector.extract_strided_slice %get3A_91 {offsets = [5, 0], sizes = [1, 512], strides = [1, 1]} : vector<20x512xf32> to vector<1x512xf32>
    %slice3A_335 = vector.extract_strided_slice %get3A_96 {offsets = [5, 0], sizes = [1, 512], strides = [1, 1]} : vector<20x512xf32> to vector<1x512xf32>
    %slice3A_336 = vector.extract_strided_slice %get3A_101 {offsets = [5, 0], sizes = [1, 512], strides = [1, 1]} : vector<20x512xf32> to vector<1x512xf32>
    %slice3A_337 = vector.extract_strided_slice %sqrt3A_110 {offsets = [5, 0], sizes = [1, 512], strides = [1, 1]} : vector<20x512xf32> to vector<1x512xf32>
    %concatenate3A_338 = tpu.concatenate %slice3A_325, %slice3A_326, %slice3A_327, %slice3A_328, %slice3A_329, %slice3A_330, %slice3A_331, %slice3A_332, %slice3A_333, %slice3A_334, %slice3A_335, %slice3A_336, %slice3A_337 in 0 : vector<1x512xf32>, vector<1x512xf32>, vector<1x512xf32>, vector<1x512xf32>, vector<1x512xf32>, vector<1x512xf32>, vector<1x512xf32>, vector<1x512xf32>, vector<1x512xf32>, vector<1x512xf32>, vector<1x512xf32>, vector<1x512xf32>, vector<1x512xf32> -> vector<13x512xf32>
    %bitcast_convert_type3A_339 = tpu.bitcast %concatenate3A_338 : vector<13x512xf32> -> vector<13x512xi32>
    %shift_right_logical3A_340 = arith.constant 16 : i32
    %shift_right_logical3A_341 = vector.broadcast %shift_right_logical3A_340 : i32 to vector<13x512xi32>
    %shift_right_logical3A_342 = arith.shrui %bitcast_convert_type3A_339, %shift_right_logical3A_341 : vector<13x512xi32>
    %and3A_343 = arith.constant 1 : i32
    %and3A_344 = vector.broadcast %and3A_343 : i32 to vector<13x512xi32>
    %and3A_345 = arith.andi %shift_right_logical3A_342, %and3A_344 : vector<13x512xi32>
    %add3A_346 = arith.constant 32767 : i32
    %add3A_347 = vector.broadcast %add3A_346 : i32 to vector<13x512xi32>
    %add3A_348 = arith.addi %bitcast_convert_type3A_339, %add3A_347 : vector<13x512xi32>
    %add3A_349 = arith.addi %add3A_348, %and3A_345 : vector<13x512xi32>
    %and3A_350 = arith.constant -65536 : i32
    %and3A_351 = vector.broadcast %and3A_350 : i32 to vector<13x512xi32>
    %and3A_352 = arith.andi %add3A_349, %and3A_351 : vector<13x512xi32>
    %bitcast_convert_type3A_353 = tpu.bitcast %and3A_352 : vector<13x512xi32> -> vector<13x512xf32>
    %dot_general3A_354 = arith.constant dense<0.000000e+00> : vector<64x512xf32>
    %dot_general3A_355 = tpu.matmul %bitcast_convert_type3A_15, %bitcast_convert_type3A_353, %dot_general3A_354 {dimension_numbers = #tpu.dot_dimension_numbers<[1], [0], [0], [1], [0, 0, 1, 1], [], []>, transpose_lhs_hint = false} : vector<64x13xf32>, vector<13x512xf32>, vector<64x512xf32> -> vector<64x512xf32>
    %mul3A_356 = vector.broadcast %div3A_39 : vector<64x1xf32> to vector<64x512xf32>
    %mul3A_357 = arith.mulf %dot_general3A_355, %mul3A_356 : vector<64x512xf32>
    %add3A_358 = vector.broadcast %sub3A_41 : vector<64x1xf32> to vector<64x512xf32>
    %add3A_359 = arith.addf %mul3A_357, %add3A_358 : vector<64x512xf32>
    %ge3A_360 = arith.constant 0.000000e+00 : f32
    %ge3A_361 = vector.broadcast %ge3A_360 : f32 to vector<64x512xf32>
    %ge3A_362 = arith.cmpf oge, %add3A_359, %ge3A_361 : vector<64x512xf32>
    %mul3A_363 = arith.constant 2.000000e-01 : f32
    %mul3A_364 = vector.broadcast %mul3A_363 : f32 to vector<64x512xf32>
    %mul3A_365 = arith.mulf %mul3A_364, %add3A_359 : vector<64x512xf32>
    %select_n3A_366 = arith.select %ge3A_362, %add3A_359, %mul3A_365 : vector<64x512xi1>, vector<64x512xf32>
    %max3A_367 = arith.maximumf %max3A_324, %select_n3A_366 : vector<64x512xf32>
    %slice3A_368 = vector.extract_strided_slice %get3A_46 {offsets = [6, 0], sizes = [1, 512], strides = [1, 1]} : vector<20x512xf32> to vector<1x512xf32>
    %slice3A_369 = vector.extract_strided_slice %get3A_51 {offsets = [6, 0], sizes = [1, 512], strides = [1, 1]} : vector<20x512xf32> to vector<1x512xf32>
    %slice3A_370 = vector.extract_strided_slice %get3A_56 {offsets = [6, 0], sizes = [1, 512], strides = [1, 1]} : vector<20x512xf32> to vector<1x512xf32>
    %slice3A_371 = vector.extract_strided_slice %get3A_61 {offsets = [6, 0], sizes = [1, 512], strides = [1, 1]} : vector<20x512xf32> to vector<1x512xf32>
    %slice3A_372 = vector.extract_strided_slice %get3A_66 {offsets = [6, 0], sizes = [1, 512], strides = [1, 1]} : vector<20x512xf32> to vector<1x512xf32>
    %slice3A_373 = vector.extract_strided_slice %get3A_71 {offsets = [6, 0], sizes = [1, 512], strides = [1, 1]} : vector<20x512xf32> to vector<1x512xf32>
    %slice3A_374 = vector.extract_strided_slice %get3A_76 {offsets = [6, 0], sizes = [1, 512], strides = [1, 1]} : vector<20x512xf32> to vector<1x512xf32>
    %slice3A_375 = vector.extract_strided_slice %get3A_81 {offsets = [6, 0], sizes = [1, 512], strides = [1, 1]} : vector<20x512xf32> to vector<1x512xf32>
    %slice3A_376 = vector.extract_strided_slice %get3A_86 {offsets = [6, 0], sizes = [1, 512], strides = [1, 1]} : vector<20x512xf32> to vector<1x512xf32>
    %slice3A_377 = vector.extract_strided_slice %get3A_91 {offsets = [6, 0], sizes = [1, 512], strides = [1, 1]} : vector<20x512xf32> to vector<1x512xf32>
    %slice3A_378 = vector.extract_strided_slice %get3A_96 {offsets = [6, 0], sizes = [1, 512], strides = [1, 1]} : vector<20x512xf32> to vector<1x512xf32>
    %slice3A_379 = vector.extract_strided_slice %get3A_101 {offsets = [6, 0], sizes = [1, 512], strides = [1, 1]} : vector<20x512xf32> to vector<1x512xf32>
    %slice3A_380 = vector.extract_strided_slice %sqrt3A_110 {offsets = [6, 0], sizes = [1, 512], strides = [1, 1]} : vector<20x512xf32> to vector<1x512xf32>
    %concatenate3A_381 = tpu.concatenate %slice3A_368, %slice3A_369, %slice3A_370, %slice3A_371, %slice3A_372, %slice3A_373, %slice3A_374, %slice3A_375, %slice3A_376, %slice3A_377, %slice3A_378, %slice3A_379, %slice3A_380 in 0 : vector<1x512xf32>, vector<1x512xf32>, vector<1x512xf32>, vector<1x512xf32>, vector<1x512xf32>, vector<1x512xf32>, vector<1x512xf32>, vector<1x512xf32>, vector<1x512xf32>, vector<1x512xf32>, vector<1x512xf32>, vector<1x512xf32>, vector<1x512xf32> -> vector<13x512xf32>
    %bitcast_convert_type3A_382 = tpu.bitcast %concatenate3A_381 : vector<13x512xf32> -> vector<13x512xi32>
    %shift_right_logical3A_383 = arith.constant 16 : i32
    %shift_right_logical3A_384 = vector.broadcast %shift_right_logical3A_383 : i32 to vector<13x512xi32>
    %shift_right_logical3A_385 = arith.shrui %bitcast_convert_type3A_382, %shift_right_logical3A_384 : vector<13x512xi32>
    %and3A_386 = arith.constant 1 : i32
    %and3A_387 = vector.broadcast %and3A_386 : i32 to vector<13x512xi32>
    %and3A_388 = arith.andi %shift_right_logical3A_385, %and3A_387 : vector<13x512xi32>
    %add3A_389 = arith.constant 32767 : i32
    %add3A_390 = vector.broadcast %add3A_389 : i32 to vector<13x512xi32>
    %add3A_391 = arith.addi %bitcast_convert_type3A_382, %add3A_390 : vector<13x512xi32>
    %add3A_392 = arith.addi %add3A_391, %and3A_388 : vector<13x512xi32>
    %and3A_393 = arith.constant -65536 : i32
    %and3A_394 = vector.broadcast %and3A_393 : i32 to vector<13x512xi32>
    %and3A_395 = arith.andi %add3A_392, %and3A_394 : vector<13x512xi32>
    %bitcast_convert_type3A_396 = tpu.bitcast %and3A_395 : vector<13x512xi32> -> vector<13x512xf32>
    %dot_general3A_397 = arith.constant dense<0.000000e+00> : vector<64x512xf32>
    %dot_general3A_398 = tpu.matmul %bitcast_convert_type3A_15, %bitcast_convert_type3A_396, %dot_general3A_397 {dimension_numbers = #tpu.dot_dimension_numbers<[1], [0], [0], [1], [0, 0, 1, 1], [], []>, transpose_lhs_hint = false} : vector<64x13xf32>, vector<13x512xf32>, vector<64x512xf32> -> vector<64x512xf32>
    %mul3A_399 = vector.broadcast %div3A_39 : vector<64x1xf32> to vector<64x512xf32>
    %mul3A_400 = arith.mulf %dot_general3A_398, %mul3A_399 : vector<64x512xf32>
    %add3A_401 = vector.broadcast %sub3A_41 : vector<64x1xf32> to vector<64x512xf32>
    %add3A_402 = arith.addf %mul3A_400, %add3A_401 : vector<64x512xf32>
    %ge3A_403 = arith.constant 0.000000e+00 : f32
    %ge3A_404 = vector.broadcast %ge3A_403 : f32 to vector<64x512xf32>
    %ge3A_405 = arith.cmpf oge, %add3A_402, %ge3A_404 : vector<64x512xf32>
    %mul3A_406 = arith.constant 2.000000e-01 : f32
    %mul3A_407 = vector.broadcast %mul3A_406 : f32 to vector<64x512xf32>
    %mul3A_408 = arith.mulf %mul3A_407, %add3A_402 : vector<64x512xf32>
    %select_n3A_409 = arith.select %ge3A_405, %add3A_402, %mul3A_408 : vector<64x512xi1>, vector<64x512xf32>
    %max3A_410 = arith.maximumf %max3A_367, %select_n3A_409 : vector<64x512xf32>
    %slice3A_411 = vector.extract_strided_slice %get3A_46 {offsets = [7, 0], sizes = [1, 512], strides = [1, 1]} : vector<20x512xf32> to vector<1x512xf32>
    %slice3A_412 = vector.extract_strided_slice %get3A_51 {offsets = [7, 0], sizes = [1, 512], strides = [1, 1]} : vector<20x512xf32> to vector<1x512xf32>
    %slice3A_413 = vector.extract_strided_slice %get3A_56 {offsets = [7, 0], sizes = [1, 512], strides = [1, 1]} : vector<20x512xf32> to vector<1x512xf32>
    %slice3A_414 = vector.extract_strided_slice %get3A_61 {offsets = [7, 0], sizes = [1, 512], strides = [1, 1]} : vector<20x512xf32> to vector<1x512xf32>
    %slice3A_415 = vector.extract_strided_slice %get3A_66 {offsets = [7, 0], sizes = [1, 512], strides = [1, 1]} : vector<20x512xf32> to vector<1x512xf32>
    %slice3A_416 = vector.extract_strided_slice %get3A_71 {offsets = [7, 0], sizes = [1, 512], strides = [1, 1]} : vector<20x512xf32> to vector<1x512xf32>
    %slice3A_417 = vector.extract_strided_slice %get3A_76 {offsets = [7, 0], sizes = [1, 512], strides = [1, 1]} : vector<20x512xf32> to vector<1x512xf32>
    %slice3A_418 = vector.extract_strided_slice %get3A_81 {offsets = [7, 0], sizes = [1, 512], strides = [1, 1]} : vector<20x512xf32> to vector<1x512xf32>
    %slice3A_419 = vector.extract_strided_slice %get3A_86 {offsets = [7, 0], sizes = [1, 512], strides = [1, 1]} : vector<20x512xf32> to vector<1x512xf32>
    %slice3A_420 = vector.extract_strided_slice %get3A_91 {offsets = [7, 0], sizes = [1, 512], strides = [1, 1]} : vector<20x512xf32> to vector<1x512xf32>
    %slice3A_421 = vector.extract_strided_slice %get3A_96 {offsets = [7, 0], sizes = [1, 512], strides = [1, 1]} : vector<20x512xf32> to vector<1x512xf32>
    %slice3A_422 = vector.extract_strided_slice %get3A_101 {offsets = [7, 0], sizes = [1, 512], strides = [1, 1]} : vector<20x512xf32> to vector<1x512xf32>
    %slice3A_423 = vector.extract_strided_slice %sqrt3A_110 {offsets = [7, 0], sizes = [1, 512], strides = [1, 1]} : vector<20x512xf32> to vector<1x512xf32>
    %concatenate3A_424 = tpu.concatenate %slice3A_411, %slice3A_412, %slice3A_413, %slice3A_414, %slice3A_415, %slice3A_416, %slice3A_417, %slice3A_418, %slice3A_419, %slice3A_420, %slice3A_421, %slice3A_422, %slice3A_423 in 0 : vector<1x512xf32>, vector<1x512xf32>, vector<1x512xf32>, vector<1x512xf32>, vector<1x512xf32>, vector<1x512xf32>, vector<1x512xf32>, vector<1x512xf32>, vector<1x512xf32>, vector<1x512xf32>, vector<1x512xf32>, vector<1x512xf32>, vector<1x512xf32> -> vector<13x512xf32>
    %bitcast_convert_type3A_425 = tpu.bitcast %concatenate3A_424 : vector<13x512xf32> -> vector<13x512xi32>
    %shift_right_logical3A_426 = arith.constant 16 : i32
    %shift_right_logical3A_427 = vector.broadcast %shift_right_logical3A_426 : i32 to vector<13x512xi32>
    %shift_right_logical3A_428 = arith.shrui %bitcast_convert_type3A_425, %shift_right_logical3A_427 : vector<13x512xi32>
    %and3A_429 = arith.constant 1 : i32
    %and3A_430 = vector.broadcast %and3A_429 : i32 to vector<13x512xi32>
    %and3A_431 = arith.andi %shift_right_logical3A_428, %and3A_430 : vector<13x512xi32>
    %add3A_432 = arith.constant 32767 : i32
    %add3A_433 = vector.broadcast %add3A_432 : i32 to vector<13x512xi32>
    %add3A_434 = arith.addi %bitcast_convert_type3A_425, %add3A_433 : vector<13x512xi32>
    %add3A_435 = arith.addi %add3A_434, %and3A_431 : vector<13x512xi32>
    %and3A_436 = arith.constant -65536 : i32
    %and3A_437 = vector.broadcast %and3A_436 : i32 to vector<13x512xi32>
    %and3A_438 = arith.andi %add3A_435, %and3A_437 : vector<13x512xi32>
    %bitcast_convert_type3A_439 = tpu.bitcast %and3A_438 : vector<13x512xi32> -> vector<13x512xf32>
    %dot_general3A_440 = arith.constant dense<0.000000e+00> : vector<64x512xf32>
    %dot_general3A_441 = tpu.matmul %bitcast_convert_type3A_15, %bitcast_convert_type3A_439, %dot_general3A_440 {dimension_numbers = #tpu.dot_dimension_numbers<[1], [0], [0], [1], [0, 0, 1, 1], [], []>, transpose_lhs_hint = false} : vector<64x13xf32>, vector<13x512xf32>, vector<64x512xf32> -> vector<64x512xf32>
    %mul3A_442 = vector.broadcast %div3A_39 : vector<64x1xf32> to vector<64x512xf32>
    %mul3A_443 = arith.mulf %dot_general3A_441, %mul3A_442 : vector<64x512xf32>
    %add3A_444 = vector.broadcast %sub3A_41 : vector<64x1xf32> to vector<64x512xf32>
    %add3A_445 = arith.addf %mul3A_443, %add3A_444 : vector<64x512xf32>
    %ge3A_446 = arith.constant 0.000000e+00 : f32
    %ge3A_447 = vector.broadcast %ge3A_446 : f32 to vector<64x512xf32>
    %ge3A_448 = arith.cmpf oge, %add3A_445, %ge3A_447 : vector<64x512xf32>
    %mul3A_449 = arith.constant 2.000000e-01 : f32
    %mul3A_450 = vector.broadcast %mul3A_449 : f32 to vector<64x512xf32>
    %mul3A_451 = arith.mulf %mul3A_450, %add3A_445 : vector<64x512xf32>
    %select_n3A_452 = arith.select %ge3A_448, %add3A_445, %mul3A_451 : vector<64x512xi1>, vector<64x512xf32>
    %max3A_453 = arith.maximumf %max3A_410, %select_n3A_452 : vector<64x512xf32>
    %slice3A_454 = vector.extract_strided_slice %get3A_46 {offsets = [8, 0], sizes = [1, 512], strides = [1, 1]} : vector<20x512xf32> to vector<1x512xf32>
    %slice3A_455 = vector.extract_strided_slice %get3A_51 {offsets = [8, 0], sizes = [1, 512], strides = [1, 1]} : vector<20x512xf32> to vector<1x512xf32>
    %slice3A_456 = vector.extract_strided_slice %get3A_56 {offsets = [8, 0], sizes = [1, 512], strides = [1, 1]} : vector<20x512xf32> to vector<1x512xf32>
    %slice3A_457 = vector.extract_strided_slice %get3A_61 {offsets = [8, 0], sizes = [1, 512], strides = [1, 1]} : vector<20x512xf32> to vector<1x512xf32>
    %slice3A_458 = vector.extract_strided_slice %get3A_66 {offsets = [8, 0], sizes = [1, 512], strides = [1, 1]} : vector<20x512xf32> to vector<1x512xf32>
    %slice3A_459 = vector.extract_strided_slice %get3A_71 {offsets = [8, 0], sizes = [1, 512], strides = [1, 1]} : vector<20x512xf32> to vector<1x512xf32>
    %slice3A_460 = vector.extract_strided_slice %get3A_76 {offsets = [8, 0], sizes = [1, 512], strides = [1, 1]} : vector<20x512xf32> to vector<1x512xf32>
    %slice3A_461 = vector.extract_strided_slice %get3A_81 {offsets = [8, 0], sizes = [1, 512], strides = [1, 1]} : vector<20x512xf32> to vector<1x512xf32>
    %slice3A_462 = vector.extract_strided_slice %get3A_86 {offsets = [8, 0], sizes = [1, 512], strides = [1, 1]} : vector<20x512xf32> to vector<1x512xf32>
    %slice3A_463 = vector.extract_strided_slice %get3A_91 {offsets = [8, 0], sizes = [1, 512], strides = [1, 1]} : vector<20x512xf32> to vector<1x512xf32>
    %slice3A_464 = vector.extract_strided_slice %get3A_96 {offsets = [8, 0], sizes = [1, 512], strides = [1, 1]} : vector<20x512xf32> to vector<1x512xf32>
    %slice3A_465 = vector.extract_strided_slice %get3A_101 {offsets = [8, 0], sizes = [1, 512], strides = [1, 1]} : vector<20x512xf32> to vector<1x512xf32>
    %slice3A_466 = vector.extract_strided_slice %sqrt3A_110 {offsets = [8, 0], sizes = [1, 512], strides = [1, 1]} : vector<20x512xf32> to vector<1x512xf32>
    %concatenate3A_467 = tpu.concatenate %slice3A_454, %slice3A_455, %slice3A_456, %slice3A_457, %slice3A_458, %slice3A_459, %slice3A_460, %slice3A_461, %slice3A_462, %slice3A_463, %slice3A_464, %slice3A_465, %slice3A_466 in 0 : vector<1x512xf32>, vector<1x512xf32>, vector<1x512xf32>, vector<1x512xf32>, vector<1x512xf32>, vector<1x512xf32>, vector<1x512xf32>, vector<1x512xf32>, vector<1x512xf32>, vector<1x512xf32>, vector<1x512xf32>, vector<1x512xf32>, vector<1x512xf32> -> vector<13x512xf32>
    %bitcast_convert_type3A_468 = tpu.bitcast %concatenate3A_467 : vector<13x512xf32> -> vector<13x512xi32>
    %shift_right_logical3A_469 = arith.constant 16 : i32
    %shift_right_logical3A_470 = vector.broadcast %shift_right_logical3A_469 : i32 to vector<13x512xi32>
    %shift_right_logical3A_471 = arith.shrui %bitcast_convert_type3A_468, %shift_right_logical3A_470 : vector<13x512xi32>
    %and3A_472 = arith.constant 1 : i32
    %and3A_473 = vector.broadcast %and3A_472 : i32 to vector<13x512xi32>
    %and3A_474 = arith.andi %shift_right_logical3A_471, %and3A_473 : vector<13x512xi32>
    %add3A_475 = arith.constant 32767 : i32
    %add3A_476 = vector.broadcast %add3A_475 : i32 to vector<13x512xi32>
    %add3A_477 = arith.addi %bitcast_convert_type3A_468, %add3A_476 : vector<13x512xi32>
    %add3A_478 = arith.addi %add3A_477, %and3A_474 : vector<13x512xi32>
    %and3A_479 = arith.constant -65536 : i32
    %and3A_480 = vector.broadcast %and3A_479 : i32 to vector<13x512xi32>
    %and3A_481 = arith.andi %add3A_478, %and3A_480 : vector<13x512xi32>
    %bitcast_convert_type3A_482 = tpu.bitcast %and3A_481 : vector<13x512xi32> -> vector<13x512xf32>
    %dot_general3A_483 = arith.constant dense<0.000000e+00> : vector<64x512xf32>
    %dot_general3A_484 = tpu.matmul %bitcast_convert_type3A_15, %bitcast_convert_type3A_482, %dot_general3A_483 {dimension_numbers = #tpu.dot_dimension_numbers<[1], [0], [0], [1], [0, 0, 1, 1], [], []>, transpose_lhs_hint = false} : vector<64x13xf32>, vector<13x512xf32>, vector<64x512xf32> -> vector<64x512xf32>
    %mul3A_485 = vector.broadcast %div3A_39 : vector<64x1xf32> to vector<64x512xf32>
    %mul3A_486 = arith.mulf %dot_general3A_484, %mul3A_485 : vector<64x512xf32>
    %add3A_487 = vector.broadcast %sub3A_41 : vector<64x1xf32> to vector<64x512xf32>
    %add3A_488 = arith.addf %mul3A_486, %add3A_487 : vector<64x512xf32>
    %ge3A_489 = arith.constant 0.000000e+00 : f32
    %ge3A_490 = vector.broadcast %ge3A_489 : f32 to vector<64x512xf32>
    %ge3A_491 = arith.cmpf oge, %add3A_488, %ge3A_490 : vector<64x512xf32>
    %mul3A_492 = arith.constant 2.000000e-01 : f32
    %mul3A_493 = vector.broadcast %mul3A_492 : f32 to vector<64x512xf32>
    %mul3A_494 = arith.mulf %mul3A_493, %add3A_488 : vector<64x512xf32>
    %select_n3A_495 = arith.select %ge3A_491, %add3A_488, %mul3A_494 : vector<64x512xi1>, vector<64x512xf32>
    %max3A_496 = arith.maximumf %max3A_453, %select_n3A_495 : vector<64x512xf32>
    %slice3A_497 = vector.extract_strided_slice %get3A_46 {offsets = [9, 0], sizes = [1, 512], strides = [1, 1]} : vector<20x512xf32> to vector<1x512xf32>
    %slice3A_498 = vector.extract_strided_slice %get3A_51 {offsets = [9, 0], sizes = [1, 512], strides = [1, 1]} : vector<20x512xf32> to vector<1x512xf32>
    %slice3A_499 = vector.extract_strided_slice %get3A_56 {offsets = [9, 0], sizes = [1, 512], strides = [1, 1]} : vector<20x512xf32> to vector<1x512xf32>
    %slice3A_500 = vector.extract_strided_slice %get3A_61 {offsets = [9, 0], sizes = [1, 512], strides = [1, 1]} : vector<20x512xf32> to vector<1x512xf32>
    %slice3A_501 = vector.extract_strided_slice %get3A_66 {offsets = [9, 0], sizes = [1, 512], strides = [1, 1]} : vector<20x512xf32> to vector<1x512xf32>
    %slice3A_502 = vector.extract_strided_slice %get3A_71 {offsets = [9, 0], sizes = [1, 512], strides = [1, 1]} : vector<20x512xf32> to vector<1x512xf32>
    %slice3A_503 = vector.extract_strided_slice %get3A_76 {offsets = [9, 0], sizes = [1, 512], strides = [1, 1]} : vector<20x512xf32> to vector<1x512xf32>
    %slice3A_504 = vector.extract_strided_slice %get3A_81 {offsets = [9, 0], sizes = [1, 512], strides = [1, 1]} : vector<20x512xf32> to vector<1x512xf32>
    %slice3A_505 = vector.extract_strided_slice %get3A_86 {offsets = [9, 0], sizes = [1, 512], strides = [1, 1]} : vector<20x512xf32> to vector<1x512xf32>
    %slice3A_506 = vector.extract_strided_slice %get3A_91 {offsets = [9, 0], sizes = [1, 512], strides = [1, 1]} : vector<20x512xf32> to vector<1x512xf32>
    %slice3A_507 = vector.extract_strided_slice %get3A_96 {offsets = [9, 0], sizes = [1, 512], strides = [1, 1]} : vector<20x512xf32> to vector<1x512xf32>
    %slice3A_508 = vector.extract_strided_slice %get3A_101 {offsets = [9, 0], sizes = [1, 512], strides = [1, 1]} : vector<20x512xf32> to vector<1x512xf32>
    %slice3A_509 = vector.extract_strided_slice %sqrt3A_110 {offsets = [9, 0], sizes = [1, 512], strides = [1, 1]} : vector<20x512xf32> to vector<1x512xf32>
    %concatenate3A_510 = tpu.concatenate %slice3A_497, %slice3A_498, %slice3A_499, %slice3A_500, %slice3A_501, %slice3A_502, %slice3A_503, %slice3A_504, %slice3A_505, %slice3A_506, %slice3A_507, %slice3A_508, %slice3A_509 in 0 : vector<1x512xf32>, vector<1x512xf32>, vector<1x512xf32>, vector<1x512xf32>, vector<1x512xf32>, vector<1x512xf32>, vector<1x512xf32>, vector<1x512xf32>, vector<1x512xf32>, vector<1x512xf32>, vector<1x512xf32>, vector<1x512xf32>, vector<1x512xf32> -> vector<13x512xf32>
    %bitcast_convert_type3A_511 = tpu.bitcast %concatenate3A_510 : vector<13x512xf32> -> vector<13x512xi32>
    %shift_right_logical3A_512 = arith.constant 16 : i32
    %shift_right_logical3A_513 = vector.broadcast %shift_right_logical3A_512 : i32 to vector<13x512xi32>
    %shift_right_logical3A_514 = arith.shrui %bitcast_convert_type3A_511, %shift_right_logical3A_513 : vector<13x512xi32>
    %and3A_515 = arith.constant 1 : i32
    %and3A_516 = vector.broadcast %and3A_515 : i32 to vector<13x512xi32>
    %and3A_517 = arith.andi %shift_right_logical3A_514, %and3A_516 : vector<13x512xi32>
    %add3A_518 = arith.constant 32767 : i32
    %add3A_519 = vector.broadcast %add3A_518 : i32 to vector<13x512xi32>
    %add3A_520 = arith.addi %bitcast_convert_type3A_511, %add3A_519 : vector<13x512xi32>
    %add3A_521 = arith.addi %add3A_520, %and3A_517 : vector<13x512xi32>
    %and3A_522 = arith.constant -65536 : i32
    %and3A_523 = vector.broadcast %and3A_522 : i32 to vector<13x512xi32>
    %and3A_524 = arith.andi %add3A_521, %and3A_523 : vector<13x512xi32>
    %bitcast_convert_type3A_525 = tpu.bitcast %and3A_524 : vector<13x512xi32> -> vector<13x512xf32>
    %dot_general3A_526 = arith.constant dense<0.000000e+00> : vector<64x512xf32>
    %dot_general3A_527 = tpu.matmul %bitcast_convert_type3A_15, %bitcast_convert_type3A_525, %dot_general3A_526 {dimension_numbers = #tpu.dot_dimension_numbers<[1], [0], [0], [1], [0, 0, 1, 1], [], []>, transpose_lhs_hint = false} : vector<64x13xf32>, vector<13x512xf32>, vector<64x512xf32> -> vector<64x512xf32>
    %mul3A_528 = vector.broadcast %div3A_39 : vector<64x1xf32> to vector<64x512xf32>
    %mul3A_529 = arith.mulf %dot_general3A_527, %mul3A_528 : vector<64x512xf32>
    %add3A_530 = vector.broadcast %sub3A_41 : vector<64x1xf32> to vector<64x512xf32>
    %add3A_531 = arith.addf %mul3A_529, %add3A_530 : vector<64x512xf32>
    %ge3A_532 = arith.constant 0.000000e+00 : f32
    %ge3A_533 = vector.broadcast %ge3A_532 : f32 to vector<64x512xf32>
    %ge3A_534 = arith.cmpf oge, %add3A_531, %ge3A_533 : vector<64x512xf32>
    %mul3A_535 = arith.constant 2.000000e-01 : f32
    %mul3A_536 = vector.broadcast %mul3A_535 : f32 to vector<64x512xf32>
    %mul3A_537 = arith.mulf %mul3A_536, %add3A_531 : vector<64x512xf32>
    %select_n3A_538 = arith.select %ge3A_534, %add3A_531, %mul3A_537 : vector<64x512xi1>, vector<64x512xf32>
    %max3A_539 = arith.maximumf %max3A_496, %select_n3A_538 : vector<64x512xf32>
    %slice3A_540 = vector.extract_strided_slice %get3A_46 {offsets = [10, 0], sizes = [1, 512], strides = [1, 1]} : vector<20x512xf32> to vector<1x512xf32>
    %slice3A_541 = vector.extract_strided_slice %get3A_51 {offsets = [10, 0], sizes = [1, 512], strides = [1, 1]} : vector<20x512xf32> to vector<1x512xf32>
    %slice3A_542 = vector.extract_strided_slice %get3A_56 {offsets = [10, 0], sizes = [1, 512], strides = [1, 1]} : vector<20x512xf32> to vector<1x512xf32>
    %slice3A_543 = vector.extract_strided_slice %get3A_61 {offsets = [10, 0], sizes = [1, 512], strides = [1, 1]} : vector<20x512xf32> to vector<1x512xf32>
    %slice3A_544 = vector.extract_strided_slice %get3A_66 {offsets = [10, 0], sizes = [1, 512], strides = [1, 1]} : vector<20x512xf32> to vector<1x512xf32>
    %slice3A_545 = vector.extract_strided_slice %get3A_71 {offsets = [10, 0], sizes = [1, 512], strides = [1, 1]} : vector<20x512xf32> to vector<1x512xf32>
    %slice3A_546 = vector.extract_strided_slice %get3A_76 {offsets = [10, 0], sizes = [1, 512], strides = [1, 1]} : vector<20x512xf32> to vector<1x512xf32>
    %slice3A_547 = vector.extract_strided_slice %get3A_81 {offsets = [10, 0], sizes = [1, 512], strides = [1, 1]} : vector<20x512xf32> to vector<1x512xf32>
    %slice3A_548 = vector.extract_strided_slice %get3A_86 {offsets = [10, 0], sizes = [1, 512], strides = [1, 1]} : vector<20x512xf32> to vector<1x512xf32>
    %slice3A_549 = vector.extract_strided_slice %get3A_91 {offsets = [10, 0], sizes = [1, 512], strides = [1, 1]} : vector<20x512xf32> to vector<1x512xf32>
    %slice3A_550 = vector.extract_strided_slice %get3A_96 {offsets = [10, 0], sizes = [1, 512], strides = [1, 1]} : vector<20x512xf32> to vector<1x512xf32>
    %slice3A_551 = vector.extract_strided_slice %get3A_101 {offsets = [10, 0], sizes = [1, 512], strides = [1, 1]} : vector<20x512xf32> to vector<1x512xf32>
    %slice3A_552 = vector.extract_strided_slice %sqrt3A_110 {offsets = [10, 0], sizes = [1, 512], strides = [1, 1]} : vector<20x512xf32> to vector<1x512xf32>
    %concatenate3A_553 = tpu.concatenate %slice3A_540, %slice3A_541, %slice3A_542, %slice3A_543, %slice3A_544, %slice3A_545, %slice3A_546, %slice3A_547, %slice3A_548, %slice3A_549, %slice3A_550, %slice3A_551, %slice3A_552 in 0 : vector<1x512xf32>, vector<1x512xf32>, vector<1x512xf32>, vector<1x512xf32>, vector<1x512xf32>, vector<1x512xf32>, vector<1x512xf32>, vector<1x512xf32>, vector<1x512xf32>, vector<1x512xf32>, vector<1x512xf32>, vector<1x512xf32>, vector<1x512xf32> -> vector<13x512xf32>
    %bitcast_convert_type3A_554 = tpu.bitcast %concatenate3A_553 : vector<13x512xf32> -> vector<13x512xi32>
    %shift_right_logical3A_555 = arith.constant 16 : i32
    %shift_right_logical3A_556 = vector.broadcast %shift_right_logical3A_555 : i32 to vector<13x512xi32>
    %shift_right_logical3A_557 = arith.shrui %bitcast_convert_type3A_554, %shift_right_logical3A_556 : vector<13x512xi32>
    %and3A_558 = arith.constant 1 : i32
    %and3A_559 = vector.broadcast %and3A_558 : i32 to vector<13x512xi32>
    %and3A_560 = arith.andi %shift_right_logical3A_557, %and3A_559 : vector<13x512xi32>
    %add3A_561 = arith.constant 32767 : i32
    %add3A_562 = vector.broadcast %add3A_561 : i32 to vector<13x512xi32>
    %add3A_563 = arith.addi %bitcast_convert_type3A_554, %add3A_562 : vector<13x512xi32>
    %add3A_564 = arith.addi %add3A_563, %and3A_560 : vector<13x512xi32>
    %and3A_565 = arith.constant -65536 : i32
    %and3A_566 = vector.broadcast %and3A_565 : i32 to vector<13x512xi32>
    %and3A_567 = arith.andi %add3A_564, %and3A_566 : vector<13x512xi32>
    %bitcast_convert_type3A_568 = tpu.bitcast %and3A_567 : vector<13x512xi32> -> vector<13x512xf32>
    %dot_general3A_569 = arith.constant dense<0.000000e+00> : vector<64x512xf32>
    %dot_general3A_570 = tpu.matmul %bitcast_convert_type3A_15, %bitcast_convert_type3A_568, %dot_general3A_569 {dimension_numbers = #tpu.dot_dimension_numbers<[1], [0], [0], [1], [0, 0, 1, 1], [], []>, transpose_lhs_hint = false} : vector<64x13xf32>, vector<13x512xf32>, vector<64x512xf32> -> vector<64x512xf32>
    %mul3A_571 = vector.broadcast %div3A_39 : vector<64x1xf32> to vector<64x512xf32>
    %mul3A_572 = arith.mulf %dot_general3A_570, %mul3A_571 : vector<64x512xf32>
    %add3A_573 = vector.broadcast %sub3A_41 : vector<64x1xf32> to vector<64x512xf32>
    %add3A_574 = arith.addf %mul3A_572, %add3A_573 : vector<64x512xf32>
    %ge3A_575 = arith.constant 0.000000e+00 : f32
    %ge3A_576 = vector.broadcast %ge3A_575 : f32 to vector<64x512xf32>
    %ge3A_577 = arith.cmpf oge, %add3A_574, %ge3A_576 : vector<64x512xf32>
    %mul3A_578 = arith.constant 2.000000e-01 : f32
    %mul3A_579 = vector.broadcast %mul3A_578 : f32 to vector<64x512xf32>
    %mul3A_580 = arith.mulf %mul3A_579, %add3A_574 : vector<64x512xf32>
    %select_n3A_581 = arith.select %ge3A_577, %add3A_574, %mul3A_580 : vector<64x512xi1>, vector<64x512xf32>
    %max3A_582 = arith.maximumf %max3A_539, %select_n3A_581 : vector<64x512xf32>
    %slice3A_583 = vector.extract_strided_slice %get3A_46 {offsets = [11, 0], sizes = [1, 512], strides = [1, 1]} : vector<20x512xf32> to vector<1x512xf32>
    %slice3A_584 = vector.extract_strided_slice %get3A_51 {offsets = [11, 0], sizes = [1, 512], strides = [1, 1]} : vector<20x512xf32> to vector<1x512xf32>
    %slice3A_585 = vector.extract_strided_slice %get3A_56 {offsets = [11, 0], sizes = [1, 512], strides = [1, 1]} : vector<20x512xf32> to vector<1x512xf32>
    %slice3A_586 = vector.extract_strided_slice %get3A_61 {offsets = [11, 0], sizes = [1, 512], strides = [1, 1]} : vector<20x512xf32> to vector<1x512xf32>
    %slice3A_587 = vector.extract_strided_slice %get3A_66 {offsets = [11, 0], sizes = [1, 512], strides = [1, 1]} : vector<20x512xf32> to vector<1x512xf32>
    %slice3A_588 = vector.extract_strided_slice %get3A_71 {offsets = [11, 0], sizes = [1, 512], strides = [1, 1]} : vector<20x512xf32> to vector<1x512xf32>
    %slice3A_589 = vector.extract_strided_slice %get3A_76 {offsets = [11, 0], sizes = [1, 512], strides = [1, 1]} : vector<20x512xf32> to vector<1x512xf32>
    %slice3A_590 = vector.extract_strided_slice %get3A_81 {offsets = [11, 0], sizes = [1, 512], strides = [1, 1]} : vector<20x512xf32> to vector<1x512xf32>
    %slice3A_591 = vector.extract_strided_slice %get3A_86 {offsets = [11, 0], sizes = [1, 512], strides = [1, 1]} : vector<20x512xf32> to vector<1x512xf32>
    %slice3A_592 = vector.extract_strided_slice %get3A_91 {offsets = [11, 0], sizes = [1, 512], strides = [1, 1]} : vector<20x512xf32> to vector<1x512xf32>
    %slice3A_593 = vector.extract_strided_slice %get3A_96 {offsets = [11, 0], sizes = [1, 512], strides = [1, 1]} : vector<20x512xf32> to vector<1x512xf32>
    %slice3A_594 = vector.extract_strided_slice %get3A_101 {offsets = [11, 0], sizes = [1, 512], strides = [1, 1]} : vector<20x512xf32> to vector<1x512xf32>
    %slice3A_595 = vector.extract_strided_slice %sqrt3A_110 {offsets = [11, 0], sizes = [1, 512], strides = [1, 1]} : vector<20x512xf32> to vector<1x512xf32>
    %concatenate3A_596 = tpu.concatenate %slice3A_583, %slice3A_584, %slice3A_585, %slice3A_586, %slice3A_587, %slice3A_588, %slice3A_589, %slice3A_590, %slice3A_591, %slice3A_592, %slice3A_593, %slice3A_594, %slice3A_595 in 0 : vector<1x512xf32>, vector<1x512xf32>, vector<1x512xf32>, vector<1x512xf32>, vector<1x512xf32>, vector<1x512xf32>, vector<1x512xf32>, vector<1x512xf32>, vector<1x512xf32>, vector<1x512xf32>, vector<1x512xf32>, vector<1x512xf32>, vector<1x512xf32> -> vector<13x512xf32>
    %bitcast_convert_type3A_597 = tpu.bitcast %concatenate3A_596 : vector<13x512xf32> -> vector<13x512xi32>
    %shift_right_logical3A_598 = arith.constant 16 : i32
    %shift_right_logical3A_599 = vector.broadcast %shift_right_logical3A_598 : i32 to vector<13x512xi32>
    %shift_right_logical3A_600 = arith.shrui %bitcast_convert_type3A_597, %shift_right_logical3A_599 : vector<13x512xi32>
    %and3A_601 = arith.constant 1 : i32
    %and3A_602 = vector.broadcast %and3A_601 : i32 to vector<13x512xi32>
    %and3A_603 = arith.andi %shift_right_logical3A_600, %and3A_602 : vector<13x512xi32>
    %add3A_604 = arith.constant 32767 : i32
    %add3A_605 = vector.broadcast %add3A_604 : i32 to vector<13x512xi32>
    %add3A_606 = arith.addi %bitcast_convert_type3A_597, %add3A_605 : vector<13x512xi32>
    %add3A_607 = arith.addi %add3A_606, %and3A_603 : vector<13x512xi32>
    %and3A_608 = arith.constant -65536 : i32
    %and3A_609 = vector.broadcast %and3A_608 : i32 to vector<13x512xi32>
    %and3A_610 = arith.andi %add3A_607, %and3A_609 : vector<13x512xi32>
    %bitcast_convert_type3A_611 = tpu.bitcast %and3A_610 : vector<13x512xi32> -> vector<13x512xf32>
    %dot_general3A_612 = arith.constant dense<0.000000e+00> : vector<64x512xf32>
    %dot_general3A_613 = tpu.matmul %bitcast_convert_type3A_15, %bitcast_convert_type3A_611, %dot_general3A_612 {dimension_numbers = #tpu.dot_dimension_numbers<[1], [0], [0], [1], [0, 0, 1, 1], [], []>, transpose_lhs_hint = false} : vector<64x13xf32>, vector<13x512xf32>, vector<64x512xf32> -> vector<64x512xf32>
    %mul3A_614 = vector.broadcast %div3A_39 : vector<64x1xf32> to vector<64x512xf32>
    %mul3A_615 = arith.mulf %dot_general3A_613, %mul3A_614 : vector<64x512xf32>
    %add3A_616 = vector.broadcast %sub3A_41 : vector<64x1xf32> to vector<64x512xf32>
    %add3A_617 = arith.addf %mul3A_615, %add3A_616 : vector<64x512xf32>
    %ge3A_618 = arith.constant 0.000000e+00 : f32
    %ge3A_619 = vector.broadcast %ge3A_618 : f32 to vector<64x512xf32>
    %ge3A_620 = arith.cmpf oge, %add3A_617, %ge3A_619 : vector<64x512xf32>
    %mul3A_621 = arith.constant 2.000000e-01 : f32
    %mul3A_622 = vector.broadcast %mul3A_621 : f32 to vector<64x512xf32>
    %mul3A_623 = arith.mulf %mul3A_622, %add3A_617 : vector<64x512xf32>
    %select_n3A_624 = arith.select %ge3A_620, %add3A_617, %mul3A_623 : vector<64x512xi1>, vector<64x512xf32>
    %max3A_625 = arith.maximumf %max3A_582, %select_n3A_624 : vector<64x512xf32>
    %slice3A_626 = vector.extract_strided_slice %get3A_46 {offsets = [12, 0], sizes = [1, 512], strides = [1, 1]} : vector<20x512xf32> to vector<1x512xf32>
    %slice3A_627 = vector.extract_strided_slice %get3A_51 {offsets = [12, 0], sizes = [1, 512], strides = [1, 1]} : vector<20x512xf32> to vector<1x512xf32>
    %slice3A_628 = vector.extract_strided_slice %get3A_56 {offsets = [12, 0], sizes = [1, 512], strides = [1, 1]} : vector<20x512xf32> to vector<1x512xf32>
    %slice3A_629 = vector.extract_strided_slice %get3A_61 {offsets = [12, 0], sizes = [1, 512], strides = [1, 1]} : vector<20x512xf32> to vector<1x512xf32>
    %slice3A_630 = vector.extract_strided_slice %get3A_66 {offsets = [12, 0], sizes = [1, 512], strides = [1, 1]} : vector<20x512xf32> to vector<1x512xf32>
    %slice3A_631 = vector.extract_strided_slice %get3A_71 {offsets = [12, 0], sizes = [1, 512], strides = [1, 1]} : vector<20x512xf32> to vector<1x512xf32>
    %slice3A_632 = vector.extract_strided_slice %get3A_76 {offsets = [12, 0], sizes = [1, 512], strides = [1, 1]} : vector<20x512xf32> to vector<1x512xf32>
    %slice3A_633 = vector.extract_strided_slice %get3A_81 {offsets = [12, 0], sizes = [1, 512], strides = [1, 1]} : vector<20x512xf32> to vector<1x512xf32>
    %slice3A_634 = vector.extract_strided_slice %get3A_86 {offsets = [12, 0], sizes = [1, 512], strides = [1, 1]} : vector<20x512xf32> to vector<1x512xf32>
    %slice3A_635 = vector.extract_strided_slice %get3A_91 {offsets = [12, 0], sizes = [1, 512], strides = [1, 1]} : vector<20x512xf32> to vector<1x512xf32>
    %slice3A_636 = vector.extract_strided_slice %get3A_96 {offsets = [12, 0], sizes = [1, 512], strides = [1, 1]} : vector<20x512xf32> to vector<1x512xf32>
    %slice3A_637 = vector.extract_strided_slice %get3A_101 {offsets = [12, 0], sizes = [1, 512], strides = [1, 1]} : vector<20x512xf32> to vector<1x512xf32>
    %slice3A_638 = vector.extract_strided_slice %sqrt3A_110 {offsets = [12, 0], sizes = [1, 512], strides = [1, 1]} : vector<20x512xf32> to vector<1x512xf32>
    %concatenate3A_639 = tpu.concatenate %slice3A_626, %slice3A_627, %slice3A_628, %slice3A_629, %slice3A_630, %slice3A_631, %slice3A_632, %slice3A_633, %slice3A_634, %slice3A_635, %slice3A_636, %slice3A_637, %slice3A_638 in 0 : vector<1x512xf32>, vector<1x512xf32>, vector<1x512xf32>, vector<1x512xf32>, vector<1x512xf32>, vector<1x512xf32>, vector<1x512xf32>, vector<1x512xf32>, vector<1x512xf32>, vector<1x512xf32>, vector<1x512xf32>, vector<1x512xf32>, vector<1x512xf32> -> vector<13x512xf32>
    %bitcast_convert_type3A_640 = tpu.bitcast %concatenate3A_639 : vector<13x512xf32> -> vector<13x512xi32>
    %shift_right_logical3A_641 = arith.constant 16 : i32
    %shift_right_logical3A_642 = vector.broadcast %shift_right_logical3A_641 : i32 to vector<13x512xi32>
    %shift_right_logical3A_643 = arith.shrui %bitcast_convert_type3A_640, %shift_right_logical3A_642 : vector<13x512xi32>
    %and3A_644 = arith.constant 1 : i32
    %and3A_645 = vector.broadcast %and3A_644 : i32 to vector<13x512xi32>
    %and3A_646 = arith.andi %shift_right_logical3A_643, %and3A_645 : vector<13x512xi32>
    %add3A_647 = arith.constant 32767 : i32
    %add3A_648 = vector.broadcast %add3A_647 : i32 to vector<13x512xi32>
    %add3A_649 = arith.addi %bitcast_convert_type3A_640, %add3A_648 : vector<13x512xi32>
    %add3A_650 = arith.addi %add3A_649, %and3A_646 : vector<13x512xi32>
    %and3A_651 = arith.constant -65536 : i32
    %and3A_652 = vector.broadcast %and3A_651 : i32 to vector<13x512xi32>
    %and3A_653 = arith.andi %add3A_650, %and3A_652 : vector<13x512xi32>
    %bitcast_convert_type3A_654 = tpu.bitcast %and3A_653 : vector<13x512xi32> -> vector<13x512xf32>
    %dot_general3A_655 = arith.constant dense<0.000000e+00> : vector<64x512xf32>
    %dot_general3A_656 = tpu.matmul %bitcast_convert_type3A_15, %bitcast_convert_type3A_654, %dot_general3A_655 {dimension_numbers = #tpu.dot_dimension_numbers<[1], [0], [0], [1], [0, 0, 1, 1], [], []>, transpose_lhs_hint = false} : vector<64x13xf32>, vector<13x512xf32>, vector<64x512xf32> -> vector<64x512xf32>
    %mul3A_657 = vector.broadcast %div3A_39 : vector<64x1xf32> to vector<64x512xf32>
    %mul3A_658 = arith.mulf %dot_general3A_656, %mul3A_657 : vector<64x512xf32>
    %add3A_659 = vector.broadcast %sub3A_41 : vector<64x1xf32> to vector<64x512xf32>
    %add3A_660 = arith.addf %mul3A_658, %add3A_659 : vector<64x512xf32>
    %ge3A_661 = arith.constant 0.000000e+00 : f32
    %ge3A_662 = vector.broadcast %ge3A_661 : f32 to vector<64x512xf32>
    %ge3A_663 = arith.cmpf oge, %add3A_660, %ge3A_662 : vector<64x512xf32>
    %mul3A_664 = arith.constant 2.000000e-01 : f32
    %mul3A_665 = vector.broadcast %mul3A_664 : f32 to vector<64x512xf32>
    %mul3A_666 = arith.mulf %mul3A_665, %add3A_660 : vector<64x512xf32>
    %select_n3A_667 = arith.select %ge3A_663, %add3A_660, %mul3A_666 : vector<64x512xi1>, vector<64x512xf32>
    %max3A_668 = arith.maximumf %max3A_625, %select_n3A_667 : vector<64x512xf32>
    %slice3A_669 = vector.extract_strided_slice %get3A_46 {offsets = [13, 0], sizes = [1, 512], strides = [1, 1]} : vector<20x512xf32> to vector<1x512xf32>
    %slice3A_670 = vector.extract_strided_slice %get3A_51 {offsets = [13, 0], sizes = [1, 512], strides = [1, 1]} : vector<20x512xf32> to vector<1x512xf32>
    %slice3A_671 = vector.extract_strided_slice %get3A_56 {offsets = [13, 0], sizes = [1, 512], strides = [1, 1]} : vector<20x512xf32> to vector<1x512xf32>
    %slice3A_672 = vector.extract_strided_slice %get3A_61 {offsets = [13, 0], sizes = [1, 512], strides = [1, 1]} : vector<20x512xf32> to vector<1x512xf32>
    %slice3A_673 = vector.extract_strided_slice %get3A_66 {offsets = [13, 0], sizes = [1, 512], strides = [1, 1]} : vector<20x512xf32> to vector<1x512xf32>
    %slice3A_674 = vector.extract_strided_slice %get3A_71 {offsets = [13, 0], sizes = [1, 512], strides = [1, 1]} : vector<20x512xf32> to vector<1x512xf32>
    %slice3A_675 = vector.extract_strided_slice %get3A_76 {offsets = [13, 0], sizes = [1, 512], strides = [1, 1]} : vector<20x512xf32> to vector<1x512xf32>
    %slice3A_676 = vector.extract_strided_slice %get3A_81 {offsets = [13, 0], sizes = [1, 512], strides = [1, 1]} : vector<20x512xf32> to vector<1x512xf32>
    %slice3A_677 = vector.extract_strided_slice %get3A_86 {offsets = [13, 0], sizes = [1, 512], strides = [1, 1]} : vector<20x512xf32> to vector<1x512xf32>
    %slice3A_678 = vector.extract_strided_slice %get3A_91 {offsets = [13, 0], sizes = [1, 512], strides = [1, 1]} : vector<20x512xf32> to vector<1x512xf32>
    %slice3A_679 = vector.extract_strided_slice %get3A_96 {offsets = [13, 0], sizes = [1, 512], strides = [1, 1]} : vector<20x512xf32> to vector<1x512xf32>
    %slice3A_680 = vector.extract_strided_slice %get3A_101 {offsets = [13, 0], sizes = [1, 512], strides = [1, 1]} : vector<20x512xf32> to vector<1x512xf32>
    %slice3A_681 = vector.extract_strided_slice %sqrt3A_110 {offsets = [13, 0], sizes = [1, 512], strides = [1, 1]} : vector<20x512xf32> to vector<1x512xf32>
    %concatenate3A_682 = tpu.concatenate %slice3A_669, %slice3A_670, %slice3A_671, %slice3A_672, %slice3A_673, %slice3A_674, %slice3A_675, %slice3A_676, %slice3A_677, %slice3A_678, %slice3A_679, %slice3A_680, %slice3A_681 in 0 : vector<1x512xf32>, vector<1x512xf32>, vector<1x512xf32>, vector<1x512xf32>, vector<1x512xf32>, vector<1x512xf32>, vector<1x512xf32>, vector<1x512xf32>, vector<1x512xf32>, vector<1x512xf32>, vector<1x512xf32>, vector<1x512xf32>, vector<1x512xf32> -> vector<13x512xf32>
    %bitcast_convert_type3A_683 = tpu.bitcast %concatenate3A_682 : vector<13x512xf32> -> vector<13x512xi32>
    %shift_right_logical3A_684 = arith.constant 16 : i32
    %shift_right_logical3A_685 = vector.broadcast %shift_right_logical3A_684 : i32 to vector<13x512xi32>
    %shift_right_logical3A_686 = arith.shrui %bitcast_convert_type3A_683, %shift_right_logical3A_685 : vector<13x512xi32>
    %and3A_687 = arith.constant 1 : i32
    %and3A_688 = vector.broadcast %and3A_687 : i32 to vector<13x512xi32>
    %and3A_689 = arith.andi %shift_right_logical3A_686, %and3A_688 : vector<13x512xi32>
    %add3A_690 = arith.constant 32767 : i32
    %add3A_691 = vector.broadcast %add3A_690 : i32 to vector<13x512xi32>
    %add3A_692 = arith.addi %bitcast_convert_type3A_683, %add3A_691 : vector<13x512xi32>
    %add3A_693 = arith.addi %add3A_692, %and3A_689 : vector<13x512xi32>
    %and3A_694 = arith.constant -65536 : i32
    %and3A_695 = vector.broadcast %and3A_694 : i32 to vector<13x512xi32>
    %and3A_696 = arith.andi %add3A_693, %and3A_695 : vector<13x512xi32>
    %bitcast_convert_type3A_697 = tpu.bitcast %and3A_696 : vector<13x512xi32> -> vector<13x512xf32>
    %dot_general3A_698 = arith.constant dense<0.000000e+00> : vector<64x512xf32>
    %dot_general3A_699 = tpu.matmul %bitcast_convert_type3A_15, %bitcast_convert_type3A_697, %dot_general3A_698 {dimension_numbers = #tpu.dot_dimension_numbers<[1], [0], [0], [1], [0, 0, 1, 1], [], []>, transpose_lhs_hint = false} : vector<64x13xf32>, vector<13x512xf32>, vector<64x512xf32> -> vector<64x512xf32>
    %mul3A_700 = vector.broadcast %div3A_39 : vector<64x1xf32> to vector<64x512xf32>
    %mul3A_701 = arith.mulf %dot_general3A_699, %mul3A_700 : vector<64x512xf32>
    %add3A_702 = vector.broadcast %sub3A_41 : vector<64x1xf32> to vector<64x512xf32>
    %add3A_703 = arith.addf %mul3A_701, %add3A_702 : vector<64x512xf32>
    %ge3A_704 = arith.constant 0.000000e+00 : f32
    %ge3A_705 = vector.broadcast %ge3A_704 : f32 to vector<64x512xf32>
    %ge3A_706 = arith.cmpf oge, %add3A_703, %ge3A_705 : vector<64x512xf32>
    %mul3A_707 = arith.constant 2.000000e-01 : f32
    %mul3A_708 = vector.broadcast %mul3A_707 : f32 to vector<64x512xf32>
    %mul3A_709 = arith.mulf %mul3A_708, %add3A_703 : vector<64x512xf32>
    %select_n3A_710 = arith.select %ge3A_706, %add3A_703, %mul3A_709 : vector<64x512xi1>, vector<64x512xf32>
    %max3A_711 = arith.maximumf %max3A_668, %select_n3A_710 : vector<64x512xf32>
    %slice3A_712 = vector.extract_strided_slice %get3A_46 {offsets = [14, 0], sizes = [1, 512], strides = [1, 1]} : vector<20x512xf32> to vector<1x512xf32>
    %slice3A_713 = vector.extract_strided_slice %get3A_51 {offsets = [14, 0], sizes = [1, 512], strides = [1, 1]} : vector<20x512xf32> to vector<1x512xf32>
    %slice3A_714 = vector.extract_strided_slice %get3A_56 {offsets = [14, 0], sizes = [1, 512], strides = [1, 1]} : vector<20x512xf32> to vector<1x512xf32>
    %slice3A_715 = vector.extract_strided_slice %get3A_61 {offsets = [14, 0], sizes = [1, 512], strides = [1, 1]} : vector<20x512xf32> to vector<1x512xf32>
    %slice3A_716 = vector.extract_strided_slice %get3A_66 {offsets = [14, 0], sizes = [1, 512], strides = [1, 1]} : vector<20x512xf32> to vector<1x512xf32>
    %slice3A_717 = vector.extract_strided_slice %get3A_71 {offsets = [14, 0], sizes = [1, 512], strides = [1, 1]} : vector<20x512xf32> to vector<1x512xf32>
    %slice3A_718 = vector.extract_strided_slice %get3A_76 {offsets = [14, 0], sizes = [1, 512], strides = [1, 1]} : vector<20x512xf32> to vector<1x512xf32>
    %slice3A_719 = vector.extract_strided_slice %get3A_81 {offsets = [14, 0], sizes = [1, 512], strides = [1, 1]} : vector<20x512xf32> to vector<1x512xf32>
    %slice3A_720 = vector.extract_strided_slice %get3A_86 {offsets = [14, 0], sizes = [1, 512], strides = [1, 1]} : vector<20x512xf32> to vector<1x512xf32>
    %slice3A_721 = vector.extract_strided_slice %get3A_91 {offsets = [14, 0], sizes = [1, 512], strides = [1, 1]} : vector<20x512xf32> to vector<1x512xf32>
    %slice3A_722 = vector.extract_strided_slice %get3A_96 {offsets = [14, 0], sizes = [1, 512], strides = [1, 1]} : vector<20x512xf32> to vector<1x512xf32>
    %slice3A_723 = vector.extract_strided_slice %get3A_101 {offsets = [14, 0], sizes = [1, 512], strides = [1, 1]} : vector<20x512xf32> to vector<1x512xf32>
    %slice3A_724 = vector.extract_strided_slice %sqrt3A_110 {offsets = [14, 0], sizes = [1, 512], strides = [1, 1]} : vector<20x512xf32> to vector<1x512xf32>
    %concatenate3A_725 = tpu.concatenate %slice3A_712, %slice3A_713, %slice3A_714, %slice3A_715, %slice3A_716, %slice3A_717, %slice3A_718, %slice3A_719, %slice3A_720, %slice3A_721, %slice3A_722, %slice3A_723, %slice3A_724 in 0 : vector<1x512xf32>, vector<1x512xf32>, vector<1x512xf32>, vector<1x512xf32>, vector<1x512xf32>, vector<1x512xf32>, vector<1x512xf32>, vector<1x512xf32>, vector<1x512xf32>, vector<1x512xf32>, vector<1x512xf32>, vector<1x512xf32>, vector<1x512xf32> -> vector<13x512xf32>
    %bitcast_convert_type3A_726 = tpu.bitcast %concatenate3A_725 : vector<13x512xf32> -> vector<13x512xi32>
    %shift_right_logical3A_727 = arith.constant 16 : i32
    %shift_right_logical3A_728 = vector.broadcast %shift_right_logical3A_727 : i32 to vector<13x512xi32>
    %shift_right_logical3A_729 = arith.shrui %bitcast_convert_type3A_726, %shift_right_logical3A_728 : vector<13x512xi32>
    %and3A_730 = arith.constant 1 : i32
    %and3A_731 = vector.broadcast %and3A_730 : i32 to vector<13x512xi32>
    %and3A_732 = arith.andi %shift_right_logical3A_729, %and3A_731 : vector<13x512xi32>
    %add3A_733 = arith.constant 32767 : i32
    %add3A_734 = vector.broadcast %add3A_733 : i32 to vector<13x512xi32>
    %add3A_735 = arith.addi %bitcast_convert_type3A_726, %add3A_734 : vector<13x512xi32>
    %add3A_736 = arith.addi %add3A_735, %and3A_732 : vector<13x512xi32>
    %and3A_737 = arith.constant -65536 : i32
    %and3A_738 = vector.broadcast %and3A_737 : i32 to vector<13x512xi32>
    %and3A_739 = arith.andi %add3A_736, %and3A_738 : vector<13x512xi32>
    %bitcast_convert_type3A_740 = tpu.bitcast %and3A_739 : vector<13x512xi32> -> vector<13x512xf32>
    %dot_general3A_741 = arith.constant dense<0.000000e+00> : vector<64x512xf32>
    %dot_general3A_742 = tpu.matmul %bitcast_convert_type3A_15, %bitcast_convert_type3A_740, %dot_general3A_741 {dimension_numbers = #tpu.dot_dimension_numbers<[1], [0], [0], [1], [0, 0, 1, 1], [], []>, transpose_lhs_hint = false} : vector<64x13xf32>, vector<13x512xf32>, vector<64x512xf32> -> vector<64x512xf32>
    %mul3A_743 = vector.broadcast %div3A_39 : vector<64x1xf32> to vector<64x512xf32>
    %mul3A_744 = arith.mulf %dot_general3A_742, %mul3A_743 : vector<64x512xf32>
    %add3A_745 = vector.broadcast %sub3A_41 : vector<64x1xf32> to vector<64x512xf32>
    %add3A_746 = arith.addf %mul3A_744, %add3A_745 : vector<64x512xf32>
    %ge3A_747 = arith.constant 0.000000e+00 : f32
    %ge3A_748 = vector.broadcast %ge3A_747 : f32 to vector<64x512xf32>
    %ge3A_749 = arith.cmpf oge, %add3A_746, %ge3A_748 : vector<64x512xf32>
    %mul3A_750 = arith.constant 2.000000e-01 : f32
    %mul3A_751 = vector.broadcast %mul3A_750 : f32 to vector<64x512xf32>
    %mul3A_752 = arith.mulf %mul3A_751, %add3A_746 : vector<64x512xf32>
    %select_n3A_753 = arith.select %ge3A_749, %add3A_746, %mul3A_752 : vector<64x512xi1>, vector<64x512xf32>
    %max3A_754 = arith.maximumf %max3A_711, %select_n3A_753 : vector<64x512xf32>
    %slice3A_755 = vector.extract_strided_slice %get3A_46 {offsets = [15, 0], sizes = [1, 512], strides = [1, 1]} : vector<20x512xf32> to vector<1x512xf32>
    %slice3A_756 = vector.extract_strided_slice %get3A_51 {offsets = [15, 0], sizes = [1, 512], strides = [1, 1]} : vector<20x512xf32> to vector<1x512xf32>
    %slice3A_757 = vector.extract_strided_slice %get3A_56 {offsets = [15, 0], sizes = [1, 512], strides = [1, 1]} : vector<20x512xf32> to vector<1x512xf32>
    %slice3A_758 = vector.extract_strided_slice %get3A_61 {offsets = [15, 0], sizes = [1, 512], strides = [1, 1]} : vector<20x512xf32> to vector<1x512xf32>
    %slice3A_759 = vector.extract_strided_slice %get3A_66 {offsets = [15, 0], sizes = [1, 512], strides = [1, 1]} : vector<20x512xf32> to vector<1x512xf32>
    %slice3A_760 = vector.extract_strided_slice %get3A_71 {offsets = [15, 0], sizes = [1, 512], strides = [1, 1]} : vector<20x512xf32> to vector<1x512xf32>
    %slice3A_761 = vector.extract_strided_slice %get3A_76 {offsets = [15, 0], sizes = [1, 512], strides = [1, 1]} : vector<20x512xf32> to vector<1x512xf32>
    %slice3A_762 = vector.extract_strided_slice %get3A_81 {offsets = [15, 0], sizes = [1, 512], strides = [1, 1]} : vector<20x512xf32> to vector<1x512xf32>
    %slice3A_763 = vector.extract_strided_slice %get3A_86 {offsets = [15, 0], sizes = [1, 512], strides = [1, 1]} : vector<20x512xf32> to vector<1x512xf32>
    %slice3A_764 = vector.extract_strided_slice %get3A_91 {offsets = [15, 0], sizes = [1, 512], strides = [1, 1]} : vector<20x512xf32> to vector<1x512xf32>
    %slice3A_765 = vector.extract_strided_slice %get3A_96 {offsets = [15, 0], sizes = [1, 512], strides = [1, 1]} : vector<20x512xf32> to vector<1x512xf32>
    %slice3A_766 = vector.extract_strided_slice %get3A_101 {offsets = [15, 0], sizes = [1, 512], strides = [1, 1]} : vector<20x512xf32> to vector<1x512xf32>
    %slice3A_767 = vector.extract_strided_slice %sqrt3A_110 {offsets = [15, 0], sizes = [1, 512], strides = [1, 1]} : vector<20x512xf32> to vector<1x512xf32>
    %concatenate3A_768 = tpu.concatenate %slice3A_755, %slice3A_756, %slice3A_757, %slice3A_758, %slice3A_759, %slice3A_760, %slice3A_761, %slice3A_762, %slice3A_763, %slice3A_764, %slice3A_765, %slice3A_766, %slice3A_767 in 0 : vector<1x512xf32>, vector<1x512xf32>, vector<1x512xf32>, vector<1x512xf32>, vector<1x512xf32>, vector<1x512xf32>, vector<1x512xf32>, vector<1x512xf32>, vector<1x512xf32>, vector<1x512xf32>, vector<1x512xf32>, vector<1x512xf32>, vector<1x512xf32> -> vector<13x512xf32>
    %bitcast_convert_type3A_769 = tpu.bitcast %concatenate3A_768 : vector<13x512xf32> -> vector<13x512xi32>
    %shift_right_logical3A_770 = arith.constant 16 : i32
    %shift_right_logical3A_771 = vector.broadcast %shift_right_logical3A_770 : i32 to vector<13x512xi32>
    %shift_right_logical3A_772 = arith.shrui %bitcast_convert_type3A_769, %shift_right_logical3A_771 : vector<13x512xi32>
    %and3A_773 = arith.constant 1 : i32
    %and3A_774 = vector.broadcast %and3A_773 : i32 to vector<13x512xi32>
    %and3A_775 = arith.andi %shift_right_logical3A_772, %and3A_774 : vector<13x512xi32>
    %add3A_776 = arith.constant 32767 : i32
    %add3A_777 = vector.broadcast %add3A_776 : i32 to vector<13x512xi32>
    %add3A_778 = arith.addi %bitcast_convert_type3A_769, %add3A_777 : vector<13x512xi32>
    %add3A_779 = arith.addi %add3A_778, %and3A_775 : vector<13x512xi32>
    %and3A_780 = arith.constant -65536 : i32
    %and3A_781 = vector.broadcast %and3A_780 : i32 to vector<13x512xi32>
    %and3A_782 = arith.andi %add3A_779, %and3A_781 : vector<13x512xi32>
    %bitcast_convert_type3A_783 = tpu.bitcast %and3A_782 : vector<13x512xi32> -> vector<13x512xf32>
    %dot_general3A_784 = arith.constant dense<0.000000e+00> : vector<64x512xf32>
    %dot_general3A_785 = tpu.matmul %bitcast_convert_type3A_15, %bitcast_convert_type3A_783, %dot_general3A_784 {dimension_numbers = #tpu.dot_dimension_numbers<[1], [0], [0], [1], [0, 0, 1, 1], [], []>, transpose_lhs_hint = false} : vector<64x13xf32>, vector<13x512xf32>, vector<64x512xf32> -> vector<64x512xf32>
    %mul3A_786 = vector.broadcast %div3A_39 : vector<64x1xf32> to vector<64x512xf32>
    %mul3A_787 = arith.mulf %dot_general3A_785, %mul3A_786 : vector<64x512xf32>
    %add3A_788 = vector.broadcast %sub3A_41 : vector<64x1xf32> to vector<64x512xf32>
    %add3A_789 = arith.addf %mul3A_787, %add3A_788 : vector<64x512xf32>
    %ge3A_790 = arith.constant 0.000000e+00 : f32
    %ge3A_791 = vector.broadcast %ge3A_790 : f32 to vector<64x512xf32>
    %ge3A_792 = arith.cmpf oge, %add3A_789, %ge3A_791 : vector<64x512xf32>
    %mul3A_793 = arith.constant 2.000000e-01 : f32
    %mul3A_794 = vector.broadcast %mul3A_793 : f32 to vector<64x512xf32>
    %mul3A_795 = arith.mulf %mul3A_794, %add3A_789 : vector<64x512xf32>
    %select_n3A_796 = arith.select %ge3A_792, %add3A_789, %mul3A_795 : vector<64x512xi1>, vector<64x512xf32>
    %max3A_797 = arith.maximumf %max3A_754, %select_n3A_796 : vector<64x512xf32>
    %slice3A_798 = vector.extract_strided_slice %get3A_46 {offsets = [16, 0], sizes = [1, 512], strides = [1, 1]} : vector<20x512xf32> to vector<1x512xf32>
    %slice3A_799 = vector.extract_strided_slice %get3A_51 {offsets = [16, 0], sizes = [1, 512], strides = [1, 1]} : vector<20x512xf32> to vector<1x512xf32>
    %slice3A_800 = vector.extract_strided_slice %get3A_56 {offsets = [16, 0], sizes = [1, 512], strides = [1, 1]} : vector<20x512xf32> to vector<1x512xf32>
    %slice3A_801 = vector.extract_strided_slice %get3A_61 {offsets = [16, 0], sizes = [1, 512], strides = [1, 1]} : vector<20x512xf32> to vector<1x512xf32>
    %slice3A_802 = vector.extract_strided_slice %get3A_66 {offsets = [16, 0], sizes = [1, 512], strides = [1, 1]} : vector<20x512xf32> to vector<1x512xf32>
    %slice3A_803 = vector.extract_strided_slice %get3A_71 {offsets = [16, 0], sizes = [1, 512], strides = [1, 1]} : vector<20x512xf32> to vector<1x512xf32>
    %slice3A_804 = vector.extract_strided_slice %get3A_76 {offsets = [16, 0], sizes = [1, 512], strides = [1, 1]} : vector<20x512xf32> to vector<1x512xf32>
    %slice3A_805 = vector.extract_strided_slice %get3A_81 {offsets = [16, 0], sizes = [1, 512], strides = [1, 1]} : vector<20x512xf32> to vector<1x512xf32>
    %slice3A_806 = vector.extract_strided_slice %get3A_86 {offsets = [16, 0], sizes = [1, 512], strides = [1, 1]} : vector<20x512xf32> to vector<1x512xf32>
    %slice3A_807 = vector.extract_strided_slice %get3A_91 {offsets = [16, 0], sizes = [1, 512], strides = [1, 1]} : vector<20x512xf32> to vector<1x512xf32>
    %slice3A_808 = vector.extract_strided_slice %get3A_96 {offsets = [16, 0], sizes = [1, 512], strides = [1, 1]} : vector<20x512xf32> to vector<1x512xf32>
    %slice3A_809 = vector.extract_strided_slice %get3A_101 {offsets = [16, 0], sizes = [1, 512], strides = [1, 1]} : vector<20x512xf32> to vector<1x512xf32>
    %slice3A_810 = vector.extract_strided_slice %sqrt3A_110 {offsets = [16, 0], sizes = [1, 512], strides = [1, 1]} : vector<20x512xf32> to vector<1x512xf32>
    %concatenate3A_811 = tpu.concatenate %slice3A_798, %slice3A_799, %slice3A_800, %slice3A_801, %slice3A_802, %slice3A_803, %slice3A_804, %slice3A_805, %slice3A_806, %slice3A_807, %slice3A_808, %slice3A_809, %slice3A_810 in 0 : vector<1x512xf32>, vector<1x512xf32>, vector<1x512xf32>, vector<1x512xf32>, vector<1x512xf32>, vector<1x512xf32>, vector<1x512xf32>, vector<1x512xf32>, vector<1x512xf32>, vector<1x512xf32>, vector<1x512xf32>, vector<1x512xf32>, vector<1x512xf32> -> vector<13x512xf32>
    %bitcast_convert_type3A_812 = tpu.bitcast %concatenate3A_811 : vector<13x512xf32> -> vector<13x512xi32>
    %shift_right_logical3A_813 = arith.constant 16 : i32
    %shift_right_logical3A_814 = vector.broadcast %shift_right_logical3A_813 : i32 to vector<13x512xi32>
    %shift_right_logical3A_815 = arith.shrui %bitcast_convert_type3A_812, %shift_right_logical3A_814 : vector<13x512xi32>
    %and3A_816 = arith.constant 1 : i32
    %and3A_817 = vector.broadcast %and3A_816 : i32 to vector<13x512xi32>
    %and3A_818 = arith.andi %shift_right_logical3A_815, %and3A_817 : vector<13x512xi32>
    %add3A_819 = arith.constant 32767 : i32
    %add3A_820 = vector.broadcast %add3A_819 : i32 to vector<13x512xi32>
    %add3A_821 = arith.addi %bitcast_convert_type3A_812, %add3A_820 : vector<13x512xi32>
    %add3A_822 = arith.addi %add3A_821, %and3A_818 : vector<13x512xi32>
    %and3A_823 = arith.constant -65536 : i32
    %and3A_824 = vector.broadcast %and3A_823 : i32 to vector<13x512xi32>
    %and3A_825 = arith.andi %add3A_822, %and3A_824 : vector<13x512xi32>
    %bitcast_convert_type3A_826 = tpu.bitcast %and3A_825 : vector<13x512xi32> -> vector<13x512xf32>
    %dot_general3A_827 = arith.constant dense<0.000000e+00> : vector<64x512xf32>
    %dot_general3A_828 = tpu.matmul %bitcast_convert_type3A_15, %bitcast_convert_type3A_826, %dot_general3A_827 {dimension_numbers = #tpu.dot_dimension_numbers<[1], [0], [0], [1], [0, 0, 1, 1], [], []>, transpose_lhs_hint = false} : vector<64x13xf32>, vector<13x512xf32>, vector<64x512xf32> -> vector<64x512xf32>
    %mul3A_829 = vector.broadcast %div3A_39 : vector<64x1xf32> to vector<64x512xf32>
    %mul3A_830 = arith.mulf %dot_general3A_828, %mul3A_829 : vector<64x512xf32>
    %add3A_831 = vector.broadcast %sub3A_41 : vector<64x1xf32> to vector<64x512xf32>
    %add3A_832 = arith.addf %mul3A_830, %add3A_831 : vector<64x512xf32>
    %ge3A_833 = arith.constant 0.000000e+00 : f32
    %ge3A_834 = vector.broadcast %ge3A_833 : f32 to vector<64x512xf32>
    %ge3A_835 = arith.cmpf oge, %add3A_832, %ge3A_834 : vector<64x512xf32>
    %mul3A_836 = arith.constant 2.000000e-01 : f32
    %mul3A_837 = vector.broadcast %mul3A_836 : f32 to vector<64x512xf32>
    %mul3A_838 = arith.mulf %mul3A_837, %add3A_832 : vector<64x512xf32>
    %select_n3A_839 = arith.select %ge3A_835, %add3A_832, %mul3A_838 : vector<64x512xi1>, vector<64x512xf32>
    %max3A_840 = arith.maximumf %max3A_797, %select_n3A_839 : vector<64x512xf32>
    %slice3A_841 = vector.extract_strided_slice %get3A_46 {offsets = [17, 0], sizes = [1, 512], strides = [1, 1]} : vector<20x512xf32> to vector<1x512xf32>
    %slice3A_842 = vector.extract_strided_slice %get3A_51 {offsets = [17, 0], sizes = [1, 512], strides = [1, 1]} : vector<20x512xf32> to vector<1x512xf32>
    %slice3A_843 = vector.extract_strided_slice %get3A_56 {offsets = [17, 0], sizes = [1, 512], strides = [1, 1]} : vector<20x512xf32> to vector<1x512xf32>
    %slice3A_844 = vector.extract_strided_slice %get3A_61 {offsets = [17, 0], sizes = [1, 512], strides = [1, 1]} : vector<20x512xf32> to vector<1x512xf32>
    %slice3A_845 = vector.extract_strided_slice %get3A_66 {offsets = [17, 0], sizes = [1, 512], strides = [1, 1]} : vector<20x512xf32> to vector<1x512xf32>
    %slice3A_846 = vector.extract_strided_slice %get3A_71 {offsets = [17, 0], sizes = [1, 512], strides = [1, 1]} : vector<20x512xf32> to vector<1x512xf32>
    %slice3A_847 = vector.extract_strided_slice %get3A_76 {offsets = [17, 0], sizes = [1, 512], strides = [1, 1]} : vector<20x512xf32> to vector<1x512xf32>
    %slice3A_848 = vector.extract_strided_slice %get3A_81 {offsets = [17, 0], sizes = [1, 512], strides = [1, 1]} : vector<20x512xf32> to vector<1x512xf32>
    %slice3A_849 = vector.extract_strided_slice %get3A_86 {offsets = [17, 0], sizes = [1, 512], strides = [1, 1]} : vector<20x512xf32> to vector<1x512xf32>
    %slice3A_850 = vector.extract_strided_slice %get3A_91 {offsets = [17, 0], sizes = [1, 512], strides = [1, 1]} : vector<20x512xf32> to vector<1x512xf32>
    %slice3A_851 = vector.extract_strided_slice %get3A_96 {offsets = [17, 0], sizes = [1, 512], strides = [1, 1]} : vector<20x512xf32> to vector<1x512xf32>
    %slice3A_852 = vector.extract_strided_slice %get3A_101 {offsets = [17, 0], sizes = [1, 512], strides = [1, 1]} : vector<20x512xf32> to vector<1x512xf32>
    %slice3A_853 = vector.extract_strided_slice %sqrt3A_110 {offsets = [17, 0], sizes = [1, 512], strides = [1, 1]} : vector<20x512xf32> to vector<1x512xf32>
    %concatenate3A_854 = tpu.concatenate %slice3A_841, %slice3A_842, %slice3A_843, %slice3A_844, %slice3A_845, %slice3A_846, %slice3A_847, %slice3A_848, %slice3A_849, %slice3A_850, %slice3A_851, %slice3A_852, %slice3A_853 in 0 : vector<1x512xf32>, vector<1x512xf32>, vector<1x512xf32>, vector<1x512xf32>, vector<1x512xf32>, vector<1x512xf32>, vector<1x512xf32>, vector<1x512xf32>, vector<1x512xf32>, vector<1x512xf32>, vector<1x512xf32>, vector<1x512xf32>, vector<1x512xf32> -> vector<13x512xf32>
    %bitcast_convert_type3A_855 = tpu.bitcast %concatenate3A_854 : vector<13x512xf32> -> vector<13x512xi32>
    %shift_right_logical3A_856 = arith.constant 16 : i32
    %shift_right_logical3A_857 = vector.broadcast %shift_right_logical3A_856 : i32 to vector<13x512xi32>
    %shift_right_logical3A_858 = arith.shrui %bitcast_convert_type3A_855, %shift_right_logical3A_857 : vector<13x512xi32>
    %and3A_859 = arith.constant 1 : i32
    %and3A_860 = vector.broadcast %and3A_859 : i32 to vector<13x512xi32>
    %and3A_861 = arith.andi %shift_right_logical3A_858, %and3A_860 : vector<13x512xi32>
    %add3A_862 = arith.constant 32767 : i32
    %add3A_863 = vector.broadcast %add3A_862 : i32 to vector<13x512xi32>
    %add3A_864 = arith.addi %bitcast_convert_type3A_855, %add3A_863 : vector<13x512xi32>
    %add3A_865 = arith.addi %add3A_864, %and3A_861 : vector<13x512xi32>
    %and3A_866 = arith.constant -65536 : i32
    %and3A_867 = vector.broadcast %and3A_866 : i32 to vector<13x512xi32>
    %and3A_868 = arith.andi %add3A_865, %and3A_867 : vector<13x512xi32>
    %bitcast_convert_type3A_869 = tpu.bitcast %and3A_868 : vector<13x512xi32> -> vector<13x512xf32>
    %dot_general3A_870 = arith.constant dense<0.000000e+00> : vector<64x512xf32>
    %dot_general3A_871 = tpu.matmul %bitcast_convert_type3A_15, %bitcast_convert_type3A_869, %dot_general3A_870 {dimension_numbers = #tpu.dot_dimension_numbers<[1], [0], [0], [1], [0, 0, 1, 1], [], []>, transpose_lhs_hint = false} : vector<64x13xf32>, vector<13x512xf32>, vector<64x512xf32> -> vector<64x512xf32>
    %mul3A_872 = vector.broadcast %div3A_39 : vector<64x1xf32> to vector<64x512xf32>
    %mul3A_873 = arith.mulf %dot_general3A_871, %mul3A_872 : vector<64x512xf32>
    %add3A_874 = vector.broadcast %sub3A_41 : vector<64x1xf32> to vector<64x512xf32>
    %add3A_875 = arith.addf %mul3A_873, %add3A_874 : vector<64x512xf32>
    %ge3A_876 = arith.constant 0.000000e+00 : f32
    %ge3A_877 = vector.broadcast %ge3A_876 : f32 to vector<64x512xf32>
    %ge3A_878 = arith.cmpf oge, %add3A_875, %ge3A_877 : vector<64x512xf32>
    %mul3A_879 = arith.constant 2.000000e-01 : f32
    %mul3A_880 = vector.broadcast %mul3A_879 : f32 to vector<64x512xf32>
    %mul3A_881 = arith.mulf %mul3A_880, %add3A_875 : vector<64x512xf32>
    %select_n3A_882 = arith.select %ge3A_878, %add3A_875, %mul3A_881 : vector<64x512xi1>, vector<64x512xf32>
    %max3A_883 = arith.maximumf %max3A_840, %select_n3A_882 : vector<64x512xf32>
    %slice3A_884 = vector.extract_strided_slice %get3A_46 {offsets = [18, 0], sizes = [1, 512], strides = [1, 1]} : vector<20x512xf32> to vector<1x512xf32>
    %slice3A_885 = vector.extract_strided_slice %get3A_51 {offsets = [18, 0], sizes = [1, 512], strides = [1, 1]} : vector<20x512xf32> to vector<1x512xf32>
    %slice3A_886 = vector.extract_strided_slice %get3A_56 {offsets = [18, 0], sizes = [1, 512], strides = [1, 1]} : vector<20x512xf32> to vector<1x512xf32>
    %slice3A_887 = vector.extract_strided_slice %get3A_61 {offsets = [18, 0], sizes = [1, 512], strides = [1, 1]} : vector<20x512xf32> to vector<1x512xf32>
    %slice3A_888 = vector.extract_strided_slice %get3A_66 {offsets = [18, 0], sizes = [1, 512], strides = [1, 1]} : vector<20x512xf32> to vector<1x512xf32>
    %slice3A_889 = vector.extract_strided_slice %get3A_71 {offsets = [18, 0], sizes = [1, 512], strides = [1, 1]} : vector<20x512xf32> to vector<1x512xf32>
    %slice3A_890 = vector.extract_strided_slice %get3A_76 {offsets = [18, 0], sizes = [1, 512], strides = [1, 1]} : vector<20x512xf32> to vector<1x512xf32>
    %slice3A_891 = vector.extract_strided_slice %get3A_81 {offsets = [18, 0], sizes = [1, 512], strides = [1, 1]} : vector<20x512xf32> to vector<1x512xf32>
    %slice3A_892 = vector.extract_strided_slice %get3A_86 {offsets = [18, 0], sizes = [1, 512], strides = [1, 1]} : vector<20x512xf32> to vector<1x512xf32>
    %slice3A_893 = vector.extract_strided_slice %get3A_91 {offsets = [18, 0], sizes = [1, 512], strides = [1, 1]} : vector<20x512xf32> to vector<1x512xf32>
    %slice3A_894 = vector.extract_strided_slice %get3A_96 {offsets = [18, 0], sizes = [1, 512], strides = [1, 1]} : vector<20x512xf32> to vector<1x512xf32>
    %slice3A_895 = vector.extract_strided_slice %get3A_101 {offsets = [18, 0], sizes = [1, 512], strides = [1, 1]} : vector<20x512xf32> to vector<1x512xf32>
    %slice3A_896 = vector.extract_strided_slice %sqrt3A_110 {offsets = [18, 0], sizes = [1, 512], strides = [1, 1]} : vector<20x512xf32> to vector<1x512xf32>
    %concatenate3A_897 = tpu.concatenate %slice3A_884, %slice3A_885, %slice3A_886, %slice3A_887, %slice3A_888, %slice3A_889, %slice3A_890, %slice3A_891, %slice3A_892, %slice3A_893, %slice3A_894, %slice3A_895, %slice3A_896 in 0 : vector<1x512xf32>, vector<1x512xf32>, vector<1x512xf32>, vector<1x512xf32>, vector<1x512xf32>, vector<1x512xf32>, vector<1x512xf32>, vector<1x512xf32>, vector<1x512xf32>, vector<1x512xf32>, vector<1x512xf32>, vector<1x512xf32>, vector<1x512xf32> -> vector<13x512xf32>
    %bitcast_convert_type3A_898 = tpu.bitcast %concatenate3A_897 : vector<13x512xf32> -> vector<13x512xi32>
    %shift_right_logical3A_899 = arith.constant 16 : i32
    %shift_right_logical3A_900 = vector.broadcast %shift_right_logical3A_899 : i32 to vector<13x512xi32>
    %shift_right_logical3A_901 = arith.shrui %bitcast_convert_type3A_898, %shift_right_logical3A_900 : vector<13x512xi32>
    %and3A_902 = arith.constant 1 : i32
    %and3A_903 = vector.broadcast %and3A_902 : i32 to vector<13x512xi32>
    %and3A_904 = arith.andi %shift_right_logical3A_901, %and3A_903 : vector<13x512xi32>
    %add3A_905 = arith.constant 32767 : i32
    %add3A_906 = vector.broadcast %add3A_905 : i32 to vector<13x512xi32>
    %add3A_907 = arith.addi %bitcast_convert_type3A_898, %add3A_906 : vector<13x512xi32>
    %add3A_908 = arith.addi %add3A_907, %and3A_904 : vector<13x512xi32>
    %and3A_909 = arith.constant -65536 : i32
    %and3A_910 = vector.broadcast %and3A_909 : i32 to vector<13x512xi32>
    %and3A_911 = arith.andi %add3A_908, %and3A_910 : vector<13x512xi32>
    %bitcast_convert_type3A_912 = tpu.bitcast %and3A_911 : vector<13x512xi32> -> vector<13x512xf32>
    %dot_general3A_913 = arith.constant dense<0.000000e+00> : vector<64x512xf32>
    %dot_general3A_914 = tpu.matmul %bitcast_convert_type3A_15, %bitcast_convert_type3A_912, %dot_general3A_913 {dimension_numbers = #tpu.dot_dimension_numbers<[1], [0], [0], [1], [0, 0, 1, 1], [], []>, transpose_lhs_hint = false} : vector<64x13xf32>, vector<13x512xf32>, vector<64x512xf32> -> vector<64x512xf32>
    %mul3A_915 = vector.broadcast %div3A_39 : vector<64x1xf32> to vector<64x512xf32>
    %mul3A_916 = arith.mulf %dot_general3A_914, %mul3A_915 : vector<64x512xf32>
    %add3A_917 = vector.broadcast %sub3A_41 : vector<64x1xf32> to vector<64x512xf32>
    %add3A_918 = arith.addf %mul3A_916, %add3A_917 : vector<64x512xf32>
    %ge3A_919 = arith.constant 0.000000e+00 : f32
    %ge3A_920 = vector.broadcast %ge3A_919 : f32 to vector<64x512xf32>
    %ge3A_921 = arith.cmpf oge, %add3A_918, %ge3A_920 : vector<64x512xf32>
    %mul3A_922 = arith.constant 2.000000e-01 : f32
    %mul3A_923 = vector.broadcast %mul3A_922 : f32 to vector<64x512xf32>
    %mul3A_924 = arith.mulf %mul3A_923, %add3A_918 : vector<64x512xf32>
    %select_n3A_925 = arith.select %ge3A_921, %add3A_918, %mul3A_924 : vector<64x512xi1>, vector<64x512xf32>
    %max3A_926 = arith.maximumf %max3A_883, %select_n3A_925 : vector<64x512xf32>
    %slice3A_927 = vector.extract_strided_slice %get3A_46 {offsets = [19, 0], sizes = [1, 512], strides = [1, 1]} : vector<20x512xf32> to vector<1x512xf32>
    %slice3A_928 = vector.extract_strided_slice %get3A_51 {offsets = [19, 0], sizes = [1, 512], strides = [1, 1]} : vector<20x512xf32> to vector<1x512xf32>
    %slice3A_929 = vector.extract_strided_slice %get3A_56 {offsets = [19, 0], sizes = [1, 512], strides = [1, 1]} : vector<20x512xf32> to vector<1x512xf32>
    %slice3A_930 = vector.extract_strided_slice %get3A_61 {offsets = [19, 0], sizes = [1, 512], strides = [1, 1]} : vector<20x512xf32> to vector<1x512xf32>
    %slice3A_931 = vector.extract_strided_slice %get3A_66 {offsets = [19, 0], sizes = [1, 512], strides = [1, 1]} : vector<20x512xf32> to vector<1x512xf32>
    %slice3A_932 = vector.extract_strided_slice %get3A_71 {offsets = [19, 0], sizes = [1, 512], strides = [1, 1]} : vector<20x512xf32> to vector<1x512xf32>
    %slice3A_933 = vector.extract_strided_slice %get3A_76 {offsets = [19, 0], sizes = [1, 512], strides = [1, 1]} : vector<20x512xf32> to vector<1x512xf32>
    %slice3A_934 = vector.extract_strided_slice %get3A_81 {offsets = [19, 0], sizes = [1, 512], strides = [1, 1]} : vector<20x512xf32> to vector<1x512xf32>
    %slice3A_935 = vector.extract_strided_slice %get3A_86 {offsets = [19, 0], sizes = [1, 512], strides = [1, 1]} : vector<20x512xf32> to vector<1x512xf32>
    %slice3A_936 = vector.extract_strided_slice %get3A_91 {offsets = [19, 0], sizes = [1, 512], strides = [1, 1]} : vector<20x512xf32> to vector<1x512xf32>
    %slice3A_937 = vector.extract_strided_slice %get3A_96 {offsets = [19, 0], sizes = [1, 512], strides = [1, 1]} : vector<20x512xf32> to vector<1x512xf32>
    %slice3A_938 = vector.extract_strided_slice %get3A_101 {offsets = [19, 0], sizes = [1, 512], strides = [1, 1]} : vector<20x512xf32> to vector<1x512xf32>
    %slice3A_939 = vector.extract_strided_slice %sqrt3A_110 {offsets = [19, 0], sizes = [1, 512], strides = [1, 1]} : vector<20x512xf32> to vector<1x512xf32>
    %concatenate3A_940 = tpu.concatenate %slice3A_927, %slice3A_928, %slice3A_929, %slice3A_930, %slice3A_931, %slice3A_932, %slice3A_933, %slice3A_934, %slice3A_935, %slice3A_936, %slice3A_937, %slice3A_938, %slice3A_939 in 0 : vector<1x512xf32>, vector<1x512xf32>, vector<1x512xf32>, vector<1x512xf32>, vector<1x512xf32>, vector<1x512xf32>, vector<1x512xf32>, vector<1x512xf32>, vector<1x512xf32>, vector<1x512xf32>, vector<1x512xf32>, vector<1x512xf32>, vector<1x512xf32> -> vector<13x512xf32>
    %bitcast_convert_type3A_941 = tpu.bitcast %concatenate3A_940 : vector<13x512xf32> -> vector<13x512xi32>
    %shift_right_logical3A_942 = arith.constant 16 : i32
    %shift_right_logical3A_943 = vector.broadcast %shift_right_logical3A_942 : i32 to vector<13x512xi32>
    %shift_right_logical3A_944 = arith.shrui %bitcast_convert_type3A_941, %shift_right_logical3A_943 : vector<13x512xi32>
    %and3A_945 = arith.constant 1 : i32
    %and3A_946 = vector.broadcast %and3A_945 : i32 to vector<13x512xi32>
    %and3A_947 = arith.andi %shift_right_logical3A_944, %and3A_946 : vector<13x512xi32>
    %add3A_948 = arith.constant 32767 : i32
    %add3A_949 = vector.broadcast %add3A_948 : i32 to vector<13x512xi32>
    %add3A_950 = arith.addi %bitcast_convert_type3A_941, %add3A_949 : vector<13x512xi32>
    %add3A_951 = arith.addi %add3A_950, %and3A_947 : vector<13x512xi32>
    %and3A_952 = arith.constant -65536 : i32
    %and3A_953 = vector.broadcast %and3A_952 : i32 to vector<13x512xi32>
    %and3A_954 = arith.andi %add3A_951, %and3A_953 : vector<13x512xi32>
    %bitcast_convert_type3A_955 = tpu.bitcast %and3A_954 : vector<13x512xi32> -> vector<13x512xf32>
    %dot_general3A_956 = arith.constant dense<0.000000e+00> : vector<64x512xf32>
    %dot_general3A_957 = tpu.matmul %bitcast_convert_type3A_15, %bitcast_convert_type3A_955, %dot_general3A_956 {dimension_numbers = #tpu.dot_dimension_numbers<[1], [0], [0], [1], [0, 0, 1, 1], [], []>, transpose_lhs_hint = false} : vector<64x13xf32>, vector<13x512xf32>, vector<64x512xf32> -> vector<64x512xf32>
    %mul3A_958 = vector.broadcast %div3A_39 : vector<64x1xf32> to vector<64x512xf32>
    %mul3A_959 = arith.mulf %dot_general3A_957, %mul3A_958 : vector<64x512xf32>
    %add3A_960 = vector.broadcast %sub3A_41 : vector<64x1xf32> to vector<64x512xf32>
    %add3A_961 = arith.addf %mul3A_959, %add3A_960 : vector<64x512xf32>
    %ge3A_962 = arith.constant 0.000000e+00 : f32
    %ge3A_963 = vector.broadcast %ge3A_962 : f32 to vector<64x512xf32>
    %ge3A_964 = arith.cmpf oge, %add3A_961, %ge3A_963 : vector<64x512xf32>
    %mul3A_965 = arith.constant 2.000000e-01 : f32
    %mul3A_966 = vector.broadcast %mul3A_965 : f32 to vector<64x512xf32>
    %mul3A_967 = arith.mulf %mul3A_966, %add3A_961 : vector<64x512xf32>
    %select_n3A_968 = arith.select %ge3A_964, %add3A_961, %mul3A_967 : vector<64x512xi1>, vector<64x512xf32>
    %max3A_969 = arith.maximumf %max3A_926, %select_n3A_968 : vector<64x512xf32>
    %swap3A = arith.constant 0 : index
    %swap3A_970 = arith.constant 0 : index
    %swap3A_971 = arith.constant 0 : index
    %swap3A_972 = vector.load %arg18[%swap3A, %swap3A_970, %swap3A_971] : memref<1x64x512xf32, #tpu.memory_space<vmem>>, vector<1x64x512xf32>
    %swap3A_973 = vector.shape_cast %swap3A_972 : vector<1x64x512xf32> to vector<64x512xf32>
    %swap3A_974 = vector.shape_cast %max3A_969 : vector<64x512xf32> to vector<1x64x512xf32>
    tpu.vector_store %arg18[%swap3A, %swap3A_970, %swap3A_971], %swap3A_974 {strides = array<i32>} : memref<1x64x512xf32, #tpu.memory_space<vmem>>, vector<1x64x512xf32>,
    return
  }
  func.func @transform_0(%arg0: i32, %arg1: i32) -> (i32, i32, i32) {
    %c0_i32 = arith.constant 0 : i32
    %c0_i32_0 = arith.constant 0 : i32
    return %arg0, %c0_i32, %arg1 : i32, i32, i32
  }
  func.func @transform_1(%arg0: i32, %arg1: i32) -> (i32, i32, i32) {
    %c0_i32 = arith.constant 0 : i32
    %c0_i32_0 = arith.constant 0 : i32
    return %arg0, %c0_i32, %arg1 : i32, i32, i32
  }
  func.func @transform_2(%arg0: i32, %arg1: i32) -> (i32, i32, i32) {
    %c0_i32 = arith.constant 0 : i32
    %c0_i32_0 = arith.constant 0 : i32
    return %arg0, %c0_i32, %arg1 : i32, i32, i32
  }
  func.func @transform_3(%arg0: i32, %arg1: i32) -> (i32, i32, i32) {
    %c0_i32 = arith.constant 0 : i32
    %c0_i32_0 = arith.constant 0 : i32
    return %arg0, %c0_i32, %arg1 : i32, i32, i32
  }
  func.func @transform_4(%arg0: i32, %arg1: i32) -> (i32, i32, i32) {
    %c0_i32 = arith.constant 0 : i32
    %c0_i32_0 = arith.constant 0 : i32
    return %arg0, %c0_i32, %arg1 : i32, i32, i32
  }
  func.func @transform_5(%arg0: i32, %arg1: i32) -> (i32, i32, i32) {
    %c0_i32 = arith.constant 0 : i32
    %c0_i32_0 = arith.constant 0 : i32
    return %arg0, %c0_i32, %arg1 : i32, i32, i32
  }
  func.func @transform_6(%arg0: i32, %arg1: i32) -> (i32, i32, i32) {
    %c0_i32 = arith.constant 0 : i32
    %c0_i32_0 = arith.constant 0 : i32
    return %arg0, %c0_i32, %arg1 : i32, i32, i32
  }
  func.func @transform_7(%arg0: i32, %arg1: i32) -> (i32, i32, i32) {
    %c0_i32 = arith.constant 0 : i32
    %c0_i32_0 = arith.constant 0 : i32
    return %arg0, %c0_i32, %arg1 : i32, i32, i32
  }
  func.func @transform_8(%arg0: i32, %arg1: i32) -> (i32, i32, i32) {
    %c0_i32 = arith.constant 0 : i32
    %c0_i32_0 = arith.constant 0 : i32
    return %arg0, %c0_i32, %arg1 : i32, i32, i32
  }
  func.func @transform_9(%arg0: i32, %arg1: i32) -> (i32, i32, i32) {
    %c0_i32 = arith.constant 0 : i32
    %c0_i32_0 = arith.constant 0 : i32
    return %arg0, %c0_i32, %arg1 : i32, i32, i32
  }
  func.func @transform_10(%arg0: i32, %arg1: i32) -> (i32, i32, i32) {
    %c0_i32 = arith.constant 0 : i32
    %c0_i32_0 = arith.constant 0 : i32
    return %arg0, %c0_i32, %arg1 : i32, i32, i32
  }
  func.func @transform_11(%arg0: i32, %arg1: i32) -> (i32, i32, i32) {
    %c0_i32 = arith.constant 0 : i32
    %c0_i32_0 = arith.constant 0 : i32
    return %arg0, %c0_i32, %arg1 : i32, i32, i32
  }
  func.func @transform_12(%arg0: i32, %arg1: i32) -> (i32, i32) {
    %c0_i32 = arith.constant 0 : i32
    %c0_i32_0 = arith.constant 0 : i32
    %c0_i32_1 = arith.constant 0 : i32
    return %c0_i32, %c0_i32_0 : i32, i32
  }
  func.func @transform_13(%arg0: i32, %arg1: i32) -> (i32, i32) {
    %c0_i32 = arith.constant 0 : i32
    %c0_i32_0 = arith.constant 0 : i32
    %c0_i32_1 = arith.constant 0 : i32
    return %c0_i32, %c0_i32_0 : i32, i32
  }
  func.func @transform_14(%arg0: i32, %arg1: i32) -> (i32, i32) {
    %c0_i32 = arith.constant 0 : i32
    %c0_i32_0 = arith.constant 0 : i32
    %c0_i32_1 = arith.constant 0 : i32
    return %c0_i32, %c0_i32_0 : i32, i32
  }
  func.func @transform_15(%arg0: i32, %arg1: i32) -> (i32, i32) {
    %c0_i32 = arith.constant 0 : i32
    %c0_i32_0 = arith.constant 0 : i32
    %c0_i32_1 = arith.constant 0 : i32
    return %c0_i32, %c0_i32_0 : i32, i32
  }
  func.func @transform_16(%arg0: i32, %arg1: i32) -> (i32, i32, i32) {
    %c0_i32 = arith.constant 0 : i32
    %c0_i32_0 = arith.constant 0 : i32
    return %arg0, %c0_i32, %arg1 : i32, i32, i32
  }
}

module attributes {stable_mosaic.version = 14 : i64} {
  func.func @_mom_body(%arg0: i32, %arg1: i32, %arg2: memref<1x20x512xf32, #tpu.memory_space<vmem>>, %arg3: memref<1x20x512xf32, #tpu.memory_space<vmem>>, %arg4: memref<1x20x512xf32, #tpu.memory_space<vmem>>, %arg5: memref<1x20x512xf32, #tpu.memory_space<vmem>>, %arg6: memref<1x20x512xf32, #tpu.memory_space<vmem>>, %arg7: memref<1x20x512xf32, #tpu.memory_space<vmem>>, %arg8: memref<1x20x512xf32, #tpu.memory_space<vmem>>, %arg9: memref<1x20x512xf32, #tpu.memory_space<vmem>>, %arg10: memref<1x20x512xf32, #tpu.memory_space<vmem>>, %arg11: memref<1x20x512xf32, #tpu.memory_space<vmem>>, %arg12: memref<1x20x512xf32, #tpu.memory_space<vmem>>, %arg13: memref<1x20x512xf32, #tpu.memory_space<vmem>>, %arg14: memref<16x16xf32, #tpu.memory_space<vmem>>) attributes {dimension_semantics = [#tpu.dimension_semantics<arbitrary>, #tpu.dimension_semantics<arbitrary>], iteration_bounds = array<i64: 8, 4>, scalar_prefetch = 0 : i64, scratch_operands = 0 : i64, tpu.core_type = #tpu.core_type<tc>, window_params = [{transform_indices = @transform_0, window_bounds = array<i64: 1, 20, 512>}, {transform_indices = @transform_1, window_bounds = array<i64: 1, 20, 512>}, {transform_indices = @transform_2, window_bounds = array<i64: 1, 20, 512>}, {transform_indices = @transform_3, window_bounds = array<i64: 1, 20, 512>}, {transform_indices = @transform_4, window_bounds = array<i64: 1, 20, 512>}, {transform_indices = @transform_5, window_bounds = array<i64: 1, 20, 512>}, {transform_indices = @transform_6, window_bounds = array<i64: 1, 20, 512>}, {transform_indices = @transform_7, window_bounds = array<i64: 1, 20, 512>}, {transform_indices = @transform_8, window_bounds = array<i64: 1, 20, 512>}, {transform_indices = @transform_9, window_bounds = array<i64: 1, 20, 512>}, {transform_indices = @transform_10, window_bounds = array<i64: 1, 20, 512>}, {transform_indices = @transform_11, window_bounds = array<i64: 1, 20, 512>}, {pipeline_mode = #tpu.pipeline_mode<synchronous>, transform_indices = @transform_12, window_bounds = array<i64: 16, 16>}]} {
    %eq3A = arith.constant 0 : i32
    %eq3A_0 = arith.cmpi eq, %arg0, %eq3A : i32
    %eq3A_1 = arith.constant 0 : i32
    %eq3A_2 = arith.cmpi eq, %arg1, %eq3A_1 : i32
    %and3A = arith.andi %eq3A_0, %eq3A_2 : i1
    %convert_element_type3A = arith.extui %and3A : i1 to i32
    %cond3A = arith.constant 0 : i32
    %cond3A_3 = arith.cmpi ne, %convert_element_type3A, %cond3A : i32
    scf.if %cond3A_3 {
      %broadcast_in_dim3A_735 = arith.constant 0.000000e+00 : f32
      %broadcast_in_dim3A_736 = vector.broadcast %broadcast_in_dim3A_735 : f32 to vector<16x16xf32>
      %swap3A_737 = arith.constant 0 : index
      %swap3A_738 = arith.constant 0 : index
      %swap3A_739 = vector.load %arg14[%swap3A_737, %swap3A_738] : memref<16x16xf32, #tpu.memory_space<vmem>>, vector<16x16xf32>
      tpu.vector_store %arg14[%swap3A_737, %swap3A_738], %broadcast_in_dim3A_736 {strides = array<i32>} : memref<16x16xf32, #tpu.memory_space<vmem>>, vector<16x16xf32>,
    } else {
    }
    %get3A = arith.constant 0 : index
    %get3A_4 = arith.constant 0 : index
    %get3A_5 = arith.constant 0 : index
    %get3A_6 = vector.load %arg2[%get3A, %get3A_4, %get3A_5] : memref<1x20x512xf32, #tpu.memory_space<vmem>>, vector<1x20x512xf32>
    %get3A_7 = vector.shape_cast %get3A_6 : vector<1x20x512xf32> to vector<20x512xf32>
    %get3A_8 = arith.constant 0 : index
    %get3A_9 = arith.constant 0 : index
    %get3A_10 = arith.constant 0 : index
    %get3A_11 = vector.load %arg3[%get3A_8, %get3A_9, %get3A_10] : memref<1x20x512xf32, #tpu.memory_space<vmem>>, vector<1x20x512xf32>
    %get3A_12 = vector.shape_cast %get3A_11 : vector<1x20x512xf32> to vector<20x512xf32>
    %get3A_13 = arith.constant 0 : index
    %get3A_14 = arith.constant 0 : index
    %get3A_15 = arith.constant 0 : index
    %get3A_16 = vector.load %arg4[%get3A_13, %get3A_14, %get3A_15] : memref<1x20x512xf32, #tpu.memory_space<vmem>>, vector<1x20x512xf32>
    %get3A_17 = vector.shape_cast %get3A_16 : vector<1x20x512xf32> to vector<20x512xf32>
    %get3A_18 = arith.constant 0 : index
    %get3A_19 = arith.constant 0 : index
    %get3A_20 = arith.constant 0 : index
    %get3A_21 = vector.load %arg5[%get3A_18, %get3A_19, %get3A_20] : memref<1x20x512xf32, #tpu.memory_space<vmem>>, vector<1x20x512xf32>
    %get3A_22 = vector.shape_cast %get3A_21 : vector<1x20x512xf32> to vector<20x512xf32>
    %get3A_23 = arith.constant 0 : index
    %get3A_24 = arith.constant 0 : index
    %get3A_25 = arith.constant 0 : index
    %get3A_26 = vector.load %arg6[%get3A_23, %get3A_24, %get3A_25] : memref<1x20x512xf32, #tpu.memory_space<vmem>>, vector<1x20x512xf32>
    %get3A_27 = vector.shape_cast %get3A_26 : vector<1x20x512xf32> to vector<20x512xf32>
    %get3A_28 = arith.constant 0 : index
    %get3A_29 = arith.constant 0 : index
    %get3A_30 = arith.constant 0 : index
    %get3A_31 = vector.load %arg7[%get3A_28, %get3A_29, %get3A_30] : memref<1x20x512xf32, #tpu.memory_space<vmem>>, vector<1x20x512xf32>
    %get3A_32 = vector.shape_cast %get3A_31 : vector<1x20x512xf32> to vector<20x512xf32>
    %get3A_33 = arith.constant 0 : index
    %get3A_34 = arith.constant 0 : index
    %get3A_35 = arith.constant 0 : index
    %get3A_36 = vector.load %arg8[%get3A_33, %get3A_34, %get3A_35] : memref<1x20x512xf32, #tpu.memory_space<vmem>>, vector<1x20x512xf32>
    %get3A_37 = vector.shape_cast %get3A_36 : vector<1x20x512xf32> to vector<20x512xf32>
    %get3A_38 = arith.constant 0 : index
    %get3A_39 = arith.constant 0 : index
    %get3A_40 = arith.constant 0 : index
    %get3A_41 = vector.load %arg9[%get3A_38, %get3A_39, %get3A_40] : memref<1x20x512xf32, #tpu.memory_space<vmem>>, vector<1x20x512xf32>
    %get3A_42 = vector.shape_cast %get3A_41 : vector<1x20x512xf32> to vector<20x512xf32>
    %get3A_43 = arith.constant 0 : index
    %get3A_44 = arith.constant 0 : index
    %get3A_45 = arith.constant 0 : index
    %get3A_46 = vector.load %arg10[%get3A_43, %get3A_44, %get3A_45] : memref<1x20x512xf32, #tpu.memory_space<vmem>>, vector<1x20x512xf32>
    %get3A_47 = vector.shape_cast %get3A_46 : vector<1x20x512xf32> to vector<20x512xf32>
    %get3A_48 = arith.constant 0 : index
    %get3A_49 = arith.constant 0 : index
    %get3A_50 = arith.constant 0 : index
    %get3A_51 = vector.load %arg11[%get3A_48, %get3A_49, %get3A_50] : memref<1x20x512xf32, #tpu.memory_space<vmem>>, vector<1x20x512xf32>
    %get3A_52 = vector.shape_cast %get3A_51 : vector<1x20x512xf32> to vector<20x512xf32>
    %get3A_53 = arith.constant 0 : index
    %get3A_54 = arith.constant 0 : index
    %get3A_55 = arith.constant 0 : index
    %get3A_56 = vector.load %arg12[%get3A_53, %get3A_54, %get3A_55] : memref<1x20x512xf32, #tpu.memory_space<vmem>>, vector<1x20x512xf32>
    %get3A_57 = vector.shape_cast %get3A_56 : vector<1x20x512xf32> to vector<20x512xf32>
    %get3A_58 = arith.constant 0 : index
    %get3A_59 = arith.constant 0 : index
    %get3A_60 = arith.constant 0 : index
    %get3A_61 = vector.load %arg13[%get3A_58, %get3A_59, %get3A_60] : memref<1x20x512xf32, #tpu.memory_space<vmem>>, vector<1x20x512xf32>
    %get3A_62 = vector.shape_cast %get3A_61 : vector<1x20x512xf32> to vector<20x512xf32>
    %mul3A = arith.mulf %get3A_7, %get3A_7 : vector<20x512xf32>
    %mul3A_63 = arith.mulf %get3A_12, %get3A_12 : vector<20x512xf32>
    %add3A = arith.addf %mul3A, %mul3A_63 : vector<20x512xf32>
    %mul3A_64 = arith.mulf %get3A_17, %get3A_17 : vector<20x512xf32>
    %add3A_65 = arith.addf %add3A, %mul3A_64 : vector<20x512xf32>
    %add3A_66 = arith.constant 9.99999996E-13 : f32
    %add3A_67 = vector.broadcast %add3A_66 : f32 to vector<20x512xf32>
    %add3A_68 = arith.addf %add3A_65, %add3A_67 : vector<20x512xf32>
    %sqrt3A = math.sqrt %add3A_68 : vector<20x512xf32>
    %broadcast_in_dim3A = arith.constant 1.000000e+00 : f32
    %broadcast_in_dim3A_69 = vector.broadcast %broadcast_in_dim3A : f32 to vector<1x512xf32>
    %broadcast_in_dim3A_70 = arith.constant 0.000000e+00 : f32
    %broadcast_in_dim3A_71 = vector.broadcast %broadcast_in_dim3A_70 : f32 to vector<2x512xf32>
    %broadcast_in_dim3A_72 = arith.constant 0.000000e+00 : f32
    %broadcast_in_dim3A_73 = vector.broadcast %broadcast_in_dim3A_72 : f32 to vector<16x16xf32>
    %slice3A = vector.extract_strided_slice %get3A_7 {offsets = [0, 0], sizes = [1, 512], strides = [1, 1]} : vector<20x512xf32> to vector<1x512xf32>
    %slice3A_74 = vector.extract_strided_slice %get3A_12 {offsets = [0, 0], sizes = [1, 512], strides = [1, 1]} : vector<20x512xf32> to vector<1x512xf32>
    %slice3A_75 = vector.extract_strided_slice %get3A_17 {offsets = [0, 0], sizes = [1, 512], strides = [1, 1]} : vector<20x512xf32> to vector<1x512xf32>
    %slice3A_76 = vector.extract_strided_slice %get3A_22 {offsets = [0, 0], sizes = [1, 512], strides = [1, 1]} : vector<20x512xf32> to vector<1x512xf32>
    %slice3A_77 = vector.extract_strided_slice %get3A_27 {offsets = [0, 0], sizes = [1, 512], strides = [1, 1]} : vector<20x512xf32> to vector<1x512xf32>
    %slice3A_78 = vector.extract_strided_slice %get3A_32 {offsets = [0, 0], sizes = [1, 512], strides = [1, 1]} : vector<20x512xf32> to vector<1x512xf32>
    %slice3A_79 = vector.extract_strided_slice %get3A_37 {offsets = [0, 0], sizes = [1, 512], strides = [1, 1]} : vector<20x512xf32> to vector<1x512xf32>
    %slice3A_80 = vector.extract_strided_slice %get3A_42 {offsets = [0, 0], sizes = [1, 512], strides = [1, 1]} : vector<20x512xf32> to vector<1x512xf32>
    %slice3A_81 = vector.extract_strided_slice %get3A_47 {offsets = [0, 0], sizes = [1, 512], strides = [1, 1]} : vector<20x512xf32> to vector<1x512xf32>
    %slice3A_82 = vector.extract_strided_slice %get3A_52 {offsets = [0, 0], sizes = [1, 512], strides = [1, 1]} : vector<20x512xf32> to vector<1x512xf32>
    %slice3A_83 = vector.extract_strided_slice %get3A_57 {offsets = [0, 0], sizes = [1, 512], strides = [1, 1]} : vector<20x512xf32> to vector<1x512xf32>
    %slice3A_84 = vector.extract_strided_slice %get3A_62 {offsets = [0, 0], sizes = [1, 512], strides = [1, 1]} : vector<20x512xf32> to vector<1x512xf32>
    %slice3A_85 = vector.extract_strided_slice %sqrt3A {offsets = [0, 0], sizes = [1, 512], strides = [1, 1]} : vector<20x512xf32> to vector<1x512xf32>
    %concatenate3A = tpu.concatenate %slice3A, %slice3A_74, %slice3A_75, %slice3A_76, %slice3A_77, %slice3A_78, %slice3A_79, %slice3A_80, %slice3A_81, %slice3A_82, %slice3A_83, %slice3A_84, %slice3A_85 in 0 : vector<1x512xf32>, vector<1x512xf32>, vector<1x512xf32>, vector<1x512xf32>, vector<1x512xf32>, vector<1x512xf32>, vector<1x512xf32>, vector<1x512xf32>, vector<1x512xf32>, vector<1x512xf32>, vector<1x512xf32>, vector<1x512xf32>, vector<1x512xf32> -> vector<13x512xf32>
    %bitcast_convert_type3A = tpu.bitcast %concatenate3A : vector<13x512xf32> -> vector<13x512xi32>
    %shift_right_logical3A = arith.constant 16 : i32
    %shift_right_logical3A_86 = vector.broadcast %shift_right_logical3A : i32 to vector<13x512xi32>
    %shift_right_logical3A_87 = arith.shrui %bitcast_convert_type3A, %shift_right_logical3A_86 : vector<13x512xi32>
    %and3A_88 = arith.constant 1 : i32
    %and3A_89 = vector.broadcast %and3A_88 : i32 to vector<13x512xi32>
    %and3A_90 = arith.andi %shift_right_logical3A_87, %and3A_89 : vector<13x512xi32>
    %add3A_91 = arith.constant 32767 : i32
    %add3A_92 = vector.broadcast %add3A_91 : i32 to vector<13x512xi32>
    %add3A_93 = arith.addi %bitcast_convert_type3A, %add3A_92 : vector<13x512xi32>
    %add3A_94 = arith.addi %add3A_93, %and3A_90 : vector<13x512xi32>
    %and3A_95 = arith.constant -65536 : i32
    %and3A_96 = vector.broadcast %and3A_95 : i32 to vector<13x512xi32>
    %and3A_97 = arith.andi %add3A_94, %and3A_96 : vector<13x512xi32>
    %bitcast_convert_type3A_98 = tpu.bitcast %and3A_97 : vector<13x512xi32> -> vector<13x512xf32>
    %concatenate3A_99 = tpu.concatenate %bitcast_convert_type3A_98, %broadcast_in_dim3A_69, %broadcast_in_dim3A_71 in 0 : vector<13x512xf32>, vector<1x512xf32>, vector<2x512xf32> -> vector<16x512xf32>
    %dot_general3A = arith.constant dense<0.000000e+00> : vector<16x16xf32>
    %dot_general3A_100 = tpu.matmul %concatenate3A_99, %concatenate3A_99, %dot_general3A {dimension_numbers = #tpu.dot_dimension_numbers<[1], [1], [0], [0], [0, 0, 1, 0], [], []>, transpose_lhs_hint = false} : vector<16x512xf32>, vector<16x512xf32>, vector<16x16xf32> -> vector<16x16xf32>
    %add3A_101 = arith.addf %broadcast_in_dim3A_73, %dot_general3A_100 : vector<16x16xf32>
    %slice3A_102 = vector.extract_strided_slice %get3A_7 {offsets = [1, 0], sizes = [1, 512], strides = [1, 1]} : vector<20x512xf32> to vector<1x512xf32>
    %slice3A_103 = vector.extract_strided_slice %get3A_12 {offsets = [1, 0], sizes = [1, 512], strides = [1, 1]} : vector<20x512xf32> to vector<1x512xf32>
    %slice3A_104 = vector.extract_strided_slice %get3A_17 {offsets = [1, 0], sizes = [1, 512], strides = [1, 1]} : vector<20x512xf32> to vector<1x512xf32>
    %slice3A_105 = vector.extract_strided_slice %get3A_22 {offsets = [1, 0], sizes = [1, 512], strides = [1, 1]} : vector<20x512xf32> to vector<1x512xf32>
    %slice3A_106 = vector.extract_strided_slice %get3A_27 {offsets = [1, 0], sizes = [1, 512], strides = [1, 1]} : vector<20x512xf32> to vector<1x512xf32>
    %slice3A_107 = vector.extract_strided_slice %get3A_32 {offsets = [1, 0], sizes = [1, 512], strides = [1, 1]} : vector<20x512xf32> to vector<1x512xf32>
    %slice3A_108 = vector.extract_strided_slice %get3A_37 {offsets = [1, 0], sizes = [1, 512], strides = [1, 1]} : vector<20x512xf32> to vector<1x512xf32>
    %slice3A_109 = vector.extract_strided_slice %get3A_42 {offsets = [1, 0], sizes = [1, 512], strides = [1, 1]} : vector<20x512xf32> to vector<1x512xf32>
    %slice3A_110 = vector.extract_strided_slice %get3A_47 {offsets = [1, 0], sizes = [1, 512], strides = [1, 1]} : vector<20x512xf32> to vector<1x512xf32>
    %slice3A_111 = vector.extract_strided_slice %get3A_52 {offsets = [1, 0], sizes = [1, 512], strides = [1, 1]} : vector<20x512xf32> to vector<1x512xf32>
    %slice3A_112 = vector.extract_strided_slice %get3A_57 {offsets = [1, 0], sizes = [1, 512], strides = [1, 1]} : vector<20x512xf32> to vector<1x512xf32>
    %slice3A_113 = vector.extract_strided_slice %get3A_62 {offsets = [1, 0], sizes = [1, 512], strides = [1, 1]} : vector<20x512xf32> to vector<1x512xf32>
    %slice3A_114 = vector.extract_strided_slice %sqrt3A {offsets = [1, 0], sizes = [1, 512], strides = [1, 1]} : vector<20x512xf32> to vector<1x512xf32>
    %concatenate3A_115 = tpu.concatenate %slice3A_102, %slice3A_103, %slice3A_104, %slice3A_105, %slice3A_106, %slice3A_107, %slice3A_108, %slice3A_109, %slice3A_110, %slice3A_111, %slice3A_112, %slice3A_113, %slice3A_114 in 0 : vector<1x512xf32>, vector<1x512xf32>, vector<1x512xf32>, vector<1x512xf32>, vector<1x512xf32>, vector<1x512xf32>, vector<1x512xf32>, vector<1x512xf32>, vector<1x512xf32>, vector<1x512xf32>, vector<1x512xf32>, vector<1x512xf32>, vector<1x512xf32> -> vector<13x512xf32>
    %bitcast_convert_type3A_116 = tpu.bitcast %concatenate3A_115 : vector<13x512xf32> -> vector<13x512xi32>
    %shift_right_logical3A_117 = arith.constant 16 : i32
    %shift_right_logical3A_118 = vector.broadcast %shift_right_logical3A_117 : i32 to vector<13x512xi32>
    %shift_right_logical3A_119 = arith.shrui %bitcast_convert_type3A_116, %shift_right_logical3A_118 : vector<13x512xi32>
    %and3A_120 = arith.constant 1 : i32
    %and3A_121 = vector.broadcast %and3A_120 : i32 to vector<13x512xi32>
    %and3A_122 = arith.andi %shift_right_logical3A_119, %and3A_121 : vector<13x512xi32>
    %add3A_123 = arith.constant 32767 : i32
    %add3A_124 = vector.broadcast %add3A_123 : i32 to vector<13x512xi32>
    %add3A_125 = arith.addi %bitcast_convert_type3A_116, %add3A_124 : vector<13x512xi32>
    %add3A_126 = arith.addi %add3A_125, %and3A_122 : vector<13x512xi32>
    %and3A_127 = arith.constant -65536 : i32
    %and3A_128 = vector.broadcast %and3A_127 : i32 to vector<13x512xi32>
    %and3A_129 = arith.andi %add3A_126, %and3A_128 : vector<13x512xi32>
    %bitcast_convert_type3A_130 = tpu.bitcast %and3A_129 : vector<13x512xi32> -> vector<13x512xf32>
    %concatenate3A_131 = tpu.concatenate %bitcast_convert_type3A_130, %broadcast_in_dim3A_69, %broadcast_in_dim3A_71 in 0 : vector<13x512xf32>, vector<1x512xf32>, vector<2x512xf32> -> vector<16x512xf32>
    %dot_general3A_132 = arith.constant dense<0.000000e+00> : vector<16x16xf32>
    %dot_general3A_133 = tpu.matmul %concatenate3A_131, %concatenate3A_131, %dot_general3A_132 {dimension_numbers = #tpu.dot_dimension_numbers<[1], [1], [0], [0], [0, 0, 1, 0], [], []>, transpose_lhs_hint = false} : vector<16x512xf32>, vector<16x512xf32>, vector<16x16xf32> -> vector<16x16xf32>
    %add3A_134 = arith.addf %add3A_101, %dot_general3A_133 : vector<16x16xf32>
    %slice3A_135 = vector.extract_strided_slice %get3A_7 {offsets = [2, 0], sizes = [1, 512], strides = [1, 1]} : vector<20x512xf32> to vector<1x512xf32>
    %slice3A_136 = vector.extract_strided_slice %get3A_12 {offsets = [2, 0], sizes = [1, 512], strides = [1, 1]} : vector<20x512xf32> to vector<1x512xf32>
    %slice3A_137 = vector.extract_strided_slice %get3A_17 {offsets = [2, 0], sizes = [1, 512], strides = [1, 1]} : vector<20x512xf32> to vector<1x512xf32>
    %slice3A_138 = vector.extract_strided_slice %get3A_22 {offsets = [2, 0], sizes = [1, 512], strides = [1, 1]} : vector<20x512xf32> to vector<1x512xf32>
    %slice3A_139 = vector.extract_strided_slice %get3A_27 {offsets = [2, 0], sizes = [1, 512], strides = [1, 1]} : vector<20x512xf32> to vector<1x512xf32>
    %slice3A_140 = vector.extract_strided_slice %get3A_32 {offsets = [2, 0], sizes = [1, 512], strides = [1, 1]} : vector<20x512xf32> to vector<1x512xf32>
    %slice3A_141 = vector.extract_strided_slice %get3A_37 {offsets = [2, 0], sizes = [1, 512], strides = [1, 1]} : vector<20x512xf32> to vector<1x512xf32>
    %slice3A_142 = vector.extract_strided_slice %get3A_42 {offsets = [2, 0], sizes = [1, 512], strides = [1, 1]} : vector<20x512xf32> to vector<1x512xf32>
    %slice3A_143 = vector.extract_strided_slice %get3A_47 {offsets = [2, 0], sizes = [1, 512], strides = [1, 1]} : vector<20x512xf32> to vector<1x512xf32>
    %slice3A_144 = vector.extract_strided_slice %get3A_52 {offsets = [2, 0], sizes = [1, 512], strides = [1, 1]} : vector<20x512xf32> to vector<1x512xf32>
    %slice3A_145 = vector.extract_strided_slice %get3A_57 {offsets = [2, 0], sizes = [1, 512], strides = [1, 1]} : vector<20x512xf32> to vector<1x512xf32>
    %slice3A_146 = vector.extract_strided_slice %get3A_62 {offsets = [2, 0], sizes = [1, 512], strides = [1, 1]} : vector<20x512xf32> to vector<1x512xf32>
    %slice3A_147 = vector.extract_strided_slice %sqrt3A {offsets = [2, 0], sizes = [1, 512], strides = [1, 1]} : vector<20x512xf32> to vector<1x512xf32>
    %concatenate3A_148 = tpu.concatenate %slice3A_135, %slice3A_136, %slice3A_137, %slice3A_138, %slice3A_139, %slice3A_140, %slice3A_141, %slice3A_142, %slice3A_143, %slice3A_144, %slice3A_145, %slice3A_146, %slice3A_147 in 0 : vector<1x512xf32>, vector<1x512xf32>, vector<1x512xf32>, vector<1x512xf32>, vector<1x512xf32>, vector<1x512xf32>, vector<1x512xf32>, vector<1x512xf32>, vector<1x512xf32>, vector<1x512xf32>, vector<1x512xf32>, vector<1x512xf32>, vector<1x512xf32> -> vector<13x512xf32>
    %bitcast_convert_type3A_149 = tpu.bitcast %concatenate3A_148 : vector<13x512xf32> -> vector<13x512xi32>
    %shift_right_logical3A_150 = arith.constant 16 : i32
    %shift_right_logical3A_151 = vector.broadcast %shift_right_logical3A_150 : i32 to vector<13x512xi32>
    %shift_right_logical3A_152 = arith.shrui %bitcast_convert_type3A_149, %shift_right_logical3A_151 : vector<13x512xi32>
    %and3A_153 = arith.constant 1 : i32
    %and3A_154 = vector.broadcast %and3A_153 : i32 to vector<13x512xi32>
    %and3A_155 = arith.andi %shift_right_logical3A_152, %and3A_154 : vector<13x512xi32>
    %add3A_156 = arith.constant 32767 : i32
    %add3A_157 = vector.broadcast %add3A_156 : i32 to vector<13x512xi32>
    %add3A_158 = arith.addi %bitcast_convert_type3A_149, %add3A_157 : vector<13x512xi32>
    %add3A_159 = arith.addi %add3A_158, %and3A_155 : vector<13x512xi32>
    %and3A_160 = arith.constant -65536 : i32
    %and3A_161 = vector.broadcast %and3A_160 : i32 to vector<13x512xi32>
    %and3A_162 = arith.andi %add3A_159, %and3A_161 : vector<13x512xi32>
    %bitcast_convert_type3A_163 = tpu.bitcast %and3A_162 : vector<13x512xi32> -> vector<13x512xf32>
    %concatenate3A_164 = tpu.concatenate %bitcast_convert_type3A_163, %broadcast_in_dim3A_69, %broadcast_in_dim3A_71 in 0 : vector<13x512xf32>, vector<1x512xf32>, vector<2x512xf32> -> vector<16x512xf32>
    %dot_general3A_165 = arith.constant dense<0.000000e+00> : vector<16x16xf32>
    %dot_general3A_166 = tpu.matmul %concatenate3A_164, %concatenate3A_164, %dot_general3A_165 {dimension_numbers = #tpu.dot_dimension_numbers<[1], [1], [0], [0], [0, 0, 1, 0], [], []>, transpose_lhs_hint = false} : vector<16x512xf32>, vector<16x512xf32>, vector<16x16xf32> -> vector<16x16xf32>
    %add3A_167 = arith.addf %add3A_134, %dot_general3A_166 : vector<16x16xf32>
    %slice3A_168 = vector.extract_strided_slice %get3A_7 {offsets = [3, 0], sizes = [1, 512], strides = [1, 1]} : vector<20x512xf32> to vector<1x512xf32>
    %slice3A_169 = vector.extract_strided_slice %get3A_12 {offsets = [3, 0], sizes = [1, 512], strides = [1, 1]} : vector<20x512xf32> to vector<1x512xf32>
    %slice3A_170 = vector.extract_strided_slice %get3A_17 {offsets = [3, 0], sizes = [1, 512], strides = [1, 1]} : vector<20x512xf32> to vector<1x512xf32>
    %slice3A_171 = vector.extract_strided_slice %get3A_22 {offsets = [3, 0], sizes = [1, 512], strides = [1, 1]} : vector<20x512xf32> to vector<1x512xf32>
    %slice3A_172 = vector.extract_strided_slice %get3A_27 {offsets = [3, 0], sizes = [1, 512], strides = [1, 1]} : vector<20x512xf32> to vector<1x512xf32>
    %slice3A_173 = vector.extract_strided_slice %get3A_32 {offsets = [3, 0], sizes = [1, 512], strides = [1, 1]} : vector<20x512xf32> to vector<1x512xf32>
    %slice3A_174 = vector.extract_strided_slice %get3A_37 {offsets = [3, 0], sizes = [1, 512], strides = [1, 1]} : vector<20x512xf32> to vector<1x512xf32>
    %slice3A_175 = vector.extract_strided_slice %get3A_42 {offsets = [3, 0], sizes = [1, 512], strides = [1, 1]} : vector<20x512xf32> to vector<1x512xf32>
    %slice3A_176 = vector.extract_strided_slice %get3A_47 {offsets = [3, 0], sizes = [1, 512], strides = [1, 1]} : vector<20x512xf32> to vector<1x512xf32>
    %slice3A_177 = vector.extract_strided_slice %get3A_52 {offsets = [3, 0], sizes = [1, 512], strides = [1, 1]} : vector<20x512xf32> to vector<1x512xf32>
    %slice3A_178 = vector.extract_strided_slice %get3A_57 {offsets = [3, 0], sizes = [1, 512], strides = [1, 1]} : vector<20x512xf32> to vector<1x512xf32>
    %slice3A_179 = vector.extract_strided_slice %get3A_62 {offsets = [3, 0], sizes = [1, 512], strides = [1, 1]} : vector<20x512xf32> to vector<1x512xf32>
    %slice3A_180 = vector.extract_strided_slice %sqrt3A {offsets = [3, 0], sizes = [1, 512], strides = [1, 1]} : vector<20x512xf32> to vector<1x512xf32>
    %concatenate3A_181 = tpu.concatenate %slice3A_168, %slice3A_169, %slice3A_170, %slice3A_171, %slice3A_172, %slice3A_173, %slice3A_174, %slice3A_175, %slice3A_176, %slice3A_177, %slice3A_178, %slice3A_179, %slice3A_180 in 0 : vector<1x512xf32>, vector<1x512xf32>, vector<1x512xf32>, vector<1x512xf32>, vector<1x512xf32>, vector<1x512xf32>, vector<1x512xf32>, vector<1x512xf32>, vector<1x512xf32>, vector<1x512xf32>, vector<1x512xf32>, vector<1x512xf32>, vector<1x512xf32> -> vector<13x512xf32>
    %bitcast_convert_type3A_182 = tpu.bitcast %concatenate3A_181 : vector<13x512xf32> -> vector<13x512xi32>
    %shift_right_logical3A_183 = arith.constant 16 : i32
    %shift_right_logical3A_184 = vector.broadcast %shift_right_logical3A_183 : i32 to vector<13x512xi32>
    %shift_right_logical3A_185 = arith.shrui %bitcast_convert_type3A_182, %shift_right_logical3A_184 : vector<13x512xi32>
    %and3A_186 = arith.constant 1 : i32
    %and3A_187 = vector.broadcast %and3A_186 : i32 to vector<13x512xi32>
    %and3A_188 = arith.andi %shift_right_logical3A_185, %and3A_187 : vector<13x512xi32>
    %add3A_189 = arith.constant 32767 : i32
    %add3A_190 = vector.broadcast %add3A_189 : i32 to vector<13x512xi32>
    %add3A_191 = arith.addi %bitcast_convert_type3A_182, %add3A_190 : vector<13x512xi32>
    %add3A_192 = arith.addi %add3A_191, %and3A_188 : vector<13x512xi32>
    %and3A_193 = arith.constant -65536 : i32
    %and3A_194 = vector.broadcast %and3A_193 : i32 to vector<13x512xi32>
    %and3A_195 = arith.andi %add3A_192, %and3A_194 : vector<13x512xi32>
    %bitcast_convert_type3A_196 = tpu.bitcast %and3A_195 : vector<13x512xi32> -> vector<13x512xf32>
    %concatenate3A_197 = tpu.concatenate %bitcast_convert_type3A_196, %broadcast_in_dim3A_69, %broadcast_in_dim3A_71 in 0 : vector<13x512xf32>, vector<1x512xf32>, vector<2x512xf32> -> vector<16x512xf32>
    %dot_general3A_198 = arith.constant dense<0.000000e+00> : vector<16x16xf32>
    %dot_general3A_199 = tpu.matmul %concatenate3A_197, %concatenate3A_197, %dot_general3A_198 {dimension_numbers = #tpu.dot_dimension_numbers<[1], [1], [0], [0], [0, 0, 1, 0], [], []>, transpose_lhs_hint = false} : vector<16x512xf32>, vector<16x512xf32>, vector<16x16xf32> -> vector<16x16xf32>
    %add3A_200 = arith.addf %add3A_167, %dot_general3A_199 : vector<16x16xf32>
    %slice3A_201 = vector.extract_strided_slice %get3A_7 {offsets = [4, 0], sizes = [1, 512], strides = [1, 1]} : vector<20x512xf32> to vector<1x512xf32>
    %slice3A_202 = vector.extract_strided_slice %get3A_12 {offsets = [4, 0], sizes = [1, 512], strides = [1, 1]} : vector<20x512xf32> to vector<1x512xf32>
    %slice3A_203 = vector.extract_strided_slice %get3A_17 {offsets = [4, 0], sizes = [1, 512], strides = [1, 1]} : vector<20x512xf32> to vector<1x512xf32>
    %slice3A_204 = vector.extract_strided_slice %get3A_22 {offsets = [4, 0], sizes = [1, 512], strides = [1, 1]} : vector<20x512xf32> to vector<1x512xf32>
    %slice3A_205 = vector.extract_strided_slice %get3A_27 {offsets = [4, 0], sizes = [1, 512], strides = [1, 1]} : vector<20x512xf32> to vector<1x512xf32>
    %slice3A_206 = vector.extract_strided_slice %get3A_32 {offsets = [4, 0], sizes = [1, 512], strides = [1, 1]} : vector<20x512xf32> to vector<1x512xf32>
    %slice3A_207 = vector.extract_strided_slice %get3A_37 {offsets = [4, 0], sizes = [1, 512], strides = [1, 1]} : vector<20x512xf32> to vector<1x512xf32>
    %slice3A_208 = vector.extract_strided_slice %get3A_42 {offsets = [4, 0], sizes = [1, 512], strides = [1, 1]} : vector<20x512xf32> to vector<1x512xf32>
    %slice3A_209 = vector.extract_strided_slice %get3A_47 {offsets = [4, 0], sizes = [1, 512], strides = [1, 1]} : vector<20x512xf32> to vector<1x512xf32>
    %slice3A_210 = vector.extract_strided_slice %get3A_52 {offsets = [4, 0], sizes = [1, 512], strides = [1, 1]} : vector<20x512xf32> to vector<1x512xf32>
    %slice3A_211 = vector.extract_strided_slice %get3A_57 {offsets = [4, 0], sizes = [1, 512], strides = [1, 1]} : vector<20x512xf32> to vector<1x512xf32>
    %slice3A_212 = vector.extract_strided_slice %get3A_62 {offsets = [4, 0], sizes = [1, 512], strides = [1, 1]} : vector<20x512xf32> to vector<1x512xf32>
    %slice3A_213 = vector.extract_strided_slice %sqrt3A {offsets = [4, 0], sizes = [1, 512], strides = [1, 1]} : vector<20x512xf32> to vector<1x512xf32>
    %concatenate3A_214 = tpu.concatenate %slice3A_201, %slice3A_202, %slice3A_203, %slice3A_204, %slice3A_205, %slice3A_206, %slice3A_207, %slice3A_208, %slice3A_209, %slice3A_210, %slice3A_211, %slice3A_212, %slice3A_213 in 0 : vector<1x512xf32>, vector<1x512xf32>, vector<1x512xf32>, vector<1x512xf32>, vector<1x512xf32>, vector<1x512xf32>, vector<1x512xf32>, vector<1x512xf32>, vector<1x512xf32>, vector<1x512xf32>, vector<1x512xf32>, vector<1x512xf32>, vector<1x512xf32> -> vector<13x512xf32>
    %bitcast_convert_type3A_215 = tpu.bitcast %concatenate3A_214 : vector<13x512xf32> -> vector<13x512xi32>
    %shift_right_logical3A_216 = arith.constant 16 : i32
    %shift_right_logical3A_217 = vector.broadcast %shift_right_logical3A_216 : i32 to vector<13x512xi32>
    %shift_right_logical3A_218 = arith.shrui %bitcast_convert_type3A_215, %shift_right_logical3A_217 : vector<13x512xi32>
    %and3A_219 = arith.constant 1 : i32
    %and3A_220 = vector.broadcast %and3A_219 : i32 to vector<13x512xi32>
    %and3A_221 = arith.andi %shift_right_logical3A_218, %and3A_220 : vector<13x512xi32>
    %add3A_222 = arith.constant 32767 : i32
    %add3A_223 = vector.broadcast %add3A_222 : i32 to vector<13x512xi32>
    %add3A_224 = arith.addi %bitcast_convert_type3A_215, %add3A_223 : vector<13x512xi32>
    %add3A_225 = arith.addi %add3A_224, %and3A_221 : vector<13x512xi32>
    %and3A_226 = arith.constant -65536 : i32
    %and3A_227 = vector.broadcast %and3A_226 : i32 to vector<13x512xi32>
    %and3A_228 = arith.andi %add3A_225, %and3A_227 : vector<13x512xi32>
    %bitcast_convert_type3A_229 = tpu.bitcast %and3A_228 : vector<13x512xi32> -> vector<13x512xf32>
    %concatenate3A_230 = tpu.concatenate %bitcast_convert_type3A_229, %broadcast_in_dim3A_69, %broadcast_in_dim3A_71 in 0 : vector<13x512xf32>, vector<1x512xf32>, vector<2x512xf32> -> vector<16x512xf32>
    %dot_general3A_231 = arith.constant dense<0.000000e+00> : vector<16x16xf32>
    %dot_general3A_232 = tpu.matmul %concatenate3A_230, %concatenate3A_230, %dot_general3A_231 {dimension_numbers = #tpu.dot_dimension_numbers<[1], [1], [0], [0], [0, 0, 1, 0], [], []>, transpose_lhs_hint = false} : vector<16x512xf32>, vector<16x512xf32>, vector<16x16xf32> -> vector<16x16xf32>
    %add3A_233 = arith.addf %add3A_200, %dot_general3A_232 : vector<16x16xf32>
    %slice3A_234 = vector.extract_strided_slice %get3A_7 {offsets = [5, 0], sizes = [1, 512], strides = [1, 1]} : vector<20x512xf32> to vector<1x512xf32>
    %slice3A_235 = vector.extract_strided_slice %get3A_12 {offsets = [5, 0], sizes = [1, 512], strides = [1, 1]} : vector<20x512xf32> to vector<1x512xf32>
    %slice3A_236 = vector.extract_strided_slice %get3A_17 {offsets = [5, 0], sizes = [1, 512], strides = [1, 1]} : vector<20x512xf32> to vector<1x512xf32>
    %slice3A_237 = vector.extract_strided_slice %get3A_22 {offsets = [5, 0], sizes = [1, 512], strides = [1, 1]} : vector<20x512xf32> to vector<1x512xf32>
    %slice3A_238 = vector.extract_strided_slice %get3A_27 {offsets = [5, 0], sizes = [1, 512], strides = [1, 1]} : vector<20x512xf32> to vector<1x512xf32>
    %slice3A_239 = vector.extract_strided_slice %get3A_32 {offsets = [5, 0], sizes = [1, 512], strides = [1, 1]} : vector<20x512xf32> to vector<1x512xf32>
    %slice3A_240 = vector.extract_strided_slice %get3A_37 {offsets = [5, 0], sizes = [1, 512], strides = [1, 1]} : vector<20x512xf32> to vector<1x512xf32>
    %slice3A_241 = vector.extract_strided_slice %get3A_42 {offsets = [5, 0], sizes = [1, 512], strides = [1, 1]} : vector<20x512xf32> to vector<1x512xf32>
    %slice3A_242 = vector.extract_strided_slice %get3A_47 {offsets = [5, 0], sizes = [1, 512], strides = [1, 1]} : vector<20x512xf32> to vector<1x512xf32>
    %slice3A_243 = vector.extract_strided_slice %get3A_52 {offsets = [5, 0], sizes = [1, 512], strides = [1, 1]} : vector<20x512xf32> to vector<1x512xf32>
    %slice3A_244 = vector.extract_strided_slice %get3A_57 {offsets = [5, 0], sizes = [1, 512], strides = [1, 1]} : vector<20x512xf32> to vector<1x512xf32>
    %slice3A_245 = vector.extract_strided_slice %get3A_62 {offsets = [5, 0], sizes = [1, 512], strides = [1, 1]} : vector<20x512xf32> to vector<1x512xf32>
    %slice3A_246 = vector.extract_strided_slice %sqrt3A {offsets = [5, 0], sizes = [1, 512], strides = [1, 1]} : vector<20x512xf32> to vector<1x512xf32>
    %concatenate3A_247 = tpu.concatenate %slice3A_234, %slice3A_235, %slice3A_236, %slice3A_237, %slice3A_238, %slice3A_239, %slice3A_240, %slice3A_241, %slice3A_242, %slice3A_243, %slice3A_244, %slice3A_245, %slice3A_246 in 0 : vector<1x512xf32>, vector<1x512xf32>, vector<1x512xf32>, vector<1x512xf32>, vector<1x512xf32>, vector<1x512xf32>, vector<1x512xf32>, vector<1x512xf32>, vector<1x512xf32>, vector<1x512xf32>, vector<1x512xf32>, vector<1x512xf32>, vector<1x512xf32> -> vector<13x512xf32>
    %bitcast_convert_type3A_248 = tpu.bitcast %concatenate3A_247 : vector<13x512xf32> -> vector<13x512xi32>
    %shift_right_logical3A_249 = arith.constant 16 : i32
    %shift_right_logical3A_250 = vector.broadcast %shift_right_logical3A_249 : i32 to vector<13x512xi32>
    %shift_right_logical3A_251 = arith.shrui %bitcast_convert_type3A_248, %shift_right_logical3A_250 : vector<13x512xi32>
    %and3A_252 = arith.constant 1 : i32
    %and3A_253 = vector.broadcast %and3A_252 : i32 to vector<13x512xi32>
    %and3A_254 = arith.andi %shift_right_logical3A_251, %and3A_253 : vector<13x512xi32>
    %add3A_255 = arith.constant 32767 : i32
    %add3A_256 = vector.broadcast %add3A_255 : i32 to vector<13x512xi32>
    %add3A_257 = arith.addi %bitcast_convert_type3A_248, %add3A_256 : vector<13x512xi32>
    %add3A_258 = arith.addi %add3A_257, %and3A_254 : vector<13x512xi32>
    %and3A_259 = arith.constant -65536 : i32
    %and3A_260 = vector.broadcast %and3A_259 : i32 to vector<13x512xi32>
    %and3A_261 = arith.andi %add3A_258, %and3A_260 : vector<13x512xi32>
    %bitcast_convert_type3A_262 = tpu.bitcast %and3A_261 : vector<13x512xi32> -> vector<13x512xf32>
    %concatenate3A_263 = tpu.concatenate %bitcast_convert_type3A_262, %broadcast_in_dim3A_69, %broadcast_in_dim3A_71 in 0 : vector<13x512xf32>, vector<1x512xf32>, vector<2x512xf32> -> vector<16x512xf32>
    %dot_general3A_264 = arith.constant dense<0.000000e+00> : vector<16x16xf32>
    %dot_general3A_265 = tpu.matmul %concatenate3A_263, %concatenate3A_263, %dot_general3A_264 {dimension_numbers = #tpu.dot_dimension_numbers<[1], [1], [0], [0], [0, 0, 1, 0], [], []>, transpose_lhs_hint = false} : vector<16x512xf32>, vector<16x512xf32>, vector<16x16xf32> -> vector<16x16xf32>
    %add3A_266 = arith.addf %add3A_233, %dot_general3A_265 : vector<16x16xf32>
    %slice3A_267 = vector.extract_strided_slice %get3A_7 {offsets = [6, 0], sizes = [1, 512], strides = [1, 1]} : vector<20x512xf32> to vector<1x512xf32>
    %slice3A_268 = vector.extract_strided_slice %get3A_12 {offsets = [6, 0], sizes = [1, 512], strides = [1, 1]} : vector<20x512xf32> to vector<1x512xf32>
    %slice3A_269 = vector.extract_strided_slice %get3A_17 {offsets = [6, 0], sizes = [1, 512], strides = [1, 1]} : vector<20x512xf32> to vector<1x512xf32>
    %slice3A_270 = vector.extract_strided_slice %get3A_22 {offsets = [6, 0], sizes = [1, 512], strides = [1, 1]} : vector<20x512xf32> to vector<1x512xf32>
    %slice3A_271 = vector.extract_strided_slice %get3A_27 {offsets = [6, 0], sizes = [1, 512], strides = [1, 1]} : vector<20x512xf32> to vector<1x512xf32>
    %slice3A_272 = vector.extract_strided_slice %get3A_32 {offsets = [6, 0], sizes = [1, 512], strides = [1, 1]} : vector<20x512xf32> to vector<1x512xf32>
    %slice3A_273 = vector.extract_strided_slice %get3A_37 {offsets = [6, 0], sizes = [1, 512], strides = [1, 1]} : vector<20x512xf32> to vector<1x512xf32>
    %slice3A_274 = vector.extract_strided_slice %get3A_42 {offsets = [6, 0], sizes = [1, 512], strides = [1, 1]} : vector<20x512xf32> to vector<1x512xf32>
    %slice3A_275 = vector.extract_strided_slice %get3A_47 {offsets = [6, 0], sizes = [1, 512], strides = [1, 1]} : vector<20x512xf32> to vector<1x512xf32>
    %slice3A_276 = vector.extract_strided_slice %get3A_52 {offsets = [6, 0], sizes = [1, 512], strides = [1, 1]} : vector<20x512xf32> to vector<1x512xf32>
    %slice3A_277 = vector.extract_strided_slice %get3A_57 {offsets = [6, 0], sizes = [1, 512], strides = [1, 1]} : vector<20x512xf32> to vector<1x512xf32>
    %slice3A_278 = vector.extract_strided_slice %get3A_62 {offsets = [6, 0], sizes = [1, 512], strides = [1, 1]} : vector<20x512xf32> to vector<1x512xf32>
    %slice3A_279 = vector.extract_strided_slice %sqrt3A {offsets = [6, 0], sizes = [1, 512], strides = [1, 1]} : vector<20x512xf32> to vector<1x512xf32>
    %concatenate3A_280 = tpu.concatenate %slice3A_267, %slice3A_268, %slice3A_269, %slice3A_270, %slice3A_271, %slice3A_272, %slice3A_273, %slice3A_274, %slice3A_275, %slice3A_276, %slice3A_277, %slice3A_278, %slice3A_279 in 0 : vector<1x512xf32>, vector<1x512xf32>, vector<1x512xf32>, vector<1x512xf32>, vector<1x512xf32>, vector<1x512xf32>, vector<1x512xf32>, vector<1x512xf32>, vector<1x512xf32>, vector<1x512xf32>, vector<1x512xf32>, vector<1x512xf32>, vector<1x512xf32> -> vector<13x512xf32>
    %bitcast_convert_type3A_281 = tpu.bitcast %concatenate3A_280 : vector<13x512xf32> -> vector<13x512xi32>
    %shift_right_logical3A_282 = arith.constant 16 : i32
    %shift_right_logical3A_283 = vector.broadcast %shift_right_logical3A_282 : i32 to vector<13x512xi32>
    %shift_right_logical3A_284 = arith.shrui %bitcast_convert_type3A_281, %shift_right_logical3A_283 : vector<13x512xi32>
    %and3A_285 = arith.constant 1 : i32
    %and3A_286 = vector.broadcast %and3A_285 : i32 to vector<13x512xi32>
    %and3A_287 = arith.andi %shift_right_logical3A_284, %and3A_286 : vector<13x512xi32>
    %add3A_288 = arith.constant 32767 : i32
    %add3A_289 = vector.broadcast %add3A_288 : i32 to vector<13x512xi32>
    %add3A_290 = arith.addi %bitcast_convert_type3A_281, %add3A_289 : vector<13x512xi32>
    %add3A_291 = arith.addi %add3A_290, %and3A_287 : vector<13x512xi32>
    %and3A_292 = arith.constant -65536 : i32
    %and3A_293 = vector.broadcast %and3A_292 : i32 to vector<13x512xi32>
    %and3A_294 = arith.andi %add3A_291, %and3A_293 : vector<13x512xi32>
    %bitcast_convert_type3A_295 = tpu.bitcast %and3A_294 : vector<13x512xi32> -> vector<13x512xf32>
    %concatenate3A_296 = tpu.concatenate %bitcast_convert_type3A_295, %broadcast_in_dim3A_69, %broadcast_in_dim3A_71 in 0 : vector<13x512xf32>, vector<1x512xf32>, vector<2x512xf32> -> vector<16x512xf32>
    %dot_general3A_297 = arith.constant dense<0.000000e+00> : vector<16x16xf32>
    %dot_general3A_298 = tpu.matmul %concatenate3A_296, %concatenate3A_296, %dot_general3A_297 {dimension_numbers = #tpu.dot_dimension_numbers<[1], [1], [0], [0], [0, 0, 1, 0], [], []>, transpose_lhs_hint = false} : vector<16x512xf32>, vector<16x512xf32>, vector<16x16xf32> -> vector<16x16xf32>
    %add3A_299 = arith.addf %add3A_266, %dot_general3A_298 : vector<16x16xf32>
    %slice3A_300 = vector.extract_strided_slice %get3A_7 {offsets = [7, 0], sizes = [1, 512], strides = [1, 1]} : vector<20x512xf32> to vector<1x512xf32>
    %slice3A_301 = vector.extract_strided_slice %get3A_12 {offsets = [7, 0], sizes = [1, 512], strides = [1, 1]} : vector<20x512xf32> to vector<1x512xf32>
    %slice3A_302 = vector.extract_strided_slice %get3A_17 {offsets = [7, 0], sizes = [1, 512], strides = [1, 1]} : vector<20x512xf32> to vector<1x512xf32>
    %slice3A_303 = vector.extract_strided_slice %get3A_22 {offsets = [7, 0], sizes = [1, 512], strides = [1, 1]} : vector<20x512xf32> to vector<1x512xf32>
    %slice3A_304 = vector.extract_strided_slice %get3A_27 {offsets = [7, 0], sizes = [1, 512], strides = [1, 1]} : vector<20x512xf32> to vector<1x512xf32>
    %slice3A_305 = vector.extract_strided_slice %get3A_32 {offsets = [7, 0], sizes = [1, 512], strides = [1, 1]} : vector<20x512xf32> to vector<1x512xf32>
    %slice3A_306 = vector.extract_strided_slice %get3A_37 {offsets = [7, 0], sizes = [1, 512], strides = [1, 1]} : vector<20x512xf32> to vector<1x512xf32>
    %slice3A_307 = vector.extract_strided_slice %get3A_42 {offsets = [7, 0], sizes = [1, 512], strides = [1, 1]} : vector<20x512xf32> to vector<1x512xf32>
    %slice3A_308 = vector.extract_strided_slice %get3A_47 {offsets = [7, 0], sizes = [1, 512], strides = [1, 1]} : vector<20x512xf32> to vector<1x512xf32>
    %slice3A_309 = vector.extract_strided_slice %get3A_52 {offsets = [7, 0], sizes = [1, 512], strides = [1, 1]} : vector<20x512xf32> to vector<1x512xf32>
    %slice3A_310 = vector.extract_strided_slice %get3A_57 {offsets = [7, 0], sizes = [1, 512], strides = [1, 1]} : vector<20x512xf32> to vector<1x512xf32>
    %slice3A_311 = vector.extract_strided_slice %get3A_62 {offsets = [7, 0], sizes = [1, 512], strides = [1, 1]} : vector<20x512xf32> to vector<1x512xf32>
    %slice3A_312 = vector.extract_strided_slice %sqrt3A {offsets = [7, 0], sizes = [1, 512], strides = [1, 1]} : vector<20x512xf32> to vector<1x512xf32>
    %concatenate3A_313 = tpu.concatenate %slice3A_300, %slice3A_301, %slice3A_302, %slice3A_303, %slice3A_304, %slice3A_305, %slice3A_306, %slice3A_307, %slice3A_308, %slice3A_309, %slice3A_310, %slice3A_311, %slice3A_312 in 0 : vector<1x512xf32>, vector<1x512xf32>, vector<1x512xf32>, vector<1x512xf32>, vector<1x512xf32>, vector<1x512xf32>, vector<1x512xf32>, vector<1x512xf32>, vector<1x512xf32>, vector<1x512xf32>, vector<1x512xf32>, vector<1x512xf32>, vector<1x512xf32> -> vector<13x512xf32>
    %bitcast_convert_type3A_314 = tpu.bitcast %concatenate3A_313 : vector<13x512xf32> -> vector<13x512xi32>
    %shift_right_logical3A_315 = arith.constant 16 : i32
    %shift_right_logical3A_316 = vector.broadcast %shift_right_logical3A_315 : i32 to vector<13x512xi32>
    %shift_right_logical3A_317 = arith.shrui %bitcast_convert_type3A_314, %shift_right_logical3A_316 : vector<13x512xi32>
    %and3A_318 = arith.constant 1 : i32
    %and3A_319 = vector.broadcast %and3A_318 : i32 to vector<13x512xi32>
    %and3A_320 = arith.andi %shift_right_logical3A_317, %and3A_319 : vector<13x512xi32>
    %add3A_321 = arith.constant 32767 : i32
    %add3A_322 = vector.broadcast %add3A_321 : i32 to vector<13x512xi32>
    %add3A_323 = arith.addi %bitcast_convert_type3A_314, %add3A_322 : vector<13x512xi32>
    %add3A_324 = arith.addi %add3A_323, %and3A_320 : vector<13x512xi32>
    %and3A_325 = arith.constant -65536 : i32
    %and3A_326 = vector.broadcast %and3A_325 : i32 to vector<13x512xi32>
    %and3A_327 = arith.andi %add3A_324, %and3A_326 : vector<13x512xi32>
    %bitcast_convert_type3A_328 = tpu.bitcast %and3A_327 : vector<13x512xi32> -> vector<13x512xf32>
    %concatenate3A_329 = tpu.concatenate %bitcast_convert_type3A_328, %broadcast_in_dim3A_69, %broadcast_in_dim3A_71 in 0 : vector<13x512xf32>, vector<1x512xf32>, vector<2x512xf32> -> vector<16x512xf32>
    %dot_general3A_330 = arith.constant dense<0.000000e+00> : vector<16x16xf32>
    %dot_general3A_331 = tpu.matmul %concatenate3A_329, %concatenate3A_329, %dot_general3A_330 {dimension_numbers = #tpu.dot_dimension_numbers<[1], [1], [0], [0], [0, 0, 1, 0], [], []>, transpose_lhs_hint = false} : vector<16x512xf32>, vector<16x512xf32>, vector<16x16xf32> -> vector<16x16xf32>
    %add3A_332 = arith.addf %add3A_299, %dot_general3A_331 : vector<16x16xf32>
    %slice3A_333 = vector.extract_strided_slice %get3A_7 {offsets = [8, 0], sizes = [1, 512], strides = [1, 1]} : vector<20x512xf32> to vector<1x512xf32>
    %slice3A_334 = vector.extract_strided_slice %get3A_12 {offsets = [8, 0], sizes = [1, 512], strides = [1, 1]} : vector<20x512xf32> to vector<1x512xf32>
    %slice3A_335 = vector.extract_strided_slice %get3A_17 {offsets = [8, 0], sizes = [1, 512], strides = [1, 1]} : vector<20x512xf32> to vector<1x512xf32>
    %slice3A_336 = vector.extract_strided_slice %get3A_22 {offsets = [8, 0], sizes = [1, 512], strides = [1, 1]} : vector<20x512xf32> to vector<1x512xf32>
    %slice3A_337 = vector.extract_strided_slice %get3A_27 {offsets = [8, 0], sizes = [1, 512], strides = [1, 1]} : vector<20x512xf32> to vector<1x512xf32>
    %slice3A_338 = vector.extract_strided_slice %get3A_32 {offsets = [8, 0], sizes = [1, 512], strides = [1, 1]} : vector<20x512xf32> to vector<1x512xf32>
    %slice3A_339 = vector.extract_strided_slice %get3A_37 {offsets = [8, 0], sizes = [1, 512], strides = [1, 1]} : vector<20x512xf32> to vector<1x512xf32>
    %slice3A_340 = vector.extract_strided_slice %get3A_42 {offsets = [8, 0], sizes = [1, 512], strides = [1, 1]} : vector<20x512xf32> to vector<1x512xf32>
    %slice3A_341 = vector.extract_strided_slice %get3A_47 {offsets = [8, 0], sizes = [1, 512], strides = [1, 1]} : vector<20x512xf32> to vector<1x512xf32>
    %slice3A_342 = vector.extract_strided_slice %get3A_52 {offsets = [8, 0], sizes = [1, 512], strides = [1, 1]} : vector<20x512xf32> to vector<1x512xf32>
    %slice3A_343 = vector.extract_strided_slice %get3A_57 {offsets = [8, 0], sizes = [1, 512], strides = [1, 1]} : vector<20x512xf32> to vector<1x512xf32>
    %slice3A_344 = vector.extract_strided_slice %get3A_62 {offsets = [8, 0], sizes = [1, 512], strides = [1, 1]} : vector<20x512xf32> to vector<1x512xf32>
    %slice3A_345 = vector.extract_strided_slice %sqrt3A {offsets = [8, 0], sizes = [1, 512], strides = [1, 1]} : vector<20x512xf32> to vector<1x512xf32>
    %concatenate3A_346 = tpu.concatenate %slice3A_333, %slice3A_334, %slice3A_335, %slice3A_336, %slice3A_337, %slice3A_338, %slice3A_339, %slice3A_340, %slice3A_341, %slice3A_342, %slice3A_343, %slice3A_344, %slice3A_345 in 0 : vector<1x512xf32>, vector<1x512xf32>, vector<1x512xf32>, vector<1x512xf32>, vector<1x512xf32>, vector<1x512xf32>, vector<1x512xf32>, vector<1x512xf32>, vector<1x512xf32>, vector<1x512xf32>, vector<1x512xf32>, vector<1x512xf32>, vector<1x512xf32> -> vector<13x512xf32>
    %bitcast_convert_type3A_347 = tpu.bitcast %concatenate3A_346 : vector<13x512xf32> -> vector<13x512xi32>
    %shift_right_logical3A_348 = arith.constant 16 : i32
    %shift_right_logical3A_349 = vector.broadcast %shift_right_logical3A_348 : i32 to vector<13x512xi32>
    %shift_right_logical3A_350 = arith.shrui %bitcast_convert_type3A_347, %shift_right_logical3A_349 : vector<13x512xi32>
    %and3A_351 = arith.constant 1 : i32
    %and3A_352 = vector.broadcast %and3A_351 : i32 to vector<13x512xi32>
    %and3A_353 = arith.andi %shift_right_logical3A_350, %and3A_352 : vector<13x512xi32>
    %add3A_354 = arith.constant 32767 : i32
    %add3A_355 = vector.broadcast %add3A_354 : i32 to vector<13x512xi32>
    %add3A_356 = arith.addi %bitcast_convert_type3A_347, %add3A_355 : vector<13x512xi32>
    %add3A_357 = arith.addi %add3A_356, %and3A_353 : vector<13x512xi32>
    %and3A_358 = arith.constant -65536 : i32
    %and3A_359 = vector.broadcast %and3A_358 : i32 to vector<13x512xi32>
    %and3A_360 = arith.andi %add3A_357, %and3A_359 : vector<13x512xi32>
    %bitcast_convert_type3A_361 = tpu.bitcast %and3A_360 : vector<13x512xi32> -> vector<13x512xf32>
    %concatenate3A_362 = tpu.concatenate %bitcast_convert_type3A_361, %broadcast_in_dim3A_69, %broadcast_in_dim3A_71 in 0 : vector<13x512xf32>, vector<1x512xf32>, vector<2x512xf32> -> vector<16x512xf32>
    %dot_general3A_363 = arith.constant dense<0.000000e+00> : vector<16x16xf32>
    %dot_general3A_364 = tpu.matmul %concatenate3A_362, %concatenate3A_362, %dot_general3A_363 {dimension_numbers = #tpu.dot_dimension_numbers<[1], [1], [0], [0], [0, 0, 1, 0], [], []>, transpose_lhs_hint = false} : vector<16x512xf32>, vector<16x512xf32>, vector<16x16xf32> -> vector<16x16xf32>
    %add3A_365 = arith.addf %add3A_332, %dot_general3A_364 : vector<16x16xf32>
    %slice3A_366 = vector.extract_strided_slice %get3A_7 {offsets = [9, 0], sizes = [1, 512], strides = [1, 1]} : vector<20x512xf32> to vector<1x512xf32>
    %slice3A_367 = vector.extract_strided_slice %get3A_12 {offsets = [9, 0], sizes = [1, 512], strides = [1, 1]} : vector<20x512xf32> to vector<1x512xf32>
    %slice3A_368 = vector.extract_strided_slice %get3A_17 {offsets = [9, 0], sizes = [1, 512], strides = [1, 1]} : vector<20x512xf32> to vector<1x512xf32>
    %slice3A_369 = vector.extract_strided_slice %get3A_22 {offsets = [9, 0], sizes = [1, 512], strides = [1, 1]} : vector<20x512xf32> to vector<1x512xf32>
    %slice3A_370 = vector.extract_strided_slice %get3A_27 {offsets = [9, 0], sizes = [1, 512], strides = [1, 1]} : vector<20x512xf32> to vector<1x512xf32>
    %slice3A_371 = vector.extract_strided_slice %get3A_32 {offsets = [9, 0], sizes = [1, 512], strides = [1, 1]} : vector<20x512xf32> to vector<1x512xf32>
    %slice3A_372 = vector.extract_strided_slice %get3A_37 {offsets = [9, 0], sizes = [1, 512], strides = [1, 1]} : vector<20x512xf32> to vector<1x512xf32>
    %slice3A_373 = vector.extract_strided_slice %get3A_42 {offsets = [9, 0], sizes = [1, 512], strides = [1, 1]} : vector<20x512xf32> to vector<1x512xf32>
    %slice3A_374 = vector.extract_strided_slice %get3A_47 {offsets = [9, 0], sizes = [1, 512], strides = [1, 1]} : vector<20x512xf32> to vector<1x512xf32>
    %slice3A_375 = vector.extract_strided_slice %get3A_52 {offsets = [9, 0], sizes = [1, 512], strides = [1, 1]} : vector<20x512xf32> to vector<1x512xf32>
    %slice3A_376 = vector.extract_strided_slice %get3A_57 {offsets = [9, 0], sizes = [1, 512], strides = [1, 1]} : vector<20x512xf32> to vector<1x512xf32>
    %slice3A_377 = vector.extract_strided_slice %get3A_62 {offsets = [9, 0], sizes = [1, 512], strides = [1, 1]} : vector<20x512xf32> to vector<1x512xf32>
    %slice3A_378 = vector.extract_strided_slice %sqrt3A {offsets = [9, 0], sizes = [1, 512], strides = [1, 1]} : vector<20x512xf32> to vector<1x512xf32>
    %concatenate3A_379 = tpu.concatenate %slice3A_366, %slice3A_367, %slice3A_368, %slice3A_369, %slice3A_370, %slice3A_371, %slice3A_372, %slice3A_373, %slice3A_374, %slice3A_375, %slice3A_376, %slice3A_377, %slice3A_378 in 0 : vector<1x512xf32>, vector<1x512xf32>, vector<1x512xf32>, vector<1x512xf32>, vector<1x512xf32>, vector<1x512xf32>, vector<1x512xf32>, vector<1x512xf32>, vector<1x512xf32>, vector<1x512xf32>, vector<1x512xf32>, vector<1x512xf32>, vector<1x512xf32> -> vector<13x512xf32>
    %bitcast_convert_type3A_380 = tpu.bitcast %concatenate3A_379 : vector<13x512xf32> -> vector<13x512xi32>
    %shift_right_logical3A_381 = arith.constant 16 : i32
    %shift_right_logical3A_382 = vector.broadcast %shift_right_logical3A_381 : i32 to vector<13x512xi32>
    %shift_right_logical3A_383 = arith.shrui %bitcast_convert_type3A_380, %shift_right_logical3A_382 : vector<13x512xi32>
    %and3A_384 = arith.constant 1 : i32
    %and3A_385 = vector.broadcast %and3A_384 : i32 to vector<13x512xi32>
    %and3A_386 = arith.andi %shift_right_logical3A_383, %and3A_385 : vector<13x512xi32>
    %add3A_387 = arith.constant 32767 : i32
    %add3A_388 = vector.broadcast %add3A_387 : i32 to vector<13x512xi32>
    %add3A_389 = arith.addi %bitcast_convert_type3A_380, %add3A_388 : vector<13x512xi32>
    %add3A_390 = arith.addi %add3A_389, %and3A_386 : vector<13x512xi32>
    %and3A_391 = arith.constant -65536 : i32
    %and3A_392 = vector.broadcast %and3A_391 : i32 to vector<13x512xi32>
    %and3A_393 = arith.andi %add3A_390, %and3A_392 : vector<13x512xi32>
    %bitcast_convert_type3A_394 = tpu.bitcast %and3A_393 : vector<13x512xi32> -> vector<13x512xf32>
    %concatenate3A_395 = tpu.concatenate %bitcast_convert_type3A_394, %broadcast_in_dim3A_69, %broadcast_in_dim3A_71 in 0 : vector<13x512xf32>, vector<1x512xf32>, vector<2x512xf32> -> vector<16x512xf32>
    %dot_general3A_396 = arith.constant dense<0.000000e+00> : vector<16x16xf32>
    %dot_general3A_397 = tpu.matmul %concatenate3A_395, %concatenate3A_395, %dot_general3A_396 {dimension_numbers = #tpu.dot_dimension_numbers<[1], [1], [0], [0], [0, 0, 1, 0], [], []>, transpose_lhs_hint = false} : vector<16x512xf32>, vector<16x512xf32>, vector<16x16xf32> -> vector<16x16xf32>
    %add3A_398 = arith.addf %add3A_365, %dot_general3A_397 : vector<16x16xf32>
    %slice3A_399 = vector.extract_strided_slice %get3A_7 {offsets = [10, 0], sizes = [1, 512], strides = [1, 1]} : vector<20x512xf32> to vector<1x512xf32>
    %slice3A_400 = vector.extract_strided_slice %get3A_12 {offsets = [10, 0], sizes = [1, 512], strides = [1, 1]} : vector<20x512xf32> to vector<1x512xf32>
    %slice3A_401 = vector.extract_strided_slice %get3A_17 {offsets = [10, 0], sizes = [1, 512], strides = [1, 1]} : vector<20x512xf32> to vector<1x512xf32>
    %slice3A_402 = vector.extract_strided_slice %get3A_22 {offsets = [10, 0], sizes = [1, 512], strides = [1, 1]} : vector<20x512xf32> to vector<1x512xf32>
    %slice3A_403 = vector.extract_strided_slice %get3A_27 {offsets = [10, 0], sizes = [1, 512], strides = [1, 1]} : vector<20x512xf32> to vector<1x512xf32>
    %slice3A_404 = vector.extract_strided_slice %get3A_32 {offsets = [10, 0], sizes = [1, 512], strides = [1, 1]} : vector<20x512xf32> to vector<1x512xf32>
    %slice3A_405 = vector.extract_strided_slice %get3A_37 {offsets = [10, 0], sizes = [1, 512], strides = [1, 1]} : vector<20x512xf32> to vector<1x512xf32>
    %slice3A_406 = vector.extract_strided_slice %get3A_42 {offsets = [10, 0], sizes = [1, 512], strides = [1, 1]} : vector<20x512xf32> to vector<1x512xf32>
    %slice3A_407 = vector.extract_strided_slice %get3A_47 {offsets = [10, 0], sizes = [1, 512], strides = [1, 1]} : vector<20x512xf32> to vector<1x512xf32>
    %slice3A_408 = vector.extract_strided_slice %get3A_52 {offsets = [10, 0], sizes = [1, 512], strides = [1, 1]} : vector<20x512xf32> to vector<1x512xf32>
    %slice3A_409 = vector.extract_strided_slice %get3A_57 {offsets = [10, 0], sizes = [1, 512], strides = [1, 1]} : vector<20x512xf32> to vector<1x512xf32>
    %slice3A_410 = vector.extract_strided_slice %get3A_62 {offsets = [10, 0], sizes = [1, 512], strides = [1, 1]} : vector<20x512xf32> to vector<1x512xf32>
    %slice3A_411 = vector.extract_strided_slice %sqrt3A {offsets = [10, 0], sizes = [1, 512], strides = [1, 1]} : vector<20x512xf32> to vector<1x512xf32>
    %concatenate3A_412 = tpu.concatenate %slice3A_399, %slice3A_400, %slice3A_401, %slice3A_402, %slice3A_403, %slice3A_404, %slice3A_405, %slice3A_406, %slice3A_407, %slice3A_408, %slice3A_409, %slice3A_410, %slice3A_411 in 0 : vector<1x512xf32>, vector<1x512xf32>, vector<1x512xf32>, vector<1x512xf32>, vector<1x512xf32>, vector<1x512xf32>, vector<1x512xf32>, vector<1x512xf32>, vector<1x512xf32>, vector<1x512xf32>, vector<1x512xf32>, vector<1x512xf32>, vector<1x512xf32> -> vector<13x512xf32>
    %bitcast_convert_type3A_413 = tpu.bitcast %concatenate3A_412 : vector<13x512xf32> -> vector<13x512xi32>
    %shift_right_logical3A_414 = arith.constant 16 : i32
    %shift_right_logical3A_415 = vector.broadcast %shift_right_logical3A_414 : i32 to vector<13x512xi32>
    %shift_right_logical3A_416 = arith.shrui %bitcast_convert_type3A_413, %shift_right_logical3A_415 : vector<13x512xi32>
    %and3A_417 = arith.constant 1 : i32
    %and3A_418 = vector.broadcast %and3A_417 : i32 to vector<13x512xi32>
    %and3A_419 = arith.andi %shift_right_logical3A_416, %and3A_418 : vector<13x512xi32>
    %add3A_420 = arith.constant 32767 : i32
    %add3A_421 = vector.broadcast %add3A_420 : i32 to vector<13x512xi32>
    %add3A_422 = arith.addi %bitcast_convert_type3A_413, %add3A_421 : vector<13x512xi32>
    %add3A_423 = arith.addi %add3A_422, %and3A_419 : vector<13x512xi32>
    %and3A_424 = arith.constant -65536 : i32
    %and3A_425 = vector.broadcast %and3A_424 : i32 to vector<13x512xi32>
    %and3A_426 = arith.andi %add3A_423, %and3A_425 : vector<13x512xi32>
    %bitcast_convert_type3A_427 = tpu.bitcast %and3A_426 : vector<13x512xi32> -> vector<13x512xf32>
    %concatenate3A_428 = tpu.concatenate %bitcast_convert_type3A_427, %broadcast_in_dim3A_69, %broadcast_in_dim3A_71 in 0 : vector<13x512xf32>, vector<1x512xf32>, vector<2x512xf32> -> vector<16x512xf32>
    %dot_general3A_429 = arith.constant dense<0.000000e+00> : vector<16x16xf32>
    %dot_general3A_430 = tpu.matmul %concatenate3A_428, %concatenate3A_428, %dot_general3A_429 {dimension_numbers = #tpu.dot_dimension_numbers<[1], [1], [0], [0], [0, 0, 1, 0], [], []>, transpose_lhs_hint = false} : vector<16x512xf32>, vector<16x512xf32>, vector<16x16xf32> -> vector<16x16xf32>
    %add3A_431 = arith.addf %add3A_398, %dot_general3A_430 : vector<16x16xf32>
    %slice3A_432 = vector.extract_strided_slice %get3A_7 {offsets = [11, 0], sizes = [1, 512], strides = [1, 1]} : vector<20x512xf32> to vector<1x512xf32>
    %slice3A_433 = vector.extract_strided_slice %get3A_12 {offsets = [11, 0], sizes = [1, 512], strides = [1, 1]} : vector<20x512xf32> to vector<1x512xf32>
    %slice3A_434 = vector.extract_strided_slice %get3A_17 {offsets = [11, 0], sizes = [1, 512], strides = [1, 1]} : vector<20x512xf32> to vector<1x512xf32>
    %slice3A_435 = vector.extract_strided_slice %get3A_22 {offsets = [11, 0], sizes = [1, 512], strides = [1, 1]} : vector<20x512xf32> to vector<1x512xf32>
    %slice3A_436 = vector.extract_strided_slice %get3A_27 {offsets = [11, 0], sizes = [1, 512], strides = [1, 1]} : vector<20x512xf32> to vector<1x512xf32>
    %slice3A_437 = vector.extract_strided_slice %get3A_32 {offsets = [11, 0], sizes = [1, 512], strides = [1, 1]} : vector<20x512xf32> to vector<1x512xf32>
    %slice3A_438 = vector.extract_strided_slice %get3A_37 {offsets = [11, 0], sizes = [1, 512], strides = [1, 1]} : vector<20x512xf32> to vector<1x512xf32>
    %slice3A_439 = vector.extract_strided_slice %get3A_42 {offsets = [11, 0], sizes = [1, 512], strides = [1, 1]} : vector<20x512xf32> to vector<1x512xf32>
    %slice3A_440 = vector.extract_strided_slice %get3A_47 {offsets = [11, 0], sizes = [1, 512], strides = [1, 1]} : vector<20x512xf32> to vector<1x512xf32>
    %slice3A_441 = vector.extract_strided_slice %get3A_52 {offsets = [11, 0], sizes = [1, 512], strides = [1, 1]} : vector<20x512xf32> to vector<1x512xf32>
    %slice3A_442 = vector.extract_strided_slice %get3A_57 {offsets = [11, 0], sizes = [1, 512], strides = [1, 1]} : vector<20x512xf32> to vector<1x512xf32>
    %slice3A_443 = vector.extract_strided_slice %get3A_62 {offsets = [11, 0], sizes = [1, 512], strides = [1, 1]} : vector<20x512xf32> to vector<1x512xf32>
    %slice3A_444 = vector.extract_strided_slice %sqrt3A {offsets = [11, 0], sizes = [1, 512], strides = [1, 1]} : vector<20x512xf32> to vector<1x512xf32>
    %concatenate3A_445 = tpu.concatenate %slice3A_432, %slice3A_433, %slice3A_434, %slice3A_435, %slice3A_436, %slice3A_437, %slice3A_438, %slice3A_439, %slice3A_440, %slice3A_441, %slice3A_442, %slice3A_443, %slice3A_444 in 0 : vector<1x512xf32>, vector<1x512xf32>, vector<1x512xf32>, vector<1x512xf32>, vector<1x512xf32>, vector<1x512xf32>, vector<1x512xf32>, vector<1x512xf32>, vector<1x512xf32>, vector<1x512xf32>, vector<1x512xf32>, vector<1x512xf32>, vector<1x512xf32> -> vector<13x512xf32>
    %bitcast_convert_type3A_446 = tpu.bitcast %concatenate3A_445 : vector<13x512xf32> -> vector<13x512xi32>
    %shift_right_logical3A_447 = arith.constant 16 : i32
    %shift_right_logical3A_448 = vector.broadcast %shift_right_logical3A_447 : i32 to vector<13x512xi32>
    %shift_right_logical3A_449 = arith.shrui %bitcast_convert_type3A_446, %shift_right_logical3A_448 : vector<13x512xi32>
    %and3A_450 = arith.constant 1 : i32
    %and3A_451 = vector.broadcast %and3A_450 : i32 to vector<13x512xi32>
    %and3A_452 = arith.andi %shift_right_logical3A_449, %and3A_451 : vector<13x512xi32>
    %add3A_453 = arith.constant 32767 : i32
    %add3A_454 = vector.broadcast %add3A_453 : i32 to vector<13x512xi32>
    %add3A_455 = arith.addi %bitcast_convert_type3A_446, %add3A_454 : vector<13x512xi32>
    %add3A_456 = arith.addi %add3A_455, %and3A_452 : vector<13x512xi32>
    %and3A_457 = arith.constant -65536 : i32
    %and3A_458 = vector.broadcast %and3A_457 : i32 to vector<13x512xi32>
    %and3A_459 = arith.andi %add3A_456, %and3A_458 : vector<13x512xi32>
    %bitcast_convert_type3A_460 = tpu.bitcast %and3A_459 : vector<13x512xi32> -> vector<13x512xf32>
    %concatenate3A_461 = tpu.concatenate %bitcast_convert_type3A_460, %broadcast_in_dim3A_69, %broadcast_in_dim3A_71 in 0 : vector<13x512xf32>, vector<1x512xf32>, vector<2x512xf32> -> vector<16x512xf32>
    %dot_general3A_462 = arith.constant dense<0.000000e+00> : vector<16x16xf32>
    %dot_general3A_463 = tpu.matmul %concatenate3A_461, %concatenate3A_461, %dot_general3A_462 {dimension_numbers = #tpu.dot_dimension_numbers<[1], [1], [0], [0], [0, 0, 1, 0], [], []>, transpose_lhs_hint = false} : vector<16x512xf32>, vector<16x512xf32>, vector<16x16xf32> -> vector<16x16xf32>
    %add3A_464 = arith.addf %add3A_431, %dot_general3A_463 : vector<16x16xf32>
    %slice3A_465 = vector.extract_strided_slice %get3A_7 {offsets = [12, 0], sizes = [1, 512], strides = [1, 1]} : vector<20x512xf32> to vector<1x512xf32>
    %slice3A_466 = vector.extract_strided_slice %get3A_12 {offsets = [12, 0], sizes = [1, 512], strides = [1, 1]} : vector<20x512xf32> to vector<1x512xf32>
    %slice3A_467 = vector.extract_strided_slice %get3A_17 {offsets = [12, 0], sizes = [1, 512], strides = [1, 1]} : vector<20x512xf32> to vector<1x512xf32>
    %slice3A_468 = vector.extract_strided_slice %get3A_22 {offsets = [12, 0], sizes = [1, 512], strides = [1, 1]} : vector<20x512xf32> to vector<1x512xf32>
    %slice3A_469 = vector.extract_strided_slice %get3A_27 {offsets = [12, 0], sizes = [1, 512], strides = [1, 1]} : vector<20x512xf32> to vector<1x512xf32>
    %slice3A_470 = vector.extract_strided_slice %get3A_32 {offsets = [12, 0], sizes = [1, 512], strides = [1, 1]} : vector<20x512xf32> to vector<1x512xf32>
    %slice3A_471 = vector.extract_strided_slice %get3A_37 {offsets = [12, 0], sizes = [1, 512], strides = [1, 1]} : vector<20x512xf32> to vector<1x512xf32>
    %slice3A_472 = vector.extract_strided_slice %get3A_42 {offsets = [12, 0], sizes = [1, 512], strides = [1, 1]} : vector<20x512xf32> to vector<1x512xf32>
    %slice3A_473 = vector.extract_strided_slice %get3A_47 {offsets = [12, 0], sizes = [1, 512], strides = [1, 1]} : vector<20x512xf32> to vector<1x512xf32>
    %slice3A_474 = vector.extract_strided_slice %get3A_52 {offsets = [12, 0], sizes = [1, 512], strides = [1, 1]} : vector<20x512xf32> to vector<1x512xf32>
    %slice3A_475 = vector.extract_strided_slice %get3A_57 {offsets = [12, 0], sizes = [1, 512], strides = [1, 1]} : vector<20x512xf32> to vector<1x512xf32>
    %slice3A_476 = vector.extract_strided_slice %get3A_62 {offsets = [12, 0], sizes = [1, 512], strides = [1, 1]} : vector<20x512xf32> to vector<1x512xf32>
    %slice3A_477 = vector.extract_strided_slice %sqrt3A {offsets = [12, 0], sizes = [1, 512], strides = [1, 1]} : vector<20x512xf32> to vector<1x512xf32>
    %concatenate3A_478 = tpu.concatenate %slice3A_465, %slice3A_466, %slice3A_467, %slice3A_468, %slice3A_469, %slice3A_470, %slice3A_471, %slice3A_472, %slice3A_473, %slice3A_474, %slice3A_475, %slice3A_476, %slice3A_477 in 0 : vector<1x512xf32>, vector<1x512xf32>, vector<1x512xf32>, vector<1x512xf32>, vector<1x512xf32>, vector<1x512xf32>, vector<1x512xf32>, vector<1x512xf32>, vector<1x512xf32>, vector<1x512xf32>, vector<1x512xf32>, vector<1x512xf32>, vector<1x512xf32> -> vector<13x512xf32>
    %bitcast_convert_type3A_479 = tpu.bitcast %concatenate3A_478 : vector<13x512xf32> -> vector<13x512xi32>
    %shift_right_logical3A_480 = arith.constant 16 : i32
    %shift_right_logical3A_481 = vector.broadcast %shift_right_logical3A_480 : i32 to vector<13x512xi32>
    %shift_right_logical3A_482 = arith.shrui %bitcast_convert_type3A_479, %shift_right_logical3A_481 : vector<13x512xi32>
    %and3A_483 = arith.constant 1 : i32
    %and3A_484 = vector.broadcast %and3A_483 : i32 to vector<13x512xi32>
    %and3A_485 = arith.andi %shift_right_logical3A_482, %and3A_484 : vector<13x512xi32>
    %add3A_486 = arith.constant 32767 : i32
    %add3A_487 = vector.broadcast %add3A_486 : i32 to vector<13x512xi32>
    %add3A_488 = arith.addi %bitcast_convert_type3A_479, %add3A_487 : vector<13x512xi32>
    %add3A_489 = arith.addi %add3A_488, %and3A_485 : vector<13x512xi32>
    %and3A_490 = arith.constant -65536 : i32
    %and3A_491 = vector.broadcast %and3A_490 : i32 to vector<13x512xi32>
    %and3A_492 = arith.andi %add3A_489, %and3A_491 : vector<13x512xi32>
    %bitcast_convert_type3A_493 = tpu.bitcast %and3A_492 : vector<13x512xi32> -> vector<13x512xf32>
    %concatenate3A_494 = tpu.concatenate %bitcast_convert_type3A_493, %broadcast_in_dim3A_69, %broadcast_in_dim3A_71 in 0 : vector<13x512xf32>, vector<1x512xf32>, vector<2x512xf32> -> vector<16x512xf32>
    %dot_general3A_495 = arith.constant dense<0.000000e+00> : vector<16x16xf32>
    %dot_general3A_496 = tpu.matmul %concatenate3A_494, %concatenate3A_494, %dot_general3A_495 {dimension_numbers = #tpu.dot_dimension_numbers<[1], [1], [0], [0], [0, 0, 1, 0], [], []>, transpose_lhs_hint = false} : vector<16x512xf32>, vector<16x512xf32>, vector<16x16xf32> -> vector<16x16xf32>
    %add3A_497 = arith.addf %add3A_464, %dot_general3A_496 : vector<16x16xf32>
    %slice3A_498 = vector.extract_strided_slice %get3A_7 {offsets = [13, 0], sizes = [1, 512], strides = [1, 1]} : vector<20x512xf32> to vector<1x512xf32>
    %slice3A_499 = vector.extract_strided_slice %get3A_12 {offsets = [13, 0], sizes = [1, 512], strides = [1, 1]} : vector<20x512xf32> to vector<1x512xf32>
    %slice3A_500 = vector.extract_strided_slice %get3A_17 {offsets = [13, 0], sizes = [1, 512], strides = [1, 1]} : vector<20x512xf32> to vector<1x512xf32>
    %slice3A_501 = vector.extract_strided_slice %get3A_22 {offsets = [13, 0], sizes = [1, 512], strides = [1, 1]} : vector<20x512xf32> to vector<1x512xf32>
    %slice3A_502 = vector.extract_strided_slice %get3A_27 {offsets = [13, 0], sizes = [1, 512], strides = [1, 1]} : vector<20x512xf32> to vector<1x512xf32>
    %slice3A_503 = vector.extract_strided_slice %get3A_32 {offsets = [13, 0], sizes = [1, 512], strides = [1, 1]} : vector<20x512xf32> to vector<1x512xf32>
    %slice3A_504 = vector.extract_strided_slice %get3A_37 {offsets = [13, 0], sizes = [1, 512], strides = [1, 1]} : vector<20x512xf32> to vector<1x512xf32>
    %slice3A_505 = vector.extract_strided_slice %get3A_42 {offsets = [13, 0], sizes = [1, 512], strides = [1, 1]} : vector<20x512xf32> to vector<1x512xf32>
    %slice3A_506 = vector.extract_strided_slice %get3A_47 {offsets = [13, 0], sizes = [1, 512], strides = [1, 1]} : vector<20x512xf32> to vector<1x512xf32>
    %slice3A_507 = vector.extract_strided_slice %get3A_52 {offsets = [13, 0], sizes = [1, 512], strides = [1, 1]} : vector<20x512xf32> to vector<1x512xf32>
    %slice3A_508 = vector.extract_strided_slice %get3A_57 {offsets = [13, 0], sizes = [1, 512], strides = [1, 1]} : vector<20x512xf32> to vector<1x512xf32>
    %slice3A_509 = vector.extract_strided_slice %get3A_62 {offsets = [13, 0], sizes = [1, 512], strides = [1, 1]} : vector<20x512xf32> to vector<1x512xf32>
    %slice3A_510 = vector.extract_strided_slice %sqrt3A {offsets = [13, 0], sizes = [1, 512], strides = [1, 1]} : vector<20x512xf32> to vector<1x512xf32>
    %concatenate3A_511 = tpu.concatenate %slice3A_498, %slice3A_499, %slice3A_500, %slice3A_501, %slice3A_502, %slice3A_503, %slice3A_504, %slice3A_505, %slice3A_506, %slice3A_507, %slice3A_508, %slice3A_509, %slice3A_510 in 0 : vector<1x512xf32>, vector<1x512xf32>, vector<1x512xf32>, vector<1x512xf32>, vector<1x512xf32>, vector<1x512xf32>, vector<1x512xf32>, vector<1x512xf32>, vector<1x512xf32>, vector<1x512xf32>, vector<1x512xf32>, vector<1x512xf32>, vector<1x512xf32> -> vector<13x512xf32>
    %bitcast_convert_type3A_512 = tpu.bitcast %concatenate3A_511 : vector<13x512xf32> -> vector<13x512xi32>
    %shift_right_logical3A_513 = arith.constant 16 : i32
    %shift_right_logical3A_514 = vector.broadcast %shift_right_logical3A_513 : i32 to vector<13x512xi32>
    %shift_right_logical3A_515 = arith.shrui %bitcast_convert_type3A_512, %shift_right_logical3A_514 : vector<13x512xi32>
    %and3A_516 = arith.constant 1 : i32
    %and3A_517 = vector.broadcast %and3A_516 : i32 to vector<13x512xi32>
    %and3A_518 = arith.andi %shift_right_logical3A_515, %and3A_517 : vector<13x512xi32>
    %add3A_519 = arith.constant 32767 : i32
    %add3A_520 = vector.broadcast %add3A_519 : i32 to vector<13x512xi32>
    %add3A_521 = arith.addi %bitcast_convert_type3A_512, %add3A_520 : vector<13x512xi32>
    %add3A_522 = arith.addi %add3A_521, %and3A_518 : vector<13x512xi32>
    %and3A_523 = arith.constant -65536 : i32
    %and3A_524 = vector.broadcast %and3A_523 : i32 to vector<13x512xi32>
    %and3A_525 = arith.andi %add3A_522, %and3A_524 : vector<13x512xi32>
    %bitcast_convert_type3A_526 = tpu.bitcast %and3A_525 : vector<13x512xi32> -> vector<13x512xf32>
    %concatenate3A_527 = tpu.concatenate %bitcast_convert_type3A_526, %broadcast_in_dim3A_69, %broadcast_in_dim3A_71 in 0 : vector<13x512xf32>, vector<1x512xf32>, vector<2x512xf32> -> vector<16x512xf32>
    %dot_general3A_528 = arith.constant dense<0.000000e+00> : vector<16x16xf32>
    %dot_general3A_529 = tpu.matmul %concatenate3A_527, %concatenate3A_527, %dot_general3A_528 {dimension_numbers = #tpu.dot_dimension_numbers<[1], [1], [0], [0], [0, 0, 1, 0], [], []>, transpose_lhs_hint = false} : vector<16x512xf32>, vector<16x512xf32>, vector<16x16xf32> -> vector<16x16xf32>
    %add3A_530 = arith.addf %add3A_497, %dot_general3A_529 : vector<16x16xf32>
    %slice3A_531 = vector.extract_strided_slice %get3A_7 {offsets = [14, 0], sizes = [1, 512], strides = [1, 1]} : vector<20x512xf32> to vector<1x512xf32>
    %slice3A_532 = vector.extract_strided_slice %get3A_12 {offsets = [14, 0], sizes = [1, 512], strides = [1, 1]} : vector<20x512xf32> to vector<1x512xf32>
    %slice3A_533 = vector.extract_strided_slice %get3A_17 {offsets = [14, 0], sizes = [1, 512], strides = [1, 1]} : vector<20x512xf32> to vector<1x512xf32>
    %slice3A_534 = vector.extract_strided_slice %get3A_22 {offsets = [14, 0], sizes = [1, 512], strides = [1, 1]} : vector<20x512xf32> to vector<1x512xf32>
    %slice3A_535 = vector.extract_strided_slice %get3A_27 {offsets = [14, 0], sizes = [1, 512], strides = [1, 1]} : vector<20x512xf32> to vector<1x512xf32>
    %slice3A_536 = vector.extract_strided_slice %get3A_32 {offsets = [14, 0], sizes = [1, 512], strides = [1, 1]} : vector<20x512xf32> to vector<1x512xf32>
    %slice3A_537 = vector.extract_strided_slice %get3A_37 {offsets = [14, 0], sizes = [1, 512], strides = [1, 1]} : vector<20x512xf32> to vector<1x512xf32>
    %slice3A_538 = vector.extract_strided_slice %get3A_42 {offsets = [14, 0], sizes = [1, 512], strides = [1, 1]} : vector<20x512xf32> to vector<1x512xf32>
    %slice3A_539 = vector.extract_strided_slice %get3A_47 {offsets = [14, 0], sizes = [1, 512], strides = [1, 1]} : vector<20x512xf32> to vector<1x512xf32>
    %slice3A_540 = vector.extract_strided_slice %get3A_52 {offsets = [14, 0], sizes = [1, 512], strides = [1, 1]} : vector<20x512xf32> to vector<1x512xf32>
    %slice3A_541 = vector.extract_strided_slice %get3A_57 {offsets = [14, 0], sizes = [1, 512], strides = [1, 1]} : vector<20x512xf32> to vector<1x512xf32>
    %slice3A_542 = vector.extract_strided_slice %get3A_62 {offsets = [14, 0], sizes = [1, 512], strides = [1, 1]} : vector<20x512xf32> to vector<1x512xf32>
    %slice3A_543 = vector.extract_strided_slice %sqrt3A {offsets = [14, 0], sizes = [1, 512], strides = [1, 1]} : vector<20x512xf32> to vector<1x512xf32>
    %concatenate3A_544 = tpu.concatenate %slice3A_531, %slice3A_532, %slice3A_533, %slice3A_534, %slice3A_535, %slice3A_536, %slice3A_537, %slice3A_538, %slice3A_539, %slice3A_540, %slice3A_541, %slice3A_542, %slice3A_543 in 0 : vector<1x512xf32>, vector<1x512xf32>, vector<1x512xf32>, vector<1x512xf32>, vector<1x512xf32>, vector<1x512xf32>, vector<1x512xf32>, vector<1x512xf32>, vector<1x512xf32>, vector<1x512xf32>, vector<1x512xf32>, vector<1x512xf32>, vector<1x512xf32> -> vector<13x512xf32>
    %bitcast_convert_type3A_545 = tpu.bitcast %concatenate3A_544 : vector<13x512xf32> -> vector<13x512xi32>
    %shift_right_logical3A_546 = arith.constant 16 : i32
    %shift_right_logical3A_547 = vector.broadcast %shift_right_logical3A_546 : i32 to vector<13x512xi32>
    %shift_right_logical3A_548 = arith.shrui %bitcast_convert_type3A_545, %shift_right_logical3A_547 : vector<13x512xi32>
    %and3A_549 = arith.constant 1 : i32
    %and3A_550 = vector.broadcast %and3A_549 : i32 to vector<13x512xi32>
    %and3A_551 = arith.andi %shift_right_logical3A_548, %and3A_550 : vector<13x512xi32>
    %add3A_552 = arith.constant 32767 : i32
    %add3A_553 = vector.broadcast %add3A_552 : i32 to vector<13x512xi32>
    %add3A_554 = arith.addi %bitcast_convert_type3A_545, %add3A_553 : vector<13x512xi32>
    %add3A_555 = arith.addi %add3A_554, %and3A_551 : vector<13x512xi32>
    %and3A_556 = arith.constant -65536 : i32
    %and3A_557 = vector.broadcast %and3A_556 : i32 to vector<13x512xi32>
    %and3A_558 = arith.andi %add3A_555, %and3A_557 : vector<13x512xi32>
    %bitcast_convert_type3A_559 = tpu.bitcast %and3A_558 : vector<13x512xi32> -> vector<13x512xf32>
    %concatenate3A_560 = tpu.concatenate %bitcast_convert_type3A_559, %broadcast_in_dim3A_69, %broadcast_in_dim3A_71 in 0 : vector<13x512xf32>, vector<1x512xf32>, vector<2x512xf32> -> vector<16x512xf32>
    %dot_general3A_561 = arith.constant dense<0.000000e+00> : vector<16x16xf32>
    %dot_general3A_562 = tpu.matmul %concatenate3A_560, %concatenate3A_560, %dot_general3A_561 {dimension_numbers = #tpu.dot_dimension_numbers<[1], [1], [0], [0], [0, 0, 1, 0], [], []>, transpose_lhs_hint = false} : vector<16x512xf32>, vector<16x512xf32>, vector<16x16xf32> -> vector<16x16xf32>
    %add3A_563 = arith.addf %add3A_530, %dot_general3A_562 : vector<16x16xf32>
    %slice3A_564 = vector.extract_strided_slice %get3A_7 {offsets = [15, 0], sizes = [1, 512], strides = [1, 1]} : vector<20x512xf32> to vector<1x512xf32>
    %slice3A_565 = vector.extract_strided_slice %get3A_12 {offsets = [15, 0], sizes = [1, 512], strides = [1, 1]} : vector<20x512xf32> to vector<1x512xf32>
    %slice3A_566 = vector.extract_strided_slice %get3A_17 {offsets = [15, 0], sizes = [1, 512], strides = [1, 1]} : vector<20x512xf32> to vector<1x512xf32>
    %slice3A_567 = vector.extract_strided_slice %get3A_22 {offsets = [15, 0], sizes = [1, 512], strides = [1, 1]} : vector<20x512xf32> to vector<1x512xf32>
    %slice3A_568 = vector.extract_strided_slice %get3A_27 {offsets = [15, 0], sizes = [1, 512], strides = [1, 1]} : vector<20x512xf32> to vector<1x512xf32>
    %slice3A_569 = vector.extract_strided_slice %get3A_32 {offsets = [15, 0], sizes = [1, 512], strides = [1, 1]} : vector<20x512xf32> to vector<1x512xf32>
    %slice3A_570 = vector.extract_strided_slice %get3A_37 {offsets = [15, 0], sizes = [1, 512], strides = [1, 1]} : vector<20x512xf32> to vector<1x512xf32>
    %slice3A_571 = vector.extract_strided_slice %get3A_42 {offsets = [15, 0], sizes = [1, 512], strides = [1, 1]} : vector<20x512xf32> to vector<1x512xf32>
    %slice3A_572 = vector.extract_strided_slice %get3A_47 {offsets = [15, 0], sizes = [1, 512], strides = [1, 1]} : vector<20x512xf32> to vector<1x512xf32>
    %slice3A_573 = vector.extract_strided_slice %get3A_52 {offsets = [15, 0], sizes = [1, 512], strides = [1, 1]} : vector<20x512xf32> to vector<1x512xf32>
    %slice3A_574 = vector.extract_strided_slice %get3A_57 {offsets = [15, 0], sizes = [1, 512], strides = [1, 1]} : vector<20x512xf32> to vector<1x512xf32>
    %slice3A_575 = vector.extract_strided_slice %get3A_62 {offsets = [15, 0], sizes = [1, 512], strides = [1, 1]} : vector<20x512xf32> to vector<1x512xf32>
    %slice3A_576 = vector.extract_strided_slice %sqrt3A {offsets = [15, 0], sizes = [1, 512], strides = [1, 1]} : vector<20x512xf32> to vector<1x512xf32>
    %concatenate3A_577 = tpu.concatenate %slice3A_564, %slice3A_565, %slice3A_566, %slice3A_567, %slice3A_568, %slice3A_569, %slice3A_570, %slice3A_571, %slice3A_572, %slice3A_573, %slice3A_574, %slice3A_575, %slice3A_576 in 0 : vector<1x512xf32>, vector<1x512xf32>, vector<1x512xf32>, vector<1x512xf32>, vector<1x512xf32>, vector<1x512xf32>, vector<1x512xf32>, vector<1x512xf32>, vector<1x512xf32>, vector<1x512xf32>, vector<1x512xf32>, vector<1x512xf32>, vector<1x512xf32> -> vector<13x512xf32>
    %bitcast_convert_type3A_578 = tpu.bitcast %concatenate3A_577 : vector<13x512xf32> -> vector<13x512xi32>
    %shift_right_logical3A_579 = arith.constant 16 : i32
    %shift_right_logical3A_580 = vector.broadcast %shift_right_logical3A_579 : i32 to vector<13x512xi32>
    %shift_right_logical3A_581 = arith.shrui %bitcast_convert_type3A_578, %shift_right_logical3A_580 : vector<13x512xi32>
    %and3A_582 = arith.constant 1 : i32
    %and3A_583 = vector.broadcast %and3A_582 : i32 to vector<13x512xi32>
    %and3A_584 = arith.andi %shift_right_logical3A_581, %and3A_583 : vector<13x512xi32>
    %add3A_585 = arith.constant 32767 : i32
    %add3A_586 = vector.broadcast %add3A_585 : i32 to vector<13x512xi32>
    %add3A_587 = arith.addi %bitcast_convert_type3A_578, %add3A_586 : vector<13x512xi32>
    %add3A_588 = arith.addi %add3A_587, %and3A_584 : vector<13x512xi32>
    %and3A_589 = arith.constant -65536 : i32
    %and3A_590 = vector.broadcast %and3A_589 : i32 to vector<13x512xi32>
    %and3A_591 = arith.andi %add3A_588, %and3A_590 : vector<13x512xi32>
    %bitcast_convert_type3A_592 = tpu.bitcast %and3A_591 : vector<13x512xi32> -> vector<13x512xf32>
    %concatenate3A_593 = tpu.concatenate %bitcast_convert_type3A_592, %broadcast_in_dim3A_69, %broadcast_in_dim3A_71 in 0 : vector<13x512xf32>, vector<1x512xf32>, vector<2x512xf32> -> vector<16x512xf32>
    %dot_general3A_594 = arith.constant dense<0.000000e+00> : vector<16x16xf32>
    %dot_general3A_595 = tpu.matmul %concatenate3A_593, %concatenate3A_593, %dot_general3A_594 {dimension_numbers = #tpu.dot_dimension_numbers<[1], [1], [0], [0], [0, 0, 1, 0], [], []>, transpose_lhs_hint = false} : vector<16x512xf32>, vector<16x512xf32>, vector<16x16xf32> -> vector<16x16xf32>
    %add3A_596 = arith.addf %add3A_563, %dot_general3A_595 : vector<16x16xf32>
    %slice3A_597 = vector.extract_strided_slice %get3A_7 {offsets = [16, 0], sizes = [1, 512], strides = [1, 1]} : vector<20x512xf32> to vector<1x512xf32>
    %slice3A_598 = vector.extract_strided_slice %get3A_12 {offsets = [16, 0], sizes = [1, 512], strides = [1, 1]} : vector<20x512xf32> to vector<1x512xf32>
    %slice3A_599 = vector.extract_strided_slice %get3A_17 {offsets = [16, 0], sizes = [1, 512], strides = [1, 1]} : vector<20x512xf32> to vector<1x512xf32>
    %slice3A_600 = vector.extract_strided_slice %get3A_22 {offsets = [16, 0], sizes = [1, 512], strides = [1, 1]} : vector<20x512xf32> to vector<1x512xf32>
    %slice3A_601 = vector.extract_strided_slice %get3A_27 {offsets = [16, 0], sizes = [1, 512], strides = [1, 1]} : vector<20x512xf32> to vector<1x512xf32>
    %slice3A_602 = vector.extract_strided_slice %get3A_32 {offsets = [16, 0], sizes = [1, 512], strides = [1, 1]} : vector<20x512xf32> to vector<1x512xf32>
    %slice3A_603 = vector.extract_strided_slice %get3A_37 {offsets = [16, 0], sizes = [1, 512], strides = [1, 1]} : vector<20x512xf32> to vector<1x512xf32>
    %slice3A_604 = vector.extract_strided_slice %get3A_42 {offsets = [16, 0], sizes = [1, 512], strides = [1, 1]} : vector<20x512xf32> to vector<1x512xf32>
    %slice3A_605 = vector.extract_strided_slice %get3A_47 {offsets = [16, 0], sizes = [1, 512], strides = [1, 1]} : vector<20x512xf32> to vector<1x512xf32>
    %slice3A_606 = vector.extract_strided_slice %get3A_52 {offsets = [16, 0], sizes = [1, 512], strides = [1, 1]} : vector<20x512xf32> to vector<1x512xf32>
    %slice3A_607 = vector.extract_strided_slice %get3A_57 {offsets = [16, 0], sizes = [1, 512], strides = [1, 1]} : vector<20x512xf32> to vector<1x512xf32>
    %slice3A_608 = vector.extract_strided_slice %get3A_62 {offsets = [16, 0], sizes = [1, 512], strides = [1, 1]} : vector<20x512xf32> to vector<1x512xf32>
    %slice3A_609 = vector.extract_strided_slice %sqrt3A {offsets = [16, 0], sizes = [1, 512], strides = [1, 1]} : vector<20x512xf32> to vector<1x512xf32>
    %concatenate3A_610 = tpu.concatenate %slice3A_597, %slice3A_598, %slice3A_599, %slice3A_600, %slice3A_601, %slice3A_602, %slice3A_603, %slice3A_604, %slice3A_605, %slice3A_606, %slice3A_607, %slice3A_608, %slice3A_609 in 0 : vector<1x512xf32>, vector<1x512xf32>, vector<1x512xf32>, vector<1x512xf32>, vector<1x512xf32>, vector<1x512xf32>, vector<1x512xf32>, vector<1x512xf32>, vector<1x512xf32>, vector<1x512xf32>, vector<1x512xf32>, vector<1x512xf32>, vector<1x512xf32> -> vector<13x512xf32>
    %bitcast_convert_type3A_611 = tpu.bitcast %concatenate3A_610 : vector<13x512xf32> -> vector<13x512xi32>
    %shift_right_logical3A_612 = arith.constant 16 : i32
    %shift_right_logical3A_613 = vector.broadcast %shift_right_logical3A_612 : i32 to vector<13x512xi32>
    %shift_right_logical3A_614 = arith.shrui %bitcast_convert_type3A_611, %shift_right_logical3A_613 : vector<13x512xi32>
    %and3A_615 = arith.constant 1 : i32
    %and3A_616 = vector.broadcast %and3A_615 : i32 to vector<13x512xi32>
    %and3A_617 = arith.andi %shift_right_logical3A_614, %and3A_616 : vector<13x512xi32>
    %add3A_618 = arith.constant 32767 : i32
    %add3A_619 = vector.broadcast %add3A_618 : i32 to vector<13x512xi32>
    %add3A_620 = arith.addi %bitcast_convert_type3A_611, %add3A_619 : vector<13x512xi32>
    %add3A_621 = arith.addi %add3A_620, %and3A_617 : vector<13x512xi32>
    %and3A_622 = arith.constant -65536 : i32
    %and3A_623 = vector.broadcast %and3A_622 : i32 to vector<13x512xi32>
    %and3A_624 = arith.andi %add3A_621, %and3A_623 : vector<13x512xi32>
    %bitcast_convert_type3A_625 = tpu.bitcast %and3A_624 : vector<13x512xi32> -> vector<13x512xf32>
    %concatenate3A_626 = tpu.concatenate %bitcast_convert_type3A_625, %broadcast_in_dim3A_69, %broadcast_in_dim3A_71 in 0 : vector<13x512xf32>, vector<1x512xf32>, vector<2x512xf32> -> vector<16x512xf32>
    %dot_general3A_627 = arith.constant dense<0.000000e+00> : vector<16x16xf32>
    %dot_general3A_628 = tpu.matmul %concatenate3A_626, %concatenate3A_626, %dot_general3A_627 {dimension_numbers = #tpu.dot_dimension_numbers<[1], [1], [0], [0], [0, 0, 1, 0], [], []>, transpose_lhs_hint = false} : vector<16x512xf32>, vector<16x512xf32>, vector<16x16xf32> -> vector<16x16xf32>
    %add3A_629 = arith.addf %add3A_596, %dot_general3A_628 : vector<16x16xf32>
    %slice3A_630 = vector.extract_strided_slice %get3A_7 {offsets = [17, 0], sizes = [1, 512], strides = [1, 1]} : vector<20x512xf32> to vector<1x512xf32>
    %slice3A_631 = vector.extract_strided_slice %get3A_12 {offsets = [17, 0], sizes = [1, 512], strides = [1, 1]} : vector<20x512xf32> to vector<1x512xf32>
    %slice3A_632 = vector.extract_strided_slice %get3A_17 {offsets = [17, 0], sizes = [1, 512], strides = [1, 1]} : vector<20x512xf32> to vector<1x512xf32>
    %slice3A_633 = vector.extract_strided_slice %get3A_22 {offsets = [17, 0], sizes = [1, 512], strides = [1, 1]} : vector<20x512xf32> to vector<1x512xf32>
    %slice3A_634 = vector.extract_strided_slice %get3A_27 {offsets = [17, 0], sizes = [1, 512], strides = [1, 1]} : vector<20x512xf32> to vector<1x512xf32>
    %slice3A_635 = vector.extract_strided_slice %get3A_32 {offsets = [17, 0], sizes = [1, 512], strides = [1, 1]} : vector<20x512xf32> to vector<1x512xf32>
    %slice3A_636 = vector.extract_strided_slice %get3A_37 {offsets = [17, 0], sizes = [1, 512], strides = [1, 1]} : vector<20x512xf32> to vector<1x512xf32>
    %slice3A_637 = vector.extract_strided_slice %get3A_42 {offsets = [17, 0], sizes = [1, 512], strides = [1, 1]} : vector<20x512xf32> to vector<1x512xf32>
    %slice3A_638 = vector.extract_strided_slice %get3A_47 {offsets = [17, 0], sizes = [1, 512], strides = [1, 1]} : vector<20x512xf32> to vector<1x512xf32>
    %slice3A_639 = vector.extract_strided_slice %get3A_52 {offsets = [17, 0], sizes = [1, 512], strides = [1, 1]} : vector<20x512xf32> to vector<1x512xf32>
    %slice3A_640 = vector.extract_strided_slice %get3A_57 {offsets = [17, 0], sizes = [1, 512], strides = [1, 1]} : vector<20x512xf32> to vector<1x512xf32>
    %slice3A_641 = vector.extract_strided_slice %get3A_62 {offsets = [17, 0], sizes = [1, 512], strides = [1, 1]} : vector<20x512xf32> to vector<1x512xf32>
    %slice3A_642 = vector.extract_strided_slice %sqrt3A {offsets = [17, 0], sizes = [1, 512], strides = [1, 1]} : vector<20x512xf32> to vector<1x512xf32>
    %concatenate3A_643 = tpu.concatenate %slice3A_630, %slice3A_631, %slice3A_632, %slice3A_633, %slice3A_634, %slice3A_635, %slice3A_636, %slice3A_637, %slice3A_638, %slice3A_639, %slice3A_640, %slice3A_641, %slice3A_642 in 0 : vector<1x512xf32>, vector<1x512xf32>, vector<1x512xf32>, vector<1x512xf32>, vector<1x512xf32>, vector<1x512xf32>, vector<1x512xf32>, vector<1x512xf32>, vector<1x512xf32>, vector<1x512xf32>, vector<1x512xf32>, vector<1x512xf32>, vector<1x512xf32> -> vector<13x512xf32>
    %bitcast_convert_type3A_644 = tpu.bitcast %concatenate3A_643 : vector<13x512xf32> -> vector<13x512xi32>
    %shift_right_logical3A_645 = arith.constant 16 : i32
    %shift_right_logical3A_646 = vector.broadcast %shift_right_logical3A_645 : i32 to vector<13x512xi32>
    %shift_right_logical3A_647 = arith.shrui %bitcast_convert_type3A_644, %shift_right_logical3A_646 : vector<13x512xi32>
    %and3A_648 = arith.constant 1 : i32
    %and3A_649 = vector.broadcast %and3A_648 : i32 to vector<13x512xi32>
    %and3A_650 = arith.andi %shift_right_logical3A_647, %and3A_649 : vector<13x512xi32>
    %add3A_651 = arith.constant 32767 : i32
    %add3A_652 = vector.broadcast %add3A_651 : i32 to vector<13x512xi32>
    %add3A_653 = arith.addi %bitcast_convert_type3A_644, %add3A_652 : vector<13x512xi32>
    %add3A_654 = arith.addi %add3A_653, %and3A_650 : vector<13x512xi32>
    %and3A_655 = arith.constant -65536 : i32
    %and3A_656 = vector.broadcast %and3A_655 : i32 to vector<13x512xi32>
    %and3A_657 = arith.andi %add3A_654, %and3A_656 : vector<13x512xi32>
    %bitcast_convert_type3A_658 = tpu.bitcast %and3A_657 : vector<13x512xi32> -> vector<13x512xf32>
    %concatenate3A_659 = tpu.concatenate %bitcast_convert_type3A_658, %broadcast_in_dim3A_69, %broadcast_in_dim3A_71 in 0 : vector<13x512xf32>, vector<1x512xf32>, vector<2x512xf32> -> vector<16x512xf32>
    %dot_general3A_660 = arith.constant dense<0.000000e+00> : vector<16x16xf32>
    %dot_general3A_661 = tpu.matmul %concatenate3A_659, %concatenate3A_659, %dot_general3A_660 {dimension_numbers = #tpu.dot_dimension_numbers<[1], [1], [0], [0], [0, 0, 1, 0], [], []>, transpose_lhs_hint = false} : vector<16x512xf32>, vector<16x512xf32>, vector<16x16xf32> -> vector<16x16xf32>
    %add3A_662 = arith.addf %add3A_629, %dot_general3A_661 : vector<16x16xf32>
    %slice3A_663 = vector.extract_strided_slice %get3A_7 {offsets = [18, 0], sizes = [1, 512], strides = [1, 1]} : vector<20x512xf32> to vector<1x512xf32>
    %slice3A_664 = vector.extract_strided_slice %get3A_12 {offsets = [18, 0], sizes = [1, 512], strides = [1, 1]} : vector<20x512xf32> to vector<1x512xf32>
    %slice3A_665 = vector.extract_strided_slice %get3A_17 {offsets = [18, 0], sizes = [1, 512], strides = [1, 1]} : vector<20x512xf32> to vector<1x512xf32>
    %slice3A_666 = vector.extract_strided_slice %get3A_22 {offsets = [18, 0], sizes = [1, 512], strides = [1, 1]} : vector<20x512xf32> to vector<1x512xf32>
    %slice3A_667 = vector.extract_strided_slice %get3A_27 {offsets = [18, 0], sizes = [1, 512], strides = [1, 1]} : vector<20x512xf32> to vector<1x512xf32>
    %slice3A_668 = vector.extract_strided_slice %get3A_32 {offsets = [18, 0], sizes = [1, 512], strides = [1, 1]} : vector<20x512xf32> to vector<1x512xf32>
    %slice3A_669 = vector.extract_strided_slice %get3A_37 {offsets = [18, 0], sizes = [1, 512], strides = [1, 1]} : vector<20x512xf32> to vector<1x512xf32>
    %slice3A_670 = vector.extract_strided_slice %get3A_42 {offsets = [18, 0], sizes = [1, 512], strides = [1, 1]} : vector<20x512xf32> to vector<1x512xf32>
    %slice3A_671 = vector.extract_strided_slice %get3A_47 {offsets = [18, 0], sizes = [1, 512], strides = [1, 1]} : vector<20x512xf32> to vector<1x512xf32>
    %slice3A_672 = vector.extract_strided_slice %get3A_52 {offsets = [18, 0], sizes = [1, 512], strides = [1, 1]} : vector<20x512xf32> to vector<1x512xf32>
    %slice3A_673 = vector.extract_strided_slice %get3A_57 {offsets = [18, 0], sizes = [1, 512], strides = [1, 1]} : vector<20x512xf32> to vector<1x512xf32>
    %slice3A_674 = vector.extract_strided_slice %get3A_62 {offsets = [18, 0], sizes = [1, 512], strides = [1, 1]} : vector<20x512xf32> to vector<1x512xf32>
    %slice3A_675 = vector.extract_strided_slice %sqrt3A {offsets = [18, 0], sizes = [1, 512], strides = [1, 1]} : vector<20x512xf32> to vector<1x512xf32>
    %concatenate3A_676 = tpu.concatenate %slice3A_663, %slice3A_664, %slice3A_665, %slice3A_666, %slice3A_667, %slice3A_668, %slice3A_669, %slice3A_670, %slice3A_671, %slice3A_672, %slice3A_673, %slice3A_674, %slice3A_675 in 0 : vector<1x512xf32>, vector<1x512xf32>, vector<1x512xf32>, vector<1x512xf32>, vector<1x512xf32>, vector<1x512xf32>, vector<1x512xf32>, vector<1x512xf32>, vector<1x512xf32>, vector<1x512xf32>, vector<1x512xf32>, vector<1x512xf32>, vector<1x512xf32> -> vector<13x512xf32>
    %bitcast_convert_type3A_677 = tpu.bitcast %concatenate3A_676 : vector<13x512xf32> -> vector<13x512xi32>
    %shift_right_logical3A_678 = arith.constant 16 : i32
    %shift_right_logical3A_679 = vector.broadcast %shift_right_logical3A_678 : i32 to vector<13x512xi32>
    %shift_right_logical3A_680 = arith.shrui %bitcast_convert_type3A_677, %shift_right_logical3A_679 : vector<13x512xi32>
    %and3A_681 = arith.constant 1 : i32
    %and3A_682 = vector.broadcast %and3A_681 : i32 to vector<13x512xi32>
    %and3A_683 = arith.andi %shift_right_logical3A_680, %and3A_682 : vector<13x512xi32>
    %add3A_684 = arith.constant 32767 : i32
    %add3A_685 = vector.broadcast %add3A_684 : i32 to vector<13x512xi32>
    %add3A_686 = arith.addi %bitcast_convert_type3A_677, %add3A_685 : vector<13x512xi32>
    %add3A_687 = arith.addi %add3A_686, %and3A_683 : vector<13x512xi32>
    %and3A_688 = arith.constant -65536 : i32
    %and3A_689 = vector.broadcast %and3A_688 : i32 to vector<13x512xi32>
    %and3A_690 = arith.andi %add3A_687, %and3A_689 : vector<13x512xi32>
    %bitcast_convert_type3A_691 = tpu.bitcast %and3A_690 : vector<13x512xi32> -> vector<13x512xf32>
    %concatenate3A_692 = tpu.concatenate %bitcast_convert_type3A_691, %broadcast_in_dim3A_69, %broadcast_in_dim3A_71 in 0 : vector<13x512xf32>, vector<1x512xf32>, vector<2x512xf32> -> vector<16x512xf32>
    %dot_general3A_693 = arith.constant dense<0.000000e+00> : vector<16x16xf32>
    %dot_general3A_694 = tpu.matmul %concatenate3A_692, %concatenate3A_692, %dot_general3A_693 {dimension_numbers = #tpu.dot_dimension_numbers<[1], [1], [0], [0], [0, 0, 1, 0], [], []>, transpose_lhs_hint = false} : vector<16x512xf32>, vector<16x512xf32>, vector<16x16xf32> -> vector<16x16xf32>
    %add3A_695 = arith.addf %add3A_662, %dot_general3A_694 : vector<16x16xf32>
    %slice3A_696 = vector.extract_strided_slice %get3A_7 {offsets = [19, 0], sizes = [1, 512], strides = [1, 1]} : vector<20x512xf32> to vector<1x512xf32>
    %slice3A_697 = vector.extract_strided_slice %get3A_12 {offsets = [19, 0], sizes = [1, 512], strides = [1, 1]} : vector<20x512xf32> to vector<1x512xf32>
    %slice3A_698 = vector.extract_strided_slice %get3A_17 {offsets = [19, 0], sizes = [1, 512], strides = [1, 1]} : vector<20x512xf32> to vector<1x512xf32>
    %slice3A_699 = vector.extract_strided_slice %get3A_22 {offsets = [19, 0], sizes = [1, 512], strides = [1, 1]} : vector<20x512xf32> to vector<1x512xf32>
    %slice3A_700 = vector.extract_strided_slice %get3A_27 {offsets = [19, 0], sizes = [1, 512], strides = [1, 1]} : vector<20x512xf32> to vector<1x512xf32>
    %slice3A_701 = vector.extract_strided_slice %get3A_32 {offsets = [19, 0], sizes = [1, 512], strides = [1, 1]} : vector<20x512xf32> to vector<1x512xf32>
    %slice3A_702 = vector.extract_strided_slice %get3A_37 {offsets = [19, 0], sizes = [1, 512], strides = [1, 1]} : vector<20x512xf32> to vector<1x512xf32>
    %slice3A_703 = vector.extract_strided_slice %get3A_42 {offsets = [19, 0], sizes = [1, 512], strides = [1, 1]} : vector<20x512xf32> to vector<1x512xf32>
    %slice3A_704 = vector.extract_strided_slice %get3A_47 {offsets = [19, 0], sizes = [1, 512], strides = [1, 1]} : vector<20x512xf32> to vector<1x512xf32>
    %slice3A_705 = vector.extract_strided_slice %get3A_52 {offsets = [19, 0], sizes = [1, 512], strides = [1, 1]} : vector<20x512xf32> to vector<1x512xf32>
    %slice3A_706 = vector.extract_strided_slice %get3A_57 {offsets = [19, 0], sizes = [1, 512], strides = [1, 1]} : vector<20x512xf32> to vector<1x512xf32>
    %slice3A_707 = vector.extract_strided_slice %get3A_62 {offsets = [19, 0], sizes = [1, 512], strides = [1, 1]} : vector<20x512xf32> to vector<1x512xf32>
    %slice3A_708 = vector.extract_strided_slice %sqrt3A {offsets = [19, 0], sizes = [1, 512], strides = [1, 1]} : vector<20x512xf32> to vector<1x512xf32>
    %concatenate3A_709 = tpu.concatenate %slice3A_696, %slice3A_697, %slice3A_698, %slice3A_699, %slice3A_700, %slice3A_701, %slice3A_702, %slice3A_703, %slice3A_704, %slice3A_705, %slice3A_706, %slice3A_707, %slice3A_708 in 0 : vector<1x512xf32>, vector<1x512xf32>, vector<1x512xf32>, vector<1x512xf32>, vector<1x512xf32>, vector<1x512xf32>, vector<1x512xf32>, vector<1x512xf32>, vector<1x512xf32>, vector<1x512xf32>, vector<1x512xf32>, vector<1x512xf32>, vector<1x512xf32> -> vector<13x512xf32>
    %bitcast_convert_type3A_710 = tpu.bitcast %concatenate3A_709 : vector<13x512xf32> -> vector<13x512xi32>
    %shift_right_logical3A_711 = arith.constant 16 : i32
    %shift_right_logical3A_712 = vector.broadcast %shift_right_logical3A_711 : i32 to vector<13x512xi32>
    %shift_right_logical3A_713 = arith.shrui %bitcast_convert_type3A_710, %shift_right_logical3A_712 : vector<13x512xi32>
    %and3A_714 = arith.constant 1 : i32
    %and3A_715 = vector.broadcast %and3A_714 : i32 to vector<13x512xi32>
    %and3A_716 = arith.andi %shift_right_logical3A_713, %and3A_715 : vector<13x512xi32>
    %add3A_717 = arith.constant 32767 : i32
    %add3A_718 = vector.broadcast %add3A_717 : i32 to vector<13x512xi32>
    %add3A_719 = arith.addi %bitcast_convert_type3A_710, %add3A_718 : vector<13x512xi32>
    %add3A_720 = arith.addi %add3A_719, %and3A_716 : vector<13x512xi32>
    %and3A_721 = arith.constant -65536 : i32
    %and3A_722 = vector.broadcast %and3A_721 : i32 to vector<13x512xi32>
    %and3A_723 = arith.andi %add3A_720, %and3A_722 : vector<13x512xi32>
    %bitcast_convert_type3A_724 = tpu.bitcast %and3A_723 : vector<13x512xi32> -> vector<13x512xf32>
    %concatenate3A_725 = tpu.concatenate %bitcast_convert_type3A_724, %broadcast_in_dim3A_69, %broadcast_in_dim3A_71 in 0 : vector<13x512xf32>, vector<1x512xf32>, vector<2x512xf32> -> vector<16x512xf32>
    %dot_general3A_726 = arith.constant dense<0.000000e+00> : vector<16x16xf32>
    %dot_general3A_727 = tpu.matmul %concatenate3A_725, %concatenate3A_725, %dot_general3A_726 {dimension_numbers = #tpu.dot_dimension_numbers<[1], [1], [0], [0], [0, 0, 1, 0], [], []>, transpose_lhs_hint = false} : vector<16x512xf32>, vector<16x512xf32>, vector<16x16xf32> -> vector<16x16xf32>
    %add3A_728 = arith.addf %add3A_695, %dot_general3A_727 : vector<16x16xf32>
    %get3A_729 = arith.constant 0 : index
    %get3A_730 = arith.constant 0 : index
    %get3A_731 = vector.load %arg14[%get3A_729, %get3A_730] : memref<16x16xf32, #tpu.memory_space<vmem>>, vector<16x16xf32>
    %add3A_732 = arith.addf %get3A_731, %add3A_728 : vector<16x16xf32>
    %swap3A = arith.constant 0 : index
    %swap3A_733 = arith.constant 0 : index
    %swap3A_734 = vector.load %arg14[%swap3A, %swap3A_733] : memref<16x16xf32, #tpu.memory_space<vmem>>, vector<16x16xf32>
    tpu.vector_store %arg14[%swap3A, %swap3A_733], %add3A_732 {strides = array<i32>} : memref<16x16xf32, #tpu.memory_space<vmem>>, vector<16x16xf32>,
    return
  }
  func.func @transform_0(%arg0: i32, %arg1: i32) -> (i32, i32, i32) {
    %c0_i32 = arith.constant 0 : i32
    %c0_i32_0 = arith.constant 0 : i32
    return %arg0, %c0_i32, %arg1 : i32, i32, i32
  }
  func.func @transform_1(%arg0: i32, %arg1: i32) -> (i32, i32, i32) {
    %c0_i32 = arith.constant 0 : i32
    %c0_i32_0 = arith.constant 0 : i32
    return %arg0, %c0_i32, %arg1 : i32, i32, i32
  }
  func.func @transform_2(%arg0: i32, %arg1: i32) -> (i32, i32, i32) {
    %c0_i32 = arith.constant 0 : i32
    %c0_i32_0 = arith.constant 0 : i32
    return %arg0, %c0_i32, %arg1 : i32, i32, i32
  }
  func.func @transform_3(%arg0: i32, %arg1: i32) -> (i32, i32, i32) {
    %c0_i32 = arith.constant 0 : i32
    %c0_i32_0 = arith.constant 0 : i32
    return %arg0, %c0_i32, %arg1 : i32, i32, i32
  }
  func.func @transform_4(%arg0: i32, %arg1: i32) -> (i32, i32, i32) {
    %c0_i32 = arith.constant 0 : i32
    %c0_i32_0 = arith.constant 0 : i32
    return %arg0, %c0_i32, %arg1 : i32, i32, i32
  }
  func.func @transform_5(%arg0: i32, %arg1: i32) -> (i32, i32, i32) {
    %c0_i32 = arith.constant 0 : i32
    %c0_i32_0 = arith.constant 0 : i32
    return %arg0, %c0_i32, %arg1 : i32, i32, i32
  }
  func.func @transform_6(%arg0: i32, %arg1: i32) -> (i32, i32, i32) {
    %c0_i32 = arith.constant 0 : i32
    %c0_i32_0 = arith.constant 0 : i32
    return %arg0, %c0_i32, %arg1 : i32, i32, i32
  }
  func.func @transform_7(%arg0: i32, %arg1: i32) -> (i32, i32, i32) {
    %c0_i32 = arith.constant 0 : i32
    %c0_i32_0 = arith.constant 0 : i32
    return %arg0, %c0_i32, %arg1 : i32, i32, i32
  }
  func.func @transform_8(%arg0: i32, %arg1: i32) -> (i32, i32, i32) {
    %c0_i32 = arith.constant 0 : i32
    %c0_i32_0 = arith.constant 0 : i32
    return %arg0, %c0_i32, %arg1 : i32, i32, i32
  }
  func.func @transform_9(%arg0: i32, %arg1: i32) -> (i32, i32, i32) {
    %c0_i32 = arith.constant 0 : i32
    %c0_i32_0 = arith.constant 0 : i32
    return %arg0, %c0_i32, %arg1 : i32, i32, i32
  }
  func.func @transform_10(%arg0: i32, %arg1: i32) -> (i32, i32, i32) {
    %c0_i32 = arith.constant 0 : i32
    %c0_i32_0 = arith.constant 0 : i32
    return %arg0, %c0_i32, %arg1 : i32, i32, i32
  }
  func.func @transform_11(%arg0: i32, %arg1: i32) -> (i32, i32, i32) {
    %c0_i32 = arith.constant 0 : i32
    %c0_i32_0 = arith.constant 0 : i32
    return %arg0, %c0_i32, %arg1 : i32, i32, i32
  }
  func.func @transform_12(%arg0: i32, %arg1: i32) -> (i32, i32) {
    %c0_i32 = arith.constant 0 : i32
    %c0_i32_0 = arith.constant 0 : i32
    %c0_i32_1 = arith.constant 0 : i32
    return %c0_i32, %c0_i32_0 : i32, i32
  }
}

</mosaic_0001>

<sc_bundles>
// kernel: kernel.12.cloned.1.call-start
scs
__scs_entry_jumppad:
0x0: {  	(pc) =	sbr.rel $0x88, $3  }
0x1: {  	(tag) =	ssettag $0x0;
	lr =	simm.s32 $0x1  }
0x2: {  	[smem:$0x3F9D] =	sst lr;
	_ =	strace $0xD0000000  }
0x3: {  	_ = 	snop  }
0x4: {  	_ = 	snop  }
0x5: {  	_ = 	snop  }
0x6: {  	_ = 	snop  }
0x7: {  	_ = 	snop  }
__scs_overlays_trampoline_lowered:
0x8: {  	[smem:$0x3FAC] =	sst s0  }
0x9: {  	[smem:$0x3FAD] =	sst s1  }
0xa: {  	[smem:$0x3FAE] =	sst s2  }
0xb: {  	[smem:$0x3FAF] =	sst s3  }
0xc: {  	[smem:$0x3FB0] =	sst s4  }
0xd: {  	[smem:$0x3FB1] =	sst s5  }
0xe: {  	[smem:$0x3FB2] =	sst s6  }
0xf: {  	[smem:$0x3FB3] =	sst s7  }
0x10: {  	[smem:$0x3FB4] =	sst s8  }
0x11: {  	[smem:$0x3FB5] =	sst s9;
	s0 =	simm.s32 @!p0 $0x0  }
0x12: {  	s1 =	sld [smem:$0x3F9B];
	s0 =	simm.s32 @p0 $0x1  }
0x13: {  	[smem:$0x3FB6] =	sst s0;
	s0 =	simm.s32 @!p1 $0x0  }
0x14: {  	s2 =	sld [smem:$0x3F9A];
	s0 =	simm.s32 @p1 $0x1  }
0x15: {  	[smem:$0x3FB7] =	sst s0;
	s0 =	simm.s32 @!p2 $0x0  }
0x16: {  	s3 =	sld [smem:$0x3FDB];
	s0 =	simm.s32 @p2 $0x1  }
0x17: {  	s4 =	simm.s32 $0x1BF5;
	[smem:$0x3FB9] =	sst s0  }
0x18: {  	s0 =	sld [smem:$0x3F9C];
	_ =	swait.ge [sflag:s4], $0x0  }
0x19: {  	s7 =	sld [smem:$0x3F9D]  }
0x1a: {  	s8 =	sadd.s32 $0xFFFFE003, lr  }
0x1b: {  	s9 =	sadd.s32 $0xFFFFFEF7, lr;
	s5 =	simm.s32 $0xFFFFFFFF;
	p2 =	slt.u32 s8, $0xFFFFF086  }
0x1c: {  	p1 =	slt.u32 s9, $0xF7A;
	s5 =	simm.s32 @!p2 $0x0  }
0x1d: {  	s5 =	simm.s32 @p1 $0x1;
	p0 =	seq.s32 s7, s2  }
0x1e: {  	s7 =	smul.u32 @!p0 $0xF7A, s2;
	p2 =	seq.s32 @!p0 s5, $0x0  }
0x1f: {  	s9 =	smul.u32 $0xF7A, s1;
	s8 =	simm.s32 @!p0 $0x1BF5;
	p2 =	por !p2, p0  }
0x20: {  	[sflag:s8] =	ssyncset.s32 @!p0 $0xFFFFF086;
	s6 =	sadd.s32 @!p0 s3, s7;
	s7 =	simm.s32 @!p0 $0x108  }
0x21: {  	s3 =	sadd.s32 s3, s9;
	s6 =	sadd.s32 @!p0 $0x88, s6;
	s7 =	simm.s32 @p2 $0x1082  }
0x22: {  	[simem:s7], [sflag:s8] =	dma.local @!p0 [hbm:s6], $0xF7A  }
0x23: {  	s9 =	sor.u32 $0xD0000000, s2;
	s6 =	simm.s32 $0x108;
	_ =	swait.ge @!p0 [sflag:s8], $0x0  }
0x24: {  	s3 =	sadd.s32 $0x88, s3;
	s6 =	simm.s32 @!p1 $0x1082;
	[sflag:s4] =	ssyncset.s32 $0xFFFFF086  }
0x25: {  	[simem:s6], [sflag:s4] =	dma.local [hbm:s3], $0xF7A  }
0x26: {  	[smem:$0x3F9D] =	sst s1;
	(tag) =	ssettag s2;
	_ =	strace s9  }
0x27: {  	s1 =	sld [smem:$0x3FAD]  }
0x28: {  	s2 =	sld [smem:$0x3FAE]  }
0x29: {  	s4 =	sld [smem:$0x3FB0]  }
0x2a: {  	p0 =	seq.s32 s5, $0x0;
	s5 =	sld [smem:$0x3FB1]  }
0x2b: {  	s6 =	sld [smem:$0x3FB2]  }
0x2c: {  	s7 =	sld [smem:$0x3FB3]  }
0x2d: {  	s3 =	simm.s32 $0x108;
	s8 =	sld [smem:$0x3FB4]  }
0x2e: {  	s3 =	simm.s32 @!p0 $0x1082;
	s9 =	sld [smem:$0x3FB5]  }
0x2f: {  	lr =	sadd.s32 s0, s3;
	s0 =	sld [smem:$0x3FAC]  }
0x30: {  	s3 =	sld [smem:$0x3FAF]  }
0x31: {  	[smem:$0x3FB8] =	sst s10  }
0x32: {  	s10 =	sld [smem:$0x3FB6];
	_ =	sdelay $0x3  }
0x33: {  	p0 =	seq.s32 s10, $0x1;
	s10 =	sld [smem:$0x3FB8];
	_ =	sdelay $0x3  }
0x34: {  	[smem:$0x3FB8] =	sst s10  }
0x35: {  	s10 =	sld [smem:$0x3FB7];
	_ =	sdelay $0x3  }
0x36: {  	p1 =	seq.s32 s10, $0x1;
	s10 =	sld [smem:$0x3FB8];
	_ =	sdelay $0x3  }
0x37: {  	[smem:$0x3FB8] =	sst s10  }
0x38: {  	s10 =	sld [smem:$0x3FB9]  }
0x39: {  	_ = 	snop;
	(pc) =	sbr.ind lr, $3  }
0x3a: {  	_ = 	snop  }
0x3b: {  	_ = 	snop  }
0x3c: {  	p2 =	seq.s32 s10, $0x1;
	s10 =	sld [smem:$0x3FB8]  }
0x3d: {  	_ =	shalt  }
0x3e: {  	_ =	shalt  }
0x3f: {  	_ =	shalt  }
0x40: {  	_ =	shalt  }
0x41: {  	_ =	shalt  }
0x42: {  	_ =	shalt  }
0x43: {  	_ =	shalt  }
0x44: {  	_ =	shalt  }
0x45: {  	_ =	shalt  }
0x46: {  	_ =	shalt  }
0x47: {  	_ =	shalt  }
0x48: {  	_ =	shalt  }
0x49: {  	_ =	shalt  }
0x4a: {  	_ =	shalt  }
0x4b: {  	_ =	shalt  }
0x4c: {  	_ =	shalt  }
0x4d: {  	_ =	shalt  }
0x4e: {  	_ =	shalt  }
0x4f: {  	_ =	shalt  }
0x50: {  	_ =	shalt  }
0x51: {  	_ =	shalt  }
0x52: {  	_ =	shalt  }
0x53: {  	_ =	shalt  }
0x54: {  	_ =	shalt  }
0x55: {  	_ =	shalt  }
0x56: {  	_ =	shalt  }
0x57: {  	_ =	shalt  }
0x58: {  	_ =	shalt  }
0x59: {  	_ =	shalt  }
0x5a: {  	_ =	shalt  }
0x5b: {  	_ =	shalt  }
0x5c: {  	_ =	shalt  }
0x5d: {  	_ =	shalt  }
0x5e: {  	_ =	shalt  }
0x5f: {  	_ =	shalt  }
0x60: {  	_ =	shalt  }
0x61: {  	_ =	shalt  }
0x62: {  	_ =	shalt  }
0x63: {  	_ =	shalt  }
0x64: {  	_ =	shalt  }
0x65: {  	_ =	shalt  }
0x66: {  	_ =	shalt  }
0x67: {  	_ =	shalt  }
0x68: {  	_ =	shalt  }
0x69: {  	_ =	shalt  }
0x6a: {  	_ =	shalt  }
0x6b: {  	_ =	shalt  }
0x6c: {  	_ =	shalt  }
0x6d: {  	_ =	shalt  }
0x6e: {  	_ =	shalt  }
0x6f: {  	_ =	shalt  }
0x70: {  	_ =	shalt  }
0x71: {  	_ =	shalt  }
0x72: {  	_ =	shalt  }
0x73: {  	_ =	shalt  }
0x74: {  	_ =	shalt  }
0x75: {  	_ =	shalt  }
0x76: {  	_ =	shalt  }
0x77: {  	_ =	shalt  }
0x78: {  	_ =	shalt  }
0x79: {  	_ =	shalt  }
0x7a: {  	_ =	shalt  }
0x7b: {  	_ =	shalt  }
0x7c: {  	_ =	shalt  }
0x7d: {  	_ =	shalt  }
0x7e: {  	_ =	shalt  }
0x7f: {  	_ =	shalt  }
0x80: {  	_ =	shalt  }
0x81: {  	_ =	shalt  }
0x82: {  	_ =	shalt  }
0x83: {  	_ =	shalt  }
0x84: {  	_ =	shalt  }
0x85: {  	_ =	shalt  }
0x86: {  	_ =	shalt  }
0x87: {  	_ =	shalt  }
.Lfunc_end0:
.L_simem_size_0:
called_computation.1_lowered:
.L_overlay_start_0:
0x88: {  	s2 =	sld [smem:$0x3FD9]  }
0x89: {  	s3 =	sld [smem:$0x3FFE];
	_ =	sdelay $0x1  }
0x8a: {  	s1 =	srdreg.scid  }
0x8b: {  	s0 =	sand.u32 $0x1, s1  }
0x8c: {  	s17 =	sshll.u32 s0, $0xA;
	s2 =	sadd.s32 s3, s2  }
0x8d: {  	s2 =	sadd.s32 s2, s17  }
0x8e: {  	[smem:$0x3FC4] =	sst s2  }
0x8f: {  	_ = 	snop  }
0x90: {  	s2 =	sld [smem:$0x3FD0];
	(tm) =	ssettm $0x1  }
0x91: {  	s18 =	sld [smem:$0x3FFB];
	_ =	sdelay $0x3  }
0x92: {  	_ =	strace s18  }
0x93: {  	s3 =	sld [smem:$0x3FFC];
	_ =	sdelay $0x3  }
0x94: {  	_ =	strace s3  }
0x95: {  	s3 =	sld [smem:$0x3FFD];
	_ =	sdelay $0x3  }
0x96: {  	_ =	strace s3  }
0x97: {  	_ =	strace $0x8FFFFFFF  }
0x98: {  	s19 =	sld [smem:$0x3FDB];
	_ =	sdelay $0x1  }
0x99: {  	s4 =	simm.s32 $_scs_section_size  }
0x9a: {  	s5 =	simm.s32 $_size__tile_overlayer_lowered;
	s6 =	simm.s32 $_tile_overlayer_lowered  }
0x9b: {  	s22 =	simm.s32 $0x1BFF;
	s21 =	sshll.u32 s6, $0x1;
	s3 =	sadd.s32 s4, s19  }
0x9c: {  	s7 =	simm.s32 $0x0;
	s20 =	sshll.u32 s5, $0x1;
	s5 =	sadd.s32 s21, s3  }
0x9d: {  	[timem:s7], [sflag:s22] =	dma.local [hbm:s5], s20  }
0x9e: {  	_ =	swait.ge [sflag:s22], s20  }
0x9f: {  	s4 =	ssub.s32 $0x0, s20;
	[sflag:s22] =	ssyncset.done $0x0  }
0xa0: {  	[sflag:s22] =	ssyncadd.s32 s4;
	_ =	sdelay $0x1  }
0xa1: {  	s23 =	simm.s32 $0x1B8B  }
0xa2: {  	_ =	swait.ge [sflag:s23], $0x1  }
0xa3: {  	[sflag:s23] =	ssyncset.done $0x0  }
0xa4: {  	s25 =	simm.s32 $0x1B8E;
	s24 =	sld [smem:$0x3FFE];
	[sflag:s23] =	ssyncadd.s32 $0xFFFFFFFF  }
0xa5: {  	s26 =	simm.s32 $execute0_lowered;
	[smem:$0x3FD2] =	sst s25  }
0xa6: {  	s5 =	sshll.u32 s26, $0x1;
	_ =	strace $0x80000049;
	[dreg:$0x1] =	wrdreg $0xFFFFFFFF  }
0xa7: {  	s28 =	simm.s32 $_size_execute0_lowered;
	s3 =	sadd.s32 s3, s5;
	[dreg:$0x0] =	wrdreg $0x0  }
0xa8: {  	s5 =	sshll.u32 s28, $0x1;
	[dreg:$0x2] =	wrdreg s3  }
0xa9: {  	[dreg:$0x3] =	wrdreg s5  }
0xaa: {  	[dreg:$0x4] =	wrdreg $0xC0  }
0xab: {  	_ =	task [dreg:s7], $0x5FFFF  }
0xac: {  	[dreg:$0x1] =	wrdreg $0xFFFFFFFF  }
0xad: {  	[dreg:$0x0] =	wrdreg $0x60  }
0xae: {  	[dreg:$0x2] =	wrdreg s24  }
0xaf: {  	[dreg:$0x3] =	wrdreg s2  }
0xb0: {  	[dreg:$0x4] =	wrdreg $0x9  }
0xb1: {  	_ =	task.clear_ibuf [dreg:s7], $0x5FFFF;
	_ =	strace $0x90000049  }
0xb2: {  	s29 =	simm.s32 $0x9;
	_ =	strace $0x8000004B  }
0xb3: {  	_ =	swait.ge [sflag:s29], $0x1  }
0xb4: {  	[sflag:s29] =	ssyncadd.s32 $0xFFFFFFFF  }
0xb5: {  	_ =	strace $0x9000004B  }
0xb6: {  	_ =	sfence  }
0xb7: {  	s30 =	sld [smem:$0x0];
	_ =	sdelay $0x2  }
0xb8: {  	s31 =	sshll.u32 s1, $0xD;
	s1 =	sshrl.u32 s1, $0x2  }
0xb9: {  	s3 =	sand.u32 $0x4000, s31;
	s1 =	sadd.s32 s1, s30  }
0xba: {  	s0 =	sor.u32 s3, s0;
	s1 =	sshll.u32 s1, $0x11  }
0xbb: {  	s0 =	sor.u32 s1, s0  }
0xbc: {  	s0 =	sadd.s32 $0x8F2B, s0  }
0xbd: {  	[sflag:s0] =	ssyncadd.remote.s32 $0x1  }
0xbe: {  	_ =	sfence.sel $0xFFFF  }
0xbf: {  	[dreg:$0x0] =	wrdreg $0xFFFFFFFF;
	(pc) =	sbr.abs _section_cstart, $3  }
0xc0: {  	[dreg:$0x1] =	wrdreg $0xFFFFFFFF  }
0xc1: {  	_ =	task.clear_ibuf [dreg:s7], $0x2FFFF;
	_ =	strace $0x9FFFFFFF  }
0xc2: {  	(tm) =	ssettm $0x7FFFFFFF  }
0xc3: {  	_ =	shalt  }
tec
execute0_lowered:
.L_overlay_start_1:
0x0: {  	(tag) =	ssettag $0x1  }
0x1: {  	s6 =	rddreg [dreg:$0x0]  }
0x2: {  	s7 =	rddreg [dreg:$0x1]  }
0x3: {  	s0 =	rddreg [dreg:$0x2]  }
0x4: {  	s3 =	srdreg.scid;
	s1 =	stileid.u32;
	s2 =	simm.s32 $0x0  }
0x5: {  	s16 =	simm.s32 $0x4000;
	s17 =	simm.s32 $0x8000;
	s18 =	simm.s32 $0xC000  }
0x6: {  	s19 =	simm.s32 $0xE800;
	s20 =	simm.s32 $0x11000;
	s21 =	simm.s32 $0x13800  }
0x7: {  	s22 =	simm.s32 $0x16000;
	s23 =	simm.s32 $0x18800;
	s24 =	simm.s32 $0x1B000  }
0x8: {  	s25 =	simm.s32 $0x0;
	s11 =	sand.u32 $0x1, s3;
	s31 =	sshll.u32 s1, $0x1  }
0x9: {  	[smem:$0x7FF] =	sst s2;
	s4 =	sadd.s32 $0x3800, s6;
	s14 =	smul.u32 $0x5000, s1  }
0xa: {  	s3 =	sor.u32 s11, s31;
	s9 =	ssub.s32 $0x2, s11;
	s15 =	smul.u32 $0x2800, s11  }
0xb: {  	s5 =	sadd.s32 $0x3000, s6;
	s8 =	smul.u32 $0x2800, s3;
	s10 =	sshrl.u32 s9, $0x1  }
0xc: {  	_ =	strace $0x8000004A;
	s3 =	sadd.s32 $0x4000, s6;
	s13 =	ssub.s32 s9, s10  }
0xd: {  	s14 =	sadd.s32 s15, s14;
	s15 =	simm.s32 $0x1;
	s8 =	sshrl.u32 s8, $0x3  }
0xe: {  	s13 =	smax.u32 s13, $0x1;
	s12 =	sadd.s32 s8, s6;
	s6 =	sadd.s32 s7, s8  }
0xf: {  	s7 =	sadd.s32 $0x4800, s12;
	s8 =	sadd.s32 $0xE800, s12;
	s9 =	sadd.s32 $0x18800, s12  }
0x10: {  	v0 =	vlaneseq.u32;
	v1 =	vimm.s32 $0x0;
	s10 =	sadd.s32 $0x40800, s12;
	s11 =	sadd.s32 $0x4A800, s12;
	s12 =	sadd.s32 $0x54800, s12  }
.LBB2_1:
0x11: {  	[tilespmem:s2], [sflag:$0x1] =	stream.linear.gather [hbm4b:s3+s2], $0x4000, $0x38;
	[tilespmem:$0x1D800] =	vst v63  }
0x12: {  	_ =	swait.ge [sflag:s15], $0x4000  }
0x13: {  	[sflag:s15] =	ssyncset.done $0x0  }
0x14: {  	[sflag:s15] =	ssyncadd.s32 $0xFFFFC000  }
0x15: {  	[tilespmem:s16], [sflag:$0x1] =	stream.linear.gather [hbm4b:s4+s2], $0x4000, $0x38;
	[tilespmem:$0x1D800] =	vst v63  }
0x16: {  	_ =	swait.ge [sflag:s15], $0x4000  }
0x17: {  	[sflag:s15] =	ssyncset.done $0x0  }
0x18: {  	[sflag:s15] =	ssyncadd.s32 $0xFFFFC000  }
0x19: {  	[tilespmem:s17], [sflag:$0x1] =	stream.linear.gather [hbm4b:s5+s2], $0x4000, $0x38;
	[tilespmem:$0x1D800] =	vst v63  }
0x1a: {  	_ =	swait.ge [sflag:s15], $0x4000  }
0x1b: {  	[sflag:s15] =	ssyncset.done $0x0  }
0x1c: {  	[sflag:s15] =	ssyncadd.s32 $0xFFFFC000  }
0x1d: {  	[tilespmem:s18], [sflag:$0x1] =	stream.linear.gather [hbm4b:s6+s2], $0x2800, $0x38;
	[tilespmem:$0x1D800] =	vst v63  }
0x1e: {  	_ =	swait.ge [sflag:s15], $0x2800  }
0x1f: {  	[sflag:s15] =	ssyncset.done $0x0  }
0x20: {  	s26 =	simm.s32 $0x0;
	[sflag:s15] =	ssyncadd.s32 $0xFFFFD800  }
0x21: {  	v3 =	vor.u32 s14, v0;
	v4 =	vld [tilespmem:s26+$0xC000]  }
0x22: {  	v2 =	vmul.u32 $0xCCCCCCCD, v3;
	_ =	sdelay $0x1  }
0x23: {  	v5 =	vshll.u32 v2, $0x13;
	v2 =	vshrl.u32 v2, $0xD  }
0x24: {  	v6 =	vmov s14;
	v2 =	vor.u32 v5, v2  }
0x25: {  	vm0 =	veq.s32 v6, v0;
	v5 =	vmulhi.u32 $0xCCCCCCCD, v6;
	vm1 =	vgt.u32 v2, $0x19999  }
0x26: {  	vm0 =	vmand vm0, vm1  }
0x27: {  	v2 =	vshrl.u32 v5, $0xF;
	v5 =	vsel vm0, $0xFFFFFFFF, v1  }
0x28: {  	v5 =	vadd.s32 v5, v2;
	v2 =	vld.idx.msk [tilespmem:v4+s17+$0x0], $0xffff  }
0x29: {  	v6 =	vand.u32 $0x780, v6;
	v5 =	vshll.u32 v5, $0xB;
	v7 =	vld.idx.msk [tilespmem:v4+s2+$0x0], $0xffff  }
0x2a: {  	v3 =	vand.u32 $0x7F, v3;
	v5 =	vor.u32 v6, v5;
	v4 =	vld.idx.msk [tilespmem:v4+s16+$0x0], $0xffff  }
0x2b: {  	v5 =	vor.u32 v3, v5;
	_ =	sdelay $0x1  }
0x2c: {  	[tilespmem:s26+$0x13800] =	vst v2  }
0x2d: {  	[tilespmem:s26+$0xE800] =	vst v7  }
0x2e: {  	[tilespmem:s26+$0x11000] =	vst v4  }
0x2f: {  	v3 =	vld.idx.msk [tilespmem:v5+s2+$0x0], $0xffff;
	_ =	sdelay $0x4  }
0x30: {  	v3 =	vsub.f32 v7, v3;
	_ =	sdelay $0x1  }
0x31: {  	[tilespmem:s26+$0x16000] =	vst v3  }
0x32: {  	v6 =	vld.idx.msk [tilespmem:v5+s16+$0x0], $0xffff;
	_ =	sdelay $0x3  }
0x33: {  	s28 =	sadd.s32 $0x10, s14  }
0x34: {  	v3 =	vor.u32 s28, v0;
	v4 =	vsub.f32 v4, v6  }
0x35: {  	v6 =	vmul.u32 $0xCCCCCCCD, v3  }
0x36: {  	[tilespmem:s26+$0x18800] =	vst v4  }
0x37: {  	s30 =	simm.s32 $0x10;
	v4 =	vshll.u32 v6, $0x13;
	v7 =	vshrl.u32 v6, $0xD;
	v6 =	vld.idx.msk [tilespmem:v5+s17+$0x0], $0xffff  }
0x38: {  	v8 =	vor.u32 v4, v7;
	v4 =	vld [tilespmem:s30+$0xC000];
	_ =	sdelay $0x2  }
0x39: {  	v5 =	vmov s28  }
0x3a: {  	s29 =	simm.s32 $0x80;
	v7 =	vmulhi.u32 $0xCCCCCCCD, v5;
	vm0 =	veq.s32 v5, v0;
	vm1 =	vgt.u32 v8, $0x19999  }
.LBB2_2:
0x3b: {  	p0 =	sne.s32 s29, $0x9FC0;
	vm0 =	vmand vm0, vm1;
	v2 =	vsub.f32 v2, v6;
	s31 =	smov.u32 s29;
	s29 =	sadd.s32 $0x40, s29  }
0x3c: {  	v6 =	vshrl.u32 v7, $0xF;
	v7 =	vsel vm0, $0xFFFFFFFF, v1  }
0x3d: {  	v6 =	vadd.s32 v7, v6;
	[tilespmem:s26+$0x1B000] =	vst v2;
	s26 =	smov.u32 s30  }
0x3e: {  	v5 =	vand.u32 $0x780, v5;
	v6 =	vshll.u32 v6, $0xB;
	v2 =	vld.idx.msk [tilespmem:v4+s17+$0x0], $0xffff  }
0x3f: {  	v3 =	vand.u32 $0x7F, v3;
	v5 =	vor.u32 v5, v6;
	v6 =	vld.idx.msk [tilespmem:v4+s2+$0x0], $0xffff  }
0x40: {  	v4 =	vld.idx.msk [tilespmem:v4+s16+$0x0], $0xffff;
	v5 =	vor.u32 v3, v5;
	_ =	sdelay $0x3  }
0x41: {  	[tilespmem:s26+$0x13800] =	vst v2  }
0x42: {  	[tilespmem:s26+$0xE800] =	vst v6  }
0x43: {  	[tilespmem:s26+$0x11000] =	vst v4  }
0x44: {  	v3 =	vld.idx.msk [tilespmem:v5+s2+$0x0], $0xffff;
	_ =	sdelay $0x5  }
0x45: {  	v3 =	vsub.f32 v6, v3;
	_ =	sdelay $0x1  }
0x46: {  	[tilespmem:s26+$0x16000] =	vst v3  }
0x47: {  	v3 =	vld.idx.msk [tilespmem:v5+s16+$0x0], $0xffff;
	_ =	sdelay $0x5  }
0x48: {  	v3 =	vsub.f32 v4, v3;
	_ =	sdelay $0x1  }
0x49: {  	s28 =	sadd.s32 $0x10, s28;
	[tilespmem:s26+$0x18800] =	vst v3  }
0x4a: {  	s30 =	sshra.s32 s31, $0x2;
	v3 =	vor.u32 s28, v0;
	v6 =	vld.idx.msk [tilespmem:v5+s17+$0x0], $0xffff  }
.Ltmp0:
0x4b: {  	v5 =	vmul.u32 $0xCCCCCCCD, v3;
	v4 =	vld [tilespmem:s30+$0xC000];
	(pc) =	sbr.rel @p0 .LBB2_2-.Ltmp0, $4  }
0x4c: {  	_ = 	snop  }
0x4d: {  	v7 =	vshll.u32 v5, $0x13;
	v8 =	vshrl.u32 v5, $0xD  }
0x4e: {  	v5 =	vmov s28;
	v8 =	vor.u32 v7, v8  }
0x4f: {  	v7 =	vmulhi.u32 $0xCCCCCCCD, v5;
	vm0 =	veq.s32 v5, v0;
	vm1 =	vgt.u32 v8, $0x19999  }
0x50: {  	_ = 	snop  }
0x51: {  	v2 =	vsub.f32 v2, v6  }
0x52: {  	vm0 =	vmand vm0, vm1  }
0x53: {  	v59 =	vshrl.u32 v7, $0xF;
	v60 =	vsel vm0, $0xFFFFFFFF, v1;
	[tilespmem:s26+$0x1B000] =	vst v2  }
0x54: {  	v2 =	vadd.s32 v60, v59;
	v61 =	vld.idx.msk [tilespmem:v4+s17+$0x0], $0xffff  }
0x55: {  	v5 =	vand.u32 $0x780, v5;
	v2 =	vshll.u32 v2, $0xB;
	v62 =	vld.idx.msk [tilespmem:v4+s2+$0x0], $0xffff  }
0x56: {  	v3 =	vand.u32 $0x7F, v3;
	v63 =	vld.idx.msk [tilespmem:v4+s16+$0x0], $0xffff;
	v2 =	vor.u32 v5, v2  }
0x57: {  	v2 =	vor.u32 v3, v2;
	_ =	sdelay $0x1  }
0x58: {  	[tilespmem:s30+$0x13800] =	vst v61  }
0x59: {  	[tilespmem:s30+$0xE800] =	vst v62  }
0x5a: {  	[tilespmem:s30+$0x11000] =	vst v63  }
0x5b: {  	v3 =	vld.idx.msk [tilespmem:v2+s2+$0x0], $0xffff;
	_ =	sdelay $0x4  }
0x5c: {  	v3 =	vsub.f32 v62, v3;
	_ =	sdelay $0x1  }
0x5d: {  	[tilespmem:s30+$0x16000] =	vst v3  }
0x5e: {  	v3 =	vld.idx.msk [tilespmem:v2+s16+$0x0], $0xffff;
	_ =	sdelay $0x4  }
0x5f: {  	v3 =	vsub.f32 v63, v3;
	_ =	sdelay $0x1  }
0x60: {  	[tilespmem:s30+$0x18800] =	vst v3  }
0x61: {  	v2 =	vld.idx.msk [tilespmem:v2+s17+$0x0], $0xffff;
	_ =	sdelay $0x4  }
0x62: {  	v2 =	vsub.f32 v61, v2;
	_ =	sdelay $0x1  }
0x63: {  	[tilespmem:s30+$0x1B000] =	vst v2  }
0x64: {  	[hbm4b:s7+s2] =	stream.linear.scatter [tilespmem:s19], [sflag:$0x1], $0x2800, $0x38;
	[tilespmem:$0x1D800] =	vst v63  }
0x65: {  	_ =	swait.ge [sflag:s15], $0x2800  }
0x66: {  	[sflag:s15] =	ssyncset.done $0x0  }
0x67: {  	[sflag:s15] =	ssyncadd.s32 $0xFFFFD800  }
0x68: {  	[hbm4b:s8+s2] =	stream.linear.scatter [tilespmem:s20], [sflag:$0x1], $0x2800, $0x38;
	[tilespmem:$0x1D800] =	vst v63  }
0x69: {  	_ =	swait.ge [sflag:s15], $0x2800  }
0x6a: {  	[sflag:s15] =	ssyncset.done $0x0  }
0x6b: {  	[sflag:s15] =	ssyncadd.s32 $0xFFFFD800  }
0x6c: {  	[hbm4b:s9+s2] =	stream.linear.scatter [tilespmem:s21], [sflag:$0x1], $0x2800, $0x38;
	[tilespmem:$0x1D800] =	vst v63  }
0x6d: {  	_ =	swait.ge [sflag:s15], $0x2800  }
0x6e: {  	[sflag:s15] =	ssyncset.done $0x0  }
0x6f: {  	[sflag:s15] =	ssyncadd.s32 $0xFFFFD800  }
0x70: {  	[hbm4b:s10+s2] =	stream.linear.scatter [tilespmem:s22], [sflag:$0x1], $0x2800, $0x38;
	[tilespmem:$0x1D800] =	vst v63  }
0x71: {  	_ =	swait.ge [sflag:s15], $0x2800  }
0x72: {  	[sflag:s15] =	ssyncset.done $0x0  }
0x73: {  	[sflag:s15] =	ssyncadd.s32 $0xFFFFD800  }
0x74: {  	[hbm4b:s11+s2] =	stream.linear.scatter [tilespmem:s23], [sflag:$0x1], $0x2800, $0x38;
	[tilespmem:$0x1D800] =	vst v63  }
0x75: {  	s25 =	sadd.s32 $0x1, s25;
	_ =	swait.ge [sflag:s15], $0x2800  }
0x76: {  	p0 =	sne.s32 s25, s13;
	[sflag:s15] =	ssyncset.done $0x0  }
.Ltmp1:
0x77: {  	[sflag:s15] =	ssyncadd.s32 $0xFFFFD800;
	(pc) =	sbr.rel @p0 .LBB2_1-.Ltmp1, $4  }
0x78: {  	[hbm4b:s12+s2] =	stream.linear.scatter [tilespmem:s24], [sflag:$0x1], $0x2800, $0x38;
	[tilespmem:$0x1D800] =	vst v63  }
0x79: {  	_ =	swait.ge [sflag:s15], $0x2800  }
0x7a: {  	[sflag:s15] =	ssyncset.done $0x0  }
0x7b: {  	[sflag:s15] =	ssyncadd.s32 $0xFFFFD800  }
0x7c: {  	_ =	sfence.sel $0x180000  }
0x7d: {  	[bflag:$0x0] =	sbarrier.arrive $0xFFFF  }
0x7e: {  	p0 =	sne.s32 s1, $0x0;
	_ =	strace $0x9000004A  }
0x7f: {  	s0 =	sadd.s32 @!p0 $0x100000, s0;
	[bflag:$0x2] =	sbarrier.arrive $0xFFFF  }
0x80: {  	[sflag:s0] =	ssyncadd.tile.s32 @!p0 $0x1;
	_ =	shalt  }
.Lfunc_end2:
_tile_overlayer_lowered:
.L_overlay_start_2:
0x81: {  	(tag) =	ssettag $0x2  }
0x82: {  	s0 =	rddreg [dreg:$0x0];
	s2 =	stileid.u32  }
0x83: {  	s1 =	rddreg [dreg:$0x1];
	p0 =	sne.s32 s2, $0x0  }
0x84: {  	s3 =	rddreg [dreg:$0x2];
	[bflag:$0x3] =	sbarrier.arrive $0xFFFF;
	s2 =	simm.s32 @!p0 $0x1C01  }
0x85: {  	[timem:s3], [sflag:s2] =	dma.local @!p0 [hbm:s0], s1  }
0x86: {  	s0 =	simm.s32 @!p0 $0x1  }
0x87: {  	_ =	swait.ge @!p0 [sflag:s0], s1  }
0x88: {  	s1 =	ssub.s32 @!p0 $0x0, s1;
	[sflag:s0] =	ssyncset.done @!p0 $0x0  }
0x89: {  	[sflag:s0] =	ssyncadd.s32 @!p0 s1  }
0x8a: {  	[bflag:$0x3] =	sbarrier.arrive $0xFFFF  }
0x8b: {  	_ =	shalt  }

// kernel: kernel.9.cloned.1.call-start
scs
__scs_entry_jumppad:
0x0: {  	(pc) =	sbr.rel $0x88, $3  }
0x1: {  	(tag) =	ssettag $0x0;
	lr =	simm.s32 $0x1  }
0x2: {  	[smem:$0x3F9D] =	sst lr;
	_ =	strace $0xD0000000  }
0x3: {  	_ = 	snop  }
0x4: {  	_ = 	snop  }
0x5: {  	_ = 	snop  }
0x6: {  	_ = 	snop  }
0x7: {  	_ = 	snop  }
__scs_overlays_trampoline_lowered:
0x8: {  	[smem:$0x3FAC] =	sst s0  }
0x9: {  	[smem:$0x3FAD] =	sst s1  }
0xa: {  	[smem:$0x3FAE] =	sst s2  }
0xb: {  	[smem:$0x3FAF] =	sst s3  }
0xc: {  	[smem:$0x3FB0] =	sst s4  }
0xd: {  	[smem:$0x3FB1] =	sst s5  }
0xe: {  	[smem:$0x3FB2] =	sst s6  }
0xf: {  	[smem:$0x3FB3] =	sst s7  }
0x10: {  	[smem:$0x3FB4] =	sst s8  }
0x11: {  	[smem:$0x3FB5] =	sst s9;
	s0 =	simm.s32 @!p0 $0x0  }
0x12: {  	s1 =	sld [smem:$0x3F9B];
	s0 =	simm.s32 @p0 $0x1  }
0x13: {  	[smem:$0x3FB6] =	sst s0;
	s0 =	simm.s32 @!p1 $0x0  }
0x14: {  	s2 =	sld [smem:$0x3F9A];
	s0 =	simm.s32 @p1 $0x1  }
0x15: {  	[smem:$0x3FB7] =	sst s0;
	s0 =	simm.s32 @!p2 $0x0  }
0x16: {  	s3 =	sld [smem:$0x3FDB];
	s0 =	simm.s32 @p2 $0x1  }
0x17: {  	s4 =	simm.s32 $0x1BF5;
	[smem:$0x3FB9] =	sst s0  }
0x18: {  	s0 =	sld [smem:$0x3F9C];
	_ =	swait.ge [sflag:s4], $0x0  }
0x19: {  	s7 =	sld [smem:$0x3F9D]  }
0x1a: {  	s8 =	sadd.s32 $0xFFFFE003, lr  }
0x1b: {  	s9 =	sadd.s32 $0xFFFFFEF7, lr;
	s5 =	simm.s32 $0xFFFFFFFF;
	p2 =	slt.u32 s8, $0xFFFFF086  }
0x1c: {  	p1 =	slt.u32 s9, $0xF7A;
	s5 =	simm.s32 @!p2 $0x0  }
0x1d: {  	s5 =	simm.s32 @p1 $0x1;
	p0 =	seq.s32 s7, s2  }
0x1e: {  	s7 =	smul.u32 @!p0 $0xF7A, s2;
	p2 =	seq.s32 @!p0 s5, $0x0  }
0x1f: {  	s9 =	smul.u32 $0xF7A, s1;
	s8 =	simm.s32 @!p0 $0x1BF5;
	p2 =	por !p2, p0  }
0x20: {  	[sflag:s8] =	ssyncset.s32 @!p0 $0xFFFFF086;
	s6 =	sadd.s32 @!p0 s3, s7;
	s7 =	simm.s32 @!p0 $0x108  }
0x21: {  	s3 =	sadd.s32 s3, s9;
	s6 =	sadd.s32 @!p0 $0x88, s6;
	s7 =	simm.s32 @p2 $0x1082  }
0x22: {  	[simem:s7], [sflag:s8] =	dma.local @!p0 [hbm:s6], $0xF7A  }
0x23: {  	s9 =	sor.u32 $0xD0000000, s2;
	s6 =	simm.s32 $0x108;
	_ =	swait.ge @!p0 [sflag:s8], $0x0  }
0x24: {  	s3 =	sadd.s32 $0x88, s3;
	s6 =	simm.s32 @!p1 $0x1082;
	[sflag:s4] =	ssyncset.s32 $0xFFFFF086  }
0x25: {  	[simem:s6], [sflag:s4] =	dma.local [hbm:s3], $0xF7A  }
0x26: {  	[smem:$0x3F9D] =	sst s1;
	(tag) =	ssettag s2;
	_ =	strace s9  }
0x27: {  	s1 =	sld [smem:$0x3FAD]  }
0x28: {  	s2 =	sld [smem:$0x3FAE]  }
0x29: {  	s4 =	sld [smem:$0x3FB0]  }
0x2a: {  	p0 =	seq.s32 s5, $0x0;
	s5 =	sld [smem:$0x3FB1]  }
0x2b: {  	s6 =	sld [smem:$0x3FB2]  }
0x2c: {  	s7 =	sld [smem:$0x3FB3]  }
0x2d: {  	s3 =	simm.s32 $0x108;
	s8 =	sld [smem:$0x3FB4]  }
0x2e: {  	s3 =	simm.s32 @!p0 $0x1082;
	s9 =	sld [smem:$0x3FB5]  }
0x2f: {  	lr =	sadd.s32 s0, s3;
	s0 =	sld [smem:$0x3FAC]  }
0x30: {  	s3 =	sld [smem:$0x3FAF]  }
0x31: {  	[smem:$0x3FB8] =	sst s10  }
0x32: {  	s10 =	sld [smem:$0x3FB6];
	_ =	sdelay $0x3  }
0x33: {  	p0 =	seq.s32 s10, $0x1;
	s10 =	sld [smem:$0x3FB8];
	_ =	sdelay $0x3  }
0x34: {  	[smem:$0x3FB8] =	sst s10  }
0x35: {  	s10 =	sld [smem:$0x3FB7];
	_ =	sdelay $0x3  }
0x36: {  	p1 =	seq.s32 s10, $0x1;
	s10 =	sld [smem:$0x3FB8];
	_ =	sdelay $0x3  }
0x37: {  	[smem:$0x3FB8] =	sst s10  }
0x38: {  	s10 =	sld [smem:$0x3FB9]  }
0x39: {  	_ = 	snop;
	(pc) =	sbr.ind lr, $3  }
0x3a: {  	_ = 	snop  }
0x3b: {  	_ = 	snop  }
0x3c: {  	p2 =	seq.s32 s10, $0x1;
	s10 =	sld [smem:$0x3FB8]  }
0x3d: {  	_ =	shalt  }
0x3e: {  	_ =	shalt  }
0x3f: {  	_ =	shalt  }
0x40: {  	_ =	shalt  }
0x41: {  	_ =	shalt  }
0x42: {  	_ =	shalt  }
0x43: {  	_ =	shalt  }
0x44: {  	_ =	shalt  }
0x45: {  	_ =	shalt  }
0x46: {  	_ =	shalt  }
0x47: {  	_ =	shalt  }
0x48: {  	_ =	shalt  }
0x49: {  	_ =	shalt  }
0x4a: {  	_ =	shalt  }
0x4b: {  	_ =	shalt  }
0x4c: {  	_ =	shalt  }
0x4d: {  	_ =	shalt  }
0x4e: {  	_ =	shalt  }
0x4f: {  	_ =	shalt  }
0x50: {  	_ =	shalt  }
0x51: {  	_ =	shalt  }
0x52: {  	_ =	shalt  }
0x53: {  	_ =	shalt  }
0x54: {  	_ =	shalt  }
0x55: {  	_ =	shalt  }
0x56: {  	_ =	shalt  }
0x57: {  	_ =	shalt  }
0x58: {  	_ =	shalt  }
0x59: {  	_ =	shalt  }
0x5a: {  	_ =	shalt  }
0x5b: {  	_ =	shalt  }
0x5c: {  	_ =	shalt  }
0x5d: {  	_ =	shalt  }
0x5e: {  	_ =	shalt  }
0x5f: {  	_ =	shalt  }
0x60: {  	_ =	shalt  }
0x61: {  	_ =	shalt  }
0x62: {  	_ =	shalt  }
0x63: {  	_ =	shalt  }
0x64: {  	_ =	shalt  }
0x65: {  	_ =	shalt  }
0x66: {  	_ =	shalt  }
0x67: {  	_ =	shalt  }
0x68: {  	_ =	shalt  }
0x69: {  	_ =	shalt  }
0x6a: {  	_ =	shalt  }
0x6b: {  	_ =	shalt  }
0x6c: {  	_ =	shalt  }
0x6d: {  	_ =	shalt  }
0x6e: {  	_ =	shalt  }
0x6f: {  	_ =	shalt  }
0x70: {  	_ =	shalt  }
0x71: {  	_ =	shalt  }
0x72: {  	_ =	shalt  }
0x73: {  	_ =	shalt  }
0x74: {  	_ =	shalt  }
0x75: {  	_ =	shalt  }
0x76: {  	_ =	shalt  }
0x77: {  	_ =	shalt  }
0x78: {  	_ =	shalt  }
0x79: {  	_ =	shalt  }
0x7a: {  	_ =	shalt  }
0x7b: {  	_ =	shalt  }
0x7c: {  	_ =	shalt  }
0x7d: {  	_ =	shalt  }
0x7e: {  	_ =	shalt  }
0x7f: {  	_ =	shalt  }
0x80: {  	_ =	shalt  }
0x81: {  	_ =	shalt  }
0x82: {  	_ =	shalt  }
0x83: {  	_ =	shalt  }
0x84: {  	_ =	shalt  }
0x85: {  	_ =	shalt  }
0x86: {  	_ =	shalt  }
0x87: {  	_ =	shalt  }
.Lfunc_end0:
.L_simem_size_0:
called_computation_lowered:
.L_overlay_start_0:
0x88: {  	s2 =	sld [smem:$0x3FD9]  }
0x89: {  	s3 =	sld [smem:$0x3FFE];
	_ =	sdelay $0x1  }
0x8a: {  	s1 =	srdreg.scid  }
0x8b: {  	s0 =	sand.u32 $0x1, s1  }
0x8c: {  	s17 =	sshll.u32 s0, $0xA;
	s2 =	sadd.s32 s3, s2  }
0x8d: {  	s2 =	sadd.s32 s2, s17  }
0x8e: {  	[smem:$0x3FC4] =	sst s2  }
0x8f: {  	_ = 	snop  }
0x90: {  	s2 =	sld [smem:$0x3FD0];
	(tm) =	ssettm $0x1  }
0x91: {  	s18 =	sld [smem:$0x3FFB];
	_ =	sdelay $0x3  }
0x92: {  	_ =	strace s18  }
0x93: {  	s3 =	sld [smem:$0x3FFC];
	_ =	sdelay $0x3  }
0x94: {  	_ =	strace s3  }
0x95: {  	s3 =	sld [smem:$0x3FFD];
	_ =	sdelay $0x3  }
0x96: {  	_ =	strace s3  }
0x97: {  	_ =	strace $0x8FFFFFFF  }
0x98: {  	s19 =	sld [smem:$0x3FDB];
	_ =	sdelay $0x1  }
0x99: {  	s4 =	simm.s32 $_scs_section_size  }
0x9a: {  	s5 =	simm.s32 $_size__tile_overlayer_lowered;
	s6 =	simm.s32 $_tile_overlayer_lowered  }
0x9b: {  	s22 =	simm.s32 $0x1BFF;
	s21 =	sshll.u32 s6, $0x1;
	s3 =	sadd.s32 s4, s19  }
0x9c: {  	s7 =	simm.s32 $0x0;
	s20 =	sshll.u32 s5, $0x1;
	s5 =	sadd.s32 s21, s3  }
0x9d: {  	[timem:s7], [sflag:s22] =	dma.local [hbm:s5], s20  }
0x9e: {  	_ =	swait.ge [sflag:s22], s20  }
0x9f: {  	s4 =	ssub.s32 $0x0, s20;
	[sflag:s22] =	ssyncset.done $0x0  }
0xa0: {  	[sflag:s22] =	ssyncadd.s32 s4;
	_ =	sdelay $0x1  }
0xa1: {  	s23 =	simm.s32 $0x1B8B  }
0xa2: {  	_ =	swait.ge [sflag:s23], $0x1  }
0xa3: {  	[sflag:s23] =	ssyncset.done $0x0  }
0xa4: {  	s25 =	simm.s32 $0x1B8E;
	s24 =	sld [smem:$0x3FFE];
	[sflag:s23] =	ssyncadd.s32 $0xFFFFFFFF  }
0xa5: {  	s26 =	simm.s32 $execute0_lowered;
	[smem:$0x3FD2] =	sst s25  }
0xa6: {  	s5 =	sshll.u32 s26, $0x1;
	_ =	strace $0x80000046;
	[dreg:$0x1] =	wrdreg $0xFFFFFFFF  }
0xa7: {  	s28 =	simm.s32 $_size_execute0_lowered;
	s3 =	sadd.s32 s3, s5;
	[dreg:$0x0] =	wrdreg $0x0  }
0xa8: {  	s5 =	sshll.u32 s28, $0x1;
	[dreg:$0x2] =	wrdreg s3  }
0xa9: {  	[dreg:$0x3] =	wrdreg s5  }
0xaa: {  	[dreg:$0x4] =	wrdreg $0xC0  }
0xab: {  	_ =	task [dreg:s7], $0x5FFFF  }
0xac: {  	[dreg:$0x1] =	wrdreg $0xFFFFFFFF  }
0xad: {  	[dreg:$0x0] =	wrdreg $0x60  }
0xae: {  	[dreg:$0x2] =	wrdreg s24  }
0xaf: {  	[dreg:$0x3] =	wrdreg s2  }
0xb0: {  	[dreg:$0x4] =	wrdreg $0x9  }
0xb1: {  	_ =	task.clear_ibuf [dreg:s7], $0x5FFFF;
	_ =	strace $0x90000046  }
0xb2: {  	s29 =	simm.s32 $0x9;
	_ =	strace $0x80000048  }
0xb3: {  	_ =	swait.ge [sflag:s29], $0x1  }
0xb4: {  	[sflag:s29] =	ssyncadd.s32 $0xFFFFFFFF  }
0xb5: {  	_ =	strace $0x90000048  }
0xb6: {  	_ =	sfence  }
0xb7: {  	s30 =	sld [smem:$0x0];
	_ =	sdelay $0x2  }
0xb8: {  	s31 =	sshll.u32 s1, $0xD;
	s1 =	sshrl.u32 s1, $0x2  }
0xb9: {  	s3 =	sand.u32 $0x4000, s31;
	s1 =	sadd.s32 s1, s30  }
0xba: {  	s0 =	sor.u32 s3, s0;
	s1 =	sshll.u32 s1, $0x11  }
0xbb: {  	s0 =	sor.u32 s1, s0  }
0xbc: {  	s0 =	sadd.s32 $0x8F2B, s0  }
0xbd: {  	[sflag:s0] =	ssyncadd.remote.s32 $0x1  }
0xbe: {  	_ =	sfence.sel $0xFFFF  }
0xbf: {  	[dreg:$0x0] =	wrdreg $0xFFFFFFFF;
	(pc) =	sbr.abs _section_cstart, $3  }
0xc0: {  	[dreg:$0x1] =	wrdreg $0xFFFFFFFF  }
0xc1: {  	_ =	task.clear_ibuf [dreg:s7], $0x2FFFF;
	_ =	strace $0x9FFFFFFF  }
0xc2: {  	(tm) =	ssettm $0x7FFFFFFF  }
0xc3: {  	_ =	shalt  }
tec
execute0_lowered:
.L_overlay_start_1:
0x0: {  	(tag) =	ssettag $0x1  }
0x1: {  	s6 =	rddreg [dreg:$0x0]  }
0x2: {  	s7 =	rddreg [dreg:$0x1]  }
0x3: {  	s0 =	rddreg [dreg:$0x2]  }
0x4: {  	s3 =	srdreg.scid;
	s1 =	stileid.u32;
	s2 =	simm.s32 $0x0  }
0x5: {  	s16 =	simm.s32 $0x4000;
	s17 =	simm.s32 $0x8000;
	s18 =	simm.s32 $0xC000  }
0x6: {  	s19 =	simm.s32 $0xE800;
	s20 =	simm.s32 $0x11000;
	s21 =	simm.s32 $0x13800  }
0x7: {  	s22 =	simm.s32 $0x16000;
	s23 =	simm.s32 $0x18800;
	s24 =	simm.s32 $0x1B000  }
0x8: {  	s25 =	simm.s32 $0x0;
	s11 =	sand.u32 $0x1, s3;
	s31 =	sshll.u32 s1, $0x1  }
0x9: {  	[smem:$0x7FF] =	sst s2;
	s4 =	sadd.s32 $0x3800, s6;
	s14 =	smul.u32 $0x5000, s1  }
0xa: {  	s3 =	sor.u32 s11, s31;
	s9 =	ssub.s32 $0x2, s11;
	s15 =	smul.u32 $0x2800, s11  }
0xb: {  	s5 =	sadd.s32 $0x4000, s6;
	s8 =	smul.u32 $0x2800, s3;
	s10 =	sshrl.u32 s9, $0x1  }
0xc: {  	_ =	strace $0x80000047;
	s3 =	sadd.s32 $0x3000, s6;
	s13 =	ssub.s32 s9, s10  }
0xd: {  	s14 =	sadd.s32 s15, s14;
	s15 =	simm.s32 $0x1;
	s8 =	sshrl.u32 s8, $0x3  }
0xe: {  	s13 =	smax.u32 s13, $0x1;
	s12 =	sadd.s32 s8, s6;
	s6 =	sadd.s32 s7, s8  }
0xf: {  	s7 =	sadd.s32 $0x22800, s12;
	s8 =	sadd.s32 $0x2C800, s12;
	s9 =	sadd.s32 $0x36800, s12  }
0x10: {  	v0 =	vlaneseq.u32;
	v1 =	vimm.s32 $0x0;
	s10 =	sadd.s32 $0x4800, s12;
	s11 =	sadd.s32 $0xE800, s12;
	s12 =	sadd.s32 $0x18800, s12  }
.LBB2_1:
0x11: {  	[tilespmem:s2], [sflag:$0x1] =	stream.linear.gather [hbm4b:s3+s2], $0x4000, $0x38;
	[tilespmem:$0x1D800] =	vst v63  }
0x12: {  	_ =	swait.ge [sflag:s15], $0x4000  }
0x13: {  	[sflag:s15] =	ssyncset.done $0x0  }
0x14: {  	[sflag:s15] =	ssyncadd.s32 $0xFFFFC000  }
0x15: {  	[tilespmem:s16], [sflag:$0x1] =	stream.linear.gather [hbm4b:s4+s2], $0x4000, $0x38;
	[tilespmem:$0x1D800] =	vst v63  }
0x16: {  	_ =	swait.ge [sflag:s15], $0x4000  }
0x17: {  	[sflag:s15] =	ssyncset.done $0x0  }
0x18: {  	[sflag:s15] =	ssyncadd.s32 $0xFFFFC000  }
0x19: {  	[tilespmem:s17], [sflag:$0x1] =	stream.linear.gather [hbm4b:s5+s2], $0x4000, $0x38;
	[tilespmem:$0x1D800] =	vst v63  }
0x1a: {  	_ =	swait.ge [sflag:s15], $0x4000  }
0x1b: {  	[sflag:s15] =	ssyncset.done $0x0  }
0x1c: {  	[sflag:s15] =	ssyncadd.s32 $0xFFFFC000  }
0x1d: {  	[tilespmem:s18], [sflag:$0x1] =	stream.linear.gather [hbm4b:s6+s2], $0x2800, $0x38;
	[tilespmem:$0x1D800] =	vst v63  }
0x1e: {  	_ =	swait.ge [sflag:s15], $0x2800  }
0x1f: {  	[sflag:s15] =	ssyncset.done $0x0  }
0x20: {  	s26 =	simm.s32 $0x0;
	[sflag:s15] =	ssyncadd.s32 $0xFFFFD800  }
0x21: {  	v3 =	vor.u32 s14, v0;
	v4 =	vld [tilespmem:s26+$0xC000]  }
0x22: {  	v2 =	vmul.u32 $0xCCCCCCCD, v3;
	_ =	sdelay $0x1  }
0x23: {  	v5 =	vshll.u32 v2, $0x13;
	v2 =	vshrl.u32 v2, $0xD  }
0x24: {  	v6 =	vmov s14;
	v2 =	vor.u32 v5, v2  }
0x25: {  	vm0 =	veq.s32 v6, v0;
	v5 =	vmulhi.u32 $0xCCCCCCCD, v6;
	vm1 =	vgt.u32 v2, $0x19999  }
0x26: {  	vm0 =	vmand vm0, vm1  }
0x27: {  	v2 =	vshrl.u32 v5, $0xF;
	v5 =	vsel vm0, $0xFFFFFFFF, v1  }
0x28: {  	v5 =	vadd.s32 v5, v2;
	v2 =	vld.idx.msk [tilespmem:v4+s17+$0x0], $0xffff  }
0x29: {  	v6 =	vand.u32 $0x780, v6;
	v5 =	vshll.u32 v5, $0xB;
	v7 =	vld.idx.msk [tilespmem:v4+s2+$0x0], $0xffff  }
0x2a: {  	v3 =	vand.u32 $0x7F, v3;
	v5 =	vor.u32 v6, v5;
	v4 =	vld.idx.msk [tilespmem:v4+s16+$0x0], $0xffff  }
0x2b: {  	v5 =	vor.u32 v3, v5;
	_ =	sdelay $0x1  }
0x2c: {  	[tilespmem:s26+$0x13800] =	vst v2  }
0x2d: {  	[tilespmem:s26+$0xE800] =	vst v7  }
0x2e: {  	[tilespmem:s26+$0x11000] =	vst v4  }
0x2f: {  	v3 =	vld.idx.msk [tilespmem:v5+s2+$0x0], $0xffff;
	_ =	sdelay $0x4  }
0x30: {  	v3 =	vsub.f32 v7, v3;
	_ =	sdelay $0x1  }
0x31: {  	[tilespmem:s26+$0x16000] =	vst v3  }
0x32: {  	v6 =	vld.idx.msk [tilespmem:v5+s16+$0x0], $0xffff;
	_ =	sdelay $0x3  }
0x33: {  	s28 =	sadd.s32 $0x10, s14  }
0x34: {  	v3 =	vor.u32 s28, v0;
	v4 =	vsub.f32 v4, v6  }
0x35: {  	v6 =	vmul.u32 $0xCCCCCCCD, v3  }
0x36: {  	[tilespmem:s26+$0x18800] =	vst v4  }
0x37: {  	s30 =	simm.s32 $0x10;
	v4 =	vshll.u32 v6, $0x13;
	v7 =	vshrl.u32 v6, $0xD;
	v6 =	vld.idx.msk [tilespmem:v5+s17+$0x0], $0xffff  }
0x38: {  	v8 =	vor.u32 v4, v7;
	v4 =	vld [tilespmem:s30+$0xC000];
	_ =	sdelay $0x2  }
0x39: {  	v5 =	vmov s28  }
0x3a: {  	s29 =	simm.s32 $0x80;
	v7 =	vmulhi.u32 $0xCCCCCCCD, v5;
	vm0 =	veq.s32 v5, v0;
	vm1 =	vgt.u32 v8, $0x19999  }
.LBB2_2:
0x3b: {  	p0 =	sne.s32 s29, $0x9FC0;
	vm0 =	vmand vm0, vm1;
	v2 =	vsub.f32 v2, v6;
	s31 =	smov.u32 s29;
	s29 =	sadd.s32 $0x40, s29  }
0x3c: {  	v6 =	vshrl.u32 v7, $0xF;
	v7 =	vsel vm0, $0xFFFFFFFF, v1  }
0x3d: {  	v6 =	vadd.s32 v7, v6;
	[tilespmem:s26+$0x1B000] =	vst v2;
	s26 =	smov.u32 s30  }
0x3e: {  	v5 =	vand.u32 $0x780, v5;
	v6 =	vshll.u32 v6, $0xB;
	v2 =	vld.idx.msk [tilespmem:v4+s17+$0x0], $0xffff  }
0x3f: {  	v3 =	vand.u32 $0x7F, v3;
	v5 =	vor.u32 v5, v6;
	v6 =	vld.idx.msk [tilespmem:v4+s2+$0x0], $0xffff  }
0x40: {  	v4 =	vld.idx.msk [tilespmem:v4+s16+$0x0], $0xffff;
	v5 =	vor.u32 v3, v5;
	_ =	sdelay $0x3  }
0x41: {  	[tilespmem:s26+$0x13800] =	vst v2  }
0x42: {  	[tilespmem:s26+$0xE800] =	vst v6  }
0x43: {  	[tilespmem:s26+$0x11000] =	vst v4  }
0x44: {  	v3 =	vld.idx.msk [tilespmem:v5+s2+$0x0], $0xffff;
	_ =	sdelay $0x5  }
0x45: {  	v3 =	vsub.f32 v6, v3;
	_ =	sdelay $0x1  }
0x46: {  	[tilespmem:s26+$0x16000] =	vst v3  }
0x47: {  	v3 =	vld.idx.msk [tilespmem:v5+s16+$0x0], $0xffff;
	_ =	sdelay $0x5  }
0x48: {  	v3 =	vsub.f32 v4, v3;
	_ =	sdelay $0x1  }
0x49: {  	s28 =	sadd.s32 $0x10, s28;
	[tilespmem:s26+$0x18800] =	vst v3  }
0x4a: {  	s30 =	sshra.s32 s31, $0x2;
	v3 =	vor.u32 s28, v0;
	v6 =	vld.idx.msk [tilespmem:v5+s17+$0x0], $0xffff  }
.Ltmp0:
0x4b: {  	v5 =	vmul.u32 $0xCCCCCCCD, v3;
	v4 =	vld [tilespmem:s30+$0xC000];
	(pc) =	sbr.rel @p0 .LBB2_2-.Ltmp0, $4  }
0x4c: {  	_ = 	snop  }
0x4d: {  	v7 =	vshll.u32 v5, $0x13;
	v8 =	vshrl.u32 v5, $0xD  }
0x4e: {  	v5 =	vmov s28;
	v8 =	vor.u32 v7, v8  }
0x4f: {  	v7 =	vmulhi.u32 $0xCCCCCCCD, v5;
	vm0 =	veq.s32 v5, v0;
	vm1 =	vgt.u32 v8, $0x19999  }
0x50: {  	_ = 	snop  }
0x51: {  	v2 =	vsub.f32 v2, v6  }
0x52: {  	vm0 =	vmand vm0, vm1  }
0x53: {  	v59 =	vshrl.u32 v7, $0xF;
	v60 =	vsel vm0, $0xFFFFFFFF, v1;
	[tilespmem:s26+$0x1B000] =	vst v2  }
0x54: {  	v2 =	vadd.s32 v60, v59;
	v61 =	vld.idx.msk [tilespmem:v4+s17+$0x0], $0xffff  }
0x55: {  	v5 =	vand.u32 $0x780, v5;
	v2 =	vshll.u32 v2, $0xB;
	v62 =	vld.idx.msk [tilespmem:v4+s2+$0x0], $0xffff  }
0x56: {  	v3 =	vand.u32 $0x7F, v3;
	v63 =	vld.idx.msk [tilespmem:v4+s16+$0x0], $0xffff;
	v2 =	vor.u32 v5, v2  }
0x57: {  	v2 =	vor.u32 v3, v2;
	_ =	sdelay $0x1  }
0x58: {  	[tilespmem:s30+$0x13800] =	vst v61  }
0x59: {  	[tilespmem:s30+$0xE800] =	vst v62  }
0x5a: {  	[tilespmem:s30+$0x11000] =	vst v63  }
0x5b: {  	v3 =	vld.idx.msk [tilespmem:v2+s2+$0x0], $0xffff;
	_ =	sdelay $0x4  }
0x5c: {  	v3 =	vsub.f32 v62, v3;
	_ =	sdelay $0x1  }
0x5d: {  	[tilespmem:s30+$0x16000] =	vst v3  }
0x5e: {  	v3 =	vld.idx.msk [tilespmem:v2+s16+$0x0], $0xffff;
	_ =	sdelay $0x4  }
0x5f: {  	v3 =	vsub.f32 v63, v3;
	_ =	sdelay $0x1  }
0x60: {  	[tilespmem:s30+$0x18800] =	vst v3  }
0x61: {  	v2 =	vld.idx.msk [tilespmem:v2+s17+$0x0], $0xffff;
	_ =	sdelay $0x4  }
0x62: {  	v2 =	vsub.f32 v61, v2;
	_ =	sdelay $0x1  }
0x63: {  	[tilespmem:s30+$0x1B000] =	vst v2  }
0x64: {  	[hbm4b:s7+s2] =	stream.linear.scatter [tilespmem:s19], [sflag:$0x1], $0x2800, $0x38;
	[tilespmem:$0x1D800] =	vst v63  }
0x65: {  	_ =	swait.ge [sflag:s15], $0x2800  }
0x66: {  	[sflag:s15] =	ssyncset.done $0x0  }
0x67: {  	[sflag:s15] =	ssyncadd.s32 $0xFFFFD800  }
0x68: {  	[hbm4b:s8+s2] =	stream.linear.scatter [tilespmem:s20], [sflag:$0x1], $0x2800, $0x38;
	[tilespmem:$0x1D800] =	vst v63  }
0x69: {  	_ =	swait.ge [sflag:s15], $0x2800  }
0x6a: {  	[sflag:s15] =	ssyncset.done $0x0  }
0x6b: {  	[sflag:s15] =	ssyncadd.s32 $0xFFFFD800  }
0x6c: {  	[hbm4b:s9+s2] =	stream.linear.scatter [tilespmem:s21], [sflag:$0x1], $0x2800, $0x38;
	[tilespmem:$0x1D800] =	vst v63  }
0x6d: {  	_ =	swait.ge [sflag:s15], $0x2800  }
0x6e: {  	[sflag:s15] =	ssyncset.done $0x0  }
0x6f: {  	[sflag:s15] =	ssyncadd.s32 $0xFFFFD800  }
0x70: {  	[hbm4b:s10+s2] =	stream.linear.scatter [tilespmem:s22], [sflag:$0x1], $0x2800, $0x38;
	[tilespmem:$0x1D800] =	vst v63  }
0x71: {  	_ =	swait.ge [sflag:s15], $0x2800  }
0x72: {  	[sflag:s15] =	ssyncset.done $0x0  }
0x73: {  	[sflag:s15] =	ssyncadd.s32 $0xFFFFD800  }
0x74: {  	[hbm4b:s11+s2] =	stream.linear.scatter [tilespmem:s23], [sflag:$0x1], $0x2800, $0x38;
	[tilespmem:$0x1D800] =	vst v63  }
0x75: {  	s25 =	sadd.s32 $0x1, s25;
	_ =	swait.ge [sflag:s15], $0x2800  }
0x76: {  	p0 =	sne.s32 s25, s13;
	[sflag:s15] =	ssyncset.done $0x0  }
.Ltmp1:
0x77: {  	[sflag:s15] =	ssyncadd.s32 $0xFFFFD800;
	(pc) =	sbr.rel @p0 .LBB2_1-.Ltmp1, $4  }
0x78: {  	[hbm4b:s12+s2] =	stream.linear.scatter [tilespmem:s24], [sflag:$0x1], $0x2800, $0x38;
	[tilespmem:$0x1D800] =	vst v63  }
0x79: {  	_ =	swait.ge [sflag:s15], $0x2800  }
0x7a: {  	[sflag:s15] =	ssyncset.done $0x0  }
0x7b: {  	[sflag:s15] =	ssyncadd.s32 $0xFFFFD800  }
0x7c: {  	_ =	sfence.sel $0x180000  }
0x7d: {  	[bflag:$0x0] =	sbarrier.arrive $0xFFFF  }
0x7e: {  	p0 =	sne.s32 s1, $0x0;
	_ =	strace $0x90000047  }
0x7f: {  	s0 =	sadd.s32 @!p0 $0x100000, s0;
	[bflag:$0x2] =	sbarrier.arrive $0xFFFF  }
0x80: {  	[sflag:s0] =	ssyncadd.tile.s32 @!p0 $0x1;
	_ =	shalt  }
.Lfunc_end2:
_tile_overlayer_lowered:
.L_overlay_start_2:
0x81: {  	(tag) =	ssettag $0x2  }
0x82: {  	s0 =	rddreg [dreg:$0x0];
	s2 =	stileid.u32  }
0x83: {  	s1 =	rddreg [dreg:$0x1];
	p0 =	sne.s32 s2, $0x0  }
0x84: {  	s3 =	rddreg [dreg:$0x2];
	[bflag:$0x3] =	sbarrier.arrive $0xFFFF;
	s2 =	simm.s32 @!p0 $0x1C01  }
0x85: {  	[timem:s3], [sflag:s2] =	dma.local @!p0 [hbm:s0], s1  }
0x86: {  	s0 =	simm.s32 @!p0 $0x1  }
0x87: {  	_ =	swait.ge @!p0 [sflag:s0], s1  }
0x88: {  	s1 =	ssub.s32 @!p0 $0x0, s1;
	[sflag:s0] =	ssyncset.done @!p0 $0x0  }
0x89: {  	[sflag:s0] =	ssyncadd.s32 @!p0 s1  }
0x8a: {  	[bflag:$0x3] =	sbarrier.arrive $0xFFFF  }
0x8b: {  	_ =	shalt  }

</sc_bundles>
